<compile_context>
chip_gen: v7x
topology: tpu7x:2x2x1
jax: 0.10.2.dev20260603
libtpu: 0.0.44.dev20260713+nightly
codegen_flags: <defaults>
</compile_context>

<pallas_src>
import functools

import jax
import jax.numpy as jnp
from jax import lax
from jax.experimental import pallas as pl
from jax.experimental.pallas import tpu as pltpu
from jax.experimental.pallas import tpu_sc as plsc

N = 10000
E = 320000
D = 128
H = 128
C = 10
G = 64

NC = 2
NS = 16
CH = 128
QC = 32
QE = QC * CH
NQ0 = 4
NQ1 = 1
E0 = NS * NQ0 * QE
E1 = NS * NQ1 * QE
EP = E0 + E1
NTAB = 10112
RPT = NTAB // NS


def _sc_segment_sum(table, srcA, dstA, srcB, dstB):
    mesh = plsc.VectorSubcoreMesh(core_axis_name="c", subcore_axis_name="s")

    @functools.partial(
        pl.kernel,
        out_type=jax.ShapeDtypeStruct((NC * NTAB, H), jnp.float32),
        mesh=mesh,
        scratch_types=[
            pltpu.VMEM((QC, CH), jnp.int32),
            pltpu.VMEM((QC, CH), jnp.int32),
            pltpu.VMEM((CH, H), jnp.float32),
            pltpu.VMEM((CH, H), jnp.float32),
            pltpu.VMEM_SHARED((NTAB, H), jnp.float32),
            pltpu.SemaphoreType.DMA,
            pltpu.SemaphoreType.DMA,
        ],
    )
    def k(table_hbm, srcA_hbm, dstA_hbm, srcB_hbm, dstB_hbm, out_hbm,
          sidx, didx, rows0, rows1, acc, sem0, sem1):
        c = lax.axis_index("c")
        s = lax.axis_index("s")
        z0 = s * RPT

        @pl.loop(0, CH)
        def _(i):
            for j in range(0, H, 16):
                rows0.at[i, pl.ds(j, 16)][...] = jnp.zeros((16,), jnp.float32)

        @pl.loop(0, RPT // CH)
        def _(kk):
            pltpu.sync_copy(rows0, acc.at[pl.ds(z0 + kk * CH, CH)])

        rem = RPT % CH
        if rem:
            pltpu.sync_copy(
                rows0.at[pl.ds(0, rem)],
                acc.at[pl.ds(z0 + (RPT // CH) * CH, rem)],
            )

        plsc.subcore_barrier()

        def quarter(src_hbm, dst_hbm, q):
            pltpu.sync_copy(src_hbm.at[s, q], sidx)
            pltpu.sync_copy(dst_hbm.at[s, q], didx)
            pltpu.make_async_copy(
                table_hbm.at[sidx.at[0]], rows0, sem0).start()

            @pl.loop(0, QC, step=2)
            def _(j):
                pltpu.make_async_copy(
                    table_hbm.at[sidx.at[j + 1]], rows1, sem1).start()
                pltpu.make_async_copy(
                    table_hbm.at[sidx.at[j]], rows0, sem0).wait()
                pltpu.sync_copy(rows0, acc.at[didx.at[j]], add=True)

                @pl.when(j + 2 < QC)
                def _():
                    pltpu.make_async_copy(
                        table_hbm.at[sidx.at[j + 2]], rows0, sem0).start()

                pltpu.make_async_copy(
                    table_hbm.at[sidx.at[j + 1]], rows1, sem1).wait()
                pltpu.sync_copy(rows1, acc.at[didx.at[j + 1]], add=True)

        @pl.when(c == 0)
        def _():
            for q in range(NQ0):
                quarter(srcA_hbm, dstA_hbm, q)

        @pl.when(c == 1)
        def _():
            for q in range(NQ1):
                quarter(srcB_hbm, dstB_hbm, q)

        plsc.subcore_barrier()

        pltpu.sync_copy(
            acc.at[pl.ds(z0, RPT)],
            out_hbm.at[pl.ds(c * NTAB + z0, RPT)],
        )

    return k(table, srcA, dstA, srcB, dstB)


def _tc_layer(a0, a1, h, A, B, bias, relu):

    def body(a0_ref, a1_ref, h_ref, A_ref, B_ref, b_ref, o_ref):
        z = jnp.dot(a0_ref[...] + a1_ref[...], A_ref[...],
                    preferred_element_type=jnp.float32)
        z = z + jnp.dot(h_ref[...], B_ref[...],
                        preferred_element_type=jnp.float32)
        z = z + b_ref[...]
        if relu:
            z = jnp.maximum(z, 0.0)
        o_ref[...] = z

    return pl.pallas_call(
        body,
        out_shape=jax.ShapeDtypeStruct((N, H), jnp.float32),
    )(a0, a1, h, A, B, bias)


def _tc_final(a0, a1, h, A, B, bias, batch_b, WcT, bc):

    def body(a0_ref, a1_ref, h_ref, A_ref, B_ref, b_ref, bat_ref, Wc_ref,
             bc_ref, o_ref):
        z = jnp.dot(a0_ref[...] + a1_ref[...], A_ref[...],
                    preferred_element_type=jnp.float32)
        z = z + jnp.dot(h_ref[...], B_ref[...],
                        preferred_element_type=jnp.float32)
        z = z + b_ref[...]
        gid = lax.broadcasted_iota(jnp.int32, (G, N), 0)
        onehot = (bat_ref[...] == gid).astype(jnp.float32)
        sums = jnp.dot(onehot, z, preferred_element_type=jnp.float32)
        cnt = jnp.sum(onehot, axis=1)
        pooled = sums / jnp.maximum(cnt, 1.0)[:, None]
        o_ref[...] = jnp.dot(pooled, Wc_ref[...],
                             preferred_element_type=jnp.float32) + bc_ref[...]

    return pl.pallas_call(
        body,
        out_shape=jax.ShapeDtypeStruct((G, H), jnp.float32),
    )(a0, a1, h, A, B, bias, batch_b, WcT, bc)


def _fold_bn(W_rel, b_rel, W_root, g, b, rm, rv):
    s = g / jnp.sqrt(rv + 1e-5)
    A = W_rel.T * s[None, :]
    B = W_root.T * s[None, :]
    bias = (b_rel * s + b - rm * s)[None, :]
    return A, B, bias


def kernel(x, edge_index, batch,
           W_rel1, b_rel1, W_root1, bn1_g, bn1_b, bn1_rm, bn1_rv,
           W_rel2, b_rel2, W_root2, bn2_g, bn2_b, bn2_rm, bn2_rv,
           W_rel3, b_rel3, W_root3, bn3_g, bn3_b, bn3_rm, bn3_rv,
           Wc, bc):
    src = edge_index[0]
    dst = edge_index[1]
    pad = EP - E
    src_p = jnp.concatenate([src, jnp.zeros((pad,), jnp.int32)])
    dst_p = jnp.concatenate([dst, jnp.full((pad,), N, jnp.int32)])
    srcB = src_p[:E1].reshape(NS, NQ1, QC, CH)
    dstB = dst_p[:E1].reshape(NS, NQ1, QC, CH)
    srcA = src_p[E1:].reshape(NS, NQ0, QC, CH)
    dstA = dst_p[E1:].reshape(NS, NQ0, QC, CH)

    A1, B1, bias1 = _fold_bn(W_rel1, b_rel1, W_root1, bn1_g, bn1_b, bn1_rm, bn1_rv)
    A2, B2, bias2 = _fold_bn(W_rel2, b_rel2, W_root2, bn2_g, bn2_b, bn2_rm, bn2_rv)
    A3, B3, bias3 = _fold_bn(W_rel3, b_rel3, W_root3, bn3_g, bn3_b, bn3_rm, bn3_rv)

    WcT = jnp.zeros((H, H), jnp.float32).at[:, :C].set(Wc.T)
    bc_p = jnp.zeros((1, H), jnp.float32).at[0, :C].set(bc)
    batch_b = jnp.broadcast_to(batch[None, :], (G, N))

    parts = _sc_segment_sum(x, srcA, dstA, srcB, dstB)
    h1 = _tc_layer(parts[:N], parts[NTAB:NTAB + N], x, A1, B1, bias1, True)
    parts = _sc_segment_sum(h1, srcA, dstA, srcB, dstB)
    h2 = _tc_layer(parts[:N], parts[NTAB:NTAB + N], h1, A2, B2, bias2, True)
    parts = _sc_segment_sum(h2, srcA, dstA, srcB, dstB)
    out = _tc_final(parts[:N], parts[NTAB:NTAB + N], h2, A3, B3, bias3,
                    batch_b, WcT, bc_p)
    return out[:, :C]

# --- scband reference (transcript-rebuilt; emitter-appended) ---
"""Pipeline reference for scband-gnn-51049981280319 (READ-ONLY COPY).

The authoritative reference and input builder live on the scoring server;
editing this copy changes nothing except your own understanding.
"""

import jax, jax.numpy as jnp
import numpy as np

N = 10000
E = 320000
D = 128
H = 128
C = 10
G = 64


def setup_inputs(seed: int = 0):
    key = jax.random.key(seed)
    ks = jax.random.split(key, 24)
    inp = {}
    inp["x"] = jax.random.normal(ks[0], (N, D), dtype=jnp.float32)
    inp["edge_index"] = jax.random.randint(ks[1], (2, E), 0, N, dtype=jnp.int32)
    inp["batch"] = jnp.sort(jax.random.randint(ks[2], (N,), 0, G, dtype=jnp.int32))
    dims = [(D, H), (H, H), (H, H)]
    k = 3
    for i, (din, dout) in enumerate(dims):
        s = 1.0 / np.sqrt(din)
        inp[f"W_rel{i+1}"] = jax.random.normal(ks[k], (dout, din), dtype=jnp.float32) * s; k += 1
        inp[f"b_rel{i+1}"] = jnp.zeros((dout,), dtype=jnp.float32)
        inp[f"W_root{i+1}"] = jax.random.normal(ks[k], (dout, din), dtype=jnp.float32) * s; k += 1
        inp[f"bn{i+1}_g"] = jnp.ones((dout,), dtype=jnp.float32)
        inp[f"bn{i+1}_b"] = jnp.zeros((dout,), dtype=jnp.float32)
        inp[f"bn{i+1}_rm"] = jnp.zeros((dout,), dtype=jnp.float32)
        inp[f"bn{i+1}_rv"] = jnp.ones((dout,), dtype=jnp.float32)
    inp["Wc"] = jax.random.normal(ks[k], (C, H), dtype=jnp.float32) * (1.0 / np.sqrt(H))
    inp["bc"] = jnp.zeros((C,), dtype=jnp.float32)
    return inp


def _bn(x, g, b, rm, rv):
    # BatchNorm1d in eval mode: uses running statistics
    return (x - rm) / jnp.sqrt(rv + 1e-5) * g + b


def _graph_conv(x, src, dst, W_rel, b_rel, W_root):
    # PyG GraphConv: out_i = lin_rel(sum_{j->i} x_j) + lin_root(x_i)
    msgs = x[src]
    agg = jax.ops.segment_sum(msgs, dst, num_segments=x.shape[0])
    return agg @ W_rel.T + b_rel + x @ W_root.T


def reference(x, edge_index, batch,
              W_rel1, b_rel1, W_root1, bn1_g, bn1_b, bn1_rm, bn1_rv,
              W_rel2, b_rel2, W_root2, bn2_g, bn2_b, bn2_rm, bn2_rv,
              W_rel3, b_rel3, W_root3, bn3_g, bn3_b, bn3_rm, bn3_rv,
              Wc, bc):
    src = edge_index[0]
    dst = edge_index[1]
    h = _graph_conv(x, src, dst, W_rel1, b_rel1, W_root1)
    h = jax.nn.relu(_bn(h, bn1_g, bn1_b, bn1_rm, bn1_rv))
    h = _graph_conv(h, src, dst, W_rel2, b_rel2, W_root2)
    h = jax.nn.relu(_bn(h, bn2_g, bn2_b, bn2_rm, bn2_rv))
    h = _graph_conv(h, src, dst, W_rel3, b_rel3, W_root3)
    h = _bn(h, bn3_g, bn3_b, bn3_rm, bn3_rv)
    # global_mean_pool over graph assignment `batch`
    sums = jax.ops.segment_sum(h, batch, num_segments=G)
    cnt = jax.ops.segment_sum(jnp.ones((h.shape[0],), dtype=h.dtype), batch, num_segments=G)
    pooled = sums / jnp.clip(cnt, 1.0, None)[:, None]
    # dropout is identity in eval mode
    out = pooled @ Wc.T + bc
    return out

if __name__ == "__main__":
    import jax
    _d = setup_inputs()
    print(jax.jit(kernel)(*tuple(_d.values())))

</pallas_src>

<mosaic_0001>
#map = affine_map<(d0, d1) -> (0, 0)>
#map1 = affine_map<(d0, d1) -> (0, 0, 0, 0)>
module attributes {stable_mosaic.version = 14 : i64} {
  func.func @k(%arg0: i32, %arg1: i32, %arg2: memref<10000x128xf32, #tpu.memory_space<hbm>>, %arg3: memref<16x4x32x128xi32, #tpu.memory_space<hbm>>, %arg4: memref<16x4x32x128xi32, #tpu.memory_space<hbm>>, %arg5: memref<16x1x32x128xi32, #tpu.memory_space<hbm>>, %arg6: memref<16x1x32x128xi32, #tpu.memory_space<hbm>>, %arg7: memref<20224x128xf32, #tpu.memory_space<hbm>>, %arg8: memref<32x128xi32, #tpu.memory_space<vmem>>, %arg9: memref<32x128xi32, #tpu.memory_space<vmem>>, %arg10: memref<128x128xf32, #tpu.memory_space<vmem>>, %arg11: memref<128x128xf32, #tpu.memory_space<vmem>>, %arg12: memref<10112x128xf32, #tpu.memory_space<vmem_shared>>, %arg13: memref<!tpu.dma_semaphore, #tpu.memory_space<semaphore_mem>>, %arg14: memref<!tpu.dma_semaphore, #tpu.memory_space<semaphore_mem>>) attributes {dimension_semantics = [#tpu.dimension_semantics<core_parallel>, #tpu.dimension_semantics<subcore_parallel>], iteration_bounds = array<i64: 2, 16>, scalar_prefetch = 0 : i64, scratch_operands = 7 : i64, tpu.core_type = #tpu.core_type<sc_vector_subcore>, window_params = [{transform_indices = #map}, {transform_indices = #map1}, {transform_indices = #map1}, {transform_indices = #map1}, {transform_indices = #map1}, {transform_indices = #map}]} {
    %mul3A = arith.constant 632 : i32
    %mul3A_0 = arith.muli %arg1, %mul3A : i32
    %scan3A = arith.constant 0 : i32
    %scan3A_1 = arith.constant 128 : i32
    %scan3A_2 = arith.addi %scan3A, %scan3A_1 : i32
    %scan3A_3 = arith.constant 1 : i32
    scf.for %scan3A_22 = %scan3A to %scan3A_2 step %scan3A_3  : i32 {
      %mul3A_23 = arith.constant 1 : i32
      %mul3A_24 = arith.muli %scan3A_22, %mul3A_23 : i32
      %add3A_25 = arith.constant 0 : i32
      %add3A_26 = arith.addi %add3A_25, %mul3A_24 : i32
      %broadcast_in_dim3A = arith.constant 0.000000e+00 : f32
      %broadcast_in_dim3A_27 = vector.broadcast %broadcast_in_dim3A : f32 to vector<16xf32>
      %swap3A = arith.index_cast %add3A_26 : i32 to index
      %swap3A_28 = arith.constant 0 : index
      %swap3A_29 = tpu.vector_load %arg10[%swap3A, %swap3A_28] {strides = array<i32>} : memref<128x128xf32, #tpu.memory_space<vmem>>, vector<1x16xf32>,
      %swap3A_30 = vector.shape_cast %swap3A_29 : vector<1x16xf32> to vector<16xf32>
      %swap3A_31 = vector.shape_cast %broadcast_in_dim3A_27 : vector<16xf32> to vector<1x16xf32>
      tpu.vector_store %arg10[%swap3A, %swap3A_28], %swap3A_31 {strides = array<i32>} : memref<128x128xf32, #tpu.memory_space<vmem>>, vector<1x16xf32>,
      %broadcast_in_dim3A_32 = arith.constant 0.000000e+00 : f32
      %broadcast_in_dim3A_33 = vector.broadcast %broadcast_in_dim3A_32 : f32 to vector<16xf32>
      %swap3A_34 = arith.index_cast %add3A_26 : i32 to index
      %swap3A_35 = arith.constant 16 : index
      %swap3A_36 = tpu.vector_load %arg10[%swap3A_34, %swap3A_35] {strides = array<i32>} : memref<128x128xf32, #tpu.memory_space<vmem>>, vector<1x16xf32>,
      %swap3A_37 = vector.shape_cast %swap3A_36 : vector<1x16xf32> to vector<16xf32>
      %swap3A_38 = vector.shape_cast %broadcast_in_dim3A_33 : vector<16xf32> to vector<1x16xf32>
      tpu.vector_store %arg10[%swap3A_34, %swap3A_35], %swap3A_38 {strides = array<i32>} : memref<128x128xf32, #tpu.memory_space<vmem>>, vector<1x16xf32>,
      %broadcast_in_dim3A_39 = arith.constant 0.000000e+00 : f32
      %broadcast_in_dim3A_40 = vector.broadcast %broadcast_in_dim3A_39 : f32 to vector<16xf32>
      %swap3A_41 = arith.index_cast %add3A_26 : i32 to index
      %swap3A_42 = arith.constant 32 : index
      %swap3A_43 = tpu.vector_load %arg10[%swap3A_41, %swap3A_42] {strides = array<i32>} : memref<128x128xf32, #tpu.memory_space<vmem>>, vector<1x16xf32>,
      %swap3A_44 = vector.shape_cast %swap3A_43 : vector<1x16xf32> to vector<16xf32>
      %swap3A_45 = vector.shape_cast %broadcast_in_dim3A_40 : vector<16xf32> to vector<1x16xf32>
      tpu.vector_store %arg10[%swap3A_41, %swap3A_42], %swap3A_45 {strides = array<i32>} : memref<128x128xf32, #tpu.memory_space<vmem>>, vector<1x16xf32>,
      %broadcast_in_dim3A_46 = arith.constant 0.000000e+00 : f32
      %broadcast_in_dim3A_47 = vector.broadcast %broadcast_in_dim3A_46 : f32 to vector<16xf32>
      %swap3A_48 = arith.index_cast %add3A_26 : i32 to index
      %swap3A_49 = arith.constant 48 : index
      %swap3A_50 = tpu.vector_load %arg10[%swap3A_48, %swap3A_49] {strides = array<i32>} : memref<128x128xf32, #tpu.memory_space<vmem>>, vector<1x16xf32>,
      %swap3A_51 = vector.shape_cast %swap3A_50 : vector<1x16xf32> to vector<16xf32>
      %swap3A_52 = vector.shape_cast %broadcast_in_dim3A_47 : vector<16xf32> to vector<1x16xf32>
      tpu.vector_store %arg10[%swap3A_48, %swap3A_49], %swap3A_52 {strides = array<i32>} : memref<128x128xf32, #tpu.memory_space<vmem>>, vector<1x16xf32>,
      %broadcast_in_dim3A_53 = arith.constant 0.000000e+00 : f32
      %broadcast_in_dim3A_54 = vector.broadcast %broadcast_in_dim3A_53 : f32 to vector<16xf32>
      %swap3A_55 = arith.index_cast %add3A_26 : i32 to index
      %swap3A_56 = arith.constant 64 : index
      %swap3A_57 = tpu.vector_load %arg10[%swap3A_55, %swap3A_56] {strides = array<i32>} : memref<128x128xf32, #tpu.memory_space<vmem>>, vector<1x16xf32>,
      %swap3A_58 = vector.shape_cast %swap3A_57 : vector<1x16xf32> to vector<16xf32>
      %swap3A_59 = vector.shape_cast %broadcast_in_dim3A_54 : vector<16xf32> to vector<1x16xf32>
      tpu.vector_store %arg10[%swap3A_55, %swap3A_56], %swap3A_59 {strides = array<i32>} : memref<128x128xf32, #tpu.memory_space<vmem>>, vector<1x16xf32>,
      %broadcast_in_dim3A_60 = arith.constant 0.000000e+00 : f32
      %broadcast_in_dim3A_61 = vector.broadcast %broadcast_in_dim3A_60 : f32 to vector<16xf32>
      %swap3A_62 = arith.index_cast %add3A_26 : i32 to index
      %swap3A_63 = arith.constant 80 : index
      %swap3A_64 = tpu.vector_load %arg10[%swap3A_62, %swap3A_63] {strides = array<i32>} : memref<128x128xf32, #tpu.memory_space<vmem>>, vector<1x16xf32>,
      %swap3A_65 = vector.shape_cast %swap3A_64 : vector<1x16xf32> to vector<16xf32>
      %swap3A_66 = vector.shape_cast %broadcast_in_dim3A_61 : vector<16xf32> to vector<1x16xf32>
      tpu.vector_store %arg10[%swap3A_62, %swap3A_63], %swap3A_66 {strides = array<i32>} : memref<128x128xf32, #tpu.memory_space<vmem>>, vector<1x16xf32>,
      %broadcast_in_dim3A_67 = arith.constant 0.000000e+00 : f32
      %broadcast_in_dim3A_68 = vector.broadcast %broadcast_in_dim3A_67 : f32 to vector<16xf32>
      %swap3A_69 = arith.index_cast %add3A_26 : i32 to index
      %swap3A_70 = arith.constant 96 : index
      %swap3A_71 = tpu.vector_load %arg10[%swap3A_69, %swap3A_70] {strides = array<i32>} : memref<128x128xf32, #tpu.memory_space<vmem>>, vector<1x16xf32>,
      %swap3A_72 = vector.shape_cast %swap3A_71 : vector<1x16xf32> to vector<16xf32>
      %swap3A_73 = vector.shape_cast %broadcast_in_dim3A_68 : vector<16xf32> to vector<1x16xf32>
      tpu.vector_store %arg10[%swap3A_69, %swap3A_70], %swap3A_73 {strides = array<i32>} : memref<128x128xf32, #tpu.memory_space<vmem>>, vector<1x16xf32>,
      %broadcast_in_dim3A_74 = arith.constant 0.000000e+00 : f32
      %broadcast_in_dim3A_75 = vector.broadcast %broadcast_in_dim3A_74 : f32 to vector<16xf32>
      %swap3A_76 = arith.index_cast %add3A_26 : i32 to index
      %swap3A_77 = arith.constant 112 : index
      %swap3A_78 = tpu.vector_load %arg10[%swap3A_76, %swap3A_77] {strides = array<i32>} : memref<128x128xf32, #tpu.memory_space<vmem>>, vector<1x16xf32>,
      %swap3A_79 = vector.shape_cast %swap3A_78 : vector<1x16xf32> to vector<16xf32>
      %swap3A_80 = vector.shape_cast %broadcast_in_dim3A_75 : vector<16xf32> to vector<1x16xf32>
      tpu.vector_store %arg10[%swap3A_76, %swap3A_77], %swap3A_80 {strides = array<i32>} : memref<128x128xf32, #tpu.memory_space<vmem>>, vector<1x16xf32>,
    }
    %scan3A_4 = arith.constant 128 : i32
    %scan3A_5 = arith.constant 0 : i32
    %scan3A_6 = arith.constant 4 : i32
    %scan3A_7 = arith.addi %scan3A_5, %scan3A_6 : i32
    %scan3A_8 = arith.constant 1 : i32
    scf.for %scan3A_22 = %scan3A_5 to %scan3A_7 step %scan3A_8  : i32 {
      %mul3A_23 = arith.constant 1 : i32
      %mul3A_24 = arith.muli %scan3A_22, %mul3A_23 : i32
      %add3A_25 = arith.constant 0 : i32
      %add3A_26 = arith.addi %add3A_25, %mul3A_24 : i32
      %mul3A_27 = arith.constant 128 : i32
      %mul3A_28 = arith.muli %add3A_26, %mul3A_27 : i32
      %add3A_29 = arith.addi %mul3A_0, %mul3A_28 : i32
      "tpu.region"() ({
        %run_scoped3A = tpu.sem_alloc : memref<!tpu.dma_semaphore, #tpu.memory_space<semaphore_mem>>
        %dma_start3A = arith.constant 0 : i32
        %dma_start3A_30 = tpu.memref_slice %arg12[%add3A_29, %dma_start3A] : memref<10112x128xf32, #tpu.memory_space<vmem_shared>> -> memref<128x128xf32, #tpu.memory_space<vmem_shared>>
        %dma_start3A_31 = arith.constant 0 : i32
        %dma_start3A_32 = tpu.memref_slice %arg12[%add3A_29, %dma_start3A_31] : memref<10112x128xf32, #tpu.memory_space<vmem_shared>> -> memref<128x128xf32, #tpu.memory_space<vmem_shared>>
        tpu.enqueue_dma source(%arg10 : memref<128x128xf32, #tpu.memory_space<vmem>>) target(%dma_start3A_32 : memref<128x128xf32, #tpu.memory_space<vmem_shared>>) target_semaphore(%run_scoped3A : memref<!tpu.dma_semaphore, #tpu.memory_space<semaphore_mem>>)
        %dma_wait3A = arith.constant 0 : i32
        %dma_wait3A_33 = tpu.memref_slice %arg12[%add3A_29, %dma_wait3A] : memref<10112x128xf32, #tpu.memory_space<vmem_shared>> -> memref<128x128xf32, #tpu.memory_space<vmem_shared>>
        %dma_wait3A_34 = arith.constant 0 : i32
        %dma_wait3A_35 = tpu.memref_slice %arg12[%add3A_29, %dma_wait3A_34] : memref<10112x128xf32, #tpu.memory_space<vmem_shared>> -> memref<128x128xf32, #tpu.memory_space<vmem_shared>>
        tpu.wait_dma2 semaphore(%run_scoped3A : memref<!tpu.dma_semaphore, #tpu.memory_space<semaphore_mem>>) src(%arg10 : memref<128x128xf32, #tpu.memory_space<vmem>>) dst(%dma_wait3A_35 : memref<128x128xf32, #tpu.memory_space<vmem_shared>>)
        tpu.yield
      }) : () -> ()
    }
    %scan3A_9 = arith.constant 4 : i32
    %add3A = arith.constant 512 : i32
    %add3A_10 = arith.addi %mul3A_0, %add3A : i32
    "tpu.region"() ({
      %run_scoped3A = tpu.sem_alloc : memref<!tpu.dma_semaphore, #tpu.memory_space<semaphore_mem>>
      %dma_start3A = arith.constant 0 : i32
      %dma_start3A_22 = arith.constant 0 : i32
      %dma_start3A_23 = tpu.memref_slice %arg10[%dma_start3A, %dma_start3A_22] : memref<128x128xf32, #tpu.memory_space<vmem>> -> memref<120x128xf32, #tpu.memory_space<vmem>>
      %dma_start3A_24 = arith.constant 0 : i32
      %dma_start3A_25 = tpu.memref_slice %arg12[%add3A_10, %dma_start3A_24] : memref<10112x128xf32, #tpu.memory_space<vmem_shared>> -> memref<120x128xf32, #tpu.memory_space<vmem_shared>>
      %dma_start3A_26 = arith.constant 0 : i32
      %dma_start3A_27 = tpu.memref_slice %arg12[%add3A_10, %dma_start3A_26] : memref<10112x128xf32, #tpu.memory_space<vmem_shared>> -> memref<120x128xf32, #tpu.memory_space<vmem_shared>>
      %dma_start3A_28 = arith.constant 0 : i32
      %dma_start3A_29 = arith.constant 0 : i32
      %dma_start3A_30 = tpu.memref_slice %arg10[%dma_start3A_28, %dma_start3A_29] : memref<128x128xf32, #tpu.memory_space<vmem>> -> memref<120x128xf32, #tpu.memory_space<vmem>>
      tpu.enqueue_dma source(%dma_start3A_30 : memref<120x128xf32, #tpu.memory_space<vmem>>) target(%dma_start3A_27 : memref<120x128xf32, #tpu.memory_space<vmem_shared>>) target_semaphore(%run_scoped3A : memref<!tpu.dma_semaphore, #tpu.memory_space<semaphore_mem>>)
      %dma_wait3A = arith.constant 0 : i32
      %dma_wait3A_31 = arith.constant 0 : i32
      %dma_wait3A_32 = tpu.memref_slice %arg10[%dma_wait3A, %dma_wait3A_31] : memref<128x128xf32, #tpu.memory_space<vmem>> -> memref<120x128xf32, #tpu.memory_space<vmem>>
      %dma_wait3A_33 = arith.constant 0 : i32
      %dma_wait3A_34 = tpu.memref_slice %arg12[%add3A_10, %dma_wait3A_33] : memref<10112x128xf32, #tpu.memory_space<vmem_shared>> -> memref<120x128xf32, #tpu.memory_space<vmem_shared>>
      %dma_wait3A_35 = arith.constant 0 : i32
      %dma_wait3A_36 = tpu.memref_slice %arg12[%add3A_10, %dma_wait3A_35] : memref<10112x128xf32, #tpu.memory_space<vmem_shared>> -> memref<120x128xf32, #tpu.memory_space<vmem_shared>>
      %dma_wait3A_37 = arith.constant 0 : i32
      %dma_wait3A_38 = arith.constant 0 : i32
      %dma_wait3A_39 = tpu.memref_slice %arg10[%dma_wait3A_37, %dma_wait3A_38] : memref<128x128xf32, #tpu.memory_space<vmem>> -> memref<120x128xf32, #tpu.memory_space<vmem>>
      tpu.wait_dma2 semaphore(%run_scoped3A : memref<!tpu.dma_semaphore, #tpu.memory_space<semaphore_mem>>) src(%dma_wait3A_39 : memref<120x128xf32, #tpu.memory_space<vmem>>) dst(%dma_wait3A_36 : memref<120x128xf32, #tpu.memory_space<vmem_shared>>)
      tpu.yield
    }) : () -> ()
    %barrier3A = arith.constant 0 : index
    tpu.barrier barrier_id(%barrier3A)
    %eq3A = arith.constant 0 : i32
    %eq3A_11 = arith.cmpi eq, %arg0, %eq3A : i32
    %convert_element_type3A = arith.extui %eq3A_11 : i1 to i32
    %cond3A = arith.constant 0 : i32
    %cond3A_12 = arith.cmpi ne, %convert_element_type3A, %cond3A : i32
    scf.if %cond3A_12 {
      %run_scoped3A = arith.constant 0 : i32
      "tpu.region"() ({
        %run_scoped3A_76 = tpu.sem_alloc : memref<!tpu.dma_semaphore, #tpu.memory_space<semaphore_mem>>
        %dma_start3A_77 = arith.constant 0 : i32
        %dma_start3A_78 = arith.constant 0 : i32
        %dma_start3A_79 = tpu.memref_slice %arg3[%arg1, %run_scoped3A, %dma_start3A_77, %dma_start3A_78] : memref<16x4x32x128xi32, #tpu.memory_space<hbm>> -> memref<1x1x32x128xi32, #tpu.memory_space<hbm>>
        %dma_start3A_80 = tpu.memref_squeeze %dma_start3A_79 : memref<1x1x32x128xi32, #tpu.memory_space<hbm>> -> memref<32x128xi32, #tpu.memory_space<hbm>>
        %dma_start3A_81 = arith.constant 0 : i32
        %dma_start3A_82 = arith.constant 0 : i32
        %dma_start3A_83 = tpu.memref_slice %arg3[%arg1, %run_scoped3A, %dma_start3A_81, %dma_start3A_82] : memref<16x4x32x128xi32, #tpu.memory_space<hbm>> -> memref<1x1x32x128xi32, #tpu.memory_space<hbm>>
        %dma_start3A_84 = tpu.memref_squeeze %dma_start3A_83 : memref<1x1x32x128xi32, #tpu.memory_space<hbm>> -> memref<32x128xi32, #tpu.memory_space<hbm>>
        tpu.enqueue_dma source(%dma_start3A_84 : memref<32x128xi32, #tpu.memory_space<hbm>>) target(%arg8 : memref<32x128xi32, #tpu.memory_space<vmem>>) target_semaphore(%run_scoped3A_76 : memref<!tpu.dma_semaphore, #tpu.memory_space<semaphore_mem>>)
        %dma_wait3A = arith.constant 0 : i32
        %dma_wait3A_85 = arith.constant 0 : i32
        %dma_wait3A_86 = tpu.memref_slice %arg3[%arg1, %run_scoped3A, %dma_wait3A, %dma_wait3A_85] : memref<16x4x32x128xi32, #tpu.memory_space<hbm>> -> memref<1x1x32x128xi32, #tpu.memory_space<hbm>>
        %dma_wait3A_87 = tpu.memref_squeeze %dma_wait3A_86 : memref<1x1x32x128xi32, #tpu.memory_space<hbm>> -> memref<32x128xi32, #tpu.memory_space<hbm>>
        %dma_wait3A_88 = arith.constant 0 : i32
        %dma_wait3A_89 = arith.constant 0 : i32
        %dma_wait3A_90 = tpu.memref_slice %arg3[%arg1, %run_scoped3A, %dma_wait3A_88, %dma_wait3A_89] : memref<16x4x32x128xi32, #tpu.memory_space<hbm>> -> memref<1x1x32x128xi32, #tpu.memory_space<hbm>>
        %dma_wait3A_91 = tpu.memref_squeeze %dma_wait3A_90 : memref<1x1x32x128xi32, #tpu.memory_space<hbm>> -> memref<32x128xi32, #tpu.memory_space<hbm>>
        tpu.wait_dma2 semaphore(%run_scoped3A_76 : memref<!tpu.dma_semaphore, #tpu.memory_space<semaphore_mem>>) src(%dma_wait3A_91 : memref<32x128xi32, #tpu.memory_space<hbm>>) dst(%arg8 : memref<32x128xi32, #tpu.memory_space<vmem>>)
        tpu.yield
      }) : () -> ()
      %run_scoped3A_22 = arith.constant 0 : i32
      "tpu.region"() ({
        %run_scoped3A_76 = tpu.sem_alloc : memref<!tpu.dma_semaphore, #tpu.memory_space<semaphore_mem>>
        %dma_start3A_77 = arith.constant 0 : i32
        %dma_start3A_78 = arith.constant 0 : i32
        %dma_start3A_79 = tpu.memref_slice %arg4[%arg1, %run_scoped3A_22, %dma_start3A_77, %dma_start3A_78] : memref<16x4x32x128xi32, #tpu.memory_space<hbm>> -> memref<1x1x32x128xi32, #tpu.memory_space<hbm>>
        %dma_start3A_80 = tpu.memref_squeeze %dma_start3A_79 : memref<1x1x32x128xi32, #tpu.memory_space<hbm>> -> memref<32x128xi32, #tpu.memory_space<hbm>>
        %dma_start3A_81 = arith.constant 0 : i32
        %dma_start3A_82 = arith.constant 0 : i32
        %dma_start3A_83 = tpu.memref_slice %arg4[%arg1, %run_scoped3A_22, %dma_start3A_81, %dma_start3A_82] : memref<16x4x32x128xi32, #tpu.memory_space<hbm>> -> memref<1x1x32x128xi32, #tpu.memory_space<hbm>>
        %dma_start3A_84 = tpu.memref_squeeze %dma_start3A_83 : memref<1x1x32x128xi32, #tpu.memory_space<hbm>> -> memref<32x128xi32, #tpu.memory_space<hbm>>
        tpu.enqueue_dma source(%dma_start3A_84 : memref<32x128xi32, #tpu.memory_space<hbm>>) target(%arg9 : memref<32x128xi32, #tpu.memory_space<vmem>>) target_semaphore(%run_scoped3A_76 : memref<!tpu.dma_semaphore, #tpu.memory_space<semaphore_mem>>)
        %dma_wait3A = arith.constant 0 : i32
        %dma_wait3A_85 = arith.constant 0 : i32
        %dma_wait3A_86 = tpu.memref_slice %arg4[%arg1, %run_scoped3A_22, %dma_wait3A, %dma_wait3A_85] : memref<16x4x32x128xi32, #tpu.memory_space<hbm>> -> memref<1x1x32x128xi32, #tpu.memory_space<hbm>>
        %dma_wait3A_87 = tpu.memref_squeeze %dma_wait3A_86 : memref<1x1x32x128xi32, #tpu.memory_space<hbm>> -> memref<32x128xi32, #tpu.memory_space<hbm>>
        %dma_wait3A_88 = arith.constant 0 : i32
        %dma_wait3A_89 = arith.constant 0 : i32
        %dma_wait3A_90 = tpu.memref_slice %arg4[%arg1, %run_scoped3A_22, %dma_wait3A_88, %dma_wait3A_89] : memref<16x4x32x128xi32, #tpu.memory_space<hbm>> -> memref<1x1x32x128xi32, #tpu.memory_space<hbm>>
        %dma_wait3A_91 = tpu.memref_squeeze %dma_wait3A_90 : memref<1x1x32x128xi32, #tpu.memory_space<hbm>> -> memref<32x128xi32, #tpu.memory_space<hbm>>
        tpu.wait_dma2 semaphore(%run_scoped3A_76 : memref<!tpu.dma_semaphore, #tpu.memory_space<semaphore_mem>>) src(%dma_wait3A_91 : memref<32x128xi32, #tpu.memory_space<hbm>>) dst(%arg9 : memref<32x128xi32, #tpu.memory_space<vmem>>)
        tpu.yield
      }) : () -> ()
      %dma_start3A = arith.constant 0 : i32
      %dma_start3A_23 = arith.constant 0 : i32
      %dma_start3A_24 = tpu.memref_slice %arg8[%dma_start3A, %dma_start3A_23] : memref<32x128xi32, #tpu.memory_space<vmem>> -> memref<1x128xi32, #tpu.memory_space<vmem>>
      %dma_start3A_25 = tpu.memref_squeeze %dma_start3A_24 : memref<1x128xi32, #tpu.memory_space<vmem>> -> memref<128xi32, #tpu.memory_space<vmem>>
      %dma_start3A_26 = arith.constant 0 : i32
      %dma_start3A_27 = arith.constant 0 : i32
      %dma_start3A_28 = tpu.memref_slice %arg2[%dma_start3A_26, %dma_start3A_27] : memref<10000x128xf32, #tpu.memory_space<hbm>> -> memref<10000x128xf32, #tpu.memory_space<hbm>>
      tpu.enqueue_indirect_dma source(%dma_start3A_28 : memref<10000x128xf32, #tpu.memory_space<hbm>>) target(%arg10 : memref<128x128xf32, #tpu.memory_space<vmem>>) offsets(%dma_start3A_25 : memref<128xi32, #tpu.memory_space<vmem>>) semaphore(%arg13 : memref<!tpu.dma_semaphore, #tpu.memory_space<semaphore_mem>>)
      %scan3A_29 = arith.constant 0 : i32
      %scan3A_30 = arith.constant 16 : i32
      %scan3A_31 = arith.addi %scan3A_29, %scan3A_30 : i32
      %scan3A_32 = arith.constant 1 : i32
      scf.for %scan3A_76 = %scan3A_29 to %scan3A_31 step %scan3A_32  : i32 {
        %mul3A_77 = arith.constant 2 : i32
        %mul3A_78 = arith.muli %scan3A_76, %mul3A_77 : i32
        %add3A_79 = arith.constant 0 : i32
        %add3A_80 = arith.addi %add3A_79, %mul3A_78 : i32
        %add3A_81 = arith.constant 1 : i32
        %add3A_82 = arith.addi %add3A_80, %add3A_81 : i32
        %dma_start3A_83 = arith.constant 0 : i32
        %dma_start3A_84 = tpu.memref_slice %arg8[%add3A_82, %dma_start3A_83] : memref<32x128xi32, #tpu.memory_space<vmem>> -> memref<1x128xi32, #tpu.memory_space<vmem>>
        %dma_start3A_85 = tpu.memref_squeeze %dma_start3A_84 : memref<1x128xi32, #tpu.memory_space<vmem>> -> memref<128xi32, #tpu.memory_space<vmem>>
        %dma_start3A_86 = arith.constant 0 : i32
        %dma_start3A_87 = arith.constant 0 : i32
        %dma_start3A_88 = tpu.memref_slice %arg2[%dma_start3A_86, %dma_start3A_87] : memref<10000x128xf32, #tpu.memory_space<hbm>> -> memref<10000x128xf32, #tpu.memory_space<hbm>>
        tpu.enqueue_indirect_dma source(%dma_start3A_88 : memref<10000x128xf32, #tpu.memory_space<hbm>>) target(%arg11 : memref<128x128xf32, #tpu.memory_space<vmem>>) offsets(%dma_start3A_85 : memref<128xi32, #tpu.memory_space<vmem>>) semaphore(%arg14 : memref<!tpu.dma_semaphore, #tpu.memory_space<semaphore_mem>>)
        %dma_wait3A = arith.constant 0 : i32
        %dma_wait3A_89 = tpu.memref_slice %arg8[%add3A_80, %dma_wait3A] : memref<32x128xi32, #tpu.memory_space<vmem>> -> memref<1x128xi32, #tpu.memory_space<vmem>>
        %dma_wait3A_90 = tpu.memref_squeeze %dma_wait3A_89 : memref<1x128xi32, #tpu.memory_space<vmem>> -> memref<128xi32, #tpu.memory_space<vmem>>
        %dma_wait3A_91 = arith.constant 0 : i32
        %dma_wait3A_92 = arith.constant 0 : i32
        %dma_wait3A_93 = tpu.memref_slice %arg2[%dma_wait3A_91, %dma_wait3A_92] : memref<10000x128xf32, #tpu.memory_space<hbm>> -> memref<10000x128xf32, #tpu.memory_space<hbm>>
        tpu.wait_indirect_dma semaphore(%arg13 : memref<!tpu.dma_semaphore, #tpu.memory_space<semaphore_mem>>) src(%dma_wait3A_93 : memref<10000x128xf32, #tpu.memory_space<hbm>>) dst(%arg10 : memref<128x128xf32, #tpu.memory_space<vmem>>)
        "tpu.region"() ({
          %run_scoped3A_110 = tpu.sem_alloc : memref<!tpu.dma_semaphore, #tpu.memory_space<semaphore_mem>>
          %dma_start3A_111 = arith.constant 0 : i32
          %dma_start3A_112 = tpu.memref_slice %arg9[%add3A_80, %dma_start3A_111] : memref<32x128xi32, #tpu.memory_space<vmem>> -> memref<1x128xi32, #tpu.memory_space<vmem>>
          %dma_start3A_113 = tpu.memref_squeeze %dma_start3A_112 : memref<1x128xi32, #tpu.memory_space<vmem>> -> memref<128xi32, #tpu.memory_space<vmem>>
          %dma_start3A_114 = arith.constant 0 : i32
          %dma_start3A_115 = arith.constant 0 : i32
          %dma_start3A_116 = tpu.memref_slice %arg12[%dma_start3A_114, %dma_start3A_115] : memref<10112x128xf32, #tpu.memory_space<vmem_shared>> -> memref<10112x128xf32, #tpu.memory_space<vmem_shared>>
          tpu.enqueue_indirect_dma source(%arg10 : memref<128x128xf32, #tpu.memory_space<vmem>>) target(%dma_start3A_116 : memref<10112x128xf32, #tpu.memory_space<vmem_shared>>) offsets(%dma_start3A_113 : memref<128xi32, #tpu.memory_space<vmem>>) semaphore(%run_scoped3A_110 : memref<!tpu.dma_semaphore, #tpu.memory_space<semaphore_mem>>) {add = true}
          %dma_wait3A_117 = arith.constant 0 : i32
          %dma_wait3A_118 = tpu.memref_slice %arg9[%add3A_80, %dma_wait3A_117] : memref<32x128xi32, #tpu.memory_space<vmem>> -> memref<1x128xi32, #tpu.memory_space<vmem>>
          %dma_wait3A_119 = tpu.memref_squeeze %dma_wait3A_118 : memref<1x128xi32, #tpu.memory_space<vmem>> -> memref<128xi32, #tpu.memory_space<vmem>>
          %dma_wait3A_120 = arith.constant 0 : i32
          %dma_wait3A_121 = arith.constant 0 : i32
          %dma_wait3A_122 = tpu.memref_slice %arg12[%dma_wait3A_120, %dma_wait3A_121] : memref<10112x128xf32, #tpu.memory_space<vmem_shared>> -> memref<10112x128xf32, #tpu.memory_space<vmem_shared>>
          tpu.wait_indirect_dma semaphore(%run_scoped3A_110 : memref<!tpu.dma_semaphore, #tpu.memory_space<semaphore_mem>>) src(%arg10 : memref<128x128xf32, #tpu.memory_space<vmem>>) dst(%dma_wait3A_122 : memref<10112x128xf32, #tpu.memory_space<vmem_shared>>)
          tpu.yield
        }) : () -> ()
        %add3A_94 = arith.constant 2 : i32
        %add3A_95 = arith.addi %add3A_80, %add3A_94 : i32
        %lt3A = arith.constant 32 : i32
        %lt3A_96 = arith.cmpi slt, %add3A_95, %lt3A : i32
        %convert_element_type3A_97 = arith.extui %lt3A_96 : i1 to i32
        %cond3A_98 = arith.constant 0 : i32
        %cond3A_99 = arith.cmpi ne, %convert_element_type3A_97, %cond3A_98 : i32
        scf.if %cond3A_99 {
          %add3A_110 = arith.constant 2 : i32
          %add3A_111 = arith.addi %add3A_80, %add3A_110 : i32
          %dma_start3A_112 = arith.constant 0 : i32
          %dma_start3A_113 = tpu.memref_slice %arg8[%add3A_111, %dma_start3A_112] : memref<32x128xi32, #tpu.memory_space<vmem>> -> memref<1x128xi32, #tpu.memory_space<vmem>>
          %dma_start3A_114 = tpu.memref_squeeze %dma_start3A_113 : memref<1x128xi32, #tpu.memory_space<vmem>> -> memref<128xi32, #tpu.memory_space<vmem>>
          %dma_start3A_115 = arith.constant 0 : i32
          %dma_start3A_116 = arith.constant 0 : i32
          %dma_start3A_117 = tpu.memref_slice %arg2[%dma_start3A_115, %dma_start3A_116] : memref<10000x128xf32, #tpu.memory_space<hbm>> -> memref<10000x128xf32, #tpu.memory_space<hbm>>
          tpu.enqueue_indirect_dma source(%dma_start3A_117 : memref<10000x128xf32, #tpu.memory_space<hbm>>) target(%arg10 : memref<128x128xf32, #tpu.memory_space<vmem>>) offsets(%dma_start3A_114 : memref<128xi32, #tpu.memory_space<vmem>>) semaphore(%arg13 : memref<!tpu.dma_semaphore, #tpu.memory_space<semaphore_mem>>)
        } else {
        }
        %add3A_100 = arith.constant 1 : i32
        %add3A_101 = arith.addi %add3A_80, %add3A_100 : i32
        %dma_wait3A_102 = arith.constant 0 : i32
        %dma_wait3A_103 = tpu.memref_slice %arg8[%add3A_101, %dma_wait3A_102] : memref<32x128xi32, #tpu.memory_space<vmem>> -> memref<1x128xi32, #tpu.memory_space<vmem>>
        %dma_wait3A_104 = tpu.memref_squeeze %dma_wait3A_103 : memref<1x128xi32, #tpu.memory_space<vmem>> -> memref<128xi32, #tpu.memory_space<vmem>>
        %dma_wait3A_105 = arith.constant 0 : i32
        %dma_wait3A_106 = arith.constant 0 : i32
        %dma_wait3A_107 = tpu.memref_slice %arg2[%dma_wait3A_105, %dma_wait3A_106] : memref<10000x128xf32, #tpu.memory_space<hbm>> -> memref<10000x128xf32, #tpu.memory_space<hbm>>
        tpu.wait_indirect_dma semaphore(%arg14 : memref<!tpu.dma_semaphore, #tpu.memory_space<semaphore_mem>>) src(%dma_wait3A_107 : memref<10000x128xf32, #tpu.memory_space<hbm>>) dst(%arg11 : memref<128x128xf32, #tpu.memory_space<vmem>>)
        %add3A_108 = arith.constant 1 : i32
        %add3A_109 = arith.addi %add3A_80, %add3A_108 : i32
        "tpu.region"() ({
          %run_scoped3A_110 = tpu.sem_alloc : memref<!tpu.dma_semaphore, #tpu.memory_space<semaphore_mem>>
          %dma_start3A_111 = arith.constant 0 : i32
          %dma_start3A_112 = tpu.memref_slice %arg9[%add3A_109, %dma_start3A_111] : memref<32x128xi32, #tpu.memory_space<vmem>> -> memref<1x128xi32, #tpu.memory_space<vmem>>
          %dma_start3A_113 = tpu.memref_squeeze %dma_start3A_112 : memref<1x128xi32, #tpu.memory_space<vmem>> -> memref<128xi32, #tpu.memory_space<vmem>>
          %dma_start3A_114 = arith.constant 0 : i32
          %dma_start3A_115 = arith.constant 0 : i32
          %dma_start3A_116 = tpu.memref_slice %arg12[%dma_start3A_114, %dma_start3A_115] : memref<10112x128xf32, #tpu.memory_space<vmem_shared>> -> memref<10112x128xf32, #tpu.memory_space<vmem_shared>>
          tpu.enqueue_indirect_dma source(%arg11 : memref<128x128xf32, #tpu.memory_space<vmem>>) target(%dma_start3A_116 : memref<10112x128xf32, #tpu.memory_space<vmem_shared>>) offsets(%dma_start3A_113 : memref<128xi32, #tpu.memory_space<vmem>>) semaphore(%run_scoped3A_110 : memref<!tpu.dma_semaphore, #tpu.memory_space<semaphore_mem>>) {add = true}
          %dma_wait3A_117 = arith.constant 0 : i32
          %dma_wait3A_118 = tpu.memref_slice %arg9[%add3A_109, %dma_wait3A_117] : memref<32x128xi32, #tpu.memory_space<vmem>> -> memref<1x128xi32, #tpu.memory_space<vmem>>
          %dma_wait3A_119 = tpu.memref_squeeze %dma_wait3A_118 : memref<1x128xi32, #tpu.memory_space<vmem>> -> memref<128xi32, #tpu.memory_space<vmem>>
          %dma_wait3A_120 = arith.constant 0 : i32
          %dma_wait3A_121 = arith.constant 0 : i32
          %dma_wait3A_122 = tpu.memref_slice %arg12[%dma_wait3A_120, %dma_wait3A_121] : memref<10112x128xf32, #tpu.memory_space<vmem_shared>> -> memref<10112x128xf32, #tpu.memory_space<vmem_shared>>
          tpu.wait_indirect_dma semaphore(%run_scoped3A_110 : memref<!tpu.dma_semaphore, #tpu.memory_space<semaphore_mem>>) src(%arg11 : memref<128x128xf32, #tpu.memory_space<vmem>>) dst(%dma_wait3A_122 : memref<10112x128xf32, #tpu.memory_space<vmem_shared>>)
          tpu.yield
        }) : () -> ()
      }
      %scan3A_33 = arith.constant 16 : i32
      %run_scoped3A_34 = arith.constant 1 : i32
      "tpu.region"() ({
        %run_scoped3A_76 = tpu.sem_alloc : memref<!tpu.dma_semaphore, #tpu.memory_space<semaphore_mem>>
        %dma_start3A_77 = arith.constant 0 : i32
        %dma_start3A_78 = arith.constant 0 : i32
        %dma_start3A_79 = tpu.memref_slice %arg3[%arg1, %run_scoped3A_34, %dma_start3A_77, %dma_start3A_78] : memref<16x4x32x128xi32, #tpu.memory_space<hbm>> -> memref<1x1x32x128xi32, #tpu.memory_space<hbm>>
        %dma_start3A_80 = tpu.memref_squeeze %dma_start3A_79 : memref<1x1x32x128xi32, #tpu.memory_space<hbm>> -> memref<32x128xi32, #tpu.memory_space<hbm>>
        %dma_start3A_81 = arith.constant 0 : i32
        %dma_start3A_82 = arith.constant 0 : i32
        %dma_start3A_83 = tpu.memref_slice %arg3[%arg1, %run_scoped3A_34, %dma_start3A_81, %dma_start3A_82] : memref<16x4x32x128xi32, #tpu.memory_space<hbm>> -> memref<1x1x32x128xi32, #tpu.memory_space<hbm>>
        %dma_start3A_84 = tpu.memref_squeeze %dma_start3A_83 : memref<1x1x32x128xi32, #tpu.memory_space<hbm>> -> memref<32x128xi32, #tpu.memory_space<hbm>>
        tpu.enqueue_dma source(%dma_start3A_84 : memref<32x128xi32, #tpu.memory_space<hbm>>) target(%arg8 : memref<32x128xi32, #tpu.memory_space<vmem>>) target_semaphore(%run_scoped3A_76 : memref<!tpu.dma_semaphore, #tpu.memory_space<semaphore_mem>>)
        %dma_wait3A = arith.constant 0 : i32
        %dma_wait3A_85 = arith.constant 0 : i32
        %dma_wait3A_86 = tpu.memref_slice %arg3[%arg1, %run_scoped3A_34, %dma_wait3A, %dma_wait3A_85] : memref<16x4x32x128xi32, #tpu.memory_space<hbm>> -> memref<1x1x32x128xi32, #tpu.memory_space<hbm>>
        %dma_wait3A_87 = tpu.memref_squeeze %dma_wait3A_86 : memref<1x1x32x128xi32, #tpu.memory_space<hbm>> -> memref<32x128xi32, #tpu.memory_space<hbm>>
        %dma_wait3A_88 = arith.constant 0 : i32
        %dma_wait3A_89 = arith.constant 0 : i32
        %dma_wait3A_90 = tpu.memref_slice %arg3[%arg1, %run_scoped3A_34, %dma_wait3A_88, %dma_wait3A_89] : memref<16x4x32x128xi32, #tpu.memory_space<hbm>> -> memref<1x1x32x128xi32, #tpu.memory_space<hbm>>
        %dma_wait3A_91 = tpu.memref_squeeze %dma_wait3A_90 : memref<1x1x32x128xi32, #tpu.memory_space<hbm>> -> memref<32x128xi32, #tpu.memory_space<hbm>>
        tpu.wait_dma2 semaphore(%run_scoped3A_76 : memref<!tpu.dma_semaphore, #tpu.memory_space<semaphore_mem>>) src(%dma_wait3A_91 : memref<32x128xi32, #tpu.memory_space<hbm>>) dst(%arg8 : memref<32x128xi32, #tpu.memory_space<vmem>>)
        tpu.yield
      }) : () -> ()
      %run_scoped3A_35 = arith.constant 1 : i32
      "tpu.region"() ({
        %run_scoped3A_76 = tpu.sem_alloc : memref<!tpu.dma_semaphore, #tpu.memory_space<semaphore_mem>>
        %dma_start3A_77 = arith.constant 0 : i32
        %dma_start3A_78 = arith.constant 0 : i32
        %dma_start3A_79 = tpu.memref_slice %arg4[%arg1, %run_scoped3A_35, %dma_start3A_77, %dma_start3A_78] : memref<16x4x32x128xi32, #tpu.memory_space<hbm>> -> memref<1x1x32x128xi32, #tpu.memory_space<hbm>>
        %dma_start3A_80 = tpu.memref_squeeze %dma_start3A_79 : memref<1x1x32x128xi32, #tpu.memory_space<hbm>> -> memref<32x128xi32, #tpu.memory_space<hbm>>
        %dma_start3A_81 = arith.constant 0 : i32
        %dma_start3A_82 = arith.constant 0 : i32
        %dma_start3A_83 = tpu.memref_slice %arg4[%arg1, %run_scoped3A_35, %dma_start3A_81, %dma_start3A_82] : memref<16x4x32x128xi32, #tpu.memory_space<hbm>> -> memref<1x1x32x128xi32, #tpu.memory_space<hbm>>
        %dma_start3A_84 = tpu.memref_squeeze %dma_start3A_83 : memref<1x1x32x128xi32, #tpu.memory_space<hbm>> -> memref<32x128xi32, #tpu.memory_space<hbm>>
        tpu.enqueue_dma source(%dma_start3A_84 : memref<32x128xi32, #tpu.memory_space<hbm>>) target(%arg9 : memref<32x128xi32, #tpu.memory_space<vmem>>) target_semaphore(%run_scoped3A_76 : memref<!tpu.dma_semaphore, #tpu.memory_space<semaphore_mem>>)
        %dma_wait3A = arith.constant 0 : i32
        %dma_wait3A_85 = arith.constant 0 : i32
        %dma_wait3A_86 = tpu.memref_slice %arg4[%arg1, %run_scoped3A_35, %dma_wait3A, %dma_wait3A_85] : memref<16x4x32x128xi32, #tpu.memory_space<hbm>> -> memref<1x1x32x128xi32, #tpu.memory_space<hbm>>
        %dma_wait3A_87 = tpu.memref_squeeze %dma_wait3A_86 : memref<1x1x32x128xi32, #tpu.memory_space<hbm>> -> memref<32x128xi32, #tpu.memory_space<hbm>>
        %dma_wait3A_88 = arith.constant 0 : i32
        %dma_wait3A_89 = arith.constant 0 : i32
        %dma_wait3A_90 = tpu.memref_slice %arg4[%arg1, %run_scoped3A_35, %dma_wait3A_88, %dma_wait3A_89] : memref<16x4x32x128xi32, #tpu.memory_space<hbm>> -> memref<1x1x32x128xi32, #tpu.memory_space<hbm>>
        %dma_wait3A_91 = tpu.memref_squeeze %dma_wait3A_90 : memref<1x1x32x128xi32, #tpu.memory_space<hbm>> -> memref<32x128xi32, #tpu.memory_space<hbm>>
        tpu.wait_dma2 semaphore(%run_scoped3A_76 : memref<!tpu.dma_semaphore, #tpu.memory_space<semaphore_mem>>) src(%dma_wait3A_91 : memref<32x128xi32, #tpu.memory_space<hbm>>) dst(%arg9 : memref<32x128xi32, #tpu.memory_space<vmem>>)
        tpu.yield
      }) : () -> ()
      %dma_start3A_36 = arith.constant 0 : i32
      %dma_start3A_37 = arith.constant 0 : i32
      %dma_start3A_38 = tpu.memref_slice %arg8[%dma_start3A_36, %dma_start3A_37] : memref<32x128xi32, #tpu.memory_space<vmem>> -> memref<1x128xi32, #tpu.memory_space<vmem>>
      %dma_start3A_39 = tpu.memref_squeeze %dma_start3A_38 : memref<1x128xi32, #tpu.memory_space<vmem>> -> memref<128xi32, #tpu.memory_space<vmem>>
      %dma_start3A_40 = arith.constant 0 : i32
      %dma_start3A_41 = arith.constant 0 : i32
      %dma_start3A_42 = tpu.memref_slice %arg2[%dma_start3A_40, %dma_start3A_41] : memref<10000x128xf32, #tpu.memory_space<hbm>> -> memref<10000x128xf32, #tpu.memory_space<hbm>>
      tpu.enqueue_indirect_dma source(%dma_start3A_42 : memref<10000x128xf32, #tpu.memory_space<hbm>>) target(%arg10 : memref<128x128xf32, #tpu.memory_space<vmem>>) offsets(%dma_start3A_39 : memref<128xi32, #tpu.memory_space<vmem>>) semaphore(%arg13 : memref<!tpu.dma_semaphore, #tpu.memory_space<semaphore_mem>>)
      %scan3A_43 = arith.constant 0 : i32
      %scan3A_44 = arith.constant 16 : i32
      %scan3A_45 = arith.addi %scan3A_43, %scan3A_44 : i32
      %scan3A_46 = arith.constant 1 : i32
      scf.for %scan3A_76 = %scan3A_43 to %scan3A_45 step %scan3A_46  : i32 {
        %mul3A_77 = arith.constant 2 : i32
        %mul3A_78 = arith.muli %scan3A_76, %mul3A_77 : i32
        %add3A_79 = arith.constant 0 : i32
        %add3A_80 = arith.addi %add3A_79, %mul3A_78 : i32
        %add3A_81 = arith.constant 1 : i32
        %add3A_82 = arith.addi %add3A_80, %add3A_81 : i32
        %dma_start3A_83 = arith.constant 0 : i32
        %dma_start3A_84 = tpu.memref_slice %arg8[%add3A_82, %dma_start3A_83] : memref<32x128xi32, #tpu.memory_space<vmem>> -> memref<1x128xi32, #tpu.memory_space<vmem>>
        %dma_start3A_85 = tpu.memref_squeeze %dma_start3A_84 : memref<1x128xi32, #tpu.memory_space<vmem>> -> memref<128xi32, #tpu.memory_space<vmem>>
        %dma_start3A_86 = arith.constant 0 : i32
        %dma_start3A_87 = arith.constant 0 : i32
        %dma_start3A_88 = tpu.memref_slice %arg2[%dma_start3A_86, %dma_start3A_87] : memref<10000x128xf32, #tpu.memory_space<hbm>> -> memref<10000x128xf32, #tpu.memory_space<hbm>>
        tpu.enqueue_indirect_dma source(%dma_start3A_88 : memref<10000x128xf32, #tpu.memory_space<hbm>>) target(%arg11 : memref<128x128xf32, #tpu.memory_space<vmem>>) offsets(%dma_start3A_85 : memref<128xi32, #tpu.memory_space<vmem>>) semaphore(%arg14 : memref<!tpu.dma_semaphore, #tpu.memory_space<semaphore_mem>>)
        %dma_wait3A = arith.constant 0 : i32
        %dma_wait3A_89 = tpu.memref_slice %arg8[%add3A_80, %dma_wait3A] : memref<32x128xi32, #tpu.memory_space<vmem>> -> memref<1x128xi32, #tpu.memory_space<vmem>>
        %dma_wait3A_90 = tpu.memref_squeeze %dma_wait3A_89 : memref<1x128xi32, #tpu.memory_space<vmem>> -> memref<128xi32, #tpu.memory_space<vmem>>
        %dma_wait3A_91 = arith.constant 0 : i32
        %dma_wait3A_92 = arith.constant 0 : i32
        %dma_wait3A_93 = tpu.memref_slice %arg2[%dma_wait3A_91, %dma_wait3A_92] : memref<10000x128xf32, #tpu.memory_space<hbm>> -> memref<10000x128xf32, #tpu.memory_space<hbm>>
        tpu.wait_indirect_dma semaphore(%arg13 : memref<!tpu.dma_semaphore, #tpu.memory_space<semaphore_mem>>) src(%dma_wait3A_93 : memref<10000x128xf32, #tpu.memory_space<hbm>>) dst(%arg10 : memref<128x128xf32, #tpu.memory_space<vmem>>)
        "tpu.region"() ({
          %run_scoped3A_110 = tpu.sem_alloc : memref<!tpu.dma_semaphore, #tpu.memory_space<semaphore_mem>>
          %dma_start3A_111 = arith.constant 0 : i32
          %dma_start3A_112 = tpu.memref_slice %arg9[%add3A_80, %dma_start3A_111] : memref<32x128xi32, #tpu.memory_space<vmem>> -> memref<1x128xi32, #tpu.memory_space<vmem>>
          %dma_start3A_113 = tpu.memref_squeeze %dma_start3A_112 : memref<1x128xi32, #tpu.memory_space<vmem>> -> memref<128xi32, #tpu.memory_space<vmem>>
          %dma_start3A_114 = arith.constant 0 : i32
          %dma_start3A_115 = arith.constant 0 : i32
          %dma_start3A_116 = tpu.memref_slice %arg12[%dma_start3A_114, %dma_start3A_115] : memref<10112x128xf32, #tpu.memory_space<vmem_shared>> -> memref<10112x128xf32, #tpu.memory_space<vmem_shared>>
          tpu.enqueue_indirect_dma source(%arg10 : memref<128x128xf32, #tpu.memory_space<vmem>>) target(%dma_start3A_116 : memref<10112x128xf32, #tpu.memory_space<vmem_shared>>) offsets(%dma_start3A_113 : memref<128xi32, #tpu.memory_space<vmem>>) semaphore(%run_scoped3A_110 : memref<!tpu.dma_semaphore, #tpu.memory_space<semaphore_mem>>) {add = true}
          %dma_wait3A_117 = arith.constant 0 : i32
          %dma_wait3A_118 = tpu.memref_slice %arg9[%add3A_80, %dma_wait3A_117] : memref<32x128xi32, #tpu.memory_space<vmem>> -> memref<1x128xi32, #tpu.memory_space<vmem>>
          %dma_wait3A_119 = tpu.memref_squeeze %dma_wait3A_118 : memref<1x128xi32, #tpu.memory_space<vmem>> -> memref<128xi32, #tpu.memory_space<vmem>>
          %dma_wait3A_120 = arith.constant 0 : i32
          %dma_wait3A_121 = arith.constant 0 : i32
          %dma_wait3A_122 = tpu.memref_slice %arg12[%dma_wait3A_120, %dma_wait3A_121] : memref<10112x128xf32, #tpu.memory_space<vmem_shared>> -> memref<10112x128xf32, #tpu.memory_space<vmem_shared>>
          tpu.wait_indirect_dma semaphore(%run_scoped3A_110 : memref<!tpu.dma_semaphore, #tpu.memory_space<semaphore_mem>>) src(%arg10 : memref<128x128xf32, #tpu.memory_space<vmem>>) dst(%dma_wait3A_122 : memref<10112x128xf32, #tpu.memory_space<vmem_shared>>)
          tpu.yield
        }) : () -> ()
        %add3A_94 = arith.constant 2 : i32
        %add3A_95 = arith.addi %add3A_80, %add3A_94 : i32
        %lt3A = arith.constant 32 : i32
        %lt3A_96 = arith.cmpi slt, %add3A_95, %lt3A : i32
        %convert_element_type3A_97 = arith.extui %lt3A_96 : i1 to i32
        %cond3A_98 = arith.constant 0 : i32
        %cond3A_99 = arith.cmpi ne, %convert_element_type3A_97, %cond3A_98 : i32
        scf.if %cond3A_99 {
          %add3A_110 = arith.constant 2 : i32
          %add3A_111 = arith.addi %add3A_80, %add3A_110 : i32
          %dma_start3A_112 = arith.constant 0 : i32
          %dma_start3A_113 = tpu.memref_slice %arg8[%add3A_111, %dma_start3A_112] : memref<32x128xi32, #tpu.memory_space<vmem>> -> memref<1x128xi32, #tpu.memory_space<vmem>>
          %dma_start3A_114 = tpu.memref_squeeze %dma_start3A_113 : memref<1x128xi32, #tpu.memory_space<vmem>> -> memref<128xi32, #tpu.memory_space<vmem>>
          %dma_start3A_115 = arith.constant 0 : i32
          %dma_start3A_116 = arith.constant 0 : i32
          %dma_start3A_117 = tpu.memref_slice %arg2[%dma_start3A_115, %dma_start3A_116] : memref<10000x128xf32, #tpu.memory_space<hbm>> -> memref<10000x128xf32, #tpu.memory_space<hbm>>
          tpu.enqueue_indirect_dma source(%dma_start3A_117 : memref<10000x128xf32, #tpu.memory_space<hbm>>) target(%arg10 : memref<128x128xf32, #tpu.memory_space<vmem>>) offsets(%dma_start3A_114 : memref<128xi32, #tpu.memory_space<vmem>>) semaphore(%arg13 : memref<!tpu.dma_semaphore, #tpu.memory_space<semaphore_mem>>)
        } else {
        }
        %add3A_100 = arith.constant 1 : i32
        %add3A_101 = arith.addi %add3A_80, %add3A_100 : i32
        %dma_wait3A_102 = arith.constant 0 : i32
        %dma_wait3A_103 = tpu.memref_slice %arg8[%add3A_101, %dma_wait3A_102] : memref<32x128xi32, #tpu.memory_space<vmem>> -> memref<1x128xi32, #tpu.memory_space<vmem>>
        %dma_wait3A_104 = tpu.memref_squeeze %dma_wait3A_103 : memref<1x128xi32, #tpu.memory_space<vmem>> -> memref<128xi32, #tpu.memory_space<vmem>>
        %dma_wait3A_105 = arith.constant 0 : i32
        %dma_wait3A_106 = arith.constant 0 : i32
        %dma_wait3A_107 = tpu.memref_slice %arg2[%dma_wait3A_105, %dma_wait3A_106] : memref<10000x128xf32, #tpu.memory_space<hbm>> -> memref<10000x128xf32, #tpu.memory_space<hbm>>
        tpu.wait_indirect_dma semaphore(%arg14 : memref<!tpu.dma_semaphore, #tpu.memory_space<semaphore_mem>>) src(%dma_wait3A_107 : memref<10000x128xf32, #tpu.memory_space<hbm>>) dst(%arg11 : memref<128x128xf32, #tpu.memory_space<vmem>>)
        %add3A_108 = arith.constant 1 : i32
        %add3A_109 = arith.addi %add3A_80, %add3A_108 : i32
        "tpu.region"() ({
          %run_scoped3A_110 = tpu.sem_alloc : memref<!tpu.dma_semaphore, #tpu.memory_space<semaphore_mem>>
          %dma_start3A_111 = arith.constant 0 : i32
          %dma_start3A_112 = tpu.memref_slice %arg9[%add3A_109, %dma_start3A_111] : memref<32x128xi32, #tpu.memory_space<vmem>> -> memref<1x128xi32, #tpu.memory_space<vmem>>
          %dma_start3A_113 = tpu.memref_squeeze %dma_start3A_112 : memref<1x128xi32, #tpu.memory_space<vmem>> -> memref<128xi32, #tpu.memory_space<vmem>>
          %dma_start3A_114 = arith.constant 0 : i32
          %dma_start3A_115 = arith.constant 0 : i32
          %dma_start3A_116 = tpu.memref_slice %arg12[%dma_start3A_114, %dma_start3A_115] : memref<10112x128xf32, #tpu.memory_space<vmem_shared>> -> memref<10112x128xf32, #tpu.memory_space<vmem_shared>>
          tpu.enqueue_indirect_dma source(%arg11 : memref<128x128xf32, #tpu.memory_space<vmem>>) target(%dma_start3A_116 : memref<10112x128xf32, #tpu.memory_space<vmem_shared>>) offsets(%dma_start3A_113 : memref<128xi32, #tpu.memory_space<vmem>>) semaphore(%run_scoped3A_110 : memref<!tpu.dma_semaphore, #tpu.memory_space<semaphore_mem>>) {add = true}
          %dma_wait3A_117 = arith.constant 0 : i32
          %dma_wait3A_118 = tpu.memref_slice %arg9[%add3A_109, %dma_wait3A_117] : memref<32x128xi32, #tpu.memory_space<vmem>> -> memref<1x128xi32, #tpu.memory_space<vmem>>
          %dma_wait3A_119 = tpu.memref_squeeze %dma_wait3A_118 : memref<1x128xi32, #tpu.memory_space<vmem>> -> memref<128xi32, #tpu.memory_space<vmem>>
          %dma_wait3A_120 = arith.constant 0 : i32
          %dma_wait3A_121 = arith.constant 0 : i32
          %dma_wait3A_122 = tpu.memref_slice %arg12[%dma_wait3A_120, %dma_wait3A_121] : memref<10112x128xf32, #tpu.memory_space<vmem_shared>> -> memref<10112x128xf32, #tpu.memory_space<vmem_shared>>
          tpu.wait_indirect_dma semaphore(%run_scoped3A_110 : memref<!tpu.dma_semaphore, #tpu.memory_space<semaphore_mem>>) src(%arg11 : memref<128x128xf32, #tpu.memory_space<vmem>>) dst(%dma_wait3A_122 : memref<10112x128xf32, #tpu.memory_space<vmem_shared>>)
          tpu.yield
        }) : () -> ()
      }
      %scan3A_47 = arith.constant 16 : i32
      %run_scoped3A_48 = arith.constant 2 : i32
      "tpu.region"() ({
        %run_scoped3A_76 = tpu.sem_alloc : memref<!tpu.dma_semaphore, #tpu.memory_space<semaphore_mem>>
        %dma_start3A_77 = arith.constant 0 : i32
        %dma_start3A_78 = arith.constant 0 : i32
        %dma_start3A_79 = tpu.memref_slice %arg3[%arg1, %run_scoped3A_48, %dma_start3A_77, %dma_start3A_78] : memref<16x4x32x128xi32, #tpu.memory_space<hbm>> -> memref<1x1x32x128xi32, #tpu.memory_space<hbm>>
        %dma_start3A_80 = tpu.memref_squeeze %dma_start3A_79 : memref<1x1x32x128xi32, #tpu.memory_space<hbm>> -> memref<32x128xi32, #tpu.memory_space<hbm>>
        %dma_start3A_81 = arith.constant 0 : i32
        %dma_start3A_82 = arith.constant 0 : i32
        %dma_start3A_83 = tpu.memref_slice %arg3[%arg1, %run_scoped3A_48, %dma_start3A_81, %dma_start3A_82] : memref<16x4x32x128xi32, #tpu.memory_space<hbm>> -> memref<1x1x32x128xi32, #tpu.memory_space<hbm>>
        %dma_start3A_84 = tpu.memref_squeeze %dma_start3A_83 : memref<1x1x32x128xi32, #tpu.memory_space<hbm>> -> memref<32x128xi32, #tpu.memory_space<hbm>>
        tpu.enqueue_dma source(%dma_start3A_84 : memref<32x128xi32, #tpu.memory_space<hbm>>) target(%arg8 : memref<32x128xi32, #tpu.memory_space<vmem>>) target_semaphore(%run_scoped3A_76 : memref<!tpu.dma_semaphore, #tpu.memory_space<semaphore_mem>>)
        %dma_wait3A = arith.constant 0 : i32
        %dma_wait3A_85 = arith.constant 0 : i32
        %dma_wait3A_86 = tpu.memref_slice %arg3[%arg1, %run_scoped3A_48, %dma_wait3A, %dma_wait3A_85] : memref<16x4x32x128xi32, #tpu.memory_space<hbm>> -> memref<1x1x32x128xi32, #tpu.memory_space<hbm>>
        %dma_wait3A_87 = tpu.memref_squeeze %dma_wait3A_86 : memref<1x1x32x128xi32, #tpu.memory_space<hbm>> -> memref<32x128xi32, #tpu.memory_space<hbm>>
        %dma_wait3A_88 = arith.constant 0 : i32
        %dma_wait3A_89 = arith.constant 0 : i32
        %dma_wait3A_90 = tpu.memref_slice %arg3[%arg1, %run_scoped3A_48, %dma_wait3A_88, %dma_wait3A_89] : memref<16x4x32x128xi32, #tpu.memory_space<hbm>> -> memref<1x1x32x128xi32, #tpu.memory_space<hbm>>
        %dma_wait3A_91 = tpu.memref_squeeze %dma_wait3A_90 : memref<1x1x32x128xi32, #tpu.memory_space<hbm>> -> memref<32x128xi32, #tpu.memory_space<hbm>>
        tpu.wait_dma2 semaphore(%run_scoped3A_76 : memref<!tpu.dma_semaphore, #tpu.memory_space<semaphore_mem>>) src(%dma_wait3A_91 : memref<32x128xi32, #tpu.memory_space<hbm>>) dst(%arg8 : memref<32x128xi32, #tpu.memory_space<vmem>>)
        tpu.yield
      }) : () -> ()
      %run_scoped3A_49 = arith.constant 2 : i32
      "tpu.region"() ({
        %run_scoped3A_76 = tpu.sem_alloc : memref<!tpu.dma_semaphore, #tpu.memory_space<semaphore_mem>>
        %dma_start3A_77 = arith.constant 0 : i32
        %dma_start3A_78 = arith.constant 0 : i32
        %dma_start3A_79 = tpu.memref_slice %arg4[%arg1, %run_scoped3A_49, %dma_start3A_77, %dma_start3A_78] : memref<16x4x32x128xi32, #tpu.memory_space<hbm>> -> memref<1x1x32x128xi32, #tpu.memory_space<hbm>>
        %dma_start3A_80 = tpu.memref_squeeze %dma_start3A_79 : memref<1x1x32x128xi32, #tpu.memory_space<hbm>> -> memref<32x128xi32, #tpu.memory_space<hbm>>
        %dma_start3A_81 = arith.constant 0 : i32
        %dma_start3A_82 = arith.constant 0 : i32
        %dma_start3A_83 = tpu.memref_slice %arg4[%arg1, %run_scoped3A_49, %dma_start3A_81, %dma_start3A_82] : memref<16x4x32x128xi32, #tpu.memory_space<hbm>> -> memref<1x1x32x128xi32, #tpu.memory_space<hbm>>
        %dma_start3A_84 = tpu.memref_squeeze %dma_start3A_83 : memref<1x1x32x128xi32, #tpu.memory_space<hbm>> -> memref<32x128xi32, #tpu.memory_space<hbm>>
        tpu.enqueue_dma source(%dma_start3A_84 : memref<32x128xi32, #tpu.memory_space<hbm>>) target(%arg9 : memref<32x128xi32, #tpu.memory_space<vmem>>) target_semaphore(%run_scoped3A_76 : memref<!tpu.dma_semaphore, #tpu.memory_space<semaphore_mem>>)
        %dma_wait3A = arith.constant 0 : i32
        %dma_wait3A_85 = arith.constant 0 : i32
        %dma_wait3A_86 = tpu.memref_slice %arg4[%arg1, %run_scoped3A_49, %dma_wait3A, %dma_wait3A_85] : memref<16x4x32x128xi32, #tpu.memory_space<hbm>> -> memref<1x1x32x128xi32, #tpu.memory_space<hbm>>
        %dma_wait3A_87 = tpu.memref_squeeze %dma_wait3A_86 : memref<1x1x32x128xi32, #tpu.memory_space<hbm>> -> memref<32x128xi32, #tpu.memory_space<hbm>>
        %dma_wait3A_88 = arith.constant 0 : i32
        %dma_wait3A_89 = arith.constant 0 : i32
        %dma_wait3A_90 = tpu.memref_slice %arg4[%arg1, %run_scoped3A_49, %dma_wait3A_88, %dma_wait3A_89] : memref<16x4x32x128xi32, #tpu.memory_space<hbm>> -> memref<1x1x32x128xi32, #tpu.memory_space<hbm>>
        %dma_wait3A_91 = tpu.memref_squeeze %dma_wait3A_90 : memref<1x1x32x128xi32, #tpu.memory_space<hbm>> -> memref<32x128xi32, #tpu.memory_space<hbm>>
        tpu.wait_dma2 semaphore(%run_scoped3A_76 : memref<!tpu.dma_semaphore, #tpu.memory_space<semaphore_mem>>) src(%dma_wait3A_91 : memref<32x128xi32, #tpu.memory_space<hbm>>) dst(%arg9 : memref<32x128xi32, #tpu.memory_space<vmem>>)
        tpu.yield
      }) : () -> ()
      %dma_start3A_50 = arith.constant 0 : i32
      %dma_start3A_51 = arith.constant 0 : i32
      %dma_start3A_52 = tpu.memref_slice %arg8[%dma_start3A_50, %dma_start3A_51] : memref<32x128xi32, #tpu.memory_space<vmem>> -> memref<1x128xi32, #tpu.memory_space<vmem>>
      %dma_start3A_53 = tpu.memref_squeeze %dma_start3A_52 : memref<1x128xi32, #tpu.memory_space<vmem>> -> memref<128xi32, #tpu.memory_space<vmem>>
      %dma_start3A_54 = arith.constant 0 : i32
      %dma_start3A_55 = arith.constant 0 : i32
      %dma_start3A_56 = tpu.memref_slice %arg2[%dma_start3A_54, %dma_start3A_55] : memref<10000x128xf32, #tpu.memory_space<hbm>> -> memref<10000x128xf32, #tpu.memory_space<hbm>>
      tpu.enqueue_indirect_dma source(%dma_start3A_56 : memref<10000x128xf32, #tpu.memory_space<hbm>>) target(%arg10 : memref<128x128xf32, #tpu.memory_space<vmem>>) offsets(%dma_start3A_53 : memref<128xi32, #tpu.memory_space<vmem>>) semaphore(%arg13 : memref<!tpu.dma_semaphore, #tpu.memory_space<semaphore_mem>>)
      %scan3A_57 = arith.constant 0 : i32
      %scan3A_58 = arith.constant 16 : i32
      %scan3A_59 = arith.addi %scan3A_57, %scan3A_58 : i32
      %scan3A_60 = arith.constant 1 : i32
      scf.for %scan3A_76 = %scan3A_57 to %scan3A_59 step %scan3A_60  : i32 {
        %mul3A_77 = arith.constant 2 : i32
        %mul3A_78 = arith.muli %scan3A_76, %mul3A_77 : i32
        %add3A_79 = arith.constant 0 : i32
        %add3A_80 = arith.addi %add3A_79, %mul3A_78 : i32
        %add3A_81 = arith.constant 1 : i32
        %add3A_82 = arith.addi %add3A_80, %add3A_81 : i32
        %dma_start3A_83 = arith.constant 0 : i32
        %dma_start3A_84 = tpu.memref_slice %arg8[%add3A_82, %dma_start3A_83] : memref<32x128xi32, #tpu.memory_space<vmem>> -> memref<1x128xi32, #tpu.memory_space<vmem>>
        %dma_start3A_85 = tpu.memref_squeeze %dma_start3A_84 : memref<1x128xi32, #tpu.memory_space<vmem>> -> memref<128xi32, #tpu.memory_space<vmem>>
        %dma_start3A_86 = arith.constant 0 : i32
        %dma_start3A_87 = arith.constant 0 : i32
        %dma_start3A_88 = tpu.memref_slice %arg2[%dma_start3A_86, %dma_start3A_87] : memref<10000x128xf32, #tpu.memory_space<hbm>> -> memref<10000x128xf32, #tpu.memory_space<hbm>>
        tpu.enqueue_indirect_dma source(%dma_start3A_88 : memref<10000x128xf32, #tpu.memory_space<hbm>>) target(%arg11 : memref<128x128xf32, #tpu.memory_space<vmem>>) offsets(%dma_start3A_85 : memref<128xi32, #tpu.memory_space<vmem>>) semaphore(%arg14 : memref<!tpu.dma_semaphore, #tpu.memory_space<semaphore_mem>>)
        %dma_wait3A = arith.constant 0 : i32
        %dma_wait3A_89 = tpu.memref_slice %arg8[%add3A_80, %dma_wait3A] : memref<32x128xi32, #tpu.memory_space<vmem>> -> memref<1x128xi32, #tpu.memory_space<vmem>>
        %dma_wait3A_90 = tpu.memref_squeeze %dma_wait3A_89 : memref<1x128xi32, #tpu.memory_space<vmem>> -> memref<128xi32, #tpu.memory_space<vmem>>
        %dma_wait3A_91 = arith.constant 0 : i32
        %dma_wait3A_92 = arith.constant 0 : i32
        %dma_wait3A_93 = tpu.memref_slice %arg2[%dma_wait3A_91, %dma_wait3A_92] : memref<10000x128xf32, #tpu.memory_space<hbm>> -> memref<10000x128xf32, #tpu.memory_space<hbm>>
        tpu.wait_indirect_dma semaphore(%arg13 : memref<!tpu.dma_semaphore, #tpu.memory_space<semaphore_mem>>) src(%dma_wait3A_93 : memref<10000x128xf32, #tpu.memory_space<hbm>>) dst(%arg10 : memref<128x128xf32, #tpu.memory_space<vmem>>)
        "tpu.region"() ({
          %run_scoped3A_110 = tpu.sem_alloc : memref<!tpu.dma_semaphore, #tpu.memory_space<semaphore_mem>>
          %dma_start3A_111 = arith.constant 0 : i32
          %dma_start3A_112 = tpu.memref_slice %arg9[%add3A_80, %dma_start3A_111] : memref<32x128xi32, #tpu.memory_space<vmem>> -> memref<1x128xi32, #tpu.memory_space<vmem>>
          %dma_start3A_113 = tpu.memref_squeeze %dma_start3A_112 : memref<1x128xi32, #tpu.memory_space<vmem>> -> memref<128xi32, #tpu.memory_space<vmem>>
          %dma_start3A_114 = arith.constant 0 : i32
          %dma_start3A_115 = arith.constant 0 : i32
          %dma_start3A_116 = tpu.memref_slice %arg12[%dma_start3A_114, %dma_start3A_115] : memref<10112x128xf32, #tpu.memory_space<vmem_shared>> -> memref<10112x128xf32, #tpu.memory_space<vmem_shared>>
          tpu.enqueue_indirect_dma source(%arg10 : memref<128x128xf32, #tpu.memory_space<vmem>>) target(%dma_start3A_116 : memref<10112x128xf32, #tpu.memory_space<vmem_shared>>) offsets(%dma_start3A_113 : memref<128xi32, #tpu.memory_space<vmem>>) semaphore(%run_scoped3A_110 : memref<!tpu.dma_semaphore, #tpu.memory_space<semaphore_mem>>) {add = true}
          %dma_wait3A_117 = arith.constant 0 : i32
          %dma_wait3A_118 = tpu.memref_slice %arg9[%add3A_80, %dma_wait3A_117] : memref<32x128xi32, #tpu.memory_space<vmem>> -> memref<1x128xi32, #tpu.memory_space<vmem>>
          %dma_wait3A_119 = tpu.memref_squeeze %dma_wait3A_118 : memref<1x128xi32, #tpu.memory_space<vmem>> -> memref<128xi32, #tpu.memory_space<vmem>>
          %dma_wait3A_120 = arith.constant 0 : i32
          %dma_wait3A_121 = arith.constant 0 : i32
          %dma_wait3A_122 = tpu.memref_slice %arg12[%dma_wait3A_120, %dma_wait3A_121] : memref<10112x128xf32, #tpu.memory_space<vmem_shared>> -> memref<10112x128xf32, #tpu.memory_space<vmem_shared>>
          tpu.wait_indirect_dma semaphore(%run_scoped3A_110 : memref<!tpu.dma_semaphore, #tpu.memory_space<semaphore_mem>>) src(%arg10 : memref<128x128xf32, #tpu.memory_space<vmem>>) dst(%dma_wait3A_122 : memref<10112x128xf32, #tpu.memory_space<vmem_shared>>)
          tpu.yield
        }) : () -> ()
        %add3A_94 = arith.constant 2 : i32
        %add3A_95 = arith.addi %add3A_80, %add3A_94 : i32
        %lt3A = arith.constant 32 : i32
        %lt3A_96 = arith.cmpi slt, %add3A_95, %lt3A : i32
        %convert_element_type3A_97 = arith.extui %lt3A_96 : i1 to i32
        %cond3A_98 = arith.constant 0 : i32
        %cond3A_99 = arith.cmpi ne, %convert_element_type3A_97, %cond3A_98 : i32
        scf.if %cond3A_99 {
          %add3A_110 = arith.constant 2 : i32
          %add3A_111 = arith.addi %add3A_80, %add3A_110 : i32
          %dma_start3A_112 = arith.constant 0 : i32
          %dma_start3A_113 = tpu.memref_slice %arg8[%add3A_111, %dma_start3A_112] : memref<32x128xi32, #tpu.memory_space<vmem>> -> memref<1x128xi32, #tpu.memory_space<vmem>>
          %dma_start3A_114 = tpu.memref_squeeze %dma_start3A_113 : memref<1x128xi32, #tpu.memory_space<vmem>> -> memref<128xi32, #tpu.memory_space<vmem>>
          %dma_start3A_115 = arith.constant 0 : i32
          %dma_start3A_116 = arith.constant 0 : i32
          %dma_start3A_117 = tpu.memref_slice %arg2[%dma_start3A_115, %dma_start3A_116] : memref<10000x128xf32, #tpu.memory_space<hbm>> -> memref<10000x128xf32, #tpu.memory_space<hbm>>
          tpu.enqueue_indirect_dma source(%dma_start3A_117 : memref<10000x128xf32, #tpu.memory_space<hbm>>) target(%arg10 : memref<128x128xf32, #tpu.memory_space<vmem>>) offsets(%dma_start3A_114 : memref<128xi32, #tpu.memory_space<vmem>>) semaphore(%arg13 : memref<!tpu.dma_semaphore, #tpu.memory_space<semaphore_mem>>)
        } else {
        }
        %add3A_100 = arith.constant 1 : i32
        %add3A_101 = arith.addi %add3A_80, %add3A_100 : i32
        %dma_wait3A_102 = arith.constant 0 : i32
        %dma_wait3A_103 = tpu.memref_slice %arg8[%add3A_101, %dma_wait3A_102] : memref<32x128xi32, #tpu.memory_space<vmem>> -> memref<1x128xi32, #tpu.memory_space<vmem>>
        %dma_wait3A_104 = tpu.memref_squeeze %dma_wait3A_103 : memref<1x128xi32, #tpu.memory_space<vmem>> -> memref<128xi32, #tpu.memory_space<vmem>>
        %dma_wait3A_105 = arith.constant 0 : i32
        %dma_wait3A_106 = arith.constant 0 : i32
        %dma_wait3A_107 = tpu.memref_slice %arg2[%dma_wait3A_105, %dma_wait3A_106] : memref<10000x128xf32, #tpu.memory_space<hbm>> -> memref<10000x128xf32, #tpu.memory_space<hbm>>
        tpu.wait_indirect_dma semaphore(%arg14 : memref<!tpu.dma_semaphore, #tpu.memory_space<semaphore_mem>>) src(%dma_wait3A_107 : memref<10000x128xf32, #tpu.memory_space<hbm>>) dst(%arg11 : memref<128x128xf32, #tpu.memory_space<vmem>>)
        %add3A_108 = arith.constant 1 : i32
        %add3A_109 = arith.addi %add3A_80, %add3A_108 : i32
        "tpu.region"() ({
          %run_scoped3A_110 = tpu.sem_alloc : memref<!tpu.dma_semaphore, #tpu.memory_space<semaphore_mem>>
          %dma_start3A_111 = arith.constant 0 : i32
          %dma_start3A_112 = tpu.memref_slice %arg9[%add3A_109, %dma_start3A_111] : memref<32x128xi32, #tpu.memory_space<vmem>> -> memref<1x128xi32, #tpu.memory_space<vmem>>
          %dma_start3A_113 = tpu.memref_squeeze %dma_start3A_112 : memref<1x128xi32, #tpu.memory_space<vmem>> -> memref<128xi32, #tpu.memory_space<vmem>>
          %dma_start3A_114 = arith.constant 0 : i32
          %dma_start3A_115 = arith.constant 0 : i32
          %dma_start3A_116 = tpu.memref_slice %arg12[%dma_start3A_114, %dma_start3A_115] : memref<10112x128xf32, #tpu.memory_space<vmem_shared>> -> memref<10112x128xf32, #tpu.memory_space<vmem_shared>>
          tpu.enqueue_indirect_dma source(%arg11 : memref<128x128xf32, #tpu.memory_space<vmem>>) target(%dma_start3A_116 : memref<10112x128xf32, #tpu.memory_space<vmem_shared>>) offsets(%dma_start3A_113 : memref<128xi32, #tpu.memory_space<vmem>>) semaphore(%run_scoped3A_110 : memref<!tpu.dma_semaphore, #tpu.memory_space<semaphore_mem>>) {add = true}
          %dma_wait3A_117 = arith.constant 0 : i32
          %dma_wait3A_118 = tpu.memref_slice %arg9[%add3A_109, %dma_wait3A_117] : memref<32x128xi32, #tpu.memory_space<vmem>> -> memref<1x128xi32, #tpu.memory_space<vmem>>
          %dma_wait3A_119 = tpu.memref_squeeze %dma_wait3A_118 : memref<1x128xi32, #tpu.memory_space<vmem>> -> memref<128xi32, #tpu.memory_space<vmem>>
          %dma_wait3A_120 = arith.constant 0 : i32
          %dma_wait3A_121 = arith.constant 0 : i32
          %dma_wait3A_122 = tpu.memref_slice %arg12[%dma_wait3A_120, %dma_wait3A_121] : memref<10112x128xf32, #tpu.memory_space<vmem_shared>> -> memref<10112x128xf32, #tpu.memory_space<vmem_shared>>
          tpu.wait_indirect_dma semaphore(%run_scoped3A_110 : memref<!tpu.dma_semaphore, #tpu.memory_space<semaphore_mem>>) src(%arg11 : memref<128x128xf32, #tpu.memory_space<vmem>>) dst(%dma_wait3A_122 : memref<10112x128xf32, #tpu.memory_space<vmem_shared>>)
          tpu.yield
        }) : () -> ()
      }
      %scan3A_61 = arith.constant 16 : i32
      %run_scoped3A_62 = arith.constant 3 : i32
      "tpu.region"() ({
        %run_scoped3A_76 = tpu.sem_alloc : memref<!tpu.dma_semaphore, #tpu.memory_space<semaphore_mem>>
        %dma_start3A_77 = arith.constant 0 : i32
        %dma_start3A_78 = arith.constant 0 : i32
        %dma_start3A_79 = tpu.memref_slice %arg3[%arg1, %run_scoped3A_62, %dma_start3A_77, %dma_start3A_78] : memref<16x4x32x128xi32, #tpu.memory_space<hbm>> -> memref<1x1x32x128xi32, #tpu.memory_space<hbm>>
        %dma_start3A_80 = tpu.memref_squeeze %dma_start3A_79 : memref<1x1x32x128xi32, #tpu.memory_space<hbm>> -> memref<32x128xi32, #tpu.memory_space<hbm>>
        %dma_start3A_81 = arith.constant 0 : i32
        %dma_start3A_82 = arith.constant 0 : i32
        %dma_start3A_83 = tpu.memref_slice %arg3[%arg1, %run_scoped3A_62, %dma_start3A_81, %dma_start3A_82] : memref<16x4x32x128xi32, #tpu.memory_space<hbm>> -> memref<1x1x32x128xi32, #tpu.memory_space<hbm>>
        %dma_start3A_84 = tpu.memref_squeeze %dma_start3A_83 : memref<1x1x32x128xi32, #tpu.memory_space<hbm>> -> memref<32x128xi32, #tpu.memory_space<hbm>>
        tpu.enqueue_dma source(%dma_start3A_84 : memref<32x128xi32, #tpu.memory_space<hbm>>) target(%arg8 : memref<32x128xi32, #tpu.memory_space<vmem>>) target_semaphore(%run_scoped3A_76 : memref<!tpu.dma_semaphore, #tpu.memory_space<semaphore_mem>>)
        %dma_wait3A = arith.constant 0 : i32
        %dma_wait3A_85 = arith.constant 0 : i32
        %dma_wait3A_86 = tpu.memref_slice %arg3[%arg1, %run_scoped3A_62, %dma_wait3A, %dma_wait3A_85] : memref<16x4x32x128xi32, #tpu.memory_space<hbm>> -> memref<1x1x32x128xi32, #tpu.memory_space<hbm>>
        %dma_wait3A_87 = tpu.memref_squeeze %dma_wait3A_86 : memref<1x1x32x128xi32, #tpu.memory_space<hbm>> -> memref<32x128xi32, #tpu.memory_space<hbm>>
        %dma_wait3A_88 = arith.constant 0 : i32
        %dma_wait3A_89 = arith.constant 0 : i32
        %dma_wait3A_90 = tpu.memref_slice %arg3[%arg1, %run_scoped3A_62, %dma_wait3A_88, %dma_wait3A_89] : memref<16x4x32x128xi32, #tpu.memory_space<hbm>> -> memref<1x1x32x128xi32, #tpu.memory_space<hbm>>
        %dma_wait3A_91 = tpu.memref_squeeze %dma_wait3A_90 : memref<1x1x32x128xi32, #tpu.memory_space<hbm>> -> memref<32x128xi32, #tpu.memory_space<hbm>>
        tpu.wait_dma2 semaphore(%run_scoped3A_76 : memref<!tpu.dma_semaphore, #tpu.memory_space<semaphore_mem>>) src(%dma_wait3A_91 : memref<32x128xi32, #tpu.memory_space<hbm>>) dst(%arg8 : memref<32x128xi32, #tpu.memory_space<vmem>>)
        tpu.yield
      }) : () -> ()
      %run_scoped3A_63 = arith.constant 3 : i32
      "tpu.region"() ({
        %run_scoped3A_76 = tpu.sem_alloc : memref<!tpu.dma_semaphore, #tpu.memory_space<semaphore_mem>>
        %dma_start3A_77 = arith.constant 0 : i32
        %dma_start3A_78 = arith.constant 0 : i32
        %dma_start3A_79 = tpu.memref_slice %arg4[%arg1, %run_scoped3A_63, %dma_start3A_77, %dma_start3A_78] : memref<16x4x32x128xi32, #tpu.memory_space<hbm>> -> memref<1x1x32x128xi32, #tpu.memory_space<hbm>>
        %dma_start3A_80 = tpu.memref_squeeze %dma_start3A_79 : memref<1x1x32x128xi32, #tpu.memory_space<hbm>> -> memref<32x128xi32, #tpu.memory_space<hbm>>
        %dma_start3A_81 = arith.constant 0 : i32
        %dma_start3A_82 = arith.constant 0 : i32
        %dma_start3A_83 = tpu.memref_slice %arg4[%arg1, %run_scoped3A_63, %dma_start3A_81, %dma_start3A_82] : memref<16x4x32x128xi32, #tpu.memory_space<hbm>> -> memref<1x1x32x128xi32, #tpu.memory_space<hbm>>
        %dma_start3A_84 = tpu.memref_squeeze %dma_start3A_83 : memref<1x1x32x128xi32, #tpu.memory_space<hbm>> -> memref<32x128xi32, #tpu.memory_space<hbm>>
        tpu.enqueue_dma source(%dma_start3A_84 : memref<32x128xi32, #tpu.memory_space<hbm>>) target(%arg9 : memref<32x128xi32, #tpu.memory_space<vmem>>) target_semaphore(%run_scoped3A_76 : memref<!tpu.dma_semaphore, #tpu.memory_space<semaphore_mem>>)
        %dma_wait3A = arith.constant 0 : i32
        %dma_wait3A_85 = arith.constant 0 : i32
        %dma_wait3A_86 = tpu.memref_slice %arg4[%arg1, %run_scoped3A_63, %dma_wait3A, %dma_wait3A_85] : memref<16x4x32x128xi32, #tpu.memory_space<hbm>> -> memref<1x1x32x128xi32, #tpu.memory_space<hbm>>
        %dma_wait3A_87 = tpu.memref_squeeze %dma_wait3A_86 : memref<1x1x32x128xi32, #tpu.memory_space<hbm>> -> memref<32x128xi32, #tpu.memory_space<hbm>>
        %dma_wait3A_88 = arith.constant 0 : i32
        %dma_wait3A_89 = arith.constant 0 : i32
        %dma_wait3A_90 = tpu.memref_slice %arg4[%arg1, %run_scoped3A_63, %dma_wait3A_88, %dma_wait3A_89] : memref<16x4x32x128xi32, #tpu.memory_space<hbm>> -> memref<1x1x32x128xi32, #tpu.memory_space<hbm>>
        %dma_wait3A_91 = tpu.memref_squeeze %dma_wait3A_90 : memref<1x1x32x128xi32, #tpu.memory_space<hbm>> -> memref<32x128xi32, #tpu.memory_space<hbm>>
        tpu.wait_dma2 semaphore(%run_scoped3A_76 : memref<!tpu.dma_semaphore, #tpu.memory_space<semaphore_mem>>) src(%dma_wait3A_91 : memref<32x128xi32, #tpu.memory_space<hbm>>) dst(%arg9 : memref<32x128xi32, #tpu.memory_space<vmem>>)
        tpu.yield
      }) : () -> ()
      %dma_start3A_64 = arith.constant 0 : i32
      %dma_start3A_65 = arith.constant 0 : i32
      %dma_start3A_66 = tpu.memref_slice %arg8[%dma_start3A_64, %dma_start3A_65] : memref<32x128xi32, #tpu.memory_space<vmem>> -> memref<1x128xi32, #tpu.memory_space<vmem>>
      %dma_start3A_67 = tpu.memref_squeeze %dma_start3A_66 : memref<1x128xi32, #tpu.memory_space<vmem>> -> memref<128xi32, #tpu.memory_space<vmem>>
      %dma_start3A_68 = arith.constant 0 : i32
      %dma_start3A_69 = arith.constant 0 : i32
      %dma_start3A_70 = tpu.memref_slice %arg2[%dma_start3A_68, %dma_start3A_69] : memref<10000x128xf32, #tpu.memory_space<hbm>> -> memref<10000x128xf32, #tpu.memory_space<hbm>>
      tpu.enqueue_indirect_dma source(%dma_start3A_70 : memref<10000x128xf32, #tpu.memory_space<hbm>>) target(%arg10 : memref<128x128xf32, #tpu.memory_space<vmem>>) offsets(%dma_start3A_67 : memref<128xi32, #tpu.memory_space<vmem>>) semaphore(%arg13 : memref<!tpu.dma_semaphore, #tpu.memory_space<semaphore_mem>>)
      %scan3A_71 = arith.constant 0 : i32
      %scan3A_72 = arith.constant 16 : i32
      %scan3A_73 = arith.addi %scan3A_71, %scan3A_72 : i32
      %scan3A_74 = arith.constant 1 : i32
      scf.for %scan3A_76 = %scan3A_71 to %scan3A_73 step %scan3A_74  : i32 {
        %mul3A_77 = arith.constant 2 : i32
        %mul3A_78 = arith.muli %scan3A_76, %mul3A_77 : i32
        %add3A_79 = arith.constant 0 : i32
        %add3A_80 = arith.addi %add3A_79, %mul3A_78 : i32
        %add3A_81 = arith.constant 1 : i32
        %add3A_82 = arith.addi %add3A_80, %add3A_81 : i32
        %dma_start3A_83 = arith.constant 0 : i32
        %dma_start3A_84 = tpu.memref_slice %arg8[%add3A_82, %dma_start3A_83] : memref<32x128xi32, #tpu.memory_space<vmem>> -> memref<1x128xi32, #tpu.memory_space<vmem>>
        %dma_start3A_85 = tpu.memref_squeeze %dma_start3A_84 : memref<1x128xi32, #tpu.memory_space<vmem>> -> memref<128xi32, #tpu.memory_space<vmem>>
        %dma_start3A_86 = arith.constant 0 : i32
        %dma_start3A_87 = arith.constant 0 : i32
        %dma_start3A_88 = tpu.memref_slice %arg2[%dma_start3A_86, %dma_start3A_87] : memref<10000x128xf32, #tpu.memory_space<hbm>> -> memref<10000x128xf32, #tpu.memory_space<hbm>>
        tpu.enqueue_indirect_dma source(%dma_start3A_88 : memref<10000x128xf32, #tpu.memory_space<hbm>>) target(%arg11 : memref<128x128xf32, #tpu.memory_space<vmem>>) offsets(%dma_start3A_85 : memref<128xi32, #tpu.memory_space<vmem>>) semaphore(%arg14 : memref<!tpu.dma_semaphore, #tpu.memory_space<semaphore_mem>>)
        %dma_wait3A = arith.constant 0 : i32
        %dma_wait3A_89 = tpu.memref_slice %arg8[%add3A_80, %dma_wait3A] : memref<32x128xi32, #tpu.memory_space<vmem>> -> memref<1x128xi32, #tpu.memory_space<vmem>>
        %dma_wait3A_90 = tpu.memref_squeeze %dma_wait3A_89 : memref<1x128xi32, #tpu.memory_space<vmem>> -> memref<128xi32, #tpu.memory_space<vmem>>
        %dma_wait3A_91 = arith.constant 0 : i32
        %dma_wait3A_92 = arith.constant 0 : i32
        %dma_wait3A_93 = tpu.memref_slice %arg2[%dma_wait3A_91, %dma_wait3A_92] : memref<10000x128xf32, #tpu.memory_space<hbm>> -> memref<10000x128xf32, #tpu.memory_space<hbm>>
        tpu.wait_indirect_dma semaphore(%arg13 : memref<!tpu.dma_semaphore, #tpu.memory_space<semaphore_mem>>) src(%dma_wait3A_93 : memref<10000x128xf32, #tpu.memory_space<hbm>>) dst(%arg10 : memref<128x128xf32, #tpu.memory_space<vmem>>)
        "tpu.region"() ({
          %run_scoped3A_110 = tpu.sem_alloc : memref<!tpu.dma_semaphore, #tpu.memory_space<semaphore_mem>>
          %dma_start3A_111 = arith.constant 0 : i32
          %dma_start3A_112 = tpu.memref_slice %arg9[%add3A_80, %dma_start3A_111] : memref<32x128xi32, #tpu.memory_space<vmem>> -> memref<1x128xi32, #tpu.memory_space<vmem>>
          %dma_start3A_113 = tpu.memref_squeeze %dma_start3A_112 : memref<1x128xi32, #tpu.memory_space<vmem>> -> memref<128xi32, #tpu.memory_space<vmem>>
          %dma_start3A_114 = arith.constant 0 : i32
          %dma_start3A_115 = arith.constant 0 : i32
          %dma_start3A_116 = tpu.memref_slice %arg12[%dma_start3A_114, %dma_start3A_115] : memref<10112x128xf32, #tpu.memory_space<vmem_shared>> -> memref<10112x128xf32, #tpu.memory_space<vmem_shared>>
          tpu.enqueue_indirect_dma source(%arg10 : memref<128x128xf32, #tpu.memory_space<vmem>>) target(%dma_start3A_116 : memref<10112x128xf32, #tpu.memory_space<vmem_shared>>) offsets(%dma_start3A_113 : memref<128xi32, #tpu.memory_space<vmem>>) semaphore(%run_scoped3A_110 : memref<!tpu.dma_semaphore, #tpu.memory_space<semaphore_mem>>) {add = true}
          %dma_wait3A_117 = arith.constant 0 : i32
          %dma_wait3A_118 = tpu.memref_slice %arg9[%add3A_80, %dma_wait3A_117] : memref<32x128xi32, #tpu.memory_space<vmem>> -> memref<1x128xi32, #tpu.memory_space<vmem>>
          %dma_wait3A_119 = tpu.memref_squeeze %dma_wait3A_118 : memref<1x128xi32, #tpu.memory_space<vmem>> -> memref<128xi32, #tpu.memory_space<vmem>>
          %dma_wait3A_120 = arith.constant 0 : i32
          %dma_wait3A_121 = arith.constant 0 : i32
          %dma_wait3A_122 = tpu.memref_slice %arg12[%dma_wait3A_120, %dma_wait3A_121] : memref<10112x128xf32, #tpu.memory_space<vmem_shared>> -> memref<10112x128xf32, #tpu.memory_space<vmem_shared>>
          tpu.wait_indirect_dma semaphore(%run_scoped3A_110 : memref<!tpu.dma_semaphore, #tpu.memory_space<semaphore_mem>>) src(%arg10 : memref<128x128xf32, #tpu.memory_space<vmem>>) dst(%dma_wait3A_122 : memref<10112x128xf32, #tpu.memory_space<vmem_shared>>)
          tpu.yield
        }) : () -> ()
        %add3A_94 = arith.constant 2 : i32
        %add3A_95 = arith.addi %add3A_80, %add3A_94 : i32
        %lt3A = arith.constant 32 : i32
        %lt3A_96 = arith.cmpi slt, %add3A_95, %lt3A : i32
        %convert_element_type3A_97 = arith.extui %lt3A_96 : i1 to i32
        %cond3A_98 = arith.constant 0 : i32
        %cond3A_99 = arith.cmpi ne, %convert_element_type3A_97, %cond3A_98 : i32
        scf.if %cond3A_99 {
          %add3A_110 = arith.constant 2 : i32
          %add3A_111 = arith.addi %add3A_80, %add3A_110 : i32
          %dma_start3A_112 = arith.constant 0 : i32
          %dma_start3A_113 = tpu.memref_slice %arg8[%add3A_111, %dma_start3A_112] : memref<32x128xi32, #tpu.memory_space<vmem>> -> memref<1x128xi32, #tpu.memory_space<vmem>>
          %dma_start3A_114 = tpu.memref_squeeze %dma_start3A_113 : memref<1x128xi32, #tpu.memory_space<vmem>> -> memref<128xi32, #tpu.memory_space<vmem>>
          %dma_start3A_115 = arith.constant 0 : i32
          %dma_start3A_116 = arith.constant 0 : i32
          %dma_start3A_117 = tpu.memref_slice %arg2[%dma_start3A_115, %dma_start3A_116] : memref<10000x128xf32, #tpu.memory_space<hbm>> -> memref<10000x128xf32, #tpu.memory_space<hbm>>
          tpu.enqueue_indirect_dma source(%dma_start3A_117 : memref<10000x128xf32, #tpu.memory_space<hbm>>) target(%arg10 : memref<128x128xf32, #tpu.memory_space<vmem>>) offsets(%dma_start3A_114 : memref<128xi32, #tpu.memory_space<vmem>>) semaphore(%arg13 : memref<!tpu.dma_semaphore, #tpu.memory_space<semaphore_mem>>)
        } else {
        }
        %add3A_100 = arith.constant 1 : i32
        %add3A_101 = arith.addi %add3A_80, %add3A_100 : i32
        %dma_wait3A_102 = arith.constant 0 : i32
        %dma_wait3A_103 = tpu.memref_slice %arg8[%add3A_101, %dma_wait3A_102] : memref<32x128xi32, #tpu.memory_space<vmem>> -> memref<1x128xi32, #tpu.memory_space<vmem>>
        %dma_wait3A_104 = tpu.memref_squeeze %dma_wait3A_103 : memref<1x128xi32, #tpu.memory_space<vmem>> -> memref<128xi32, #tpu.memory_space<vmem>>
        %dma_wait3A_105 = arith.constant 0 : i32
        %dma_wait3A_106 = arith.constant 0 : i32
        %dma_wait3A_107 = tpu.memref_slice %arg2[%dma_wait3A_105, %dma_wait3A_106] : memref<10000x128xf32, #tpu.memory_space<hbm>> -> memref<10000x128xf32, #tpu.memory_space<hbm>>
        tpu.wait_indirect_dma semaphore(%arg14 : memref<!tpu.dma_semaphore, #tpu.memory_space<semaphore_mem>>) src(%dma_wait3A_107 : memref<10000x128xf32, #tpu.memory_space<hbm>>) dst(%arg11 : memref<128x128xf32, #tpu.memory_space<vmem>>)
        %add3A_108 = arith.constant 1 : i32
        %add3A_109 = arith.addi %add3A_80, %add3A_108 : i32
        "tpu.region"() ({
          %run_scoped3A_110 = tpu.sem_alloc : memref<!tpu.dma_semaphore, #tpu.memory_space<semaphore_mem>>
          %dma_start3A_111 = arith.constant 0 : i32
          %dma_start3A_112 = tpu.memref_slice %arg9[%add3A_109, %dma_start3A_111] : memref<32x128xi32, #tpu.memory_space<vmem>> -> memref<1x128xi32, #tpu.memory_space<vmem>>
          %dma_start3A_113 = tpu.memref_squeeze %dma_start3A_112 : memref<1x128xi32, #tpu.memory_space<vmem>> -> memref<128xi32, #tpu.memory_space<vmem>>
          %dma_start3A_114 = arith.constant 0 : i32
          %dma_start3A_115 = arith.constant 0 : i32
          %dma_start3A_116 = tpu.memref_slice %arg12[%dma_start3A_114, %dma_start3A_115] : memref<10112x128xf32, #tpu.memory_space<vmem_shared>> -> memref<10112x128xf32, #tpu.memory_space<vmem_shared>>
          tpu.enqueue_indirect_dma source(%arg11 : memref<128x128xf32, #tpu.memory_space<vmem>>) target(%dma_start3A_116 : memref<10112x128xf32, #tpu.memory_space<vmem_shared>>) offsets(%dma_start3A_113 : memref<128xi32, #tpu.memory_space<vmem>>) semaphore(%run_scoped3A_110 : memref<!tpu.dma_semaphore, #tpu.memory_space<semaphore_mem>>) {add = true}
          %dma_wait3A_117 = arith.constant 0 : i32
          %dma_wait3A_118 = tpu.memref_slice %arg9[%add3A_109, %dma_wait3A_117] : memref<32x128xi32, #tpu.memory_space<vmem>> -> memref<1x128xi32, #tpu.memory_space<vmem>>
          %dma_wait3A_119 = tpu.memref_squeeze %dma_wait3A_118 : memref<1x128xi32, #tpu.memory_space<vmem>> -> memref<128xi32, #tpu.memory_space<vmem>>
          %dma_wait3A_120 = arith.constant 0 : i32
          %dma_wait3A_121 = arith.constant 0 : i32
          %dma_wait3A_122 = tpu.memref_slice %arg12[%dma_wait3A_120, %dma_wait3A_121] : memref<10112x128xf32, #tpu.memory_space<vmem_shared>> -> memref<10112x128xf32, #tpu.memory_space<vmem_shared>>
          tpu.wait_indirect_dma semaphore(%run_scoped3A_110 : memref<!tpu.dma_semaphore, #tpu.memory_space<semaphore_mem>>) src(%arg11 : memref<128x128xf32, #tpu.memory_space<vmem>>) dst(%dma_wait3A_122 : memref<10112x128xf32, #tpu.memory_space<vmem_shared>>)
          tpu.yield
        }) : () -> ()
      }
      %scan3A_75 = arith.constant 16 : i32
    } else {
    }
    %eq3A_13 = arith.constant 1 : i32
    %eq3A_14 = arith.cmpi eq, %arg0, %eq3A_13 : i32
    %convert_element_type3A_15 = arith.extui %eq3A_14 : i1 to i32
    %cond3A_16 = arith.constant 0 : i32
    %cond3A_17 = arith.cmpi ne, %convert_element_type3A_15, %cond3A_16 : i32
    scf.if %cond3A_17 {
      %run_scoped3A = arith.constant 0 : i32
      "tpu.region"() ({
        %run_scoped3A_34 = tpu.sem_alloc : memref<!tpu.dma_semaphore, #tpu.memory_space<semaphore_mem>>
        %dma_start3A_35 = arith.constant 0 : i32
        %dma_start3A_36 = arith.constant 0 : i32
        %dma_start3A_37 = tpu.memref_slice %arg5[%arg1, %run_scoped3A, %dma_start3A_35, %dma_start3A_36] : memref<16x1x32x128xi32, #tpu.memory_space<hbm>> -> memref<1x1x32x128xi32, #tpu.memory_space<hbm>>
        %dma_start3A_38 = tpu.memref_squeeze %dma_start3A_37 : memref<1x1x32x128xi32, #tpu.memory_space<hbm>> -> memref<32x128xi32, #tpu.memory_space<hbm>>
        %dma_start3A_39 = arith.constant 0 : i32
        %dma_start3A_40 = arith.constant 0 : i32
        %dma_start3A_41 = tpu.memref_slice %arg5[%arg1, %run_scoped3A, %dma_start3A_39, %dma_start3A_40] : memref<16x1x32x128xi32, #tpu.memory_space<hbm>> -> memref<1x1x32x128xi32, #tpu.memory_space<hbm>>
        %dma_start3A_42 = tpu.memref_squeeze %dma_start3A_41 : memref<1x1x32x128xi32, #tpu.memory_space<hbm>> -> memref<32x128xi32, #tpu.memory_space<hbm>>
        tpu.enqueue_dma source(%dma_start3A_42 : memref<32x128xi32, #tpu.memory_space<hbm>>) target(%arg8 : memref<32x128xi32, #tpu.memory_space<vmem>>) target_semaphore(%run_scoped3A_34 : memref<!tpu.dma_semaphore, #tpu.memory_space<semaphore_mem>>)
        %dma_wait3A = arith.constant 0 : i32
        %dma_wait3A_43 = arith.constant 0 : i32
        %dma_wait3A_44 = tpu.memref_slice %arg5[%arg1, %run_scoped3A, %dma_wait3A, %dma_wait3A_43] : memref<16x1x32x128xi32, #tpu.memory_space<hbm>> -> memref<1x1x32x128xi32, #tpu.memory_space<hbm>>
        %dma_wait3A_45 = tpu.memref_squeeze %dma_wait3A_44 : memref<1x1x32x128xi32, #tpu.memory_space<hbm>> -> memref<32x128xi32, #tpu.memory_space<hbm>>
        %dma_wait3A_46 = arith.constant 0 : i32
        %dma_wait3A_47 = arith.constant 0 : i32
        %dma_wait3A_48 = tpu.memref_slice %arg5[%arg1, %run_scoped3A, %dma_wait3A_46, %dma_wait3A_47] : memref<16x1x32x128xi32, #tpu.memory_space<hbm>> -> memref<1x1x32x128xi32, #tpu.memory_space<hbm>>
        %dma_wait3A_49 = tpu.memref_squeeze %dma_wait3A_48 : memref<1x1x32x128xi32, #tpu.memory_space<hbm>> -> memref<32x128xi32, #tpu.memory_space<hbm>>
        tpu.wait_dma2 semaphore(%run_scoped3A_34 : memref<!tpu.dma_semaphore, #tpu.memory_space<semaphore_mem>>) src(%dma_wait3A_49 : memref<32x128xi32, #tpu.memory_space<hbm>>) dst(%arg8 : memref<32x128xi32, #tpu.memory_space<vmem>>)
        tpu.yield
      }) : () -> ()
      %run_scoped3A_22 = arith.constant 0 : i32
      "tpu.region"() ({
        %run_scoped3A_34 = tpu.sem_alloc : memref<!tpu.dma_semaphore, #tpu.memory_space<semaphore_mem>>
        %dma_start3A_35 = arith.constant 0 : i32
        %dma_start3A_36 = arith.constant 0 : i32
        %dma_start3A_37 = tpu.memref_slice %arg6[%arg1, %run_scoped3A_22, %dma_start3A_35, %dma_start3A_36] : memref<16x1x32x128xi32, #tpu.memory_space<hbm>> -> memref<1x1x32x128xi32, #tpu.memory_space<hbm>>
        %dma_start3A_38 = tpu.memref_squeeze %dma_start3A_37 : memref<1x1x32x128xi32, #tpu.memory_space<hbm>> -> memref<32x128xi32, #tpu.memory_space<hbm>>
        %dma_start3A_39 = arith.constant 0 : i32
        %dma_start3A_40 = arith.constant 0 : i32
        %dma_start3A_41 = tpu.memref_slice %arg6[%arg1, %run_scoped3A_22, %dma_start3A_39, %dma_start3A_40] : memref<16x1x32x128xi32, #tpu.memory_space<hbm>> -> memref<1x1x32x128xi32, #tpu.memory_space<hbm>>
        %dma_start3A_42 = tpu.memref_squeeze %dma_start3A_41 : memref<1x1x32x128xi32, #tpu.memory_space<hbm>> -> memref<32x128xi32, #tpu.memory_space<hbm>>
        tpu.enqueue_dma source(%dma_start3A_42 : memref<32x128xi32, #tpu.memory_space<hbm>>) target(%arg9 : memref<32x128xi32, #tpu.memory_space<vmem>>) target_semaphore(%run_scoped3A_34 : memref<!tpu.dma_semaphore, #tpu.memory_space<semaphore_mem>>)
        %dma_wait3A = arith.constant 0 : i32
        %dma_wait3A_43 = arith.constant 0 : i32
        %dma_wait3A_44 = tpu.memref_slice %arg6[%arg1, %run_scoped3A_22, %dma_wait3A, %dma_wait3A_43] : memref<16x1x32x128xi32, #tpu.memory_space<hbm>> -> memref<1x1x32x128xi32, #tpu.memory_space<hbm>>
        %dma_wait3A_45 = tpu.memref_squeeze %dma_wait3A_44 : memref<1x1x32x128xi32, #tpu.memory_space<hbm>> -> memref<32x128xi32, #tpu.memory_space<hbm>>
        %dma_wait3A_46 = arith.constant 0 : i32
        %dma_wait3A_47 = arith.constant 0 : i32
        %dma_wait3A_48 = tpu.memref_slice %arg6[%arg1, %run_scoped3A_22, %dma_wait3A_46, %dma_wait3A_47] : memref<16x1x32x128xi32, #tpu.memory_space<hbm>> -> memref<1x1x32x128xi32, #tpu.memory_space<hbm>>
        %dma_wait3A_49 = tpu.memref_squeeze %dma_wait3A_48 : memref<1x1x32x128xi32, #tpu.memory_space<hbm>> -> memref<32x128xi32, #tpu.memory_space<hbm>>
        tpu.wait_dma2 semaphore(%run_scoped3A_34 : memref<!tpu.dma_semaphore, #tpu.memory_space<semaphore_mem>>) src(%dma_wait3A_49 : memref<32x128xi32, #tpu.memory_space<hbm>>) dst(%arg9 : memref<32x128xi32, #tpu.memory_space<vmem>>)
        tpu.yield
      }) : () -> ()
      %dma_start3A = arith.constant 0 : i32
      %dma_start3A_23 = arith.constant 0 : i32
      %dma_start3A_24 = tpu.memref_slice %arg8[%dma_start3A, %dma_start3A_23] : memref<32x128xi32, #tpu.memory_space<vmem>> -> memref<1x128xi32, #tpu.memory_space<vmem>>
      %dma_start3A_25 = tpu.memref_squeeze %dma_start3A_24 : memref<1x128xi32, #tpu.memory_space<vmem>> -> memref<128xi32, #tpu.memory_space<vmem>>
      %dma_start3A_26 = arith.constant 0 : i32
      %dma_start3A_27 = arith.constant 0 : i32
      %dma_start3A_28 = tpu.memref_slice %arg2[%dma_start3A_26, %dma_start3A_27] : memref<10000x128xf32, #tpu.memory_space<hbm>> -> memref<10000x128xf32, #tpu.memory_space<hbm>>
      tpu.enqueue_indirect_dma source(%dma_start3A_28 : memref<10000x128xf32, #tpu.memory_space<hbm>>) target(%arg10 : memref<128x128xf32, #tpu.memory_space<vmem>>) offsets(%dma_start3A_25 : memref<128xi32, #tpu.memory_space<vmem>>) semaphore(%arg13 : memref<!tpu.dma_semaphore, #tpu.memory_space<semaphore_mem>>)
      %scan3A_29 = arith.constant 0 : i32
      %scan3A_30 = arith.constant 16 : i32
      %scan3A_31 = arith.addi %scan3A_29, %scan3A_30 : i32
      %scan3A_32 = arith.constant 1 : i32
      scf.for %scan3A_34 = %scan3A_29 to %scan3A_31 step %scan3A_32  : i32 {
        %mul3A_35 = arith.constant 2 : i32
        %mul3A_36 = arith.muli %scan3A_34, %mul3A_35 : i32
        %add3A_37 = arith.constant 0 : i32
        %add3A_38 = arith.addi %add3A_37, %mul3A_36 : i32
        %add3A_39 = arith.constant 1 : i32
        %add3A_40 = arith.addi %add3A_38, %add3A_39 : i32
        %dma_start3A_41 = arith.constant 0 : i32
        %dma_start3A_42 = tpu.memref_slice %arg8[%add3A_40, %dma_start3A_41] : memref<32x128xi32, #tpu.memory_space<vmem>> -> memref<1x128xi32, #tpu.memory_space<vmem>>
        %dma_start3A_43 = tpu.memref_squeeze %dma_start3A_42 : memref<1x128xi32, #tpu.memory_space<vmem>> -> memref<128xi32, #tpu.memory_space<vmem>>
        %dma_start3A_44 = arith.constant 0 : i32
        %dma_start3A_45 = arith.constant 0 : i32
        %dma_start3A_46 = tpu.memref_slice %arg2[%dma_start3A_44, %dma_start3A_45] : memref<10000x128xf32, #tpu.memory_space<hbm>> -> memref<10000x128xf32, #tpu.memory_space<hbm>>
        tpu.enqueue_indirect_dma source(%dma_start3A_46 : memref<10000x128xf32, #tpu.memory_space<hbm>>) target(%arg11 : memref<128x128xf32, #tpu.memory_space<vmem>>) offsets(%dma_start3A_43 : memref<128xi32, #tpu.memory_space<vmem>>) semaphore(%arg14 : memref<!tpu.dma_semaphore, #tpu.memory_space<semaphore_mem>>)
        %dma_wait3A = arith.constant 0 : i32
        %dma_wait3A_47 = tpu.memref_slice %arg8[%add3A_38, %dma_wait3A] : memref<32x128xi32, #tpu.memory_space<vmem>> -> memref<1x128xi32, #tpu.memory_space<vmem>>
        %dma_wait3A_48 = tpu.memref_squeeze %dma_wait3A_47 : memref<1x128xi32, #tpu.memory_space<vmem>> -> memref<128xi32, #tpu.memory_space<vmem>>
        %dma_wait3A_49 = arith.constant 0 : i32
        %dma_wait3A_50 = arith.constant 0 : i32
        %dma_wait3A_51 = tpu.memref_slice %arg2[%dma_wait3A_49, %dma_wait3A_50] : memref<10000x128xf32, #tpu.memory_space<hbm>> -> memref<10000x128xf32, #tpu.memory_space<hbm>>
        tpu.wait_indirect_dma semaphore(%arg13 : memref<!tpu.dma_semaphore, #tpu.memory_space<semaphore_mem>>) src(%dma_wait3A_51 : memref<10000x128xf32, #tpu.memory_space<hbm>>) dst(%arg10 : memref<128x128xf32, #tpu.memory_space<vmem>>)
        "tpu.region"() ({
          %run_scoped3A_68 = tpu.sem_alloc : memref<!tpu.dma_semaphore, #tpu.memory_space<semaphore_mem>>
          %dma_start3A_69 = arith.constant 0 : i32
          %dma_start3A_70 = tpu.memref_slice %arg9[%add3A_38, %dma_start3A_69] : memref<32x128xi32, #tpu.memory_space<vmem>> -> memref<1x128xi32, #tpu.memory_space<vmem>>
          %dma_start3A_71 = tpu.memref_squeeze %dma_start3A_70 : memref<1x128xi32, #tpu.memory_space<vmem>> -> memref<128xi32, #tpu.memory_space<vmem>>
          %dma_start3A_72 = arith.constant 0 : i32
          %dma_start3A_73 = arith.constant 0 : i32
          %dma_start3A_74 = tpu.memref_slice %arg12[%dma_start3A_72, %dma_start3A_73] : memref<10112x128xf32, #tpu.memory_space<vmem_shared>> -> memref<10112x128xf32, #tpu.memory_space<vmem_shared>>
          tpu.enqueue_indirect_dma source(%arg10 : memref<128x128xf32, #tpu.memory_space<vmem>>) target(%dma_start3A_74 : memref<10112x128xf32, #tpu.memory_space<vmem_shared>>) offsets(%dma_start3A_71 : memref<128xi32, #tpu.memory_space<vmem>>) semaphore(%run_scoped3A_68 : memref<!tpu.dma_semaphore, #tpu.memory_space<semaphore_mem>>) {add = true}
          %dma_wait3A_75 = arith.constant 0 : i32
          %dma_wait3A_76 = tpu.memref_slice %arg9[%add3A_38, %dma_wait3A_75] : memref<32x128xi32, #tpu.memory_space<vmem>> -> memref<1x128xi32, #tpu.memory_space<vmem>>
          %dma_wait3A_77 = tpu.memref_squeeze %dma_wait3A_76 : memref<1x128xi32, #tpu.memory_space<vmem>> -> memref<128xi32, #tpu.memory_space<vmem>>
          %dma_wait3A_78 = arith.constant 0 : i32
          %dma_wait3A_79 = arith.constant 0 : i32
          %dma_wait3A_80 = tpu.memref_slice %arg12[%dma_wait3A_78, %dma_wait3A_79] : memref<10112x128xf32, #tpu.memory_space<vmem_shared>> -> memref<10112x128xf32, #tpu.memory_space<vmem_shared>>
          tpu.wait_indirect_dma semaphore(%run_scoped3A_68 : memref<!tpu.dma_semaphore, #tpu.memory_space<semaphore_mem>>) src(%arg10 : memref<128x128xf32, #tpu.memory_space<vmem>>) dst(%dma_wait3A_80 : memref<10112x128xf32, #tpu.memory_space<vmem_shared>>)
          tpu.yield
        }) : () -> ()
        %add3A_52 = arith.constant 2 : i32
        %add3A_53 = arith.addi %add3A_38, %add3A_52 : i32
        %lt3A = arith.constant 32 : i32
        %lt3A_54 = arith.cmpi slt, %add3A_53, %lt3A : i32
        %convert_element_type3A_55 = arith.extui %lt3A_54 : i1 to i32
        %cond3A_56 = arith.constant 0 : i32
        %cond3A_57 = arith.cmpi ne, %convert_element_type3A_55, %cond3A_56 : i32
        scf.if %cond3A_57 {
          %add3A_68 = arith.constant 2 : i32
          %add3A_69 = arith.addi %add3A_38, %add3A_68 : i32
          %dma_start3A_70 = arith.constant 0 : i32
          %dma_start3A_71 = tpu.memref_slice %arg8[%add3A_69, %dma_start3A_70] : memref<32x128xi32, #tpu.memory_space<vmem>> -> memref<1x128xi32, #tpu.memory_space<vmem>>
          %dma_start3A_72 = tpu.memref_squeeze %dma_start3A_71 : memref<1x128xi32, #tpu.memory_space<vmem>> -> memref<128xi32, #tpu.memory_space<vmem>>
          %dma_start3A_73 = arith.constant 0 : i32
          %dma_start3A_74 = arith.constant 0 : i32
          %dma_start3A_75 = tpu.memref_slice %arg2[%dma_start3A_73, %dma_start3A_74] : memref<10000x128xf32, #tpu.memory_space<hbm>> -> memref<10000x128xf32, #tpu.memory_space<hbm>>
          tpu.enqueue_indirect_dma source(%dma_start3A_75 : memref<10000x128xf32, #tpu.memory_space<hbm>>) target(%arg10 : memref<128x128xf32, #tpu.memory_space<vmem>>) offsets(%dma_start3A_72 : memref<128xi32, #tpu.memory_space<vmem>>) semaphore(%arg13 : memref<!tpu.dma_semaphore, #tpu.memory_space<semaphore_mem>>)
        } else {
        }
        %add3A_58 = arith.constant 1 : i32
        %add3A_59 = arith.addi %add3A_38, %add3A_58 : i32
        %dma_wait3A_60 = arith.constant 0 : i32
        %dma_wait3A_61 = tpu.memref_slice %arg8[%add3A_59, %dma_wait3A_60] : memref<32x128xi32, #tpu.memory_space<vmem>> -> memref<1x128xi32, #tpu.memory_space<vmem>>
        %dma_wait3A_62 = tpu.memref_squeeze %dma_wait3A_61 : memref<1x128xi32, #tpu.memory_space<vmem>> -> memref<128xi32, #tpu.memory_space<vmem>>
        %dma_wait3A_63 = arith.constant 0 : i32
        %dma_wait3A_64 = arith.constant 0 : i32
        %dma_wait3A_65 = tpu.memref_slice %arg2[%dma_wait3A_63, %dma_wait3A_64] : memref<10000x128xf32, #tpu.memory_space<hbm>> -> memref<10000x128xf32, #tpu.memory_space<hbm>>
        tpu.wait_indirect_dma semaphore(%arg14 : memref<!tpu.dma_semaphore, #tpu.memory_space<semaphore_mem>>) src(%dma_wait3A_65 : memref<10000x128xf32, #tpu.memory_space<hbm>>) dst(%arg11 : memref<128x128xf32, #tpu.memory_space<vmem>>)
        %add3A_66 = arith.constant 1 : i32
        %add3A_67 = arith.addi %add3A_38, %add3A_66 : i32
        "tpu.region"() ({
          %run_scoped3A_68 = tpu.sem_alloc : memref<!tpu.dma_semaphore, #tpu.memory_space<semaphore_mem>>
          %dma_start3A_69 = arith.constant 0 : i32
          %dma_start3A_70 = tpu.memref_slice %arg9[%add3A_67, %dma_start3A_69] : memref<32x128xi32, #tpu.memory_space<vmem>> -> memref<1x128xi32, #tpu.memory_space<vmem>>
          %dma_start3A_71 = tpu.memref_squeeze %dma_start3A_70 : memref<1x128xi32, #tpu.memory_space<vmem>> -> memref<128xi32, #tpu.memory_space<vmem>>
          %dma_start3A_72 = arith.constant 0 : i32
          %dma_start3A_73 = arith.constant 0 : i32
          %dma_start3A_74 = tpu.memref_slice %arg12[%dma_start3A_72, %dma_start3A_73] : memref<10112x128xf32, #tpu.memory_space<vmem_shared>> -> memref<10112x128xf32, #tpu.memory_space<vmem_shared>>
          tpu.enqueue_indirect_dma source(%arg11 : memref<128x128xf32, #tpu.memory_space<vmem>>) target(%dma_start3A_74 : memref<10112x128xf32, #tpu.memory_space<vmem_shared>>) offsets(%dma_start3A_71 : memref<128xi32, #tpu.memory_space<vmem>>) semaphore(%run_scoped3A_68 : memref<!tpu.dma_semaphore, #tpu.memory_space<semaphore_mem>>) {add = true}
          %dma_wait3A_75 = arith.constant 0 : i32
          %dma_wait3A_76 = tpu.memref_slice %arg9[%add3A_67, %dma_wait3A_75] : memref<32x128xi32, #tpu.memory_space<vmem>> -> memref<1x128xi32, #tpu.memory_space<vmem>>
          %dma_wait3A_77 = tpu.memref_squeeze %dma_wait3A_76 : memref<1x128xi32, #tpu.memory_space<vmem>> -> memref<128xi32, #tpu.memory_space<vmem>>
          %dma_wait3A_78 = arith.constant 0 : i32
          %dma_wait3A_79 = arith.constant 0 : i32
          %dma_wait3A_80 = tpu.memref_slice %arg12[%dma_wait3A_78, %dma_wait3A_79] : memref<10112x128xf32, #tpu.memory_space<vmem_shared>> -> memref<10112x128xf32, #tpu.memory_space<vmem_shared>>
          tpu.wait_indirect_dma semaphore(%run_scoped3A_68 : memref<!tpu.dma_semaphore, #tpu.memory_space<semaphore_mem>>) src(%arg11 : memref<128x128xf32, #tpu.memory_space<vmem>>) dst(%dma_wait3A_80 : memref<10112x128xf32, #tpu.memory_space<vmem_shared>>)
          tpu.yield
        }) : () -> ()
      }
      %scan3A_33 = arith.constant 16 : i32
    } else {
    }
    %barrier3A_18 = arith.constant 0 : index
    tpu.barrier barrier_id(%barrier3A_18)
    %mul3A_19 = arith.constant 10112 : i32
    %mul3A_20 = arith.muli %arg0, %mul3A_19 : i32
    %add3A_21 = arith.addi %mul3A_20, %mul3A_0 : i32
    "tpu.region"() ({
      %run_scoped3A = tpu.sem_alloc : memref<!tpu.dma_semaphore, #tpu.memory_space<semaphore_mem>>
      %dma_start3A = arith.constant 0 : i32
      %dma_start3A_22 = tpu.memref_slice %arg7[%add3A_21, %dma_start3A] : memref<20224x128xf32, #tpu.memory_space<hbm>> -> memref<632x128xf32, #tpu.memory_space<hbm>>
      %dma_start3A_23 = arith.constant 0 : i32
      %dma_start3A_24 = tpu.memref_slice %arg12[%mul3A_0, %dma_start3A_23] : memref<10112x128xf32, #tpu.memory_space<vmem_shared>> -> memref<632x128xf32, #tpu.memory_space<vmem_shared>>
      tpu.enqueue_dma source(%dma_start3A_24 : memref<632x128xf32, #tpu.memory_space<vmem_shared>>) target(%dma_start3A_22 : memref<632x128xf32, #tpu.memory_space<hbm>>) target_semaphore(%run_scoped3A : memref<!tpu.dma_semaphore, #tpu.memory_space<semaphore_mem>>)
      %dma_wait3A = arith.constant 0 : i32
      %dma_wait3A_25 = tpu.memref_slice %arg7[%add3A_21, %dma_wait3A] : memref<20224x128xf32, #tpu.memory_space<hbm>> -> memref<632x128xf32, #tpu.memory_space<hbm>>
      %dma_wait3A_26 = arith.constant 0 : i32
      %dma_wait3A_27 = tpu.memref_slice %arg12[%mul3A_0, %dma_wait3A_26] : memref<10112x128xf32, #tpu.memory_space<vmem_shared>> -> memref<632x128xf32, #tpu.memory_space<vmem_shared>>
      tpu.wait_dma2 semaphore(%run_scoped3A : memref<!tpu.dma_semaphore, #tpu.memory_space<semaphore_mem>>) src(%dma_wait3A_27 : memref<632x128xf32, #tpu.memory_space<vmem_shared>>) dst(%dma_wait3A_25 : memref<632x128xf32, #tpu.memory_space<hbm>>)
      tpu.yield
    }) : () -> ()
    return
  }
}

#map = affine_map<(d0, d1) -> (0, 0)>
#map1 = affine_map<(d0, d1) -> (0, 0, 0, 0)>
module attributes {stable_mosaic.version = 14 : i64} {
  func.func @k(%arg0: i32, %arg1: i32, %arg2: memref<10000x128xf32, #tpu.memory_space<hbm>>, %arg3: memref<16x4x32x128xi32, #tpu.memory_space<hbm>>, %arg4: memref<16x4x32x128xi32, #tpu.memory_space<hbm>>, %arg5: memref<16x1x32x128xi32, #tpu.memory_space<hbm>>, %arg6: memref<16x1x32x128xi32, #tpu.memory_space<hbm>>, %arg7: memref<20224x128xf32, #tpu.memory_space<hbm>>, %arg8: memref<32x128xi32, #tpu.memory_space<vmem>>, %arg9: memref<32x128xi32, #tpu.memory_space<vmem>>, %arg10: memref<128x128xf32, #tpu.memory_space<vmem>>, %arg11: memref<128x128xf32, #tpu.memory_space<vmem>>, %arg12: memref<10112x128xf32, #tpu.memory_space<vmem_shared>>, %arg13: memref<!tpu.dma_semaphore, #tpu.memory_space<semaphore_mem>>, %arg14: memref<!tpu.dma_semaphore, #tpu.memory_space<semaphore_mem>>) attributes {dimension_semantics = [#tpu.dimension_semantics<core_parallel>, #tpu.dimension_semantics<subcore_parallel>], iteration_bounds = array<i64: 2, 16>, scalar_prefetch = 0 : i64, scratch_operands = 7 : i64, tpu.core_type = #tpu.core_type<sc_vector_subcore>, window_params = [{transform_indices = #map}, {transform_indices = #map1}, {transform_indices = #map1}, {transform_indices = #map1}, {transform_indices = #map1}, {transform_indices = #map}]} {
    %mul3A = arith.constant 632 : i32
    %mul3A_0 = arith.muli %arg1, %mul3A : i32
    %scan3A = arith.constant 0 : i32
    %scan3A_1 = arith.constant 128 : i32
    %scan3A_2 = arith.addi %scan3A, %scan3A_1 : i32
    %scan3A_3 = arith.constant 1 : i32
    scf.for %scan3A_22 = %scan3A to %scan3A_2 step %scan3A_3  : i32 {
      %mul3A_23 = arith.constant 1 : i32
      %mul3A_24 = arith.muli %scan3A_22, %mul3A_23 : i32
      %add3A_25 = arith.constant 0 : i32
      %add3A_26 = arith.addi %add3A_25, %mul3A_24 : i32
      %broadcast_in_dim3A = arith.constant 0.000000e+00 : f32
      %broadcast_in_dim3A_27 = vector.broadcast %broadcast_in_dim3A : f32 to vector<16xf32>
      %swap3A = arith.index_cast %add3A_26 : i32 to index
      %swap3A_28 = arith.constant 0 : index
      %swap3A_29 = tpu.vector_load %arg10[%swap3A, %swap3A_28] {strides = array<i32>} : memref<128x128xf32, #tpu.memory_space<vmem>>, vector<1x16xf32>,
      %swap3A_30 = vector.shape_cast %swap3A_29 : vector<1x16xf32> to vector<16xf32>
      %swap3A_31 = vector.shape_cast %broadcast_in_dim3A_27 : vector<16xf32> to vector<1x16xf32>
      tpu.vector_store %arg10[%swap3A, %swap3A_28], %swap3A_31 {strides = array<i32>} : memref<128x128xf32, #tpu.memory_space<vmem>>, vector<1x16xf32>,
      %broadcast_in_dim3A_32 = arith.constant 0.000000e+00 : f32
      %broadcast_in_dim3A_33 = vector.broadcast %broadcast_in_dim3A_32 : f32 to vector<16xf32>
      %swap3A_34 = arith.index_cast %add3A_26 : i32 to index
      %swap3A_35 = arith.constant 16 : index
      %swap3A_36 = tpu.vector_load %arg10[%swap3A_34, %swap3A_35] {strides = array<i32>} : memref<128x128xf32, #tpu.memory_space<vmem>>, vector<1x16xf32>,
      %swap3A_37 = vector.shape_cast %swap3A_36 : vector<1x16xf32> to vector<16xf32>
      %swap3A_38 = vector.shape_cast %broadcast_in_dim3A_33 : vector<16xf32> to vector<1x16xf32>
      tpu.vector_store %arg10[%swap3A_34, %swap3A_35], %swap3A_38 {strides = array<i32>} : memref<128x128xf32, #tpu.memory_space<vmem>>, vector<1x16xf32>,
      %broadcast_in_dim3A_39 = arith.constant 0.000000e+00 : f32
      %broadcast_in_dim3A_40 = vector.broadcast %broadcast_in_dim3A_39 : f32 to vector<16xf32>
      %swap3A_41 = arith.index_cast %add3A_26 : i32 to index
      %swap3A_42 = arith.constant 32 : index
      %swap3A_43 = tpu.vector_load %arg10[%swap3A_41, %swap3A_42] {strides = array<i32>} : memref<128x128xf32, #tpu.memory_space<vmem>>, vector<1x16xf32>,
      %swap3A_44 = vector.shape_cast %swap3A_43 : vector<1x16xf32> to vector<16xf32>
      %swap3A_45 = vector.shape_cast %broadcast_in_dim3A_40 : vector<16xf32> to vector<1x16xf32>
      tpu.vector_store %arg10[%swap3A_41, %swap3A_42], %swap3A_45 {strides = array<i32>} : memref<128x128xf32, #tpu.memory_space<vmem>>, vector<1x16xf32>,
      %broadcast_in_dim3A_46 = arith.constant 0.000000e+00 : f32
      %broadcast_in_dim3A_47 = vector.broadcast %broadcast_in_dim3A_46 : f32 to vector<16xf32>
      %swap3A_48 = arith.index_cast %add3A_26 : i32 to index
      %swap3A_49 = arith.constant 48 : index
      %swap3A_50 = tpu.vector_load %arg10[%swap3A_48, %swap3A_49] {strides = array<i32>} : memref<128x128xf32, #tpu.memory_space<vmem>>, vector<1x16xf32>,
      %swap3A_51 = vector.shape_cast %swap3A_50 : vector<1x16xf32> to vector<16xf32>
      %swap3A_52 = vector.shape_cast %broadcast_in_dim3A_47 : vector<16xf32> to vector<1x16xf32>
      tpu.vector_store %arg10[%swap3A_48, %swap3A_49], %swap3A_52 {strides = array<i32>} : memref<128x128xf32, #tpu.memory_space<vmem>>, vector<1x16xf32>,
      %broadcast_in_dim3A_53 = arith.constant 0.000000e+00 : f32
      %broadcast_in_dim3A_54 = vector.broadcast %broadcast_in_dim3A_53 : f32 to vector<16xf32>
      %swap3A_55 = arith.index_cast %add3A_26 : i32 to index
      %swap3A_56 = arith.constant 64 : index
      %swap3A_57 = tpu.vector_load %arg10[%swap3A_55, %swap3A_56] {strides = array<i32>} : memref<128x128xf32, #tpu.memory_space<vmem>>, vector<1x16xf32>,
      %swap3A_58 = vector.shape_cast %swap3A_57 : vector<1x16xf32> to vector<16xf32>
      %swap3A_59 = vector.shape_cast %broadcast_in_dim3A_54 : vector<16xf32> to vector<1x16xf32>
      tpu.vector_store %arg10[%swap3A_55, %swap3A_56], %swap3A_59 {strides = array<i32>} : memref<128x128xf32, #tpu.memory_space<vmem>>, vector<1x16xf32>,
      %broadcast_in_dim3A_60 = arith.constant 0.000000e+00 : f32
      %broadcast_in_dim3A_61 = vector.broadcast %broadcast_in_dim3A_60 : f32 to vector<16xf32>
      %swap3A_62 = arith.index_cast %add3A_26 : i32 to index
      %swap3A_63 = arith.constant 80 : index
      %swap3A_64 = tpu.vector_load %arg10[%swap3A_62, %swap3A_63] {strides = array<i32>} : memref<128x128xf32, #tpu.memory_space<vmem>>, vector<1x16xf32>,
      %swap3A_65 = vector.shape_cast %swap3A_64 : vector<1x16xf32> to vector<16xf32>
      %swap3A_66 = vector.shape_cast %broadcast_in_dim3A_61 : vector<16xf32> to vector<1x16xf32>
      tpu.vector_store %arg10[%swap3A_62, %swap3A_63], %swap3A_66 {strides = array<i32>} : memref<128x128xf32, #tpu.memory_space<vmem>>, vector<1x16xf32>,
      %broadcast_in_dim3A_67 = arith.constant 0.000000e+00 : f32
      %broadcast_in_dim3A_68 = vector.broadcast %broadcast_in_dim3A_67 : f32 to vector<16xf32>
      %swap3A_69 = arith.index_cast %add3A_26 : i32 to index
      %swap3A_70 = arith.constant 96 : index
      %swap3A_71 = tpu.vector_load %arg10[%swap3A_69, %swap3A_70] {strides = array<i32>} : memref<128x128xf32, #tpu.memory_space<vmem>>, vector<1x16xf32>,
      %swap3A_72 = vector.shape_cast %swap3A_71 : vector<1x16xf32> to vector<16xf32>
      %swap3A_73 = vector.shape_cast %broadcast_in_dim3A_68 : vector<16xf32> to vector<1x16xf32>
      tpu.vector_store %arg10[%swap3A_69, %swap3A_70], %swap3A_73 {strides = array<i32>} : memref<128x128xf32, #tpu.memory_space<vmem>>, vector<1x16xf32>,
      %broadcast_in_dim3A_74 = arith.constant 0.000000e+00 : f32
      %broadcast_in_dim3A_75 = vector.broadcast %broadcast_in_dim3A_74 : f32 to vector<16xf32>
      %swap3A_76 = arith.index_cast %add3A_26 : i32 to index
      %swap3A_77 = arith.constant 112 : index
      %swap3A_78 = tpu.vector_load %arg10[%swap3A_76, %swap3A_77] {strides = array<i32>} : memref<128x128xf32, #tpu.memory_space<vmem>>, vector<1x16xf32>,
      %swap3A_79 = vector.shape_cast %swap3A_78 : vector<1x16xf32> to vector<16xf32>
      %swap3A_80 = vector.shape_cast %broadcast_in_dim3A_75 : vector<16xf32> to vector<1x16xf32>
      tpu.vector_store %arg10[%swap3A_76, %swap3A_77], %swap3A_80 {strides = array<i32>} : memref<128x128xf32, #tpu.memory_space<vmem>>, vector<1x16xf32>,
    }
    %scan3A_4 = arith.constant 128 : i32
    %scan3A_5 = arith.constant 0 : i32
    %scan3A_6 = arith.constant 4 : i32
    %scan3A_7 = arith.addi %scan3A_5, %scan3A_6 : i32
    %scan3A_8 = arith.constant 1 : i32
    scf.for %scan3A_22 = %scan3A_5 to %scan3A_7 step %scan3A_8  : i32 {
      %mul3A_23 = arith.constant 1 : i32
      %mul3A_24 = arith.muli %scan3A_22, %mul3A_23 : i32
      %add3A_25 = arith.constant 0 : i32
      %add3A_26 = arith.addi %add3A_25, %mul3A_24 : i32
      %mul3A_27 = arith.constant 128 : i32
      %mul3A_28 = arith.muli %add3A_26, %mul3A_27 : i32
      %add3A_29 = arith.addi %mul3A_0, %mul3A_28 : i32
      "tpu.region"() ({
        %run_scoped3A = tpu.sem_alloc : memref<!tpu.dma_semaphore, #tpu.memory_space<semaphore_mem>>
        %dma_start3A = arith.constant 0 : i32
        %dma_start3A_30 = tpu.memref_slice %arg12[%add3A_29, %dma_start3A] : memref<10112x128xf32, #tpu.memory_space<vmem_shared>> -> memref<128x128xf32, #tpu.memory_space<vmem_shared>>
        %dma_start3A_31 = arith.constant 0 : i32
        %dma_start3A_32 = tpu.memref_slice %arg12[%add3A_29, %dma_start3A_31] : memref<10112x128xf32, #tpu.memory_space<vmem_shared>> -> memref<128x128xf32, #tpu.memory_space<vmem_shared>>
        tpu.enqueue_dma source(%arg10 : memref<128x128xf32, #tpu.memory_space<vmem>>) target(%dma_start3A_32 : memref<128x128xf32, #tpu.memory_space<vmem_shared>>) target_semaphore(%run_scoped3A : memref<!tpu.dma_semaphore, #tpu.memory_space<semaphore_mem>>)
        %dma_wait3A = arith.constant 0 : i32
        %dma_wait3A_33 = tpu.memref_slice %arg12[%add3A_29, %dma_wait3A] : memref<10112x128xf32, #tpu.memory_space<vmem_shared>> -> memref<128x128xf32, #tpu.memory_space<vmem_shared>>
        %dma_wait3A_34 = arith.constant 0 : i32
        %dma_wait3A_35 = tpu.memref_slice %arg12[%add3A_29, %dma_wait3A_34] : memref<10112x128xf32, #tpu.memory_space<vmem_shared>> -> memref<128x128xf32, #tpu.memory_space<vmem_shared>>
        tpu.wait_dma2 semaphore(%run_scoped3A : memref<!tpu.dma_semaphore, #tpu.memory_space<semaphore_mem>>) src(%arg10 : memref<128x128xf32, #tpu.memory_space<vmem>>) dst(%dma_wait3A_35 : memref<128x128xf32, #tpu.memory_space<vmem_shared>>)
        tpu.yield
      }) : () -> ()
    }
    %scan3A_9 = arith.constant 4 : i32
    %add3A = arith.constant 512 : i32
    %add3A_10 = arith.addi %mul3A_0, %add3A : i32
    "tpu.region"() ({
      %run_scoped3A = tpu.sem_alloc : memref<!tpu.dma_semaphore, #tpu.memory_space<semaphore_mem>>
      %dma_start3A = arith.constant 0 : i32
      %dma_start3A_22 = arith.constant 0 : i32
      %dma_start3A_23 = tpu.memref_slice %arg10[%dma_start3A, %dma_start3A_22] : memref<128x128xf32, #tpu.memory_space<vmem>> -> memref<120x128xf32, #tpu.memory_space<vmem>>
      %dma_start3A_24 = arith.constant 0 : i32
      %dma_start3A_25 = tpu.memref_slice %arg12[%add3A_10, %dma_start3A_24] : memref<10112x128xf32, #tpu.memory_space<vmem_shared>> -> memref<120x128xf32, #tpu.memory_space<vmem_shared>>
      %dma_start3A_26 = arith.constant 0 : i32
      %dma_start3A_27 = tpu.memref_slice %arg12[%add3A_10, %dma_start3A_26] : memref<10112x128xf32, #tpu.memory_space<vmem_shared>> -> memref<120x128xf32, #tpu.memory_space<vmem_shared>>
      %dma_start3A_28 = arith.constant 0 : i32
      %dma_start3A_29 = arith.constant 0 : i32
      %dma_start3A_30 = tpu.memref_slice %arg10[%dma_start3A_28, %dma_start3A_29] : memref<128x128xf32, #tpu.memory_space<vmem>> -> memref<120x128xf32, #tpu.memory_space<vmem>>
      tpu.enqueue_dma source(%dma_start3A_30 : memref<120x128xf32, #tpu.memory_space<vmem>>) target(%dma_start3A_27 : memref<120x128xf32, #tpu.memory_space<vmem_shared>>) target_semaphore(%run_scoped3A : memref<!tpu.dma_semaphore, #tpu.memory_space<semaphore_mem>>)
      %dma_wait3A = arith.constant 0 : i32
      %dma_wait3A_31 = arith.constant 0 : i32
      %dma_wait3A_32 = tpu.memref_slice %arg10[%dma_wait3A, %dma_wait3A_31] : memref<128x128xf32, #tpu.memory_space<vmem>> -> memref<120x128xf32, #tpu.memory_space<vmem>>
      %dma_wait3A_33 = arith.constant 0 : i32
      %dma_wait3A_34 = tpu.memref_slice %arg12[%add3A_10, %dma_wait3A_33] : memref<10112x128xf32, #tpu.memory_space<vmem_shared>> -> memref<120x128xf32, #tpu.memory_space<vmem_shared>>
      %dma_wait3A_35 = arith.constant 0 : i32
      %dma_wait3A_36 = tpu.memref_slice %arg12[%add3A_10, %dma_wait3A_35] : memref<10112x128xf32, #tpu.memory_space<vmem_shared>> -> memref<120x128xf32, #tpu.memory_space<vmem_shared>>
      %dma_wait3A_37 = arith.constant 0 : i32
      %dma_wait3A_38 = arith.constant 0 : i32
      %dma_wait3A_39 = tpu.memref_slice %arg10[%dma_wait3A_37, %dma_wait3A_38] : memref<128x128xf32, #tpu.memory_space<vmem>> -> memref<120x128xf32, #tpu.memory_space<vmem>>
      tpu.wait_dma2 semaphore(%run_scoped3A : memref<!tpu.dma_semaphore, #tpu.memory_space<semaphore_mem>>) src(%dma_wait3A_39 : memref<120x128xf32, #tpu.memory_space<vmem>>) dst(%dma_wait3A_36 : memref<120x128xf32, #tpu.memory_space<vmem_shared>>)
      tpu.yield
    }) : () -> ()
    %barrier3A = arith.constant 0 : index
    tpu.barrier barrier_id(%barrier3A)
    %eq3A = arith.constant 0 : i32
    %eq3A_11 = arith.cmpi eq, %arg0, %eq3A : i32
    %convert_element_type3A = arith.extui %eq3A_11 : i1 to i32
    %cond3A = arith.constant 0 : i32
    %cond3A_12 = arith.cmpi ne, %convert_element_type3A, %cond3A : i32
    scf.if %cond3A_12 {
      %run_scoped3A = arith.constant 0 : i32
      "tpu.region"() ({
        %run_scoped3A_76 = tpu.sem_alloc : memref<!tpu.dma_semaphore, #tpu.memory_space<semaphore_mem>>
        %dma_start3A_77 = arith.constant 0 : i32
        %dma_start3A_78 = arith.constant 0 : i32
        %dma_start3A_79 = tpu.memref_slice %arg3[%arg1, %run_scoped3A, %dma_start3A_77, %dma_start3A_78] : memref<16x4x32x128xi32, #tpu.memory_space<hbm>> -> memref<1x1x32x128xi32, #tpu.memory_space<hbm>>
        %dma_start3A_80 = tpu.memref_squeeze %dma_start3A_79 : memref<1x1x32x128xi32, #tpu.memory_space<hbm>> -> memref<32x128xi32, #tpu.memory_space<hbm>>
        %dma_start3A_81 = arith.constant 0 : i32
        %dma_start3A_82 = arith.constant 0 : i32
        %dma_start3A_83 = tpu.memref_slice %arg3[%arg1, %run_scoped3A, %dma_start3A_81, %dma_start3A_82] : memref<16x4x32x128xi32, #tpu.memory_space<hbm>> -> memref<1x1x32x128xi32, #tpu.memory_space<hbm>>
        %dma_start3A_84 = tpu.memref_squeeze %dma_start3A_83 : memref<1x1x32x128xi32, #tpu.memory_space<hbm>> -> memref<32x128xi32, #tpu.memory_space<hbm>>
        tpu.enqueue_dma source(%dma_start3A_84 : memref<32x128xi32, #tpu.memory_space<hbm>>) target(%arg8 : memref<32x128xi32, #tpu.memory_space<vmem>>) target_semaphore(%run_scoped3A_76 : memref<!tpu.dma_semaphore, #tpu.memory_space<semaphore_mem>>)
        %dma_wait3A = arith.constant 0 : i32
        %dma_wait3A_85 = arith.constant 0 : i32
        %dma_wait3A_86 = tpu.memref_slice %arg3[%arg1, %run_scoped3A, %dma_wait3A, %dma_wait3A_85] : memref<16x4x32x128xi32, #tpu.memory_space<hbm>> -> memref<1x1x32x128xi32, #tpu.memory_space<hbm>>
        %dma_wait3A_87 = tpu.memref_squeeze %dma_wait3A_86 : memref<1x1x32x128xi32, #tpu.memory_space<hbm>> -> memref<32x128xi32, #tpu.memory_space<hbm>>
        %dma_wait3A_88 = arith.constant 0 : i32
        %dma_wait3A_89 = arith.constant 0 : i32
        %dma_wait3A_90 = tpu.memref_slice %arg3[%arg1, %run_scoped3A, %dma_wait3A_88, %dma_wait3A_89] : memref<16x4x32x128xi32, #tpu.memory_space<hbm>> -> memref<1x1x32x128xi32, #tpu.memory_space<hbm>>
        %dma_wait3A_91 = tpu.memref_squeeze %dma_wait3A_90 : memref<1x1x32x128xi32, #tpu.memory_space<hbm>> -> memref<32x128xi32, #tpu.memory_space<hbm>>
        tpu.wait_dma2 semaphore(%run_scoped3A_76 : memref<!tpu.dma_semaphore, #tpu.memory_space<semaphore_mem>>) src(%dma_wait3A_91 : memref<32x128xi32, #tpu.memory_space<hbm>>) dst(%arg8 : memref<32x128xi32, #tpu.memory_space<vmem>>)
        tpu.yield
      }) : () -> ()
      %run_scoped3A_22 = arith.constant 0 : i32
      "tpu.region"() ({
        %run_scoped3A_76 = tpu.sem_alloc : memref<!tpu.dma_semaphore, #tpu.memory_space<semaphore_mem>>
        %dma_start3A_77 = arith.constant 0 : i32
        %dma_start3A_78 = arith.constant 0 : i32
        %dma_start3A_79 = tpu.memref_slice %arg4[%arg1, %run_scoped3A_22, %dma_start3A_77, %dma_start3A_78] : memref<16x4x32x128xi32, #tpu.memory_space<hbm>> -> memref<1x1x32x128xi32, #tpu.memory_space<hbm>>
        %dma_start3A_80 = tpu.memref_squeeze %dma_start3A_79 : memref<1x1x32x128xi32, #tpu.memory_space<hbm>> -> memref<32x128xi32, #tpu.memory_space<hbm>>
        %dma_start3A_81 = arith.constant 0 : i32
        %dma_start3A_82 = arith.constant 0 : i32
        %dma_start3A_83 = tpu.memref_slice %arg4[%arg1, %run_scoped3A_22, %dma_start3A_81, %dma_start3A_82] : memref<16x4x32x128xi32, #tpu.memory_space<hbm>> -> memref<1x1x32x128xi32, #tpu.memory_space<hbm>>
        %dma_start3A_84 = tpu.memref_squeeze %dma_start3A_83 : memref<1x1x32x128xi32, #tpu.memory_space<hbm>> -> memref<32x128xi32, #tpu.memory_space<hbm>>
        tpu.enqueue_dma source(%dma_start3A_84 : memref<32x128xi32, #tpu.memory_space<hbm>>) target(%arg9 : memref<32x128xi32, #tpu.memory_space<vmem>>) target_semaphore(%run_scoped3A_76 : memref<!tpu.dma_semaphore, #tpu.memory_space<semaphore_mem>>)
        %dma_wait3A = arith.constant 0 : i32
        %dma_wait3A_85 = arith.constant 0 : i32
        %dma_wait3A_86 = tpu.memref_slice %arg4[%arg1, %run_scoped3A_22, %dma_wait3A, %dma_wait3A_85] : memref<16x4x32x128xi32, #tpu.memory_space<hbm>> -> memref<1x1x32x128xi32, #tpu.memory_space<hbm>>
        %dma_wait3A_87 = tpu.memref_squeeze %dma_wait3A_86 : memref<1x1x32x128xi32, #tpu.memory_space<hbm>> -> memref<32x128xi32, #tpu.memory_space<hbm>>
        %dma_wait3A_88 = arith.constant 0 : i32
        %dma_wait3A_89 = arith.constant 0 : i32
        %dma_wait3A_90 = tpu.memref_slice %arg4[%arg1, %run_scoped3A_22, %dma_wait3A_88, %dma_wait3A_89] : memref<16x4x32x128xi32, #tpu.memory_space<hbm>> -> memref<1x1x32x128xi32, #tpu.memory_space<hbm>>
        %dma_wait3A_91 = tpu.memref_squeeze %dma_wait3A_90 : memref<1x1x32x128xi32, #tpu.memory_space<hbm>> -> memref<32x128xi32, #tpu.memory_space<hbm>>
        tpu.wait_dma2 semaphore(%run_scoped3A_76 : memref<!tpu.dma_semaphore, #tpu.memory_space<semaphore_mem>>) src(%dma_wait3A_91 : memref<32x128xi32, #tpu.memory_space<hbm>>) dst(%arg9 : memref<32x128xi32, #tpu.memory_space<vmem>>)
        tpu.yield
      }) : () -> ()
      %dma_start3A = arith.constant 0 : i32
      %dma_start3A_23 = arith.constant 0 : i32
      %dma_start3A_24 = tpu.memref_slice %arg8[%dma_start3A, %dma_start3A_23] : memref<32x128xi32, #tpu.memory_space<vmem>> -> memref<1x128xi32, #tpu.memory_space<vmem>>
      %dma_start3A_25 = tpu.memref_squeeze %dma_start3A_24 : memref<1x128xi32, #tpu.memory_space<vmem>> -> memref<128xi32, #tpu.memory_space<vmem>>
      %dma_start3A_26 = arith.constant 0 : i32
      %dma_start3A_27 = arith.constant 0 : i32
      %dma_start3A_28 = tpu.memref_slice %arg2[%dma_start3A_26, %dma_start3A_27] : memref<10000x128xf32, #tpu.memory_space<hbm>> -> memref<10000x128xf32, #tpu.memory_space<hbm>>
      tpu.enqueue_indirect_dma source(%dma_start3A_28 : memref<10000x128xf32, #tpu.memory_space<hbm>>) target(%arg10 : memref<128x128xf32, #tpu.memory_space<vmem>>) offsets(%dma_start3A_25 : memref<128xi32, #tpu.memory_space<vmem>>) semaphore(%arg13 : memref<!tpu.dma_semaphore, #tpu.memory_space<semaphore_mem>>)
      %scan3A_29 = arith.constant 0 : i32
      %scan3A_30 = arith.constant 16 : i32
      %scan3A_31 = arith.addi %scan3A_29, %scan3A_30 : i32
      %scan3A_32 = arith.constant 1 : i32
      scf.for %scan3A_76 = %scan3A_29 to %scan3A_31 step %scan3A_32  : i32 {
        %mul3A_77 = arith.constant 2 : i32
        %mul3A_78 = arith.muli %scan3A_76, %mul3A_77 : i32
        %add3A_79 = arith.constant 0 : i32
        %add3A_80 = arith.addi %add3A_79, %mul3A_78 : i32
        %add3A_81 = arith.constant 1 : i32
        %add3A_82 = arith.addi %add3A_80, %add3A_81 : i32
        %dma_start3A_83 = arith.constant 0 : i32
        %dma_start3A_84 = tpu.memref_slice %arg8[%add3A_82, %dma_start3A_83] : memref<32x128xi32, #tpu.memory_space<vmem>> -> memref<1x128xi32, #tpu.memory_space<vmem>>
        %dma_start3A_85 = tpu.memref_squeeze %dma_start3A_84 : memref<1x128xi32, #tpu.memory_space<vmem>> -> memref<128xi32, #tpu.memory_space<vmem>>
        %dma_start3A_86 = arith.constant 0 : i32
        %dma_start3A_87 = arith.constant 0 : i32
        %dma_start3A_88 = tpu.memref_slice %arg2[%dma_start3A_86, %dma_start3A_87] : memref<10000x128xf32, #tpu.memory_space<hbm>> -> memref<10000x128xf32, #tpu.memory_space<hbm>>
        tpu.enqueue_indirect_dma source(%dma_start3A_88 : memref<10000x128xf32, #tpu.memory_space<hbm>>) target(%arg11 : memref<128x128xf32, #tpu.memory_space<vmem>>) offsets(%dma_start3A_85 : memref<128xi32, #tpu.memory_space<vmem>>) semaphore(%arg14 : memref<!tpu.dma_semaphore, #tpu.memory_space<semaphore_mem>>)
        %dma_wait3A = arith.constant 0 : i32
        %dma_wait3A_89 = tpu.memref_slice %arg8[%add3A_80, %dma_wait3A] : memref<32x128xi32, #tpu.memory_space<vmem>> -> memref<1x128xi32, #tpu.memory_space<vmem>>
        %dma_wait3A_90 = tpu.memref_squeeze %dma_wait3A_89 : memref<1x128xi32, #tpu.memory_space<vmem>> -> memref<128xi32, #tpu.memory_space<vmem>>
        %dma_wait3A_91 = arith.constant 0 : i32
        %dma_wait3A_92 = arith.constant 0 : i32
        %dma_wait3A_93 = tpu.memref_slice %arg2[%dma_wait3A_91, %dma_wait3A_92] : memref<10000x128xf32, #tpu.memory_space<hbm>> -> memref<10000x128xf32, #tpu.memory_space<hbm>>
        tpu.wait_indirect_dma semaphore(%arg13 : memref<!tpu.dma_semaphore, #tpu.memory_space<semaphore_mem>>) src(%dma_wait3A_93 : memref<10000x128xf32, #tpu.memory_space<hbm>>) dst(%arg10 : memref<128x128xf32, #tpu.memory_space<vmem>>)
        "tpu.region"() ({
          %run_scoped3A_110 = tpu.sem_alloc : memref<!tpu.dma_semaphore, #tpu.memory_space<semaphore_mem>>
          %dma_start3A_111 = arith.constant 0 : i32
          %dma_start3A_112 = tpu.memref_slice %arg9[%add3A_80, %dma_start3A_111] : memref<32x128xi32, #tpu.memory_space<vmem>> -> memref<1x128xi32, #tpu.memory_space<vmem>>
          %dma_start3A_113 = tpu.memref_squeeze %dma_start3A_112 : memref<1x128xi32, #tpu.memory_space<vmem>> -> memref<128xi32, #tpu.memory_space<vmem>>
          %dma_start3A_114 = arith.constant 0 : i32
          %dma_start3A_115 = arith.constant 0 : i32
          %dma_start3A_116 = tpu.memref_slice %arg12[%dma_start3A_114, %dma_start3A_115] : memref<10112x128xf32, #tpu.memory_space<vmem_shared>> -> memref<10112x128xf32, #tpu.memory_space<vmem_shared>>
          tpu.enqueue_indirect_dma source(%arg10 : memref<128x128xf32, #tpu.memory_space<vmem>>) target(%dma_start3A_116 : memref<10112x128xf32, #tpu.memory_space<vmem_shared>>) offsets(%dma_start3A_113 : memref<128xi32, #tpu.memory_space<vmem>>) semaphore(%run_scoped3A_110 : memref<!tpu.dma_semaphore, #tpu.memory_space<semaphore_mem>>) {add = true}
          %dma_wait3A_117 = arith.constant 0 : i32
          %dma_wait3A_118 = tpu.memref_slice %arg9[%add3A_80, %dma_wait3A_117] : memref<32x128xi32, #tpu.memory_space<vmem>> -> memref<1x128xi32, #tpu.memory_space<vmem>>
          %dma_wait3A_119 = tpu.memref_squeeze %dma_wait3A_118 : memref<1x128xi32, #tpu.memory_space<vmem>> -> memref<128xi32, #tpu.memory_space<vmem>>
          %dma_wait3A_120 = arith.constant 0 : i32
          %dma_wait3A_121 = arith.constant 0 : i32
          %dma_wait3A_122 = tpu.memref_slice %arg12[%dma_wait3A_120, %dma_wait3A_121] : memref<10112x128xf32, #tpu.memory_space<vmem_shared>> -> memref<10112x128xf32, #tpu.memory_space<vmem_shared>>
          tpu.wait_indirect_dma semaphore(%run_scoped3A_110 : memref<!tpu.dma_semaphore, #tpu.memory_space<semaphore_mem>>) src(%arg10 : memref<128x128xf32, #tpu.memory_space<vmem>>) dst(%dma_wait3A_122 : memref<10112x128xf32, #tpu.memory_space<vmem_shared>>)
          tpu.yield
        }) : () -> ()
        %add3A_94 = arith.constant 2 : i32
        %add3A_95 = arith.addi %add3A_80, %add3A_94 : i32
        %lt3A = arith.constant 32 : i32
        %lt3A_96 = arith.cmpi slt, %add3A_95, %lt3A : i32
        %convert_element_type3A_97 = arith.extui %lt3A_96 : i1 to i32
        %cond3A_98 = arith.constant 0 : i32
        %cond3A_99 = arith.cmpi ne, %convert_element_type3A_97, %cond3A_98 : i32
        scf.if %cond3A_99 {
          %add3A_110 = arith.constant 2 : i32
          %add3A_111 = arith.addi %add3A_80, %add3A_110 : i32
          %dma_start3A_112 = arith.constant 0 : i32
          %dma_start3A_113 = tpu.memref_slice %arg8[%add3A_111, %dma_start3A_112] : memref<32x128xi32, #tpu.memory_space<vmem>> -> memref<1x128xi32, #tpu.memory_space<vmem>>
          %dma_start3A_114 = tpu.memref_squeeze %dma_start3A_113 : memref<1x128xi32, #tpu.memory_space<vmem>> -> memref<128xi32, #tpu.memory_space<vmem>>
          %dma_start3A_115 = arith.constant 0 : i32
          %dma_start3A_116 = arith.constant 0 : i32
          %dma_start3A_117 = tpu.memref_slice %arg2[%dma_start3A_115, %dma_start3A_116] : memref<10000x128xf32, #tpu.memory_space<hbm>> -> memref<10000x128xf32, #tpu.memory_space<hbm>>
          tpu.enqueue_indirect_dma source(%dma_start3A_117 : memref<10000x128xf32, #tpu.memory_space<hbm>>) target(%arg10 : memref<128x128xf32, #tpu.memory_space<vmem>>) offsets(%dma_start3A_114 : memref<128xi32, #tpu.memory_space<vmem>>) semaphore(%arg13 : memref<!tpu.dma_semaphore, #tpu.memory_space<semaphore_mem>>)
        } else {
        }
        %add3A_100 = arith.constant 1 : i32
        %add3A_101 = arith.addi %add3A_80, %add3A_100 : i32
        %dma_wait3A_102 = arith.constant 0 : i32
        %dma_wait3A_103 = tpu.memref_slice %arg8[%add3A_101, %dma_wait3A_102] : memref<32x128xi32, #tpu.memory_space<vmem>> -> memref<1x128xi32, #tpu.memory_space<vmem>>
        %dma_wait3A_104 = tpu.memref_squeeze %dma_wait3A_103 : memref<1x128xi32, #tpu.memory_space<vmem>> -> memref<128xi32, #tpu.memory_space<vmem>>
        %dma_wait3A_105 = arith.constant 0 : i32
        %dma_wait3A_106 = arith.constant 0 : i32
        %dma_wait3A_107 = tpu.memref_slice %arg2[%dma_wait3A_105, %dma_wait3A_106] : memref<10000x128xf32, #tpu.memory_space<hbm>> -> memref<10000x128xf32, #tpu.memory_space<hbm>>
        tpu.wait_indirect_dma semaphore(%arg14 : memref<!tpu.dma_semaphore, #tpu.memory_space<semaphore_mem>>) src(%dma_wait3A_107 : memref<10000x128xf32, #tpu.memory_space<hbm>>) dst(%arg11 : memref<128x128xf32, #tpu.memory_space<vmem>>)
        %add3A_108 = arith.constant 1 : i32
        %add3A_109 = arith.addi %add3A_80, %add3A_108 : i32
        "tpu.region"() ({
          %run_scoped3A_110 = tpu.sem_alloc : memref<!tpu.dma_semaphore, #tpu.memory_space<semaphore_mem>>
          %dma_start3A_111 = arith.constant 0 : i32
          %dma_start3A_112 = tpu.memref_slice %arg9[%add3A_109, %dma_start3A_111] : memref<32x128xi32, #tpu.memory_space<vmem>> -> memref<1x128xi32, #tpu.memory_space<vmem>>
          %dma_start3A_113 = tpu.memref_squeeze %dma_start3A_112 : memref<1x128xi32, #tpu.memory_space<vmem>> -> memref<128xi32, #tpu.memory_space<vmem>>
          %dma_start3A_114 = arith.constant 0 : i32
          %dma_start3A_115 = arith.constant 0 : i32
          %dma_start3A_116 = tpu.memref_slice %arg12[%dma_start3A_114, %dma_start3A_115] : memref<10112x128xf32, #tpu.memory_space<vmem_shared>> -> memref<10112x128xf32, #tpu.memory_space<vmem_shared>>
          tpu.enqueue_indirect_dma source(%arg11 : memref<128x128xf32, #tpu.memory_space<vmem>>) target(%dma_start3A_116 : memref<10112x128xf32, #tpu.memory_space<vmem_shared>>) offsets(%dma_start3A_113 : memref<128xi32, #tpu.memory_space<vmem>>) semaphore(%run_scoped3A_110 : memref<!tpu.dma_semaphore, #tpu.memory_space<semaphore_mem>>) {add = true}
          %dma_wait3A_117 = arith.constant 0 : i32
          %dma_wait3A_118 = tpu.memref_slice %arg9[%add3A_109, %dma_wait3A_117] : memref<32x128xi32, #tpu.memory_space<vmem>> -> memref<1x128xi32, #tpu.memory_space<vmem>>
          %dma_wait3A_119 = tpu.memref_squeeze %dma_wait3A_118 : memref<1x128xi32, #tpu.memory_space<vmem>> -> memref<128xi32, #tpu.memory_space<vmem>>
          %dma_wait3A_120 = arith.constant 0 : i32
          %dma_wait3A_121 = arith.constant 0 : i32
          %dma_wait3A_122 = tpu.memref_slice %arg12[%dma_wait3A_120, %dma_wait3A_121] : memref<10112x128xf32, #tpu.memory_space<vmem_shared>> -> memref<10112x128xf32, #tpu.memory_space<vmem_shared>>
          tpu.wait_indirect_dma semaphore(%run_scoped3A_110 : memref<!tpu.dma_semaphore, #tpu.memory_space<semaphore_mem>>) src(%arg11 : memref<128x128xf32, #tpu.memory_space<vmem>>) dst(%dma_wait3A_122 : memref<10112x128xf32, #tpu.memory_space<vmem_shared>>)
          tpu.yield
        }) : () -> ()
      }
      %scan3A_33 = arith.constant 16 : i32
      %run_scoped3A_34 = arith.constant 1 : i32
      "tpu.region"() ({
        %run_scoped3A_76 = tpu.sem_alloc : memref<!tpu.dma_semaphore, #tpu.memory_space<semaphore_mem>>
        %dma_start3A_77 = arith.constant 0 : i32
        %dma_start3A_78 = arith.constant 0 : i32
        %dma_start3A_79 = tpu.memref_slice %arg3[%arg1, %run_scoped3A_34, %dma_start3A_77, %dma_start3A_78] : memref<16x4x32x128xi32, #tpu.memory_space<hbm>> -> memref<1x1x32x128xi32, #tpu.memory_space<hbm>>
        %dma_start3A_80 = tpu.memref_squeeze %dma_start3A_79 : memref<1x1x32x128xi32, #tpu.memory_space<hbm>> -> memref<32x128xi32, #tpu.memory_space<hbm>>
        %dma_start3A_81 = arith.constant 0 : i32
        %dma_start3A_82 = arith.constant 0 : i32
        %dma_start3A_83 = tpu.memref_slice %arg3[%arg1, %run_scoped3A_34, %dma_start3A_81, %dma_start3A_82] : memref<16x4x32x128xi32, #tpu.memory_space<hbm>> -> memref<1x1x32x128xi32, #tpu.memory_space<hbm>>
        %dma_start3A_84 = tpu.memref_squeeze %dma_start3A_83 : memref<1x1x32x128xi32, #tpu.memory_space<hbm>> -> memref<32x128xi32, #tpu.memory_space<hbm>>
        tpu.enqueue_dma source(%dma_start3A_84 : memref<32x128xi32, #tpu.memory_space<hbm>>) target(%arg8 : memref<32x128xi32, #tpu.memory_space<vmem>>) target_semaphore(%run_scoped3A_76 : memref<!tpu.dma_semaphore, #tpu.memory_space<semaphore_mem>>)
        %dma_wait3A = arith.constant 0 : i32
        %dma_wait3A_85 = arith.constant 0 : i32
        %dma_wait3A_86 = tpu.memref_slice %arg3[%arg1, %run_scoped3A_34, %dma_wait3A, %dma_wait3A_85] : memref<16x4x32x128xi32, #tpu.memory_space<hbm>> -> memref<1x1x32x128xi32, #tpu.memory_space<hbm>>
        %dma_wait3A_87 = tpu.memref_squeeze %dma_wait3A_86 : memref<1x1x32x128xi32, #tpu.memory_space<hbm>> -> memref<32x128xi32, #tpu.memory_space<hbm>>
        %dma_wait3A_88 = arith.constant 0 : i32
        %dma_wait3A_89 = arith.constant 0 : i32
        %dma_wait3A_90 = tpu.memref_slice %arg3[%arg1, %run_scoped3A_34, %dma_wait3A_88, %dma_wait3A_89] : memref<16x4x32x128xi32, #tpu.memory_space<hbm>> -> memref<1x1x32x128xi32, #tpu.memory_space<hbm>>
        %dma_wait3A_91 = tpu.memref_squeeze %dma_wait3A_90 : memref<1x1x32x128xi32, #tpu.memory_space<hbm>> -> memref<32x128xi32, #tpu.memory_space<hbm>>
        tpu.wait_dma2 semaphore(%run_scoped3A_76 : memref<!tpu.dma_semaphore, #tpu.memory_space<semaphore_mem>>) src(%dma_wait3A_91 : memref<32x128xi32, #tpu.memory_space<hbm>>) dst(%arg8 : memref<32x128xi32, #tpu.memory_space<vmem>>)
        tpu.yield
      }) : () -> ()
      %run_scoped3A_35 = arith.constant 1 : i32
      "tpu.region"() ({
        %run_scoped3A_76 = tpu.sem_alloc : memref<!tpu.dma_semaphore, #tpu.memory_space<semaphore_mem>>
        %dma_start3A_77 = arith.constant 0 : i32
        %dma_start3A_78 = arith.constant 0 : i32
        %dma_start3A_79 = tpu.memref_slice %arg4[%arg1, %run_scoped3A_35, %dma_start3A_77, %dma_start3A_78] : memref<16x4x32x128xi32, #tpu.memory_space<hbm>> -> memref<1x1x32x128xi32, #tpu.memory_space<hbm>>
        %dma_start3A_80 = tpu.memref_squeeze %dma_start3A_79 : memref<1x1x32x128xi32, #tpu.memory_space<hbm>> -> memref<32x128xi32, #tpu.memory_space<hbm>>
        %dma_start3A_81 = arith.constant 0 : i32
        %dma_start3A_82 = arith.constant 0 : i32
        %dma_start3A_83 = tpu.memref_slice %arg4[%arg1, %run_scoped3A_35, %dma_start3A_81, %dma_start3A_82] : memref<16x4x32x128xi32, #tpu.memory_space<hbm>> -> memref<1x1x32x128xi32, #tpu.memory_space<hbm>>
        %dma_start3A_84 = tpu.memref_squeeze %dma_start3A_83 : memref<1x1x32x128xi32, #tpu.memory_space<hbm>> -> memref<32x128xi32, #tpu.memory_space<hbm>>
        tpu.enqueue_dma source(%dma_start3A_84 : memref<32x128xi32, #tpu.memory_space<hbm>>) target(%arg9 : memref<32x128xi32, #tpu.memory_space<vmem>>) target_semaphore(%run_scoped3A_76 : memref<!tpu.dma_semaphore, #tpu.memory_space<semaphore_mem>>)
        %dma_wait3A = arith.constant 0 : i32
        %dma_wait3A_85 = arith.constant 0 : i32
        %dma_wait3A_86 = tpu.memref_slice %arg4[%arg1, %run_scoped3A_35, %dma_wait3A, %dma_wait3A_85] : memref<16x4x32x128xi32, #tpu.memory_space<hbm>> -> memref<1x1x32x128xi32, #tpu.memory_space<hbm>>
        %dma_wait3A_87 = tpu.memref_squeeze %dma_wait3A_86 : memref<1x1x32x128xi32, #tpu.memory_space<hbm>> -> memref<32x128xi32, #tpu.memory_space<hbm>>
        %dma_wait3A_88 = arith.constant 0 : i32
        %dma_wait3A_89 = arith.constant 0 : i32
        %dma_wait3A_90 = tpu.memref_slice %arg4[%arg1, %run_scoped3A_35, %dma_wait3A_88, %dma_wait3A_89] : memref<16x4x32x128xi32, #tpu.memory_space<hbm>> -> memref<1x1x32x128xi32, #tpu.memory_space<hbm>>
        %dma_wait3A_91 = tpu.memref_squeeze %dma_wait3A_90 : memref<1x1x32x128xi32, #tpu.memory_space<hbm>> -> memref<32x128xi32, #tpu.memory_space<hbm>>
        tpu.wait_dma2 semaphore(%run_scoped3A_76 : memref<!tpu.dma_semaphore, #tpu.memory_space<semaphore_mem>>) src(%dma_wait3A_91 : memref<32x128xi32, #tpu.memory_space<hbm>>) dst(%arg9 : memref<32x128xi32, #tpu.memory_space<vmem>>)
        tpu.yield
      }) : () -> ()
      %dma_start3A_36 = arith.constant 0 : i32
      %dma_start3A_37 = arith.constant 0 : i32
      %dma_start3A_38 = tpu.memref_slice %arg8[%dma_start3A_36, %dma_start3A_37] : memref<32x128xi32, #tpu.memory_space<vmem>> -> memref<1x128xi32, #tpu.memory_space<vmem>>
      %dma_start3A_39 = tpu.memref_squeeze %dma_start3A_38 : memref<1x128xi32, #tpu.memory_space<vmem>> -> memref<128xi32, #tpu.memory_space<vmem>>
      %dma_start3A_40 = arith.constant 0 : i32
      %dma_start3A_41 = arith.constant 0 : i32
      %dma_start3A_42 = tpu.memref_slice %arg2[%dma_start3A_40, %dma_start3A_41] : memref<10000x128xf32, #tpu.memory_space<hbm>> -> memref<10000x128xf32, #tpu.memory_space<hbm>>
      tpu.enqueue_indirect_dma source(%dma_start3A_42 : memref<10000x128xf32, #tpu.memory_space<hbm>>) target(%arg10 : memref<128x128xf32, #tpu.memory_space<vmem>>) offsets(%dma_start3A_39 : memref<128xi32, #tpu.memory_space<vmem>>) semaphore(%arg13 : memref<!tpu.dma_semaphore, #tpu.memory_space<semaphore_mem>>)
      %scan3A_43 = arith.constant 0 : i32
      %scan3A_44 = arith.constant 16 : i32
      %scan3A_45 = arith.addi %scan3A_43, %scan3A_44 : i32
      %scan3A_46 = arith.constant 1 : i32
      scf.for %scan3A_76 = %scan3A_43 to %scan3A_45 step %scan3A_46  : i32 {
        %mul3A_77 = arith.constant 2 : i32
        %mul3A_78 = arith.muli %scan3A_76, %mul3A_77 : i32
        %add3A_79 = arith.constant 0 : i32
        %add3A_80 = arith.addi %add3A_79, %mul3A_78 : i32
        %add3A_81 = arith.constant 1 : i32
        %add3A_82 = arith.addi %add3A_80, %add3A_81 : i32
        %dma_start3A_83 = arith.constant 0 : i32
        %dma_start3A_84 = tpu.memref_slice %arg8[%add3A_82, %dma_start3A_83] : memref<32x128xi32, #tpu.memory_space<vmem>> -> memref<1x128xi32, #tpu.memory_space<vmem>>
        %dma_start3A_85 = tpu.memref_squeeze %dma_start3A_84 : memref<1x128xi32, #tpu.memory_space<vmem>> -> memref<128xi32, #tpu.memory_space<vmem>>
        %dma_start3A_86 = arith.constant 0 : i32
        %dma_start3A_87 = arith.constant 0 : i32
        %dma_start3A_88 = tpu.memref_slice %arg2[%dma_start3A_86, %dma_start3A_87] : memref<10000x128xf32, #tpu.memory_space<hbm>> -> memref<10000x128xf32, #tpu.memory_space<hbm>>
        tpu.enqueue_indirect_dma source(%dma_start3A_88 : memref<10000x128xf32, #tpu.memory_space<hbm>>) target(%arg11 : memref<128x128xf32, #tpu.memory_space<vmem>>) offsets(%dma_start3A_85 : memref<128xi32, #tpu.memory_space<vmem>>) semaphore(%arg14 : memref<!tpu.dma_semaphore, #tpu.memory_space<semaphore_mem>>)
        %dma_wait3A = arith.constant 0 : i32
        %dma_wait3A_89 = tpu.memref_slice %arg8[%add3A_80, %dma_wait3A] : memref<32x128xi32, #tpu.memory_space<vmem>> -> memref<1x128xi32, #tpu.memory_space<vmem>>
        %dma_wait3A_90 = tpu.memref_squeeze %dma_wait3A_89 : memref<1x128xi32, #tpu.memory_space<vmem>> -> memref<128xi32, #tpu.memory_space<vmem>>
        %dma_wait3A_91 = arith.constant 0 : i32
        %dma_wait3A_92 = arith.constant 0 : i32
        %dma_wait3A_93 = tpu.memref_slice %arg2[%dma_wait3A_91, %dma_wait3A_92] : memref<10000x128xf32, #tpu.memory_space<hbm>> -> memref<10000x128xf32, #tpu.memory_space<hbm>>
        tpu.wait_indirect_dma semaphore(%arg13 : memref<!tpu.dma_semaphore, #tpu.memory_space<semaphore_mem>>) src(%dma_wait3A_93 : memref<10000x128xf32, #tpu.memory_space<hbm>>) dst(%arg10 : memref<128x128xf32, #tpu.memory_space<vmem>>)
        "tpu.region"() ({
          %run_scoped3A_110 = tpu.sem_alloc : memref<!tpu.dma_semaphore, #tpu.memory_space<semaphore_mem>>
          %dma_start3A_111 = arith.constant 0 : i32
          %dma_start3A_112 = tpu.memref_slice %arg9[%add3A_80, %dma_start3A_111] : memref<32x128xi32, #tpu.memory_space<vmem>> -> memref<1x128xi32, #tpu.memory_space<vmem>>
          %dma_start3A_113 = tpu.memref_squeeze %dma_start3A_112 : memref<1x128xi32, #tpu.memory_space<vmem>> -> memref<128xi32, #tpu.memory_space<vmem>>
          %dma_start3A_114 = arith.constant 0 : i32
          %dma_start3A_115 = arith.constant 0 : i32
          %dma_start3A_116 = tpu.memref_slice %arg12[%dma_start3A_114, %dma_start3A_115] : memref<10112x128xf32, #tpu.memory_space<vmem_shared>> -> memref<10112x128xf32, #tpu.memory_space<vmem_shared>>
          tpu.enqueue_indirect_dma source(%arg10 : memref<128x128xf32, #tpu.memory_space<vmem>>) target(%dma_start3A_116 : memref<10112x128xf32, #tpu.memory_space<vmem_shared>>) offsets(%dma_start3A_113 : memref<128xi32, #tpu.memory_space<vmem>>) semaphore(%run_scoped3A_110 : memref<!tpu.dma_semaphore, #tpu.memory_space<semaphore_mem>>) {add = true}
          %dma_wait3A_117 = arith.constant 0 : i32
          %dma_wait3A_118 = tpu.memref_slice %arg9[%add3A_80, %dma_wait3A_117] : memref<32x128xi32, #tpu.memory_space<vmem>> -> memref<1x128xi32, #tpu.memory_space<vmem>>
          %dma_wait3A_119 = tpu.memref_squeeze %dma_wait3A_118 : memref<1x128xi32, #tpu.memory_space<vmem>> -> memref<128xi32, #tpu.memory_space<vmem>>
          %dma_wait3A_120 = arith.constant 0 : i32
          %dma_wait3A_121 = arith.constant 0 : i32
          %dma_wait3A_122 = tpu.memref_slice %arg12[%dma_wait3A_120, %dma_wait3A_121] : memref<10112x128xf32, #tpu.memory_space<vmem_shared>> -> memref<10112x128xf32, #tpu.memory_space<vmem_shared>>
          tpu.wait_indirect_dma semaphore(%run_scoped3A_110 : memref<!tpu.dma_semaphore, #tpu.memory_space<semaphore_mem>>) src(%arg10 : memref<128x128xf32, #tpu.memory_space<vmem>>) dst(%dma_wait3A_122 : memref<10112x128xf32, #tpu.memory_space<vmem_shared>>)
          tpu.yield
        }) : () -> ()
        %add3A_94 = arith.constant 2 : i32
        %add3A_95 = arith.addi %add3A_80, %add3A_94 : i32
        %lt3A = arith.constant 32 : i32
        %lt3A_96 = arith.cmpi slt, %add3A_95, %lt3A : i32
        %convert_element_type3A_97 = arith.extui %lt3A_96 : i1 to i32
        %cond3A_98 = arith.constant 0 : i32
        %cond3A_99 = arith.cmpi ne, %convert_element_type3A_97, %cond3A_98 : i32
        scf.if %cond3A_99 {
          %add3A_110 = arith.constant 2 : i32
          %add3A_111 = arith.addi %add3A_80, %add3A_110 : i32
          %dma_start3A_112 = arith.constant 0 : i32
          %dma_start3A_113 = tpu.memref_slice %arg8[%add3A_111, %dma_start3A_112] : memref<32x128xi32, #tpu.memory_space<vmem>> -> memref<1x128xi32, #tpu.memory_space<vmem>>
          %dma_start3A_114 = tpu.memref_squeeze %dma_start3A_113 : memref<1x128xi32, #tpu.memory_space<vmem>> -> memref<128xi32, #tpu.memory_space<vmem>>
          %dma_start3A_115 = arith.constant 0 : i32
          %dma_start3A_116 = arith.constant 0 : i32
          %dma_start3A_117 = tpu.memref_slice %arg2[%dma_start3A_115, %dma_start3A_116] : memref<10000x128xf32, #tpu.memory_space<hbm>> -> memref<10000x128xf32, #tpu.memory_space<hbm>>
          tpu.enqueue_indirect_dma source(%dma_start3A_117 : memref<10000x128xf32, #tpu.memory_space<hbm>>) target(%arg10 : memref<128x128xf32, #tpu.memory_space<vmem>>) offsets(%dma_start3A_114 : memref<128xi32, #tpu.memory_space<vmem>>) semaphore(%arg13 : memref<!tpu.dma_semaphore, #tpu.memory_space<semaphore_mem>>)
        } else {
        }
        %add3A_100 = arith.constant 1 : i32
        %add3A_101 = arith.addi %add3A_80, %add3A_100 : i32
        %dma_wait3A_102 = arith.constant 0 : i32
        %dma_wait3A_103 = tpu.memref_slice %arg8[%add3A_101, %dma_wait3A_102] : memref<32x128xi32, #tpu.memory_space<vmem>> -> memref<1x128xi32, #tpu.memory_space<vmem>>
        %dma_wait3A_104 = tpu.memref_squeeze %dma_wait3A_103 : memref<1x128xi32, #tpu.memory_space<vmem>> -> memref<128xi32, #tpu.memory_space<vmem>>
        %dma_wait3A_105 = arith.constant 0 : i32
        %dma_wait3A_106 = arith.constant 0 : i32
        %dma_wait3A_107 = tpu.memref_slice %arg2[%dma_wait3A_105, %dma_wait3A_106] : memref<10000x128xf32, #tpu.memory_space<hbm>> -> memref<10000x128xf32, #tpu.memory_space<hbm>>
        tpu.wait_indirect_dma semaphore(%arg14 : memref<!tpu.dma_semaphore, #tpu.memory_space<semaphore_mem>>) src(%dma_wait3A_107 : memref<10000x128xf32, #tpu.memory_space<hbm>>) dst(%arg11 : memref<128x128xf32, #tpu.memory_space<vmem>>)
        %add3A_108 = arith.constant 1 : i32
        %add3A_109 = arith.addi %add3A_80, %add3A_108 : i32
        "tpu.region"() ({
          %run_scoped3A_110 = tpu.sem_alloc : memref<!tpu.dma_semaphore, #tpu.memory_space<semaphore_mem>>
          %dma_start3A_111 = arith.constant 0 : i32
          %dma_start3A_112 = tpu.memref_slice %arg9[%add3A_109, %dma_start3A_111] : memref<32x128xi32, #tpu.memory_space<vmem>> -> memref<1x128xi32, #tpu.memory_space<vmem>>
          %dma_start3A_113 = tpu.memref_squeeze %dma_start3A_112 : memref<1x128xi32, #tpu.memory_space<vmem>> -> memref<128xi32, #tpu.memory_space<vmem>>
          %dma_start3A_114 = arith.constant 0 : i32
          %dma_start3A_115 = arith.constant 0 : i32
          %dma_start3A_116 = tpu.memref_slice %arg12[%dma_start3A_114, %dma_start3A_115] : memref<10112x128xf32, #tpu.memory_space<vmem_shared>> -> memref<10112x128xf32, #tpu.memory_space<vmem_shared>>
          tpu.enqueue_indirect_dma source(%arg11 : memref<128x128xf32, #tpu.memory_space<vmem>>) target(%dma_start3A_116 : memref<10112x128xf32, #tpu.memory_space<vmem_shared>>) offsets(%dma_start3A_113 : memref<128xi32, #tpu.memory_space<vmem>>) semaphore(%run_scoped3A_110 : memref<!tpu.dma_semaphore, #tpu.memory_space<semaphore_mem>>) {add = true}
          %dma_wait3A_117 = arith.constant 0 : i32
          %dma_wait3A_118 = tpu.memref_slice %arg9[%add3A_109, %dma_wait3A_117] : memref<32x128xi32, #tpu.memory_space<vmem>> -> memref<1x128xi32, #tpu.memory_space<vmem>>
          %dma_wait3A_119 = tpu.memref_squeeze %dma_wait3A_118 : memref<1x128xi32, #tpu.memory_space<vmem>> -> memref<128xi32, #tpu.memory_space<vmem>>
          %dma_wait3A_120 = arith.constant 0 : i32
          %dma_wait3A_121 = arith.constant 0 : i32
          %dma_wait3A_122 = tpu.memref_slice %arg12[%dma_wait3A_120, %dma_wait3A_121] : memref<10112x128xf32, #tpu.memory_space<vmem_shared>> -> memref<10112x128xf32, #tpu.memory_space<vmem_shared>>
          tpu.wait_indirect_dma semaphore(%run_scoped3A_110 : memref<!tpu.dma_semaphore, #tpu.memory_space<semaphore_mem>>) src(%arg11 : memref<128x128xf32, #tpu.memory_space<vmem>>) dst(%dma_wait3A_122 : memref<10112x128xf32, #tpu.memory_space<vmem_shared>>)
          tpu.yield
        }) : () -> ()
      }
      %scan3A_47 = arith.constant 16 : i32
      %run_scoped3A_48 = arith.constant 2 : i32
      "tpu.region"() ({
        %run_scoped3A_76 = tpu.sem_alloc : memref<!tpu.dma_semaphore, #tpu.memory_space<semaphore_mem>>
        %dma_start3A_77 = arith.constant 0 : i32
        %dma_start3A_78 = arith.constant 0 : i32
        %dma_start3A_79 = tpu.memref_slice %arg3[%arg1, %run_scoped3A_48, %dma_start3A_77, %dma_start3A_78] : memref<16x4x32x128xi32, #tpu.memory_space<hbm>> -> memref<1x1x32x128xi32, #tpu.memory_space<hbm>>
        %dma_start3A_80 = tpu.memref_squeeze %dma_start3A_79 : memref<1x1x32x128xi32, #tpu.memory_space<hbm>> -> memref<32x128xi32, #tpu.memory_space<hbm>>
        %dma_start3A_81 = arith.constant 0 : i32
        %dma_start3A_82 = arith.constant 0 : i32
        %dma_start3A_83 = tpu.memref_slice %arg3[%arg1, %run_scoped3A_48, %dma_start3A_81, %dma_start3A_82] : memref<16x4x32x128xi32, #tpu.memory_space<hbm>> -> memref<1x1x32x128xi32, #tpu.memory_space<hbm>>
        %dma_start3A_84 = tpu.memref_squeeze %dma_start3A_83 : memref<1x1x32x128xi32, #tpu.memory_space<hbm>> -> memref<32x128xi32, #tpu.memory_space<hbm>>
        tpu.enqueue_dma source(%dma_start3A_84 : memref<32x128xi32, #tpu.memory_space<hbm>>) target(%arg8 : memref<32x128xi32, #tpu.memory_space<vmem>>) target_semaphore(%run_scoped3A_76 : memref<!tpu.dma_semaphore, #tpu.memory_space<semaphore_mem>>)
        %dma_wait3A = arith.constant 0 : i32
        %dma_wait3A_85 = arith.constant 0 : i32
        %dma_wait3A_86 = tpu.memref_slice %arg3[%arg1, %run_scoped3A_48, %dma_wait3A, %dma_wait3A_85] : memref<16x4x32x128xi32, #tpu.memory_space<hbm>> -> memref<1x1x32x128xi32, #tpu.memory_space<hbm>>
        %dma_wait3A_87 = tpu.memref_squeeze %dma_wait3A_86 : memref<1x1x32x128xi32, #tpu.memory_space<hbm>> -> memref<32x128xi32, #tpu.memory_space<hbm>>
        %dma_wait3A_88 = arith.constant 0 : i32
        %dma_wait3A_89 = arith.constant 0 : i32
        %dma_wait3A_90 = tpu.memref_slice %arg3[%arg1, %run_scoped3A_48, %dma_wait3A_88, %dma_wait3A_89] : memref<16x4x32x128xi32, #tpu.memory_space<hbm>> -> memref<1x1x32x128xi32, #tpu.memory_space<hbm>>
        %dma_wait3A_91 = tpu.memref_squeeze %dma_wait3A_90 : memref<1x1x32x128xi32, #tpu.memory_space<hbm>> -> memref<32x128xi32, #tpu.memory_space<hbm>>
        tpu.wait_dma2 semaphore(%run_scoped3A_76 : memref<!tpu.dma_semaphore, #tpu.memory_space<semaphore_mem>>) src(%dma_wait3A_91 : memref<32x128xi32, #tpu.memory_space<hbm>>) dst(%arg8 : memref<32x128xi32, #tpu.memory_space<vmem>>)
        tpu.yield
      }) : () -> ()
      %run_scoped3A_49 = arith.constant 2 : i32
      "tpu.region"() ({
        %run_scoped3A_76 = tpu.sem_alloc : memref<!tpu.dma_semaphore, #tpu.memory_space<semaphore_mem>>
        %dma_start3A_77 = arith.constant 0 : i32
        %dma_start3A_78 = arith.constant 0 : i32
        %dma_start3A_79 = tpu.memref_slice %arg4[%arg1, %run_scoped3A_49, %dma_start3A_77, %dma_start3A_78] : memref<16x4x32x128xi32, #tpu.memory_space<hbm>> -> memref<1x1x32x128xi32, #tpu.memory_space<hbm>>
        %dma_start3A_80 = tpu.memref_squeeze %dma_start3A_79 : memref<1x1x32x128xi32, #tpu.memory_space<hbm>> -> memref<32x128xi32, #tpu.memory_space<hbm>>
        %dma_start3A_81 = arith.constant 0 : i32
        %dma_start3A_82 = arith.constant 0 : i32
        %dma_start3A_83 = tpu.memref_slice %arg4[%arg1, %run_scoped3A_49, %dma_start3A_81, %dma_start3A_82] : memref<16x4x32x128xi32, #tpu.memory_space<hbm>> -> memref<1x1x32x128xi32, #tpu.memory_space<hbm>>
        %dma_start3A_84 = tpu.memref_squeeze %dma_start3A_83 : memref<1x1x32x128xi32, #tpu.memory_space<hbm>> -> memref<32x128xi32, #tpu.memory_space<hbm>>
        tpu.enqueue_dma source(%dma_start3A_84 : memref<32x128xi32, #tpu.memory_space<hbm>>) target(%arg9 : memref<32x128xi32, #tpu.memory_space<vmem>>) target_semaphore(%run_scoped3A_76 : memref<!tpu.dma_semaphore, #tpu.memory_space<semaphore_mem>>)
        %dma_wait3A = arith.constant 0 : i32
        %dma_wait3A_85 = arith.constant 0 : i32
        %dma_wait3A_86 = tpu.memref_slice %arg4[%arg1, %run_scoped3A_49, %dma_wait3A, %dma_wait3A_85] : memref<16x4x32x128xi32, #tpu.memory_space<hbm>> -> memref<1x1x32x128xi32, #tpu.memory_space<hbm>>
        %dma_wait3A_87 = tpu.memref_squeeze %dma_wait3A_86 : memref<1x1x32x128xi32, #tpu.memory_space<hbm>> -> memref<32x128xi32, #tpu.memory_space<hbm>>
        %dma_wait3A_88 = arith.constant 0 : i32
        %dma_wait3A_89 = arith.constant 0 : i32
        %dma_wait3A_90 = tpu.memref_slice %arg4[%arg1, %run_scoped3A_49, %dma_wait3A_88, %dma_wait3A_89] : memref<16x4x32x128xi32, #tpu.memory_space<hbm>> -> memref<1x1x32x128xi32, #tpu.memory_space<hbm>>
        %dma_wait3A_91 = tpu.memref_squeeze %dma_wait3A_90 : memref<1x1x32x128xi32, #tpu.memory_space<hbm>> -> memref<32x128xi32, #tpu.memory_space<hbm>>
        tpu.wait_dma2 semaphore(%run_scoped3A_76 : memref<!tpu.dma_semaphore, #tpu.memory_space<semaphore_mem>>) src(%dma_wait3A_91 : memref<32x128xi32, #tpu.memory_space<hbm>>) dst(%arg9 : memref<32x128xi32, #tpu.memory_space<vmem>>)
        tpu.yield
      }) : () -> ()
      %dma_start3A_50 = arith.constant 0 : i32
      %dma_start3A_51 = arith.constant 0 : i32
      %dma_start3A_52 = tpu.memref_slice %arg8[%dma_start3A_50, %dma_start3A_51] : memref<32x128xi32, #tpu.memory_space<vmem>> -> memref<1x128xi32, #tpu.memory_space<vmem>>
      %dma_start3A_53 = tpu.memref_squeeze %dma_start3A_52 : memref<1x128xi32, #tpu.memory_space<vmem>> -> memref<128xi32, #tpu.memory_space<vmem>>
      %dma_start3A_54 = arith.constant 0 : i32
      %dma_start3A_55 = arith.constant 0 : i32
      %dma_start3A_56 = tpu.memref_slice %arg2[%dma_start3A_54, %dma_start3A_55] : memref<10000x128xf32, #tpu.memory_space<hbm>> -> memref<10000x128xf32, #tpu.memory_space<hbm>>
      tpu.enqueue_indirect_dma source(%dma_start3A_56 : memref<10000x128xf32, #tpu.memory_space<hbm>>) target(%arg10 : memref<128x128xf32, #tpu.memory_space<vmem>>) offsets(%dma_start3A_53 : memref<128xi32, #tpu.memory_space<vmem>>) semaphore(%arg13 : memref<!tpu.dma_semaphore, #tpu.memory_space<semaphore_mem>>)
      %scan3A_57 = arith.constant 0 : i32
      %scan3A_58 = arith.constant 16 : i32
      %scan3A_59 = arith.addi %scan3A_57, %scan3A_58 : i32
      %scan3A_60 = arith.constant 1 : i32
      scf.for %scan3A_76 = %scan3A_57 to %scan3A_59 step %scan3A_60  : i32 {
        %mul3A_77 = arith.constant 2 : i32
        %mul3A_78 = arith.muli %scan3A_76, %mul3A_77 : i32
        %add3A_79 = arith.constant 0 : i32
        %add3A_80 = arith.addi %add3A_79, %mul3A_78 : i32
        %add3A_81 = arith.constant 1 : i32
        %add3A_82 = arith.addi %add3A_80, %add3A_81 : i32
        %dma_start3A_83 = arith.constant 0 : i32
        %dma_start3A_84 = tpu.memref_slice %arg8[%add3A_82, %dma_start3A_83] : memref<32x128xi32, #tpu.memory_space<vmem>> -> memref<1x128xi32, #tpu.memory_space<vmem>>
        %dma_start3A_85 = tpu.memref_squeeze %dma_start3A_84 : memref<1x128xi32, #tpu.memory_space<vmem>> -> memref<128xi32, #tpu.memory_space<vmem>>
        %dma_start3A_86 = arith.constant 0 : i32
        %dma_start3A_87 = arith.constant 0 : i32
        %dma_start3A_88 = tpu.memref_slice %arg2[%dma_start3A_86, %dma_start3A_87] : memref<10000x128xf32, #tpu.memory_space<hbm>> -> memref<10000x128xf32, #tpu.memory_space<hbm>>
        tpu.enqueue_indirect_dma source(%dma_start3A_88 : memref<10000x128xf32, #tpu.memory_space<hbm>>) target(%arg11 : memref<128x128xf32, #tpu.memory_space<vmem>>) offsets(%dma_start3A_85 : memref<128xi32, #tpu.memory_space<vmem>>) semaphore(%arg14 : memref<!tpu.dma_semaphore, #tpu.memory_space<semaphore_mem>>)
        %dma_wait3A = arith.constant 0 : i32
        %dma_wait3A_89 = tpu.memref_slice %arg8[%add3A_80, %dma_wait3A] : memref<32x128xi32, #tpu.memory_space<vmem>> -> memref<1x128xi32, #tpu.memory_space<vmem>>
        %dma_wait3A_90 = tpu.memref_squeeze %dma_wait3A_89 : memref<1x128xi32, #tpu.memory_space<vmem>> -> memref<128xi32, #tpu.memory_space<vmem>>
        %dma_wait3A_91 = arith.constant 0 : i32
        %dma_wait3A_92 = arith.constant 0 : i32
        %dma_wait3A_93 = tpu.memref_slice %arg2[%dma_wait3A_91, %dma_wait3A_92] : memref<10000x128xf32, #tpu.memory_space<hbm>> -> memref<10000x128xf32, #tpu.memory_space<hbm>>
        tpu.wait_indirect_dma semaphore(%arg13 : memref<!tpu.dma_semaphore, #tpu.memory_space<semaphore_mem>>) src(%dma_wait3A_93 : memref<10000x128xf32, #tpu.memory_space<hbm>>) dst(%arg10 : memref<128x128xf32, #tpu.memory_space<vmem>>)
        "tpu.region"() ({
          %run_scoped3A_110 = tpu.sem_alloc : memref<!tpu.dma_semaphore, #tpu.memory_space<semaphore_mem>>
          %dma_start3A_111 = arith.constant 0 : i32
          %dma_start3A_112 = tpu.memref_slice %arg9[%add3A_80, %dma_start3A_111] : memref<32x128xi32, #tpu.memory_space<vmem>> -> memref<1x128xi32, #tpu.memory_space<vmem>>
          %dma_start3A_113 = tpu.memref_squeeze %dma_start3A_112 : memref<1x128xi32, #tpu.memory_space<vmem>> -> memref<128xi32, #tpu.memory_space<vmem>>
          %dma_start3A_114 = arith.constant 0 : i32
          %dma_start3A_115 = arith.constant 0 : i32
          %dma_start3A_116 = tpu.memref_slice %arg12[%dma_start3A_114, %dma_start3A_115] : memref<10112x128xf32, #tpu.memory_space<vmem_shared>> -> memref<10112x128xf32, #tpu.memory_space<vmem_shared>>
          tpu.enqueue_indirect_dma source(%arg10 : memref<128x128xf32, #tpu.memory_space<vmem>>) target(%dma_start3A_116 : memref<10112x128xf32, #tpu.memory_space<vmem_shared>>) offsets(%dma_start3A_113 : memref<128xi32, #tpu.memory_space<vmem>>) semaphore(%run_scoped3A_110 : memref<!tpu.dma_semaphore, #tpu.memory_space<semaphore_mem>>) {add = true}
          %dma_wait3A_117 = arith.constant 0 : i32
          %dma_wait3A_118 = tpu.memref_slice %arg9[%add3A_80, %dma_wait3A_117] : memref<32x128xi32, #tpu.memory_space<vmem>> -> memref<1x128xi32, #tpu.memory_space<vmem>>
          %dma_wait3A_119 = tpu.memref_squeeze %dma_wait3A_118 : memref<1x128xi32, #tpu.memory_space<vmem>> -> memref<128xi32, #tpu.memory_space<vmem>>
          %dma_wait3A_120 = arith.constant 0 : i32
          %dma_wait3A_121 = arith.constant 0 : i32
          %dma_wait3A_122 = tpu.memref_slice %arg12[%dma_wait3A_120, %dma_wait3A_121] : memref<10112x128xf32, #tpu.memory_space<vmem_shared>> -> memref<10112x128xf32, #tpu.memory_space<vmem_shared>>
          tpu.wait_indirect_dma semaphore(%run_scoped3A_110 : memref<!tpu.dma_semaphore, #tpu.memory_space<semaphore_mem>>) src(%arg10 : memref<128x128xf32, #tpu.memory_space<vmem>>) dst(%dma_wait3A_122 : memref<10112x128xf32, #tpu.memory_space<vmem_shared>>)
          tpu.yield
        }) : () -> ()
        %add3A_94 = arith.constant 2 : i32
        %add3A_95 = arith.addi %add3A_80, %add3A_94 : i32
        %lt3A = arith.constant 32 : i32
        %lt3A_96 = arith.cmpi slt, %add3A_95, %lt3A : i32
        %convert_element_type3A_97 = arith.extui %lt3A_96 : i1 to i32
        %cond3A_98 = arith.constant 0 : i32
        %cond3A_99 = arith.cmpi ne, %convert_element_type3A_97, %cond3A_98 : i32
        scf.if %cond3A_99 {
          %add3A_110 = arith.constant 2 : i32
          %add3A_111 = arith.addi %add3A_80, %add3A_110 : i32
          %dma_start3A_112 = arith.constant 0 : i32
          %dma_start3A_113 = tpu.memref_slice %arg8[%add3A_111, %dma_start3A_112] : memref<32x128xi32, #tpu.memory_space<vmem>> -> memref<1x128xi32, #tpu.memory_space<vmem>>
          %dma_start3A_114 = tpu.memref_squeeze %dma_start3A_113 : memref<1x128xi32, #tpu.memory_space<vmem>> -> memref<128xi32, #tpu.memory_space<vmem>>
          %dma_start3A_115 = arith.constant 0 : i32
          %dma_start3A_116 = arith.constant 0 : i32
          %dma_start3A_117 = tpu.memref_slice %arg2[%dma_start3A_115, %dma_start3A_116] : memref<10000x128xf32, #tpu.memory_space<hbm>> -> memref<10000x128xf32, #tpu.memory_space<hbm>>
          tpu.enqueue_indirect_dma source(%dma_start3A_117 : memref<10000x128xf32, #tpu.memory_space<hbm>>) target(%arg10 : memref<128x128xf32, #tpu.memory_space<vmem>>) offsets(%dma_start3A_114 : memref<128xi32, #tpu.memory_space<vmem>>) semaphore(%arg13 : memref<!tpu.dma_semaphore, #tpu.memory_space<semaphore_mem>>)
        } else {
        }
        %add3A_100 = arith.constant 1 : i32
        %add3A_101 = arith.addi %add3A_80, %add3A_100 : i32
        %dma_wait3A_102 = arith.constant 0 : i32
        %dma_wait3A_103 = tpu.memref_slice %arg8[%add3A_101, %dma_wait3A_102] : memref<32x128xi32, #tpu.memory_space<vmem>> -> memref<1x128xi32, #tpu.memory_space<vmem>>
        %dma_wait3A_104 = tpu.memref_squeeze %dma_wait3A_103 : memref<1x128xi32, #tpu.memory_space<vmem>> -> memref<128xi32, #tpu.memory_space<vmem>>
        %dma_wait3A_105 = arith.constant 0 : i32
        %dma_wait3A_106 = arith.constant 0 : i32
        %dma_wait3A_107 = tpu.memref_slice %arg2[%dma_wait3A_105, %dma_wait3A_106] : memref<10000x128xf32, #tpu.memory_space<hbm>> -> memref<10000x128xf32, #tpu.memory_space<hbm>>
        tpu.wait_indirect_dma semaphore(%arg14 : memref<!tpu.dma_semaphore, #tpu.memory_space<semaphore_mem>>) src(%dma_wait3A_107 : memref<10000x128xf32, #tpu.memory_space<hbm>>) dst(%arg11 : memref<128x128xf32, #tpu.memory_space<vmem>>)
        %add3A_108 = arith.constant 1 : i32
        %add3A_109 = arith.addi %add3A_80, %add3A_108 : i32
        "tpu.region"() ({
          %run_scoped3A_110 = tpu.sem_alloc : memref<!tpu.dma_semaphore, #tpu.memory_space<semaphore_mem>>
          %dma_start3A_111 = arith.constant 0 : i32
          %dma_start3A_112 = tpu.memref_slice %arg9[%add3A_109, %dma_start3A_111] : memref<32x128xi32, #tpu.memory_space<vmem>> -> memref<1x128xi32, #tpu.memory_space<vmem>>
          %dma_start3A_113 = tpu.memref_squeeze %dma_start3A_112 : memref<1x128xi32, #tpu.memory_space<vmem>> -> memref<128xi32, #tpu.memory_space<vmem>>
          %dma_start3A_114 = arith.constant 0 : i32
          %dma_start3A_115 = arith.constant 0 : i32
          %dma_start3A_116 = tpu.memref_slice %arg12[%dma_start3A_114, %dma_start3A_115] : memref<10112x128xf32, #tpu.memory_space<vmem_shared>> -> memref<10112x128xf32, #tpu.memory_space<vmem_shared>>
          tpu.enqueue_indirect_dma source(%arg11 : memref<128x128xf32, #tpu.memory_space<vmem>>) target(%dma_start3A_116 : memref<10112x128xf32, #tpu.memory_space<vmem_shared>>) offsets(%dma_start3A_113 : memref<128xi32, #tpu.memory_space<vmem>>) semaphore(%run_scoped3A_110 : memref<!tpu.dma_semaphore, #tpu.memory_space<semaphore_mem>>) {add = true}
          %dma_wait3A_117 = arith.constant 0 : i32
          %dma_wait3A_118 = tpu.memref_slice %arg9[%add3A_109, %dma_wait3A_117] : memref<32x128xi32, #tpu.memory_space<vmem>> -> memref<1x128xi32, #tpu.memory_space<vmem>>
          %dma_wait3A_119 = tpu.memref_squeeze %dma_wait3A_118 : memref<1x128xi32, #tpu.memory_space<vmem>> -> memref<128xi32, #tpu.memory_space<vmem>>
          %dma_wait3A_120 = arith.constant 0 : i32
          %dma_wait3A_121 = arith.constant 0 : i32
          %dma_wait3A_122 = tpu.memref_slice %arg12[%dma_wait3A_120, %dma_wait3A_121] : memref<10112x128xf32, #tpu.memory_space<vmem_shared>> -> memref<10112x128xf32, #tpu.memory_space<vmem_shared>>
          tpu.wait_indirect_dma semaphore(%run_scoped3A_110 : memref<!tpu.dma_semaphore, #tpu.memory_space<semaphore_mem>>) src(%arg11 : memref<128x128xf32, #tpu.memory_space<vmem>>) dst(%dma_wait3A_122 : memref<10112x128xf32, #tpu.memory_space<vmem_shared>>)
          tpu.yield
        }) : () -> ()
      }
      %scan3A_61 = arith.constant 16 : i32
      %run_scoped3A_62 = arith.constant 3 : i32
      "tpu.region"() ({
        %run_scoped3A_76 = tpu.sem_alloc : memref<!tpu.dma_semaphore, #tpu.memory_space<semaphore_mem>>
        %dma_start3A_77 = arith.constant 0 : i32
        %dma_start3A_78 = arith.constant 0 : i32
        %dma_start3A_79 = tpu.memref_slice %arg3[%arg1, %run_scoped3A_62, %dma_start3A_77, %dma_start3A_78] : memref<16x4x32x128xi32, #tpu.memory_space<hbm>> -> memref<1x1x32x128xi32, #tpu.memory_space<hbm>>
        %dma_start3A_80 = tpu.memref_squeeze %dma_start3A_79 : memref<1x1x32x128xi32, #tpu.memory_space<hbm>> -> memref<32x128xi32, #tpu.memory_space<hbm>>
        %dma_start3A_81 = arith.constant 0 : i32
        %dma_start3A_82 = arith.constant 0 : i32
        %dma_start3A_83 = tpu.memref_slice %arg3[%arg1, %run_scoped3A_62, %dma_start3A_81, %dma_start3A_82] : memref<16x4x32x128xi32, #tpu.memory_space<hbm>> -> memref<1x1x32x128xi32, #tpu.memory_space<hbm>>
        %dma_start3A_84 = tpu.memref_squeeze %dma_start3A_83 : memref<1x1x32x128xi32, #tpu.memory_space<hbm>> -> memref<32x128xi32, #tpu.memory_space<hbm>>
        tpu.enqueue_dma source(%dma_start3A_84 : memref<32x128xi32, #tpu.memory_space<hbm>>) target(%arg8 : memref<32x128xi32, #tpu.memory_space<vmem>>) target_semaphore(%run_scoped3A_76 : memref<!tpu.dma_semaphore, #tpu.memory_space<semaphore_mem>>)
        %dma_wait3A = arith.constant 0 : i32
        %dma_wait3A_85 = arith.constant 0 : i32
        %dma_wait3A_86 = tpu.memref_slice %arg3[%arg1, %run_scoped3A_62, %dma_wait3A, %dma_wait3A_85] : memref<16x4x32x128xi32, #tpu.memory_space<hbm>> -> memref<1x1x32x128xi32, #tpu.memory_space<hbm>>
        %dma_wait3A_87 = tpu.memref_squeeze %dma_wait3A_86 : memref<1x1x32x128xi32, #tpu.memory_space<hbm>> -> memref<32x128xi32, #tpu.memory_space<hbm>>
        %dma_wait3A_88 = arith.constant 0 : i32
        %dma_wait3A_89 = arith.constant 0 : i32
        %dma_wait3A_90 = tpu.memref_slice %arg3[%arg1, %run_scoped3A_62, %dma_wait3A_88, %dma_wait3A_89] : memref<16x4x32x128xi32, #tpu.memory_space<hbm>> -> memref<1x1x32x128xi32, #tpu.memory_space<hbm>>
        %dma_wait3A_91 = tpu.memref_squeeze %dma_wait3A_90 : memref<1x1x32x128xi32, #tpu.memory_space<hbm>> -> memref<32x128xi32, #tpu.memory_space<hbm>>
        tpu.wait_dma2 semaphore(%run_scoped3A_76 : memref<!tpu.dma_semaphore, #tpu.memory_space<semaphore_mem>>) src(%dma_wait3A_91 : memref<32x128xi32, #tpu.memory_space<hbm>>) dst(%arg8 : memref<32x128xi32, #tpu.memory_space<vmem>>)
        tpu.yield
      }) : () -> ()
      %run_scoped3A_63 = arith.constant 3 : i32
      "tpu.region"() ({
        %run_scoped3A_76 = tpu.sem_alloc : memref<!tpu.dma_semaphore, #tpu.memory_space<semaphore_mem>>
        %dma_start3A_77 = arith.constant 0 : i32
        %dma_start3A_78 = arith.constant 0 : i32
        %dma_start3A_79 = tpu.memref_slice %arg4[%arg1, %run_scoped3A_63, %dma_start3A_77, %dma_start3A_78] : memref<16x4x32x128xi32, #tpu.memory_space<hbm>> -> memref<1x1x32x128xi32, #tpu.memory_space<hbm>>
        %dma_start3A_80 = tpu.memref_squeeze %dma_start3A_79 : memref<1x1x32x128xi32, #tpu.memory_space<hbm>> -> memref<32x128xi32, #tpu.memory_space<hbm>>
        %dma_start3A_81 = arith.constant 0 : i32
        %dma_start3A_82 = arith.constant 0 : i32
        %dma_start3A_83 = tpu.memref_slice %arg4[%arg1, %run_scoped3A_63, %dma_start3A_81, %dma_start3A_82] : memref<16x4x32x128xi32, #tpu.memory_space<hbm>> -> memref<1x1x32x128xi32, #tpu.memory_space<hbm>>
        %dma_start3A_84 = tpu.memref_squeeze %dma_start3A_83 : memref<1x1x32x128xi32, #tpu.memory_space<hbm>> -> memref<32x128xi32, #tpu.memory_space<hbm>>
        tpu.enqueue_dma source(%dma_start3A_84 : memref<32x128xi32, #tpu.memory_space<hbm>>) target(%arg9 : memref<32x128xi32, #tpu.memory_space<vmem>>) target_semaphore(%run_scoped3A_76 : memref<!tpu.dma_semaphore, #tpu.memory_space<semaphore_mem>>)
        %dma_wait3A = arith.constant 0 : i32
        %dma_wait3A_85 = arith.constant 0 : i32
        %dma_wait3A_86 = tpu.memref_slice %arg4[%arg1, %run_scoped3A_63, %dma_wait3A, %dma_wait3A_85] : memref<16x4x32x128xi32, #tpu.memory_space<hbm>> -> memref<1x1x32x128xi32, #tpu.memory_space<hbm>>
        %dma_wait3A_87 = tpu.memref_squeeze %dma_wait3A_86 : memref<1x1x32x128xi32, #tpu.memory_space<hbm>> -> memref<32x128xi32, #tpu.memory_space<hbm>>
        %dma_wait3A_88 = arith.constant 0 : i32
        %dma_wait3A_89 = arith.constant 0 : i32
        %dma_wait3A_90 = tpu.memref_slice %arg4[%arg1, %run_scoped3A_63, %dma_wait3A_88, %dma_wait3A_89] : memref<16x4x32x128xi32, #tpu.memory_space<hbm>> -> memref<1x1x32x128xi32, #tpu.memory_space<hbm>>
        %dma_wait3A_91 = tpu.memref_squeeze %dma_wait3A_90 : memref<1x1x32x128xi32, #tpu.memory_space<hbm>> -> memref<32x128xi32, #tpu.memory_space<hbm>>
        tpu.wait_dma2 semaphore(%run_scoped3A_76 : memref<!tpu.dma_semaphore, #tpu.memory_space<semaphore_mem>>) src(%dma_wait3A_91 : memref<32x128xi32, #tpu.memory_space<hbm>>) dst(%arg9 : memref<32x128xi32, #tpu.memory_space<vmem>>)
        tpu.yield
      }) : () -> ()
      %dma_start3A_64 = arith.constant 0 : i32
      %dma_start3A_65 = arith.constant 0 : i32
      %dma_start3A_66 = tpu.memref_slice %arg8[%dma_start3A_64, %dma_start3A_65] : memref<32x128xi32, #tpu.memory_space<vmem>> -> memref<1x128xi32, #tpu.memory_space<vmem>>
      %dma_start3A_67 = tpu.memref_squeeze %dma_start3A_66 : memref<1x128xi32, #tpu.memory_space<vmem>> -> memref<128xi32, #tpu.memory_space<vmem>>
      %dma_start3A_68 = arith.constant 0 : i32
      %dma_start3A_69 = arith.constant 0 : i32
      %dma_start3A_70 = tpu.memref_slice %arg2[%dma_start3A_68, %dma_start3A_69] : memref<10000x128xf32, #tpu.memory_space<hbm>> -> memref<10000x128xf32, #tpu.memory_space<hbm>>
      tpu.enqueue_indirect_dma source(%dma_start3A_70 : memref<10000x128xf32, #tpu.memory_space<hbm>>) target(%arg10 : memref<128x128xf32, #tpu.memory_space<vmem>>) offsets(%dma_start3A_67 : memref<128xi32, #tpu.memory_space<vmem>>) semaphore(%arg13 : memref<!tpu.dma_semaphore, #tpu.memory_space<semaphore_mem>>)
      %scan3A_71 = arith.constant 0 : i32
      %scan3A_72 = arith.constant 16 : i32
      %scan3A_73 = arith.addi %scan3A_71, %scan3A_72 : i32
      %scan3A_74 = arith.constant 1 : i32
      scf.for %scan3A_76 = %scan3A_71 to %scan3A_73 step %scan3A_74  : i32 {
        %mul3A_77 = arith.constant 2 : i32
        %mul3A_78 = arith.muli %scan3A_76, %mul3A_77 : i32
        %add3A_79 = arith.constant 0 : i32
        %add3A_80 = arith.addi %add3A_79, %mul3A_78 : i32
        %add3A_81 = arith.constant 1 : i32
        %add3A_82 = arith.addi %add3A_80, %add3A_81 : i32
        %dma_start3A_83 = arith.constant 0 : i32
        %dma_start3A_84 = tpu.memref_slice %arg8[%add3A_82, %dma_start3A_83] : memref<32x128xi32, #tpu.memory_space<vmem>> -> memref<1x128xi32, #tpu.memory_space<vmem>>
        %dma_start3A_85 = tpu.memref_squeeze %dma_start3A_84 : memref<1x128xi32, #tpu.memory_space<vmem>> -> memref<128xi32, #tpu.memory_space<vmem>>
        %dma_start3A_86 = arith.constant 0 : i32
        %dma_start3A_87 = arith.constant 0 : i32
        %dma_start3A_88 = tpu.memref_slice %arg2[%dma_start3A_86, %dma_start3A_87] : memref<10000x128xf32, #tpu.memory_space<hbm>> -> memref<10000x128xf32, #tpu.memory_space<hbm>>
        tpu.enqueue_indirect_dma source(%dma_start3A_88 : memref<10000x128xf32, #tpu.memory_space<hbm>>) target(%arg11 : memref<128x128xf32, #tpu.memory_space<vmem>>) offsets(%dma_start3A_85 : memref<128xi32, #tpu.memory_space<vmem>>) semaphore(%arg14 : memref<!tpu.dma_semaphore, #tpu.memory_space<semaphore_mem>>)
        %dma_wait3A = arith.constant 0 : i32
        %dma_wait3A_89 = tpu.memref_slice %arg8[%add3A_80, %dma_wait3A] : memref<32x128xi32, #tpu.memory_space<vmem>> -> memref<1x128xi32, #tpu.memory_space<vmem>>
        %dma_wait3A_90 = tpu.memref_squeeze %dma_wait3A_89 : memref<1x128xi32, #tpu.memory_space<vmem>> -> memref<128xi32, #tpu.memory_space<vmem>>
        %dma_wait3A_91 = arith.constant 0 : i32
        %dma_wait3A_92 = arith.constant 0 : i32
        %dma_wait3A_93 = tpu.memref_slice %arg2[%dma_wait3A_91, %dma_wait3A_92] : memref<10000x128xf32, #tpu.memory_space<hbm>> -> memref<10000x128xf32, #tpu.memory_space<hbm>>
        tpu.wait_indirect_dma semaphore(%arg13 : memref<!tpu.dma_semaphore, #tpu.memory_space<semaphore_mem>>) src(%dma_wait3A_93 : memref<10000x128xf32, #tpu.memory_space<hbm>>) dst(%arg10 : memref<128x128xf32, #tpu.memory_space<vmem>>)
        "tpu.region"() ({
          %run_scoped3A_110 = tpu.sem_alloc : memref<!tpu.dma_semaphore, #tpu.memory_space<semaphore_mem>>
          %dma_start3A_111 = arith.constant 0 : i32
          %dma_start3A_112 = tpu.memref_slice %arg9[%add3A_80, %dma_start3A_111] : memref<32x128xi32, #tpu.memory_space<vmem>> -> memref<1x128xi32, #tpu.memory_space<vmem>>
          %dma_start3A_113 = tpu.memref_squeeze %dma_start3A_112 : memref<1x128xi32, #tpu.memory_space<vmem>> -> memref<128xi32, #tpu.memory_space<vmem>>
          %dma_start3A_114 = arith.constant 0 : i32
          %dma_start3A_115 = arith.constant 0 : i32
          %dma_start3A_116 = tpu.memref_slice %arg12[%dma_start3A_114, %dma_start3A_115] : memref<10112x128xf32, #tpu.memory_space<vmem_shared>> -> memref<10112x128xf32, #tpu.memory_space<vmem_shared>>
          tpu.enqueue_indirect_dma source(%arg10 : memref<128x128xf32, #tpu.memory_space<vmem>>) target(%dma_start3A_116 : memref<10112x128xf32, #tpu.memory_space<vmem_shared>>) offsets(%dma_start3A_113 : memref<128xi32, #tpu.memory_space<vmem>>) semaphore(%run_scoped3A_110 : memref<!tpu.dma_semaphore, #tpu.memory_space<semaphore_mem>>) {add = true}
          %dma_wait3A_117 = arith.constant 0 : i32
          %dma_wait3A_118 = tpu.memref_slice %arg9[%add3A_80, %dma_wait3A_117] : memref<32x128xi32, #tpu.memory_space<vmem>> -> memref<1x128xi32, #tpu.memory_space<vmem>>
          %dma_wait3A_119 = tpu.memref_squeeze %dma_wait3A_118 : memref<1x128xi32, #tpu.memory_space<vmem>> -> memref<128xi32, #tpu.memory_space<vmem>>
          %dma_wait3A_120 = arith.constant 0 : i32
          %dma_wait3A_121 = arith.constant 0 : i32
          %dma_wait3A_122 = tpu.memref_slice %arg12[%dma_wait3A_120, %dma_wait3A_121] : memref<10112x128xf32, #tpu.memory_space<vmem_shared>> -> memref<10112x128xf32, #tpu.memory_space<vmem_shared>>
          tpu.wait_indirect_dma semaphore(%run_scoped3A_110 : memref<!tpu.dma_semaphore, #tpu.memory_space<semaphore_mem>>) src(%arg10 : memref<128x128xf32, #tpu.memory_space<vmem>>) dst(%dma_wait3A_122 : memref<10112x128xf32, #tpu.memory_space<vmem_shared>>)
          tpu.yield
        }) : () -> ()
        %add3A_94 = arith.constant 2 : i32
        %add3A_95 = arith.addi %add3A_80, %add3A_94 : i32
        %lt3A = arith.constant 32 : i32
        %lt3A_96 = arith.cmpi slt, %add3A_95, %lt3A : i32
        %convert_element_type3A_97 = arith.extui %lt3A_96 : i1 to i32
        %cond3A_98 = arith.constant 0 : i32
        %cond3A_99 = arith.cmpi ne, %convert_element_type3A_97, %cond3A_98 : i32
        scf.if %cond3A_99 {
          %add3A_110 = arith.constant 2 : i32
          %add3A_111 = arith.addi %add3A_80, %add3A_110 : i32
          %dma_start3A_112 = arith.constant 0 : i32
          %dma_start3A_113 = tpu.memref_slice %arg8[%add3A_111, %dma_start3A_112] : memref<32x128xi32, #tpu.memory_space<vmem>> -> memref<1x128xi32, #tpu.memory_space<vmem>>
          %dma_start3A_114 = tpu.memref_squeeze %dma_start3A_113 : memref<1x128xi32, #tpu.memory_space<vmem>> -> memref<128xi32, #tpu.memory_space<vmem>>
          %dma_start3A_115 = arith.constant 0 : i32
          %dma_start3A_116 = arith.constant 0 : i32
          %dma_start3A_117 = tpu.memref_slice %arg2[%dma_start3A_115, %dma_start3A_116] : memref<10000x128xf32, #tpu.memory_space<hbm>> -> memref<10000x128xf32, #tpu.memory_space<hbm>>
          tpu.enqueue_indirect_dma source(%dma_start3A_117 : memref<10000x128xf32, #tpu.memory_space<hbm>>) target(%arg10 : memref<128x128xf32, #tpu.memory_space<vmem>>) offsets(%dma_start3A_114 : memref<128xi32, #tpu.memory_space<vmem>>) semaphore(%arg13 : memref<!tpu.dma_semaphore, #tpu.memory_space<semaphore_mem>>)
        } else {
        }
        %add3A_100 = arith.constant 1 : i32
        %add3A_101 = arith.addi %add3A_80, %add3A_100 : i32
        %dma_wait3A_102 = arith.constant 0 : i32
        %dma_wait3A_103 = tpu.memref_slice %arg8[%add3A_101, %dma_wait3A_102] : memref<32x128xi32, #tpu.memory_space<vmem>> -> memref<1x128xi32, #tpu.memory_space<vmem>>
        %dma_wait3A_104 = tpu.memref_squeeze %dma_wait3A_103 : memref<1x128xi32, #tpu.memory_space<vmem>> -> memref<128xi32, #tpu.memory_space<vmem>>
        %dma_wait3A_105 = arith.constant 0 : i32
        %dma_wait3A_106 = arith.constant 0 : i32
        %dma_wait3A_107 = tpu.memref_slice %arg2[%dma_wait3A_105, %dma_wait3A_106] : memref<10000x128xf32, #tpu.memory_space<hbm>> -> memref<10000x128xf32, #tpu.memory_space<hbm>>
        tpu.wait_indirect_dma semaphore(%arg14 : memref<!tpu.dma_semaphore, #tpu.memory_space<semaphore_mem>>) src(%dma_wait3A_107 : memref<10000x128xf32, #tpu.memory_space<hbm>>) dst(%arg11 : memref<128x128xf32, #tpu.memory_space<vmem>>)
        %add3A_108 = arith.constant 1 : i32
        %add3A_109 = arith.addi %add3A_80, %add3A_108 : i32
        "tpu.region"() ({
          %run_scoped3A_110 = tpu.sem_alloc : memref<!tpu.dma_semaphore, #tpu.memory_space<semaphore_mem>>
          %dma_start3A_111 = arith.constant 0 : i32
          %dma_start3A_112 = tpu.memref_slice %arg9[%add3A_109, %dma_start3A_111] : memref<32x128xi32, #tpu.memory_space<vmem>> -> memref<1x128xi32, #tpu.memory_space<vmem>>
          %dma_start3A_113 = tpu.memref_squeeze %dma_start3A_112 : memref<1x128xi32, #tpu.memory_space<vmem>> -> memref<128xi32, #tpu.memory_space<vmem>>
          %dma_start3A_114 = arith.constant 0 : i32
          %dma_start3A_115 = arith.constant 0 : i32
          %dma_start3A_116 = tpu.memref_slice %arg12[%dma_start3A_114, %dma_start3A_115] : memref<10112x128xf32, #tpu.memory_space<vmem_shared>> -> memref<10112x128xf32, #tpu.memory_space<vmem_shared>>
          tpu.enqueue_indirect_dma source(%arg11 : memref<128x128xf32, #tpu.memory_space<vmem>>) target(%dma_start3A_116 : memref<10112x128xf32, #tpu.memory_space<vmem_shared>>) offsets(%dma_start3A_113 : memref<128xi32, #tpu.memory_space<vmem>>) semaphore(%run_scoped3A_110 : memref<!tpu.dma_semaphore, #tpu.memory_space<semaphore_mem>>) {add = true}
          %dma_wait3A_117 = arith.constant 0 : i32
          %dma_wait3A_118 = tpu.memref_slice %arg9[%add3A_109, %dma_wait3A_117] : memref<32x128xi32, #tpu.memory_space<vmem>> -> memref<1x128xi32, #tpu.memory_space<vmem>>
          %dma_wait3A_119 = tpu.memref_squeeze %dma_wait3A_118 : memref<1x128xi32, #tpu.memory_space<vmem>> -> memref<128xi32, #tpu.memory_space<vmem>>
          %dma_wait3A_120 = arith.constant 0 : i32
          %dma_wait3A_121 = arith.constant 0 : i32
          %dma_wait3A_122 = tpu.memref_slice %arg12[%dma_wait3A_120, %dma_wait3A_121] : memref<10112x128xf32, #tpu.memory_space<vmem_shared>> -> memref<10112x128xf32, #tpu.memory_space<vmem_shared>>
          tpu.wait_indirect_dma semaphore(%run_scoped3A_110 : memref<!tpu.dma_semaphore, #tpu.memory_space<semaphore_mem>>) src(%arg11 : memref<128x128xf32, #tpu.memory_space<vmem>>) dst(%dma_wait3A_122 : memref<10112x128xf32, #tpu.memory_space<vmem_shared>>)
          tpu.yield
        }) : () -> ()
      }
      %scan3A_75 = arith.constant 16 : i32
    } else {
    }
    %eq3A_13 = arith.constant 1 : i32
    %eq3A_14 = arith.cmpi eq, %arg0, %eq3A_13 : i32
    %convert_element_type3A_15 = arith.extui %eq3A_14 : i1 to i32
    %cond3A_16 = arith.constant 0 : i32
    %cond3A_17 = arith.cmpi ne, %convert_element_type3A_15, %cond3A_16 : i32
    scf.if %cond3A_17 {
      %run_scoped3A = arith.constant 0 : i32
      "tpu.region"() ({
        %run_scoped3A_34 = tpu.sem_alloc : memref<!tpu.dma_semaphore, #tpu.memory_space<semaphore_mem>>
        %dma_start3A_35 = arith.constant 0 : i32
        %dma_start3A_36 = arith.constant 0 : i32
        %dma_start3A_37 = tpu.memref_slice %arg5[%arg1, %run_scoped3A, %dma_start3A_35, %dma_start3A_36] : memref<16x1x32x128xi32, #tpu.memory_space<hbm>> -> memref<1x1x32x128xi32, #tpu.memory_space<hbm>>
        %dma_start3A_38 = tpu.memref_squeeze %dma_start3A_37 : memref<1x1x32x128xi32, #tpu.memory_space<hbm>> -> memref<32x128xi32, #tpu.memory_space<hbm>>
        %dma_start3A_39 = arith.constant 0 : i32
        %dma_start3A_40 = arith.constant 0 : i32
        %dma_start3A_41 = tpu.memref_slice %arg5[%arg1, %run_scoped3A, %dma_start3A_39, %dma_start3A_40] : memref<16x1x32x128xi32, #tpu.memory_space<hbm>> -> memref<1x1x32x128xi32, #tpu.memory_space<hbm>>
        %dma_start3A_42 = tpu.memref_squeeze %dma_start3A_41 : memref<1x1x32x128xi32, #tpu.memory_space<hbm>> -> memref<32x128xi32, #tpu.memory_space<hbm>>
        tpu.enqueue_dma source(%dma_start3A_42 : memref<32x128xi32, #tpu.memory_space<hbm>>) target(%arg8 : memref<32x128xi32, #tpu.memory_space<vmem>>) target_semaphore(%run_scoped3A_34 : memref<!tpu.dma_semaphore, #tpu.memory_space<semaphore_mem>>)
        %dma_wait3A = arith.constant 0 : i32
        %dma_wait3A_43 = arith.constant 0 : i32
        %dma_wait3A_44 = tpu.memref_slice %arg5[%arg1, %run_scoped3A, %dma_wait3A, %dma_wait3A_43] : memref<16x1x32x128xi32, #tpu.memory_space<hbm>> -> memref<1x1x32x128xi32, #tpu.memory_space<hbm>>
        %dma_wait3A_45 = tpu.memref_squeeze %dma_wait3A_44 : memref<1x1x32x128xi32, #tpu.memory_space<hbm>> -> memref<32x128xi32, #tpu.memory_space<hbm>>
        %dma_wait3A_46 = arith.constant 0 : i32
        %dma_wait3A_47 = arith.constant 0 : i32
        %dma_wait3A_48 = tpu.memref_slice %arg5[%arg1, %run_scoped3A, %dma_wait3A_46, %dma_wait3A_47] : memref<16x1x32x128xi32, #tpu.memory_space<hbm>> -> memref<1x1x32x128xi32, #tpu.memory_space<hbm>>
        %dma_wait3A_49 = tpu.memref_squeeze %dma_wait3A_48 : memref<1x1x32x128xi32, #tpu.memory_space<hbm>> -> memref<32x128xi32, #tpu.memory_space<hbm>>
        tpu.wait_dma2 semaphore(%run_scoped3A_34 : memref<!tpu.dma_semaphore, #tpu.memory_space<semaphore_mem>>) src(%dma_wait3A_49 : memref<32x128xi32, #tpu.memory_space<hbm>>) dst(%arg8 : memref<32x128xi32, #tpu.memory_space<vmem>>)
        tpu.yield
      }) : () -> ()
      %run_scoped3A_22 = arith.constant 0 : i32
      "tpu.region"() ({
        %run_scoped3A_34 = tpu.sem_alloc : memref<!tpu.dma_semaphore, #tpu.memory_space<semaphore_mem>>
        %dma_start3A_35 = arith.constant 0 : i32
        %dma_start3A_36 = arith.constant 0 : i32
        %dma_start3A_37 = tpu.memref_slice %arg6[%arg1, %run_scoped3A_22, %dma_start3A_35, %dma_start3A_36] : memref<16x1x32x128xi32, #tpu.memory_space<hbm>> -> memref<1x1x32x128xi32, #tpu.memory_space<hbm>>
        %dma_start3A_38 = tpu.memref_squeeze %dma_start3A_37 : memref<1x1x32x128xi32, #tpu.memory_space<hbm>> -> memref<32x128xi32, #tpu.memory_space<hbm>>
        %dma_start3A_39 = arith.constant 0 : i32
        %dma_start3A_40 = arith.constant 0 : i32
        %dma_start3A_41 = tpu.memref_slice %arg6[%arg1, %run_scoped3A_22, %dma_start3A_39, %dma_start3A_40] : memref<16x1x32x128xi32, #tpu.memory_space<hbm>> -> memref<1x1x32x128xi32, #tpu.memory_space<hbm>>
        %dma_start3A_42 = tpu.memref_squeeze %dma_start3A_41 : memref<1x1x32x128xi32, #tpu.memory_space<hbm>> -> memref<32x128xi32, #tpu.memory_space<hbm>>
        tpu.enqueue_dma source(%dma_start3A_42 : memref<32x128xi32, #tpu.memory_space<hbm>>) target(%arg9 : memref<32x128xi32, #tpu.memory_space<vmem>>) target_semaphore(%run_scoped3A_34 : memref<!tpu.dma_semaphore, #tpu.memory_space<semaphore_mem>>)
        %dma_wait3A = arith.constant 0 : i32
        %dma_wait3A_43 = arith.constant 0 : i32
        %dma_wait3A_44 = tpu.memref_slice %arg6[%arg1, %run_scoped3A_22, %dma_wait3A, %dma_wait3A_43] : memref<16x1x32x128xi32, #tpu.memory_space<hbm>> -> memref<1x1x32x128xi32, #tpu.memory_space<hbm>>
        %dma_wait3A_45 = tpu.memref_squeeze %dma_wait3A_44 : memref<1x1x32x128xi32, #tpu.memory_space<hbm>> -> memref<32x128xi32, #tpu.memory_space<hbm>>
        %dma_wait3A_46 = arith.constant 0 : i32
        %dma_wait3A_47 = arith.constant 0 : i32
        %dma_wait3A_48 = tpu.memref_slice %arg6[%arg1, %run_scoped3A_22, %dma_wait3A_46, %dma_wait3A_47] : memref<16x1x32x128xi32, #tpu.memory_space<hbm>> -> memref<1x1x32x128xi32, #tpu.memory_space<hbm>>
        %dma_wait3A_49 = tpu.memref_squeeze %dma_wait3A_48 : memref<1x1x32x128xi32, #tpu.memory_space<hbm>> -> memref<32x128xi32, #tpu.memory_space<hbm>>
        tpu.wait_dma2 semaphore(%run_scoped3A_34 : memref<!tpu.dma_semaphore, #tpu.memory_space<semaphore_mem>>) src(%dma_wait3A_49 : memref<32x128xi32, #tpu.memory_space<hbm>>) dst(%arg9 : memref<32x128xi32, #tpu.memory_space<vmem>>)
        tpu.yield
      }) : () -> ()
      %dma_start3A = arith.constant 0 : i32
      %dma_start3A_23 = arith.constant 0 : i32
      %dma_start3A_24 = tpu.memref_slice %arg8[%dma_start3A, %dma_start3A_23] : memref<32x128xi32, #tpu.memory_space<vmem>> -> memref<1x128xi32, #tpu.memory_space<vmem>>
      %dma_start3A_25 = tpu.memref_squeeze %dma_start3A_24 : memref<1x128xi32, #tpu.memory_space<vmem>> -> memref<128xi32, #tpu.memory_space<vmem>>
      %dma_start3A_26 = arith.constant 0 : i32
      %dma_start3A_27 = arith.constant 0 : i32
      %dma_start3A_28 = tpu.memref_slice %arg2[%dma_start3A_26, %dma_start3A_27] : memref<10000x128xf32, #tpu.memory_space<hbm>> -> memref<10000x128xf32, #tpu.memory_space<hbm>>
      tpu.enqueue_indirect_dma source(%dma_start3A_28 : memref<10000x128xf32, #tpu.memory_space<hbm>>) target(%arg10 : memref<128x128xf32, #tpu.memory_space<vmem>>) offsets(%dma_start3A_25 : memref<128xi32, #tpu.memory_space<vmem>>) semaphore(%arg13 : memref<!tpu.dma_semaphore, #tpu.memory_space<semaphore_mem>>)
      %scan3A_29 = arith.constant 0 : i32
      %scan3A_30 = arith.constant 16 : i32
      %scan3A_31 = arith.addi %scan3A_29, %scan3A_30 : i32
      %scan3A_32 = arith.constant 1 : i32
      scf.for %scan3A_34 = %scan3A_29 to %scan3A_31 step %scan3A_32  : i32 {
        %mul3A_35 = arith.constant 2 : i32
        %mul3A_36 = arith.muli %scan3A_34, %mul3A_35 : i32
        %add3A_37 = arith.constant 0 : i32
        %add3A_38 = arith.addi %add3A_37, %mul3A_36 : i32
        %add3A_39 = arith.constant 1 : i32
        %add3A_40 = arith.addi %add3A_38, %add3A_39 : i32
        %dma_start3A_41 = arith.constant 0 : i32
        %dma_start3A_42 = tpu.memref_slice %arg8[%add3A_40, %dma_start3A_41] : memref<32x128xi32, #tpu.memory_space<vmem>> -> memref<1x128xi32, #tpu.memory_space<vmem>>
        %dma_start3A_43 = tpu.memref_squeeze %dma_start3A_42 : memref<1x128xi32, #tpu.memory_space<vmem>> -> memref<128xi32, #tpu.memory_space<vmem>>
        %dma_start3A_44 = arith.constant 0 : i32
        %dma_start3A_45 = arith.constant 0 : i32
        %dma_start3A_46 = tpu.memref_slice %arg2[%dma_start3A_44, %dma_start3A_45] : memref<10000x128xf32, #tpu.memory_space<hbm>> -> memref<10000x128xf32, #tpu.memory_space<hbm>>
        tpu.enqueue_indirect_dma source(%dma_start3A_46 : memref<10000x128xf32, #tpu.memory_space<hbm>>) target(%arg11 : memref<128x128xf32, #tpu.memory_space<vmem>>) offsets(%dma_start3A_43 : memref<128xi32, #tpu.memory_space<vmem>>) semaphore(%arg14 : memref<!tpu.dma_semaphore, #tpu.memory_space<semaphore_mem>>)
        %dma_wait3A = arith.constant 0 : i32
        %dma_wait3A_47 = tpu.memref_slice %arg8[%add3A_38, %dma_wait3A] : memref<32x128xi32, #tpu.memory_space<vmem>> -> memref<1x128xi32, #tpu.memory_space<vmem>>
        %dma_wait3A_48 = tpu.memref_squeeze %dma_wait3A_47 : memref<1x128xi32, #tpu.memory_space<vmem>> -> memref<128xi32, #tpu.memory_space<vmem>>
        %dma_wait3A_49 = arith.constant 0 : i32
        %dma_wait3A_50 = arith.constant 0 : i32
        %dma_wait3A_51 = tpu.memref_slice %arg2[%dma_wait3A_49, %dma_wait3A_50] : memref<10000x128xf32, #tpu.memory_space<hbm>> -> memref<10000x128xf32, #tpu.memory_space<hbm>>
        tpu.wait_indirect_dma semaphore(%arg13 : memref<!tpu.dma_semaphore, #tpu.memory_space<semaphore_mem>>) src(%dma_wait3A_51 : memref<10000x128xf32, #tpu.memory_space<hbm>>) dst(%arg10 : memref<128x128xf32, #tpu.memory_space<vmem>>)
        "tpu.region"() ({
          %run_scoped3A_68 = tpu.sem_alloc : memref<!tpu.dma_semaphore, #tpu.memory_space<semaphore_mem>>
          %dma_start3A_69 = arith.constant 0 : i32
          %dma_start3A_70 = tpu.memref_slice %arg9[%add3A_38, %dma_start3A_69] : memref<32x128xi32, #tpu.memory_space<vmem>> -> memref<1x128xi32, #tpu.memory_space<vmem>>
          %dma_start3A_71 = tpu.memref_squeeze %dma_start3A_70 : memref<1x128xi32, #tpu.memory_space<vmem>> -> memref<128xi32, #tpu.memory_space<vmem>>
          %dma_start3A_72 = arith.constant 0 : i32
          %dma_start3A_73 = arith.constant 0 : i32
          %dma_start3A_74 = tpu.memref_slice %arg12[%dma_start3A_72, %dma_start3A_73] : memref<10112x128xf32, #tpu.memory_space<vmem_shared>> -> memref<10112x128xf32, #tpu.memory_space<vmem_shared>>
          tpu.enqueue_indirect_dma source(%arg10 : memref<128x128xf32, #tpu.memory_space<vmem>>) target(%dma_start3A_74 : memref<10112x128xf32, #tpu.memory_space<vmem_shared>>) offsets(%dma_start3A_71 : memref<128xi32, #tpu.memory_space<vmem>>) semaphore(%run_scoped3A_68 : memref<!tpu.dma_semaphore, #tpu.memory_space<semaphore_mem>>) {add = true}
          %dma_wait3A_75 = arith.constant 0 : i32
          %dma_wait3A_76 = tpu.memref_slice %arg9[%add3A_38, %dma_wait3A_75] : memref<32x128xi32, #tpu.memory_space<vmem>> -> memref<1x128xi32, #tpu.memory_space<vmem>>
          %dma_wait3A_77 = tpu.memref_squeeze %dma_wait3A_76 : memref<1x128xi32, #tpu.memory_space<vmem>> -> memref<128xi32, #tpu.memory_space<vmem>>
          %dma_wait3A_78 = arith.constant 0 : i32
          %dma_wait3A_79 = arith.constant 0 : i32
          %dma_wait3A_80 = tpu.memref_slice %arg12[%dma_wait3A_78, %dma_wait3A_79] : memref<10112x128xf32, #tpu.memory_space<vmem_shared>> -> memref<10112x128xf32, #tpu.memory_space<vmem_shared>>
          tpu.wait_indirect_dma semaphore(%run_scoped3A_68 : memref<!tpu.dma_semaphore, #tpu.memory_space<semaphore_mem>>) src(%arg10 : memref<128x128xf32, #tpu.memory_space<vmem>>) dst(%dma_wait3A_80 : memref<10112x128xf32, #tpu.memory_space<vmem_shared>>)
          tpu.yield
        }) : () -> ()
        %add3A_52 = arith.constant 2 : i32
        %add3A_53 = arith.addi %add3A_38, %add3A_52 : i32
        %lt3A = arith.constant 32 : i32
        %lt3A_54 = arith.cmpi slt, %add3A_53, %lt3A : i32
        %convert_element_type3A_55 = arith.extui %lt3A_54 : i1 to i32
        %cond3A_56 = arith.constant 0 : i32
        %cond3A_57 = arith.cmpi ne, %convert_element_type3A_55, %cond3A_56 : i32
        scf.if %cond3A_57 {
          %add3A_68 = arith.constant 2 : i32
          %add3A_69 = arith.addi %add3A_38, %add3A_68 : i32
          %dma_start3A_70 = arith.constant 0 : i32
          %dma_start3A_71 = tpu.memref_slice %arg8[%add3A_69, %dma_start3A_70] : memref<32x128xi32, #tpu.memory_space<vmem>> -> memref<1x128xi32, #tpu.memory_space<vmem>>
          %dma_start3A_72 = tpu.memref_squeeze %dma_start3A_71 : memref<1x128xi32, #tpu.memory_space<vmem>> -> memref<128xi32, #tpu.memory_space<vmem>>
          %dma_start3A_73 = arith.constant 0 : i32
          %dma_start3A_74 = arith.constant 0 : i32
          %dma_start3A_75 = tpu.memref_slice %arg2[%dma_start3A_73, %dma_start3A_74] : memref<10000x128xf32, #tpu.memory_space<hbm>> -> memref<10000x128xf32, #tpu.memory_space<hbm>>
          tpu.enqueue_indirect_dma source(%dma_start3A_75 : memref<10000x128xf32, #tpu.memory_space<hbm>>) target(%arg10 : memref<128x128xf32, #tpu.memory_space<vmem>>) offsets(%dma_start3A_72 : memref<128xi32, #tpu.memory_space<vmem>>) semaphore(%arg13 : memref<!tpu.dma_semaphore, #tpu.memory_space<semaphore_mem>>)
        } else {
        }
        %add3A_58 = arith.constant 1 : i32
        %add3A_59 = arith.addi %add3A_38, %add3A_58 : i32
        %dma_wait3A_60 = arith.constant 0 : i32
        %dma_wait3A_61 = tpu.memref_slice %arg8[%add3A_59, %dma_wait3A_60] : memref<32x128xi32, #tpu.memory_space<vmem>> -> memref<1x128xi32, #tpu.memory_space<vmem>>
        %dma_wait3A_62 = tpu.memref_squeeze %dma_wait3A_61 : memref<1x128xi32, #tpu.memory_space<vmem>> -> memref<128xi32, #tpu.memory_space<vmem>>
        %dma_wait3A_63 = arith.constant 0 : i32
        %dma_wait3A_64 = arith.constant 0 : i32
        %dma_wait3A_65 = tpu.memref_slice %arg2[%dma_wait3A_63, %dma_wait3A_64] : memref<10000x128xf32, #tpu.memory_space<hbm>> -> memref<10000x128xf32, #tpu.memory_space<hbm>>
        tpu.wait_indirect_dma semaphore(%arg14 : memref<!tpu.dma_semaphore, #tpu.memory_space<semaphore_mem>>) src(%dma_wait3A_65 : memref<10000x128xf32, #tpu.memory_space<hbm>>) dst(%arg11 : memref<128x128xf32, #tpu.memory_space<vmem>>)
        %add3A_66 = arith.constant 1 : i32
        %add3A_67 = arith.addi %add3A_38, %add3A_66 : i32
        "tpu.region"() ({
          %run_scoped3A_68 = tpu.sem_alloc : memref<!tpu.dma_semaphore, #tpu.memory_space<semaphore_mem>>
          %dma_start3A_69 = arith.constant 0 : i32
          %dma_start3A_70 = tpu.memref_slice %arg9[%add3A_67, %dma_start3A_69] : memref<32x128xi32, #tpu.memory_space<vmem>> -> memref<1x128xi32, #tpu.memory_space<vmem>>
          %dma_start3A_71 = tpu.memref_squeeze %dma_start3A_70 : memref<1x128xi32, #tpu.memory_space<vmem>> -> memref<128xi32, #tpu.memory_space<vmem>>
          %dma_start3A_72 = arith.constant 0 : i32
          %dma_start3A_73 = arith.constant 0 : i32
          %dma_start3A_74 = tpu.memref_slice %arg12[%dma_start3A_72, %dma_start3A_73] : memref<10112x128xf32, #tpu.memory_space<vmem_shared>> -> memref<10112x128xf32, #tpu.memory_space<vmem_shared>>
          tpu.enqueue_indirect_dma source(%arg11 : memref<128x128xf32, #tpu.memory_space<vmem>>) target(%dma_start3A_74 : memref<10112x128xf32, #tpu.memory_space<vmem_shared>>) offsets(%dma_start3A_71 : memref<128xi32, #tpu.memory_space<vmem>>) semaphore(%run_scoped3A_68 : memref<!tpu.dma_semaphore, #tpu.memory_space<semaphore_mem>>) {add = true}
          %dma_wait3A_75 = arith.constant 0 : i32
          %dma_wait3A_76 = tpu.memref_slice %arg9[%add3A_67, %dma_wait3A_75] : memref<32x128xi32, #tpu.memory_space<vmem>> -> memref<1x128xi32, #tpu.memory_space<vmem>>
          %dma_wait3A_77 = tpu.memref_squeeze %dma_wait3A_76 : memref<1x128xi32, #tpu.memory_space<vmem>> -> memref<128xi32, #tpu.memory_space<vmem>>
          %dma_wait3A_78 = arith.constant 0 : i32
          %dma_wait3A_79 = arith.constant 0 : i32
          %dma_wait3A_80 = tpu.memref_slice %arg12[%dma_wait3A_78, %dma_wait3A_79] : memref<10112x128xf32, #tpu.memory_space<vmem_shared>> -> memref<10112x128xf32, #tpu.memory_space<vmem_shared>>
          tpu.wait_indirect_dma semaphore(%run_scoped3A_68 : memref<!tpu.dma_semaphore, #tpu.memory_space<semaphore_mem>>) src(%arg11 : memref<128x128xf32, #tpu.memory_space<vmem>>) dst(%dma_wait3A_80 : memref<10112x128xf32, #tpu.memory_space<vmem_shared>>)
          tpu.yield
        }) : () -> ()
      }
      %scan3A_33 = arith.constant 16 : i32
    } else {
    }
    %barrier3A_18 = arith.constant 0 : index
    tpu.barrier barrier_id(%barrier3A_18)
    %mul3A_19 = arith.constant 10112 : i32
    %mul3A_20 = arith.muli %arg0, %mul3A_19 : i32
    %add3A_21 = arith.addi %mul3A_20, %mul3A_0 : i32
    "tpu.region"() ({
      %run_scoped3A = tpu.sem_alloc : memref<!tpu.dma_semaphore, #tpu.memory_space<semaphore_mem>>
      %dma_start3A = arith.constant 0 : i32
      %dma_start3A_22 = tpu.memref_slice %arg7[%add3A_21, %dma_start3A] : memref<20224x128xf32, #tpu.memory_space<hbm>> -> memref<632x128xf32, #tpu.memory_space<hbm>>
      %dma_start3A_23 = arith.constant 0 : i32
      %dma_start3A_24 = tpu.memref_slice %arg12[%mul3A_0, %dma_start3A_23] : memref<10112x128xf32, #tpu.memory_space<vmem_shared>> -> memref<632x128xf32, #tpu.memory_space<vmem_shared>>
      tpu.enqueue_dma source(%dma_start3A_24 : memref<632x128xf32, #tpu.memory_space<vmem_shared>>) target(%dma_start3A_22 : memref<632x128xf32, #tpu.memory_space<hbm>>) target_semaphore(%run_scoped3A : memref<!tpu.dma_semaphore, #tpu.memory_space<semaphore_mem>>)
      %dma_wait3A = arith.constant 0 : i32
      %dma_wait3A_25 = tpu.memref_slice %arg7[%add3A_21, %dma_wait3A] : memref<20224x128xf32, #tpu.memory_space<hbm>> -> memref<632x128xf32, #tpu.memory_space<hbm>>
      %dma_wait3A_26 = arith.constant 0 : i32
      %dma_wait3A_27 = tpu.memref_slice %arg12[%mul3A_0, %dma_wait3A_26] : memref<10112x128xf32, #tpu.memory_space<vmem_shared>> -> memref<632x128xf32, #tpu.memory_space<vmem_shared>>
      tpu.wait_dma2 semaphore(%run_scoped3A : memref<!tpu.dma_semaphore, #tpu.memory_space<semaphore_mem>>) src(%dma_wait3A_27 : memref<632x128xf32, #tpu.memory_space<vmem_shared>>) dst(%dma_wait3A_25 : memref<632x128xf32, #tpu.memory_space<hbm>>)
      tpu.yield
    }) : () -> ()
    return
  }
}

#map = affine_map<(d0, d1) -> (0, 0)>
#map1 = affine_map<(d0, d1) -> (0, 0, 0, 0)>
module attributes {stable_mosaic.version = 14 : i64} {
  func.func @k(%arg0: i32, %arg1: i32, %arg2: memref<10000x128xf32, #tpu.memory_space<hbm>>, %arg3: memref<16x4x32x128xi32, #tpu.memory_space<hbm>>, %arg4: memref<16x4x32x128xi32, #tpu.memory_space<hbm>>, %arg5: memref<16x1x32x128xi32, #tpu.memory_space<hbm>>, %arg6: memref<16x1x32x128xi32, #tpu.memory_space<hbm>>, %arg7: memref<20224x128xf32, #tpu.memory_space<hbm>>, %arg8: memref<32x128xi32, #tpu.memory_space<vmem>>, %arg9: memref<32x128xi32, #tpu.memory_space<vmem>>, %arg10: memref<128x128xf32, #tpu.memory_space<vmem>>, %arg11: memref<128x128xf32, #tpu.memory_space<vmem>>, %arg12: memref<10112x128xf32, #tpu.memory_space<vmem_shared>>, %arg13: memref<!tpu.dma_semaphore, #tpu.memory_space<semaphore_mem>>, %arg14: memref<!tpu.dma_semaphore, #tpu.memory_space<semaphore_mem>>) attributes {dimension_semantics = [#tpu.dimension_semantics<core_parallel>, #tpu.dimension_semantics<subcore_parallel>], iteration_bounds = array<i64: 2, 16>, scalar_prefetch = 0 : i64, scratch_operands = 7 : i64, tpu.core_type = #tpu.core_type<sc_vector_subcore>, window_params = [{transform_indices = #map}, {transform_indices = #map1}, {transform_indices = #map1}, {transform_indices = #map1}, {transform_indices = #map1}, {transform_indices = #map}]} {
    %mul3A = arith.constant 632 : i32
    %mul3A_0 = arith.muli %arg1, %mul3A : i32
    %scan3A = arith.constant 0 : i32
    %scan3A_1 = arith.constant 128 : i32
    %scan3A_2 = arith.addi %scan3A, %scan3A_1 : i32
    %scan3A_3 = arith.constant 1 : i32
    scf.for %scan3A_22 = %scan3A to %scan3A_2 step %scan3A_3  : i32 {
      %mul3A_23 = arith.constant 1 : i32
      %mul3A_24 = arith.muli %scan3A_22, %mul3A_23 : i32
      %add3A_25 = arith.constant 0 : i32
      %add3A_26 = arith.addi %add3A_25, %mul3A_24 : i32
      %broadcast_in_dim3A = arith.constant 0.000000e+00 : f32
      %broadcast_in_dim3A_27 = vector.broadcast %broadcast_in_dim3A : f32 to vector<16xf32>
      %swap3A = arith.index_cast %add3A_26 : i32 to index
      %swap3A_28 = arith.constant 0 : index
      %swap3A_29 = tpu.vector_load %arg10[%swap3A, %swap3A_28] {strides = array<i32>} : memref<128x128xf32, #tpu.memory_space<vmem>>, vector<1x16xf32>,
      %swap3A_30 = vector.shape_cast %swap3A_29 : vector<1x16xf32> to vector<16xf32>
      %swap3A_31 = vector.shape_cast %broadcast_in_dim3A_27 : vector<16xf32> to vector<1x16xf32>
      tpu.vector_store %arg10[%swap3A, %swap3A_28], %swap3A_31 {strides = array<i32>} : memref<128x128xf32, #tpu.memory_space<vmem>>, vector<1x16xf32>,
      %broadcast_in_dim3A_32 = arith.constant 0.000000e+00 : f32
      %broadcast_in_dim3A_33 = vector.broadcast %broadcast_in_dim3A_32 : f32 to vector<16xf32>
      %swap3A_34 = arith.index_cast %add3A_26 : i32 to index
      %swap3A_35 = arith.constant 16 : index
      %swap3A_36 = tpu.vector_load %arg10[%swap3A_34, %swap3A_35] {strides = array<i32>} : memref<128x128xf32, #tpu.memory_space<vmem>>, vector<1x16xf32>,
      %swap3A_37 = vector.shape_cast %swap3A_36 : vector<1x16xf32> to vector<16xf32>
      %swap3A_38 = vector.shape_cast %broadcast_in_dim3A_33 : vector<16xf32> to vector<1x16xf32>
      tpu.vector_store %arg10[%swap3A_34, %swap3A_35], %swap3A_38 {strides = array<i32>} : memref<128x128xf32, #tpu.memory_space<vmem>>, vector<1x16xf32>,
      %broadcast_in_dim3A_39 = arith.constant 0.000000e+00 : f32
      %broadcast_in_dim3A_40 = vector.broadcast %broadcast_in_dim3A_39 : f32 to vector<16xf32>
      %swap3A_41 = arith.index_cast %add3A_26 : i32 to index
      %swap3A_42 = arith.constant 32 : index
      %swap3A_43 = tpu.vector_load %arg10[%swap3A_41, %swap3A_42] {strides = array<i32>} : memref<128x128xf32, #tpu.memory_space<vmem>>, vector<1x16xf32>,
      %swap3A_44 = vector.shape_cast %swap3A_43 : vector<1x16xf32> to vector<16xf32>
      %swap3A_45 = vector.shape_cast %broadcast_in_dim3A_40 : vector<16xf32> to vector<1x16xf32>
      tpu.vector_store %arg10[%swap3A_41, %swap3A_42], %swap3A_45 {strides = array<i32>} : memref<128x128xf32, #tpu.memory_space<vmem>>, vector<1x16xf32>,
      %broadcast_in_dim3A_46 = arith.constant 0.000000e+00 : f32
      %broadcast_in_dim3A_47 = vector.broadcast %broadcast_in_dim3A_46 : f32 to vector<16xf32>
      %swap3A_48 = arith.index_cast %add3A_26 : i32 to index
      %swap3A_49 = arith.constant 48 : index
      %swap3A_50 = tpu.vector_load %arg10[%swap3A_48, %swap3A_49] {strides = array<i32>} : memref<128x128xf32, #tpu.memory_space<vmem>>, vector<1x16xf32>,
      %swap3A_51 = vector.shape_cast %swap3A_50 : vector<1x16xf32> to vector<16xf32>
      %swap3A_52 = vector.shape_cast %broadcast_in_dim3A_47 : vector<16xf32> to vector<1x16xf32>
      tpu.vector_store %arg10[%swap3A_48, %swap3A_49], %swap3A_52 {strides = array<i32>} : memref<128x128xf32, #tpu.memory_space<vmem>>, vector<1x16xf32>,
      %broadcast_in_dim3A_53 = arith.constant 0.000000e+00 : f32
      %broadcast_in_dim3A_54 = vector.broadcast %broadcast_in_dim3A_53 : f32 to vector<16xf32>
      %swap3A_55 = arith.index_cast %add3A_26 : i32 to index
      %swap3A_56 = arith.constant 64 : index
      %swap3A_57 = tpu.vector_load %arg10[%swap3A_55, %swap3A_56] {strides = array<i32>} : memref<128x128xf32, #tpu.memory_space<vmem>>, vector<1x16xf32>,
      %swap3A_58 = vector.shape_cast %swap3A_57 : vector<1x16xf32> to vector<16xf32>
      %swap3A_59 = vector.shape_cast %broadcast_in_dim3A_54 : vector<16xf32> to vector<1x16xf32>
      tpu.vector_store %arg10[%swap3A_55, %swap3A_56], %swap3A_59 {strides = array<i32>} : memref<128x128xf32, #tpu.memory_space<vmem>>, vector<1x16xf32>,
      %broadcast_in_dim3A_60 = arith.constant 0.000000e+00 : f32
      %broadcast_in_dim3A_61 = vector.broadcast %broadcast_in_dim3A_60 : f32 to vector<16xf32>
      %swap3A_62 = arith.index_cast %add3A_26 : i32 to index
      %swap3A_63 = arith.constant 80 : index
      %swap3A_64 = tpu.vector_load %arg10[%swap3A_62, %swap3A_63] {strides = array<i32>} : memref<128x128xf32, #tpu.memory_space<vmem>>, vector<1x16xf32>,
      %swap3A_65 = vector.shape_cast %swap3A_64 : vector<1x16xf32> to vector<16xf32>
      %swap3A_66 = vector.shape_cast %broadcast_in_dim3A_61 : vector<16xf32> to vector<1x16xf32>
      tpu.vector_store %arg10[%swap3A_62, %swap3A_63], %swap3A_66 {strides = array<i32>} : memref<128x128xf32, #tpu.memory_space<vmem>>, vector<1x16xf32>,
      %broadcast_in_dim3A_67 = arith.constant 0.000000e+00 : f32
      %broadcast_in_dim3A_68 = vector.broadcast %broadcast_in_dim3A_67 : f32 to vector<16xf32>
      %swap3A_69 = arith.index_cast %add3A_26 : i32 to index
      %swap3A_70 = arith.constant 96 : index
      %swap3A_71 = tpu.vector_load %arg10[%swap3A_69, %swap3A_70] {strides = array<i32>} : memref<128x128xf32, #tpu.memory_space<vmem>>, vector<1x16xf32>,
      %swap3A_72 = vector.shape_cast %swap3A_71 : vector<1x16xf32> to vector<16xf32>
      %swap3A_73 = vector.shape_cast %broadcast_in_dim3A_68 : vector<16xf32> to vector<1x16xf32>
      tpu.vector_store %arg10[%swap3A_69, %swap3A_70], %swap3A_73 {strides = array<i32>} : memref<128x128xf32, #tpu.memory_space<vmem>>, vector<1x16xf32>,
      %broadcast_in_dim3A_74 = arith.constant 0.000000e+00 : f32
      %broadcast_in_dim3A_75 = vector.broadcast %broadcast_in_dim3A_74 : f32 to vector<16xf32>
      %swap3A_76 = arith.index_cast %add3A_26 : i32 to index
      %swap3A_77 = arith.constant 112 : index
      %swap3A_78 = tpu.vector_load %arg10[%swap3A_76, %swap3A_77] {strides = array<i32>} : memref<128x128xf32, #tpu.memory_space<vmem>>, vector<1x16xf32>,
      %swap3A_79 = vector.shape_cast %swap3A_78 : vector<1x16xf32> to vector<16xf32>
      %swap3A_80 = vector.shape_cast %broadcast_in_dim3A_75 : vector<16xf32> to vector<1x16xf32>
      tpu.vector_store %arg10[%swap3A_76, %swap3A_77], %swap3A_80 {strides = array<i32>} : memref<128x128xf32, #tpu.memory_space<vmem>>, vector<1x16xf32>,
    }
    %scan3A_4 = arith.constant 128 : i32
    %scan3A_5 = arith.constant 0 : i32
    %scan3A_6 = arith.constant 4 : i32
    %scan3A_7 = arith.addi %scan3A_5, %scan3A_6 : i32
    %scan3A_8 = arith.constant 1 : i32
    scf.for %scan3A_22 = %scan3A_5 to %scan3A_7 step %scan3A_8  : i32 {
      %mul3A_23 = arith.constant 1 : i32
      %mul3A_24 = arith.muli %scan3A_22, %mul3A_23 : i32
      %add3A_25 = arith.constant 0 : i32
      %add3A_26 = arith.addi %add3A_25, %mul3A_24 : i32
      %mul3A_27 = arith.constant 128 : i32
      %mul3A_28 = arith.muli %add3A_26, %mul3A_27 : i32
      %add3A_29 = arith.addi %mul3A_0, %mul3A_28 : i32
      "tpu.region"() ({
        %run_scoped3A = tpu.sem_alloc : memref<!tpu.dma_semaphore, #tpu.memory_space<semaphore_mem>>
        %dma_start3A = arith.constant 0 : i32
        %dma_start3A_30 = tpu.memref_slice %arg12[%add3A_29, %dma_start3A] : memref<10112x128xf32, #tpu.memory_space<vmem_shared>> -> memref<128x128xf32, #tpu.memory_space<vmem_shared>>
        %dma_start3A_31 = arith.constant 0 : i32
        %dma_start3A_32 = tpu.memref_slice %arg12[%add3A_29, %dma_start3A_31] : memref<10112x128xf32, #tpu.memory_space<vmem_shared>> -> memref<128x128xf32, #tpu.memory_space<vmem_shared>>
        tpu.enqueue_dma source(%arg10 : memref<128x128xf32, #tpu.memory_space<vmem>>) target(%dma_start3A_32 : memref<128x128xf32, #tpu.memory_space<vmem_shared>>) target_semaphore(%run_scoped3A : memref<!tpu.dma_semaphore, #tpu.memory_space<semaphore_mem>>)
        %dma_wait3A = arith.constant 0 : i32
        %dma_wait3A_33 = tpu.memref_slice %arg12[%add3A_29, %dma_wait3A] : memref<10112x128xf32, #tpu.memory_space<vmem_shared>> -> memref<128x128xf32, #tpu.memory_space<vmem_shared>>
        %dma_wait3A_34 = arith.constant 0 : i32
        %dma_wait3A_35 = tpu.memref_slice %arg12[%add3A_29, %dma_wait3A_34] : memref<10112x128xf32, #tpu.memory_space<vmem_shared>> -> memref<128x128xf32, #tpu.memory_space<vmem_shared>>
        tpu.wait_dma2 semaphore(%run_scoped3A : memref<!tpu.dma_semaphore, #tpu.memory_space<semaphore_mem>>) src(%arg10 : memref<128x128xf32, #tpu.memory_space<vmem>>) dst(%dma_wait3A_35 : memref<128x128xf32, #tpu.memory_space<vmem_shared>>)
        tpu.yield
      }) : () -> ()
    }
    %scan3A_9 = arith.constant 4 : i32
    %add3A = arith.constant 512 : i32
    %add3A_10 = arith.addi %mul3A_0, %add3A : i32
    "tpu.region"() ({
      %run_scoped3A = tpu.sem_alloc : memref<!tpu.dma_semaphore, #tpu.memory_space<semaphore_mem>>
      %dma_start3A = arith.constant 0 : i32
      %dma_start3A_22 = arith.constant 0 : i32
      %dma_start3A_23 = tpu.memref_slice %arg10[%dma_start3A, %dma_start3A_22] : memref<128x128xf32, #tpu.memory_space<vmem>> -> memref<120x128xf32, #tpu.memory_space<vmem>>
      %dma_start3A_24 = arith.constant 0 : i32
      %dma_start3A_25 = tpu.memref_slice %arg12[%add3A_10, %dma_start3A_24] : memref<10112x128xf32, #tpu.memory_space<vmem_shared>> -> memref<120x128xf32, #tpu.memory_space<vmem_shared>>
      %dma_start3A_26 = arith.constant 0 : i32
      %dma_start3A_27 = tpu.memref_slice %arg12[%add3A_10, %dma_start3A_26] : memref<10112x128xf32, #tpu.memory_space<vmem_shared>> -> memref<120x128xf32, #tpu.memory_space<vmem_shared>>
      %dma_start3A_28 = arith.constant 0 : i32
      %dma_start3A_29 = arith.constant 0 : i32
      %dma_start3A_30 = tpu.memref_slice %arg10[%dma_start3A_28, %dma_start3A_29] : memref<128x128xf32, #tpu.memory_space<vmem>> -> memref<120x128xf32, #tpu.memory_space<vmem>>
      tpu.enqueue_dma source(%dma_start3A_30 : memref<120x128xf32, #tpu.memory_space<vmem>>) target(%dma_start3A_27 : memref<120x128xf32, #tpu.memory_space<vmem_shared>>) target_semaphore(%run_scoped3A : memref<!tpu.dma_semaphore, #tpu.memory_space<semaphore_mem>>)
      %dma_wait3A = arith.constant 0 : i32
      %dma_wait3A_31 = arith.constant 0 : i32
      %dma_wait3A_32 = tpu.memref_slice %arg10[%dma_wait3A, %dma_wait3A_31] : memref<128x128xf32, #tpu.memory_space<vmem>> -> memref<120x128xf32, #tpu.memory_space<vmem>>
      %dma_wait3A_33 = arith.constant 0 : i32
      %dma_wait3A_34 = tpu.memref_slice %arg12[%add3A_10, %dma_wait3A_33] : memref<10112x128xf32, #tpu.memory_space<vmem_shared>> -> memref<120x128xf32, #tpu.memory_space<vmem_shared>>
      %dma_wait3A_35 = arith.constant 0 : i32
      %dma_wait3A_36 = tpu.memref_slice %arg12[%add3A_10, %dma_wait3A_35] : memref<10112x128xf32, #tpu.memory_space<vmem_shared>> -> memref<120x128xf32, #tpu.memory_space<vmem_shared>>
      %dma_wait3A_37 = arith.constant 0 : i32
      %dma_wait3A_38 = arith.constant 0 : i32
      %dma_wait3A_39 = tpu.memref_slice %arg10[%dma_wait3A_37, %dma_wait3A_38] : memref<128x128xf32, #tpu.memory_space<vmem>> -> memref<120x128xf32, #tpu.memory_space<vmem>>
      tpu.wait_dma2 semaphore(%run_scoped3A : memref<!tpu.dma_semaphore, #tpu.memory_space<semaphore_mem>>) src(%dma_wait3A_39 : memref<120x128xf32, #tpu.memory_space<vmem>>) dst(%dma_wait3A_36 : memref<120x128xf32, #tpu.memory_space<vmem_shared>>)
      tpu.yield
    }) : () -> ()
    %barrier3A = arith.constant 0 : index
    tpu.barrier barrier_id(%barrier3A)
    %eq3A = arith.constant 0 : i32
    %eq3A_11 = arith.cmpi eq, %arg0, %eq3A : i32
    %convert_element_type3A = arith.extui %eq3A_11 : i1 to i32
    %cond3A = arith.constant 0 : i32
    %cond3A_12 = arith.cmpi ne, %convert_element_type3A, %cond3A : i32
    scf.if %cond3A_12 {
      %run_scoped3A = arith.constant 0 : i32
      "tpu.region"() ({
        %run_scoped3A_76 = tpu.sem_alloc : memref<!tpu.dma_semaphore, #tpu.memory_space<semaphore_mem>>
        %dma_start3A_77 = arith.constant 0 : i32
        %dma_start3A_78 = arith.constant 0 : i32
        %dma_start3A_79 = tpu.memref_slice %arg3[%arg1, %run_scoped3A, %dma_start3A_77, %dma_start3A_78] : memref<16x4x32x128xi32, #tpu.memory_space<hbm>> -> memref<1x1x32x128xi32, #tpu.memory_space<hbm>>
        %dma_start3A_80 = tpu.memref_squeeze %dma_start3A_79 : memref<1x1x32x128xi32, #tpu.memory_space<hbm>> -> memref<32x128xi32, #tpu.memory_space<hbm>>
        %dma_start3A_81 = arith.constant 0 : i32
        %dma_start3A_82 = arith.constant 0 : i32
        %dma_start3A_83 = tpu.memref_slice %arg3[%arg1, %run_scoped3A, %dma_start3A_81, %dma_start3A_82] : memref<16x4x32x128xi32, #tpu.memory_space<hbm>> -> memref<1x1x32x128xi32, #tpu.memory_space<hbm>>
        %dma_start3A_84 = tpu.memref_squeeze %dma_start3A_83 : memref<1x1x32x128xi32, #tpu.memory_space<hbm>> -> memref<32x128xi32, #tpu.memory_space<hbm>>
        tpu.enqueue_dma source(%dma_start3A_84 : memref<32x128xi32, #tpu.memory_space<hbm>>) target(%arg8 : memref<32x128xi32, #tpu.memory_space<vmem>>) target_semaphore(%run_scoped3A_76 : memref<!tpu.dma_semaphore, #tpu.memory_space<semaphore_mem>>)
        %dma_wait3A = arith.constant 0 : i32
        %dma_wait3A_85 = arith.constant 0 : i32
        %dma_wait3A_86 = tpu.memref_slice %arg3[%arg1, %run_scoped3A, %dma_wait3A, %dma_wait3A_85] : memref<16x4x32x128xi32, #tpu.memory_space<hbm>> -> memref<1x1x32x128xi32, #tpu.memory_space<hbm>>
        %dma_wait3A_87 = tpu.memref_squeeze %dma_wait3A_86 : memref<1x1x32x128xi32, #tpu.memory_space<hbm>> -> memref<32x128xi32, #tpu.memory_space<hbm>>
        %dma_wait3A_88 = arith.constant 0 : i32
        %dma_wait3A_89 = arith.constant 0 : i32
        %dma_wait3A_90 = tpu.memref_slice %arg3[%arg1, %run_scoped3A, %dma_wait3A_88, %dma_wait3A_89] : memref<16x4x32x128xi32, #tpu.memory_space<hbm>> -> memref<1x1x32x128xi32, #tpu.memory_space<hbm>>
        %dma_wait3A_91 = tpu.memref_squeeze %dma_wait3A_90 : memref<1x1x32x128xi32, #tpu.memory_space<hbm>> -> memref<32x128xi32, #tpu.memory_space<hbm>>
        tpu.wait_dma2 semaphore(%run_scoped3A_76 : memref<!tpu.dma_semaphore, #tpu.memory_space<semaphore_mem>>) src(%dma_wait3A_91 : memref<32x128xi32, #tpu.memory_space<hbm>>) dst(%arg8 : memref<32x128xi32, #tpu.memory_space<vmem>>)
        tpu.yield
      }) : () -> ()
      %run_scoped3A_22 = arith.constant 0 : i32
      "tpu.region"() ({
        %run_scoped3A_76 = tpu.sem_alloc : memref<!tpu.dma_semaphore, #tpu.memory_space<semaphore_mem>>
        %dma_start3A_77 = arith.constant 0 : i32
        %dma_start3A_78 = arith.constant 0 : i32
        %dma_start3A_79 = tpu.memref_slice %arg4[%arg1, %run_scoped3A_22, %dma_start3A_77, %dma_start3A_78] : memref<16x4x32x128xi32, #tpu.memory_space<hbm>> -> memref<1x1x32x128xi32, #tpu.memory_space<hbm>>
        %dma_start3A_80 = tpu.memref_squeeze %dma_start3A_79 : memref<1x1x32x128xi32, #tpu.memory_space<hbm>> -> memref<32x128xi32, #tpu.memory_space<hbm>>
        %dma_start3A_81 = arith.constant 0 : i32
        %dma_start3A_82 = arith.constant 0 : i32
        %dma_start3A_83 = tpu.memref_slice %arg4[%arg1, %run_scoped3A_22, %dma_start3A_81, %dma_start3A_82] : memref<16x4x32x128xi32, #tpu.memory_space<hbm>> -> memref<1x1x32x128xi32, #tpu.memory_space<hbm>>
        %dma_start3A_84 = tpu.memref_squeeze %dma_start3A_83 : memref<1x1x32x128xi32, #tpu.memory_space<hbm>> -> memref<32x128xi32, #tpu.memory_space<hbm>>
        tpu.enqueue_dma source(%dma_start3A_84 : memref<32x128xi32, #tpu.memory_space<hbm>>) target(%arg9 : memref<32x128xi32, #tpu.memory_space<vmem>>) target_semaphore(%run_scoped3A_76 : memref<!tpu.dma_semaphore, #tpu.memory_space<semaphore_mem>>)
        %dma_wait3A = arith.constant 0 : i32
        %dma_wait3A_85 = arith.constant 0 : i32
        %dma_wait3A_86 = tpu.memref_slice %arg4[%arg1, %run_scoped3A_22, %dma_wait3A, %dma_wait3A_85] : memref<16x4x32x128xi32, #tpu.memory_space<hbm>> -> memref<1x1x32x128xi32, #tpu.memory_space<hbm>>
        %dma_wait3A_87 = tpu.memref_squeeze %dma_wait3A_86 : memref<1x1x32x128xi32, #tpu.memory_space<hbm>> -> memref<32x128xi32, #tpu.memory_space<hbm>>
        %dma_wait3A_88 = arith.constant 0 : i32
        %dma_wait3A_89 = arith.constant 0 : i32
        %dma_wait3A_90 = tpu.memref_slice %arg4[%arg1, %run_scoped3A_22, %dma_wait3A_88, %dma_wait3A_89] : memref<16x4x32x128xi32, #tpu.memory_space<hbm>> -> memref<1x1x32x128xi32, #tpu.memory_space<hbm>>
        %dma_wait3A_91 = tpu.memref_squeeze %dma_wait3A_90 : memref<1x1x32x128xi32, #tpu.memory_space<hbm>> -> memref<32x128xi32, #tpu.memory_space<hbm>>
        tpu.wait_dma2 semaphore(%run_scoped3A_76 : memref<!tpu.dma_semaphore, #tpu.memory_space<semaphore_mem>>) src(%dma_wait3A_91 : memref<32x128xi32, #tpu.memory_space<hbm>>) dst(%arg9 : memref<32x128xi32, #tpu.memory_space<vmem>>)
        tpu.yield
      }) : () -> ()
      %dma_start3A = arith.constant 0 : i32
      %dma_start3A_23 = arith.constant 0 : i32
      %dma_start3A_24 = tpu.memref_slice %arg8[%dma_start3A, %dma_start3A_23] : memref<32x128xi32, #tpu.memory_space<vmem>> -> memref<1x128xi32, #tpu.memory_space<vmem>>
      %dma_start3A_25 = tpu.memref_squeeze %dma_start3A_24 : memref<1x128xi32, #tpu.memory_space<vmem>> -> memref<128xi32, #tpu.memory_space<vmem>>
      %dma_start3A_26 = arith.constant 0 : i32
      %dma_start3A_27 = arith.constant 0 : i32
      %dma_start3A_28 = tpu.memref_slice %arg2[%dma_start3A_26, %dma_start3A_27] : memref<10000x128xf32, #tpu.memory_space<hbm>> -> memref<10000x128xf32, #tpu.memory_space<hbm>>
      tpu.enqueue_indirect_dma source(%dma_start3A_28 : memref<10000x128xf32, #tpu.memory_space<hbm>>) target(%arg10 : memref<128x128xf32, #tpu.memory_space<vmem>>) offsets(%dma_start3A_25 : memref<128xi32, #tpu.memory_space<vmem>>) semaphore(%arg13 : memref<!tpu.dma_semaphore, #tpu.memory_space<semaphore_mem>>)
      %scan3A_29 = arith.constant 0 : i32
      %scan3A_30 = arith.constant 16 : i32
      %scan3A_31 = arith.addi %scan3A_29, %scan3A_30 : i32
      %scan3A_32 = arith.constant 1 : i32
      scf.for %scan3A_76 = %scan3A_29 to %scan3A_31 step %scan3A_32  : i32 {
        %mul3A_77 = arith.constant 2 : i32
        %mul3A_78 = arith.muli %scan3A_76, %mul3A_77 : i32
        %add3A_79 = arith.constant 0 : i32
        %add3A_80 = arith.addi %add3A_79, %mul3A_78 : i32
        %add3A_81 = arith.constant 1 : i32
        %add3A_82 = arith.addi %add3A_80, %add3A_81 : i32
        %dma_start3A_83 = arith.constant 0 : i32
        %dma_start3A_84 = tpu.memref_slice %arg8[%add3A_82, %dma_start3A_83] : memref<32x128xi32, #tpu.memory_space<vmem>> -> memref<1x128xi32, #tpu.memory_space<vmem>>
        %dma_start3A_85 = tpu.memref_squeeze %dma_start3A_84 : memref<1x128xi32, #tpu.memory_space<vmem>> -> memref<128xi32, #tpu.memory_space<vmem>>
        %dma_start3A_86 = arith.constant 0 : i32
        %dma_start3A_87 = arith.constant 0 : i32
        %dma_start3A_88 = tpu.memref_slice %arg2[%dma_start3A_86, %dma_start3A_87] : memref<10000x128xf32, #tpu.memory_space<hbm>> -> memref<10000x128xf32, #tpu.memory_space<hbm>>
        tpu.enqueue_indirect_dma source(%dma_start3A_88 : memref<10000x128xf32, #tpu.memory_space<hbm>>) target(%arg11 : memref<128x128xf32, #tpu.memory_space<vmem>>) offsets(%dma_start3A_85 : memref<128xi32, #tpu.memory_space<vmem>>) semaphore(%arg14 : memref<!tpu.dma_semaphore, #tpu.memory_space<semaphore_mem>>)
        %dma_wait3A = arith.constant 0 : i32
        %dma_wait3A_89 = tpu.memref_slice %arg8[%add3A_80, %dma_wait3A] : memref<32x128xi32, #tpu.memory_space<vmem>> -> memref<1x128xi32, #tpu.memory_space<vmem>>
        %dma_wait3A_90 = tpu.memref_squeeze %dma_wait3A_89 : memref<1x128xi32, #tpu.memory_space<vmem>> -> memref<128xi32, #tpu.memory_space<vmem>>
        %dma_wait3A_91 = arith.constant 0 : i32
        %dma_wait3A_92 = arith.constant 0 : i32
        %dma_wait3A_93 = tpu.memref_slice %arg2[%dma_wait3A_91, %dma_wait3A_92] : memref<10000x128xf32, #tpu.memory_space<hbm>> -> memref<10000x128xf32, #tpu.memory_space<hbm>>
        tpu.wait_indirect_dma semaphore(%arg13 : memref<!tpu.dma_semaphore, #tpu.memory_space<semaphore_mem>>) src(%dma_wait3A_93 : memref<10000x128xf32, #tpu.memory_space<hbm>>) dst(%arg10 : memref<128x128xf32, #tpu.memory_space<vmem>>)
        "tpu.region"() ({
          %run_scoped3A_110 = tpu.sem_alloc : memref<!tpu.dma_semaphore, #tpu.memory_space<semaphore_mem>>
          %dma_start3A_111 = arith.constant 0 : i32
          %dma_start3A_112 = tpu.memref_slice %arg9[%add3A_80, %dma_start3A_111] : memref<32x128xi32, #tpu.memory_space<vmem>> -> memref<1x128xi32, #tpu.memory_space<vmem>>
          %dma_start3A_113 = tpu.memref_squeeze %dma_start3A_112 : memref<1x128xi32, #tpu.memory_space<vmem>> -> memref<128xi32, #tpu.memory_space<vmem>>
          %dma_start3A_114 = arith.constant 0 : i32
          %dma_start3A_115 = arith.constant 0 : i32
          %dma_start3A_116 = tpu.memref_slice %arg12[%dma_start3A_114, %dma_start3A_115] : memref<10112x128xf32, #tpu.memory_space<vmem_shared>> -> memref<10112x128xf32, #tpu.memory_space<vmem_shared>>
          tpu.enqueue_indirect_dma source(%arg10 : memref<128x128xf32, #tpu.memory_space<vmem>>) target(%dma_start3A_116 : memref<10112x128xf32, #tpu.memory_space<vmem_shared>>) offsets(%dma_start3A_113 : memref<128xi32, #tpu.memory_space<vmem>>) semaphore(%run_scoped3A_110 : memref<!tpu.dma_semaphore, #tpu.memory_space<semaphore_mem>>) {add = true}
          %dma_wait3A_117 = arith.constant 0 : i32
          %dma_wait3A_118 = tpu.memref_slice %arg9[%add3A_80, %dma_wait3A_117] : memref<32x128xi32, #tpu.memory_space<vmem>> -> memref<1x128xi32, #tpu.memory_space<vmem>>
          %dma_wait3A_119 = tpu.memref_squeeze %dma_wait3A_118 : memref<1x128xi32, #tpu.memory_space<vmem>> -> memref<128xi32, #tpu.memory_space<vmem>>
          %dma_wait3A_120 = arith.constant 0 : i32
          %dma_wait3A_121 = arith.constant 0 : i32
          %dma_wait3A_122 = tpu.memref_slice %arg12[%dma_wait3A_120, %dma_wait3A_121] : memref<10112x128xf32, #tpu.memory_space<vmem_shared>> -> memref<10112x128xf32, #tpu.memory_space<vmem_shared>>
          tpu.wait_indirect_dma semaphore(%run_scoped3A_110 : memref<!tpu.dma_semaphore, #tpu.memory_space<semaphore_mem>>) src(%arg10 : memref<128x128xf32, #tpu.memory_space<vmem>>) dst(%dma_wait3A_122 : memref<10112x128xf32, #tpu.memory_space<vmem_shared>>)
          tpu.yield
        }) : () -> ()
        %add3A_94 = arith.constant 2 : i32
        %add3A_95 = arith.addi %add3A_80, %add3A_94 : i32
        %lt3A = arith.constant 32 : i32
        %lt3A_96 = arith.cmpi slt, %add3A_95, %lt3A : i32
        %convert_element_type3A_97 = arith.extui %lt3A_96 : i1 to i32
        %cond3A_98 = arith.constant 0 : i32
        %cond3A_99 = arith.cmpi ne, %convert_element_type3A_97, %cond3A_98 : i32
        scf.if %cond3A_99 {
          %add3A_110 = arith.constant 2 : i32
          %add3A_111 = arith.addi %add3A_80, %add3A_110 : i32
          %dma_start3A_112 = arith.constant 0 : i32
          %dma_start3A_113 = tpu.memref_slice %arg8[%add3A_111, %dma_start3A_112] : memref<32x128xi32, #tpu.memory_space<vmem>> -> memref<1x128xi32, #tpu.memory_space<vmem>>
          %dma_start3A_114 = tpu.memref_squeeze %dma_start3A_113 : memref<1x128xi32, #tpu.memory_space<vmem>> -> memref<128xi32, #tpu.memory_space<vmem>>
          %dma_start3A_115 = arith.constant 0 : i32
          %dma_start3A_116 = arith.constant 0 : i32
          %dma_start3A_117 = tpu.memref_slice %arg2[%dma_start3A_115, %dma_start3A_116] : memref<10000x128xf32, #tpu.memory_space<hbm>> -> memref<10000x128xf32, #tpu.memory_space<hbm>>
          tpu.enqueue_indirect_dma source(%dma_start3A_117 : memref<10000x128xf32, #tpu.memory_space<hbm>>) target(%arg10 : memref<128x128xf32, #tpu.memory_space<vmem>>) offsets(%dma_start3A_114 : memref<128xi32, #tpu.memory_space<vmem>>) semaphore(%arg13 : memref<!tpu.dma_semaphore, #tpu.memory_space<semaphore_mem>>)
        } else {
        }
        %add3A_100 = arith.constant 1 : i32
        %add3A_101 = arith.addi %add3A_80, %add3A_100 : i32
        %dma_wait3A_102 = arith.constant 0 : i32
        %dma_wait3A_103 = tpu.memref_slice %arg8[%add3A_101, %dma_wait3A_102] : memref<32x128xi32, #tpu.memory_space<vmem>> -> memref<1x128xi32, #tpu.memory_space<vmem>>
        %dma_wait3A_104 = tpu.memref_squeeze %dma_wait3A_103 : memref<1x128xi32, #tpu.memory_space<vmem>> -> memref<128xi32, #tpu.memory_space<vmem>>
        %dma_wait3A_105 = arith.constant 0 : i32
        %dma_wait3A_106 = arith.constant 0 : i32
        %dma_wait3A_107 = tpu.memref_slice %arg2[%dma_wait3A_105, %dma_wait3A_106] : memref<10000x128xf32, #tpu.memory_space<hbm>> -> memref<10000x128xf32, #tpu.memory_space<hbm>>
        tpu.wait_indirect_dma semaphore(%arg14 : memref<!tpu.dma_semaphore, #tpu.memory_space<semaphore_mem>>) src(%dma_wait3A_107 : memref<10000x128xf32, #tpu.memory_space<hbm>>) dst(%arg11 : memref<128x128xf32, #tpu.memory_space<vmem>>)
        %add3A_108 = arith.constant 1 : i32
        %add3A_109 = arith.addi %add3A_80, %add3A_108 : i32
        "tpu.region"() ({
          %run_scoped3A_110 = tpu.sem_alloc : memref<!tpu.dma_semaphore, #tpu.memory_space<semaphore_mem>>
          %dma_start3A_111 = arith.constant 0 : i32
          %dma_start3A_112 = tpu.memref_slice %arg9[%add3A_109, %dma_start3A_111] : memref<32x128xi32, #tpu.memory_space<vmem>> -> memref<1x128xi32, #tpu.memory_space<vmem>>
          %dma_start3A_113 = tpu.memref_squeeze %dma_start3A_112 : memref<1x128xi32, #tpu.memory_space<vmem>> -> memref<128xi32, #tpu.memory_space<vmem>>
          %dma_start3A_114 = arith.constant 0 : i32
          %dma_start3A_115 = arith.constant 0 : i32
          %dma_start3A_116 = tpu.memref_slice %arg12[%dma_start3A_114, %dma_start3A_115] : memref<10112x128xf32, #tpu.memory_space<vmem_shared>> -> memref<10112x128xf32, #tpu.memory_space<vmem_shared>>
          tpu.enqueue_indirect_dma source(%arg11 : memref<128x128xf32, #tpu.memory_space<vmem>>) target(%dma_start3A_116 : memref<10112x128xf32, #tpu.memory_space<vmem_shared>>) offsets(%dma_start3A_113 : memref<128xi32, #tpu.memory_space<vmem>>) semaphore(%run_scoped3A_110 : memref<!tpu.dma_semaphore, #tpu.memory_space<semaphore_mem>>) {add = true}
          %dma_wait3A_117 = arith.constant 0 : i32
          %dma_wait3A_118 = tpu.memref_slice %arg9[%add3A_109, %dma_wait3A_117] : memref<32x128xi32, #tpu.memory_space<vmem>> -> memref<1x128xi32, #tpu.memory_space<vmem>>
          %dma_wait3A_119 = tpu.memref_squeeze %dma_wait3A_118 : memref<1x128xi32, #tpu.memory_space<vmem>> -> memref<128xi32, #tpu.memory_space<vmem>>
          %dma_wait3A_120 = arith.constant 0 : i32
          %dma_wait3A_121 = arith.constant 0 : i32
          %dma_wait3A_122 = tpu.memref_slice %arg12[%dma_wait3A_120, %dma_wait3A_121] : memref<10112x128xf32, #tpu.memory_space<vmem_shared>> -> memref<10112x128xf32, #tpu.memory_space<vmem_shared>>
          tpu.wait_indirect_dma semaphore(%run_scoped3A_110 : memref<!tpu.dma_semaphore, #tpu.memory_space<semaphore_mem>>) src(%arg11 : memref<128x128xf32, #tpu.memory_space<vmem>>) dst(%dma_wait3A_122 : memref<10112x128xf32, #tpu.memory_space<vmem_shared>>)
          tpu.yield
        }) : () -> ()
      }
      %scan3A_33 = arith.constant 16 : i32
      %run_scoped3A_34 = arith.constant 1 : i32
      "tpu.region"() ({
        %run_scoped3A_76 = tpu.sem_alloc : memref<!tpu.dma_semaphore, #tpu.memory_space<semaphore_mem>>
        %dma_start3A_77 = arith.constant 0 : i32
        %dma_start3A_78 = arith.constant 0 : i32
        %dma_start3A_79 = tpu.memref_slice %arg3[%arg1, %run_scoped3A_34, %dma_start3A_77, %dma_start3A_78] : memref<16x4x32x128xi32, #tpu.memory_space<hbm>> -> memref<1x1x32x128xi32, #tpu.memory_space<hbm>>
        %dma_start3A_80 = tpu.memref_squeeze %dma_start3A_79 : memref<1x1x32x128xi32, #tpu.memory_space<hbm>> -> memref<32x128xi32, #tpu.memory_space<hbm>>
        %dma_start3A_81 = arith.constant 0 : i32
        %dma_start3A_82 = arith.constant 0 : i32
        %dma_start3A_83 = tpu.memref_slice %arg3[%arg1, %run_scoped3A_34, %dma_start3A_81, %dma_start3A_82] : memref<16x4x32x128xi32, #tpu.memory_space<hbm>> -> memref<1x1x32x128xi32, #tpu.memory_space<hbm>>
        %dma_start3A_84 = tpu.memref_squeeze %dma_start3A_83 : memref<1x1x32x128xi32, #tpu.memory_space<hbm>> -> memref<32x128xi32, #tpu.memory_space<hbm>>
        tpu.enqueue_dma source(%dma_start3A_84 : memref<32x128xi32, #tpu.memory_space<hbm>>) target(%arg8 : memref<32x128xi32, #tpu.memory_space<vmem>>) target_semaphore(%run_scoped3A_76 : memref<!tpu.dma_semaphore, #tpu.memory_space<semaphore_mem>>)
        %dma_wait3A = arith.constant 0 : i32
        %dma_wait3A_85 = arith.constant 0 : i32
        %dma_wait3A_86 = tpu.memref_slice %arg3[%arg1, %run_scoped3A_34, %dma_wait3A, %dma_wait3A_85] : memref<16x4x32x128xi32, #tpu.memory_space<hbm>> -> memref<1x1x32x128xi32, #tpu.memory_space<hbm>>
        %dma_wait3A_87 = tpu.memref_squeeze %dma_wait3A_86 : memref<1x1x32x128xi32, #tpu.memory_space<hbm>> -> memref<32x128xi32, #tpu.memory_space<hbm>>
        %dma_wait3A_88 = arith.constant 0 : i32
        %dma_wait3A_89 = arith.constant 0 : i32
        %dma_wait3A_90 = tpu.memref_slice %arg3[%arg1, %run_scoped3A_34, %dma_wait3A_88, %dma_wait3A_89] : memref<16x4x32x128xi32, #tpu.memory_space<hbm>> -> memref<1x1x32x128xi32, #tpu.memory_space<hbm>>
        %dma_wait3A_91 = tpu.memref_squeeze %dma_wait3A_90 : memref<1x1x32x128xi32, #tpu.memory_space<hbm>> -> memref<32x128xi32, #tpu.memory_space<hbm>>
        tpu.wait_dma2 semaphore(%run_scoped3A_76 : memref<!tpu.dma_semaphore, #tpu.memory_space<semaphore_mem>>) src(%dma_wait3A_91 : memref<32x128xi32, #tpu.memory_space<hbm>>) dst(%arg8 : memref<32x128xi32, #tpu.memory_space<vmem>>)
        tpu.yield
      }) : () -> ()
      %run_scoped3A_35 = arith.constant 1 : i32
      "tpu.region"() ({
        %run_scoped3A_76 = tpu.sem_alloc : memref<!tpu.dma_semaphore, #tpu.memory_space<semaphore_mem>>
        %dma_start3A_77 = arith.constant 0 : i32
        %dma_start3A_78 = arith.constant 0 : i32
        %dma_start3A_79 = tpu.memref_slice %arg4[%arg1, %run_scoped3A_35, %dma_start3A_77, %dma_start3A_78] : memref<16x4x32x128xi32, #tpu.memory_space<hbm>> -> memref<1x1x32x128xi32, #tpu.memory_space<hbm>>
        %dma_start3A_80 = tpu.memref_squeeze %dma_start3A_79 : memref<1x1x32x128xi32, #tpu.memory_space<hbm>> -> memref<32x128xi32, #tpu.memory_space<hbm>>
        %dma_start3A_81 = arith.constant 0 : i32
        %dma_start3A_82 = arith.constant 0 : i32
        %dma_start3A_83 = tpu.memref_slice %arg4[%arg1, %run_scoped3A_35, %dma_start3A_81, %dma_start3A_82] : memref<16x4x32x128xi32, #tpu.memory_space<hbm>> -> memref<1x1x32x128xi32, #tpu.memory_space<hbm>>
        %dma_start3A_84 = tpu.memref_squeeze %dma_start3A_83 : memref<1x1x32x128xi32, #tpu.memory_space<hbm>> -> memref<32x128xi32, #tpu.memory_space<hbm>>
        tpu.enqueue_dma source(%dma_start3A_84 : memref<32x128xi32, #tpu.memory_space<hbm>>) target(%arg9 : memref<32x128xi32, #tpu.memory_space<vmem>>) target_semaphore(%run_scoped3A_76 : memref<!tpu.dma_semaphore, #tpu.memory_space<semaphore_mem>>)
        %dma_wait3A = arith.constant 0 : i32
        %dma_wait3A_85 = arith.constant 0 : i32
        %dma_wait3A_86 = tpu.memref_slice %arg4[%arg1, %run_scoped3A_35, %dma_wait3A, %dma_wait3A_85] : memref<16x4x32x128xi32, #tpu.memory_space<hbm>> -> memref<1x1x32x128xi32, #tpu.memory_space<hbm>>
        %dma_wait3A_87 = tpu.memref_squeeze %dma_wait3A_86 : memref<1x1x32x128xi32, #tpu.memory_space<hbm>> -> memref<32x128xi32, #tpu.memory_space<hbm>>
        %dma_wait3A_88 = arith.constant 0 : i32
        %dma_wait3A_89 = arith.constant 0 : i32
        %dma_wait3A_90 = tpu.memref_slice %arg4[%arg1, %run_scoped3A_35, %dma_wait3A_88, %dma_wait3A_89] : memref<16x4x32x128xi32, #tpu.memory_space<hbm>> -> memref<1x1x32x128xi32, #tpu.memory_space<hbm>>
        %dma_wait3A_91 = tpu.memref_squeeze %dma_wait3A_90 : memref<1x1x32x128xi32, #tpu.memory_space<hbm>> -> memref<32x128xi32, #tpu.memory_space<hbm>>
        tpu.wait_dma2 semaphore(%run_scoped3A_76 : memref<!tpu.dma_semaphore, #tpu.memory_space<semaphore_mem>>) src(%dma_wait3A_91 : memref<32x128xi32, #tpu.memory_space<hbm>>) dst(%arg9 : memref<32x128xi32, #tpu.memory_space<vmem>>)
        tpu.yield
      }) : () -> ()
      %dma_start3A_36 = arith.constant 0 : i32
      %dma_start3A_37 = arith.constant 0 : i32
      %dma_start3A_38 = tpu.memref_slice %arg8[%dma_start3A_36, %dma_start3A_37] : memref<32x128xi32, #tpu.memory_space<vmem>> -> memref<1x128xi32, #tpu.memory_space<vmem>>
      %dma_start3A_39 = tpu.memref_squeeze %dma_start3A_38 : memref<1x128xi32, #tpu.memory_space<vmem>> -> memref<128xi32, #tpu.memory_space<vmem>>
      %dma_start3A_40 = arith.constant 0 : i32
      %dma_start3A_41 = arith.constant 0 : i32
      %dma_start3A_42 = tpu.memref_slice %arg2[%dma_start3A_40, %dma_start3A_41] : memref<10000x128xf32, #tpu.memory_space<hbm>> -> memref<10000x128xf32, #tpu.memory_space<hbm>>
      tpu.enqueue_indirect_dma source(%dma_start3A_42 : memref<10000x128xf32, #tpu.memory_space<hbm>>) target(%arg10 : memref<128x128xf32, #tpu.memory_space<vmem>>) offsets(%dma_start3A_39 : memref<128xi32, #tpu.memory_space<vmem>>) semaphore(%arg13 : memref<!tpu.dma_semaphore, #tpu.memory_space<semaphore_mem>>)
      %scan3A_43 = arith.constant 0 : i32
      %scan3A_44 = arith.constant 16 : i32
      %scan3A_45 = arith.addi %scan3A_43, %scan3A_44 : i32
      %scan3A_46 = arith.constant 1 : i32
      scf.for %scan3A_76 = %scan3A_43 to %scan3A_45 step %scan3A_46  : i32 {
        %mul3A_77 = arith.constant 2 : i32
        %mul3A_78 = arith.muli %scan3A_76, %mul3A_77 : i32
        %add3A_79 = arith.constant 0 : i32
        %add3A_80 = arith.addi %add3A_79, %mul3A_78 : i32
        %add3A_81 = arith.constant 1 : i32
        %add3A_82 = arith.addi %add3A_80, %add3A_81 : i32
        %dma_start3A_83 = arith.constant 0 : i32
        %dma_start3A_84 = tpu.memref_slice %arg8[%add3A_82, %dma_start3A_83] : memref<32x128xi32, #tpu.memory_space<vmem>> -> memref<1x128xi32, #tpu.memory_space<vmem>>
        %dma_start3A_85 = tpu.memref_squeeze %dma_start3A_84 : memref<1x128xi32, #tpu.memory_space<vmem>> -> memref<128xi32, #tpu.memory_space<vmem>>
        %dma_start3A_86 = arith.constant 0 : i32
        %dma_start3A_87 = arith.constant 0 : i32
        %dma_start3A_88 = tpu.memref_slice %arg2[%dma_start3A_86, %dma_start3A_87] : memref<10000x128xf32, #tpu.memory_space<hbm>> -> memref<10000x128xf32, #tpu.memory_space<hbm>>
        tpu.enqueue_indirect_dma source(%dma_start3A_88 : memref<10000x128xf32, #tpu.memory_space<hbm>>) target(%arg11 : memref<128x128xf32, #tpu.memory_space<vmem>>) offsets(%dma_start3A_85 : memref<128xi32, #tpu.memory_space<vmem>>) semaphore(%arg14 : memref<!tpu.dma_semaphore, #tpu.memory_space<semaphore_mem>>)
        %dma_wait3A = arith.constant 0 : i32
        %dma_wait3A_89 = tpu.memref_slice %arg8[%add3A_80, %dma_wait3A] : memref<32x128xi32, #tpu.memory_space<vmem>> -> memref<1x128xi32, #tpu.memory_space<vmem>>
        %dma_wait3A_90 = tpu.memref_squeeze %dma_wait3A_89 : memref<1x128xi32, #tpu.memory_space<vmem>> -> memref<128xi32, #tpu.memory_space<vmem>>
        %dma_wait3A_91 = arith.constant 0 : i32
        %dma_wait3A_92 = arith.constant 0 : i32
        %dma_wait3A_93 = tpu.memref_slice %arg2[%dma_wait3A_91, %dma_wait3A_92] : memref<10000x128xf32, #tpu.memory_space<hbm>> -> memref<10000x128xf32, #tpu.memory_space<hbm>>
        tpu.wait_indirect_dma semaphore(%arg13 : memref<!tpu.dma_semaphore, #tpu.memory_space<semaphore_mem>>) src(%dma_wait3A_93 : memref<10000x128xf32, #tpu.memory_space<hbm>>) dst(%arg10 : memref<128x128xf32, #tpu.memory_space<vmem>>)
        "tpu.region"() ({
          %run_scoped3A_110 = tpu.sem_alloc : memref<!tpu.dma_semaphore, #tpu.memory_space<semaphore_mem>>
          %dma_start3A_111 = arith.constant 0 : i32
          %dma_start3A_112 = tpu.memref_slice %arg9[%add3A_80, %dma_start3A_111] : memref<32x128xi32, #tpu.memory_space<vmem>> -> memref<1x128xi32, #tpu.memory_space<vmem>>
          %dma_start3A_113 = tpu.memref_squeeze %dma_start3A_112 : memref<1x128xi32, #tpu.memory_space<vmem>> -> memref<128xi32, #tpu.memory_space<vmem>>
          %dma_start3A_114 = arith.constant 0 : i32
          %dma_start3A_115 = arith.constant 0 : i32
          %dma_start3A_116 = tpu.memref_slice %arg12[%dma_start3A_114, %dma_start3A_115] : memref<10112x128xf32, #tpu.memory_space<vmem_shared>> -> memref<10112x128xf32, #tpu.memory_space<vmem_shared>>
          tpu.enqueue_indirect_dma source(%arg10 : memref<128x128xf32, #tpu.memory_space<vmem>>) target(%dma_start3A_116 : memref<10112x128xf32, #tpu.memory_space<vmem_shared>>) offsets(%dma_start3A_113 : memref<128xi32, #tpu.memory_space<vmem>>) semaphore(%run_scoped3A_110 : memref<!tpu.dma_semaphore, #tpu.memory_space<semaphore_mem>>) {add = true}
          %dma_wait3A_117 = arith.constant 0 : i32
          %dma_wait3A_118 = tpu.memref_slice %arg9[%add3A_80, %dma_wait3A_117] : memref<32x128xi32, #tpu.memory_space<vmem>> -> memref<1x128xi32, #tpu.memory_space<vmem>>
          %dma_wait3A_119 = tpu.memref_squeeze %dma_wait3A_118 : memref<1x128xi32, #tpu.memory_space<vmem>> -> memref<128xi32, #tpu.memory_space<vmem>>
          %dma_wait3A_120 = arith.constant 0 : i32
          %dma_wait3A_121 = arith.constant 0 : i32
          %dma_wait3A_122 = tpu.memref_slice %arg12[%dma_wait3A_120, %dma_wait3A_121] : memref<10112x128xf32, #tpu.memory_space<vmem_shared>> -> memref<10112x128xf32, #tpu.memory_space<vmem_shared>>
          tpu.wait_indirect_dma semaphore(%run_scoped3A_110 : memref<!tpu.dma_semaphore, #tpu.memory_space<semaphore_mem>>) src(%arg10 : memref<128x128xf32, #tpu.memory_space<vmem>>) dst(%dma_wait3A_122 : memref<10112x128xf32, #tpu.memory_space<vmem_shared>>)
          tpu.yield
        }) : () -> ()
        %add3A_94 = arith.constant 2 : i32
        %add3A_95 = arith.addi %add3A_80, %add3A_94 : i32
        %lt3A = arith.constant 32 : i32
        %lt3A_96 = arith.cmpi slt, %add3A_95, %lt3A : i32
        %convert_element_type3A_97 = arith.extui %lt3A_96 : i1 to i32
        %cond3A_98 = arith.constant 0 : i32
        %cond3A_99 = arith.cmpi ne, %convert_element_type3A_97, %cond3A_98 : i32
        scf.if %cond3A_99 {
          %add3A_110 = arith.constant 2 : i32
          %add3A_111 = arith.addi %add3A_80, %add3A_110 : i32
          %dma_start3A_112 = arith.constant 0 : i32
          %dma_start3A_113 = tpu.memref_slice %arg8[%add3A_111, %dma_start3A_112] : memref<32x128xi32, #tpu.memory_space<vmem>> -> memref<1x128xi32, #tpu.memory_space<vmem>>
          %dma_start3A_114 = tpu.memref_squeeze %dma_start3A_113 : memref<1x128xi32, #tpu.memory_space<vmem>> -> memref<128xi32, #tpu.memory_space<vmem>>
          %dma_start3A_115 = arith.constant 0 : i32
          %dma_start3A_116 = arith.constant 0 : i32
          %dma_start3A_117 = tpu.memref_slice %arg2[%dma_start3A_115, %dma_start3A_116] : memref<10000x128xf32, #tpu.memory_space<hbm>> -> memref<10000x128xf32, #tpu.memory_space<hbm>>
          tpu.enqueue_indirect_dma source(%dma_start3A_117 : memref<10000x128xf32, #tpu.memory_space<hbm>>) target(%arg10 : memref<128x128xf32, #tpu.memory_space<vmem>>) offsets(%dma_start3A_114 : memref<128xi32, #tpu.memory_space<vmem>>) semaphore(%arg13 : memref<!tpu.dma_semaphore, #tpu.memory_space<semaphore_mem>>)
        } else {
        }
        %add3A_100 = arith.constant 1 : i32
        %add3A_101 = arith.addi %add3A_80, %add3A_100 : i32
        %dma_wait3A_102 = arith.constant 0 : i32
        %dma_wait3A_103 = tpu.memref_slice %arg8[%add3A_101, %dma_wait3A_102] : memref<32x128xi32, #tpu.memory_space<vmem>> -> memref<1x128xi32, #tpu.memory_space<vmem>>
        %dma_wait3A_104 = tpu.memref_squeeze %dma_wait3A_103 : memref<1x128xi32, #tpu.memory_space<vmem>> -> memref<128xi32, #tpu.memory_space<vmem>>
        %dma_wait3A_105 = arith.constant 0 : i32
        %dma_wait3A_106 = arith.constant 0 : i32
        %dma_wait3A_107 = tpu.memref_slice %arg2[%dma_wait3A_105, %dma_wait3A_106] : memref<10000x128xf32, #tpu.memory_space<hbm>> -> memref<10000x128xf32, #tpu.memory_space<hbm>>
        tpu.wait_indirect_dma semaphore(%arg14 : memref<!tpu.dma_semaphore, #tpu.memory_space<semaphore_mem>>) src(%dma_wait3A_107 : memref<10000x128xf32, #tpu.memory_space<hbm>>) dst(%arg11 : memref<128x128xf32, #tpu.memory_space<vmem>>)
        %add3A_108 = arith.constant 1 : i32
        %add3A_109 = arith.addi %add3A_80, %add3A_108 : i32
        "tpu.region"() ({
          %run_scoped3A_110 = tpu.sem_alloc : memref<!tpu.dma_semaphore, #tpu.memory_space<semaphore_mem>>
          %dma_start3A_111 = arith.constant 0 : i32
          %dma_start3A_112 = tpu.memref_slice %arg9[%add3A_109, %dma_start3A_111] : memref<32x128xi32, #tpu.memory_space<vmem>> -> memref<1x128xi32, #tpu.memory_space<vmem>>
          %dma_start3A_113 = tpu.memref_squeeze %dma_start3A_112 : memref<1x128xi32, #tpu.memory_space<vmem>> -> memref<128xi32, #tpu.memory_space<vmem>>
          %dma_start3A_114 = arith.constant 0 : i32
          %dma_start3A_115 = arith.constant 0 : i32
          %dma_start3A_116 = tpu.memref_slice %arg12[%dma_start3A_114, %dma_start3A_115] : memref<10112x128xf32, #tpu.memory_space<vmem_shared>> -> memref<10112x128xf32, #tpu.memory_space<vmem_shared>>
          tpu.enqueue_indirect_dma source(%arg11 : memref<128x128xf32, #tpu.memory_space<vmem>>) target(%dma_start3A_116 : memref<10112x128xf32, #tpu.memory_space<vmem_shared>>) offsets(%dma_start3A_113 : memref<128xi32, #tpu.memory_space<vmem>>) semaphore(%run_scoped3A_110 : memref<!tpu.dma_semaphore, #tpu.memory_space<semaphore_mem>>) {add = true}
          %dma_wait3A_117 = arith.constant 0 : i32
          %dma_wait3A_118 = tpu.memref_slice %arg9[%add3A_109, %dma_wait3A_117] : memref<32x128xi32, #tpu.memory_space<vmem>> -> memref<1x128xi32, #tpu.memory_space<vmem>>
          %dma_wait3A_119 = tpu.memref_squeeze %dma_wait3A_118 : memref<1x128xi32, #tpu.memory_space<vmem>> -> memref<128xi32, #tpu.memory_space<vmem>>
          %dma_wait3A_120 = arith.constant 0 : i32
          %dma_wait3A_121 = arith.constant 0 : i32
          %dma_wait3A_122 = tpu.memref_slice %arg12[%dma_wait3A_120, %dma_wait3A_121] : memref<10112x128xf32, #tpu.memory_space<vmem_shared>> -> memref<10112x128xf32, #tpu.memory_space<vmem_shared>>
          tpu.wait_indirect_dma semaphore(%run_scoped3A_110 : memref<!tpu.dma_semaphore, #tpu.memory_space<semaphore_mem>>) src(%arg11 : memref<128x128xf32, #tpu.memory_space<vmem>>) dst(%dma_wait3A_122 : memref<10112x128xf32, #tpu.memory_space<vmem_shared>>)
          tpu.yield
        }) : () -> ()
      }
      %scan3A_47 = arith.constant 16 : i32
      %run_scoped3A_48 = arith.constant 2 : i32
      "tpu.region"() ({
        %run_scoped3A_76 = tpu.sem_alloc : memref<!tpu.dma_semaphore, #tpu.memory_space<semaphore_mem>>
        %dma_start3A_77 = arith.constant 0 : i32
        %dma_start3A_78 = arith.constant 0 : i32
        %dma_start3A_79 = tpu.memref_slice %arg3[%arg1, %run_scoped3A_48, %dma_start3A_77, %dma_start3A_78] : memref<16x4x32x128xi32, #tpu.memory_space<hbm>> -> memref<1x1x32x128xi32, #tpu.memory_space<hbm>>
        %dma_start3A_80 = tpu.memref_squeeze %dma_start3A_79 : memref<1x1x32x128xi32, #tpu.memory_space<hbm>> -> memref<32x128xi32, #tpu.memory_space<hbm>>
        %dma_start3A_81 = arith.constant 0 : i32
        %dma_start3A_82 = arith.constant 0 : i32
        %dma_start3A_83 = tpu.memref_slice %arg3[%arg1, %run_scoped3A_48, %dma_start3A_81, %dma_start3A_82] : memref<16x4x32x128xi32, #tpu.memory_space<hbm>> -> memref<1x1x32x128xi32, #tpu.memory_space<hbm>>
        %dma_start3A_84 = tpu.memref_squeeze %dma_start3A_83 : memref<1x1x32x128xi32, #tpu.memory_space<hbm>> -> memref<32x128xi32, #tpu.memory_space<hbm>>
        tpu.enqueue_dma source(%dma_start3A_84 : memref<32x128xi32, #tpu.memory_space<hbm>>) target(%arg8 : memref<32x128xi32, #tpu.memory_space<vmem>>) target_semaphore(%run_scoped3A_76 : memref<!tpu.dma_semaphore, #tpu.memory_space<semaphore_mem>>)
        %dma_wait3A = arith.constant 0 : i32
        %dma_wait3A_85 = arith.constant 0 : i32
        %dma_wait3A_86 = tpu.memref_slice %arg3[%arg1, %run_scoped3A_48, %dma_wait3A, %dma_wait3A_85] : memref<16x4x32x128xi32, #tpu.memory_space<hbm>> -> memref<1x1x32x128xi32, #tpu.memory_space<hbm>>
        %dma_wait3A_87 = tpu.memref_squeeze %dma_wait3A_86 : memref<1x1x32x128xi32, #tpu.memory_space<hbm>> -> memref<32x128xi32, #tpu.memory_space<hbm>>
        %dma_wait3A_88 = arith.constant 0 : i32
        %dma_wait3A_89 = arith.constant 0 : i32
        %dma_wait3A_90 = tpu.memref_slice %arg3[%arg1, %run_scoped3A_48, %dma_wait3A_88, %dma_wait3A_89] : memref<16x4x32x128xi32, #tpu.memory_space<hbm>> -> memref<1x1x32x128xi32, #tpu.memory_space<hbm>>
        %dma_wait3A_91 = tpu.memref_squeeze %dma_wait3A_90 : memref<1x1x32x128xi32, #tpu.memory_space<hbm>> -> memref<32x128xi32, #tpu.memory_space<hbm>>
        tpu.wait_dma2 semaphore(%run_scoped3A_76 : memref<!tpu.dma_semaphore, #tpu.memory_space<semaphore_mem>>) src(%dma_wait3A_91 : memref<32x128xi32, #tpu.memory_space<hbm>>) dst(%arg8 : memref<32x128xi32, #tpu.memory_space<vmem>>)
        tpu.yield
      }) : () -> ()
      %run_scoped3A_49 = arith.constant 2 : i32
      "tpu.region"() ({
        %run_scoped3A_76 = tpu.sem_alloc : memref<!tpu.dma_semaphore, #tpu.memory_space<semaphore_mem>>
        %dma_start3A_77 = arith.constant 0 : i32
        %dma_start3A_78 = arith.constant 0 : i32
        %dma_start3A_79 = tpu.memref_slice %arg4[%arg1, %run_scoped3A_49, %dma_start3A_77, %dma_start3A_78] : memref<16x4x32x128xi32, #tpu.memory_space<hbm>> -> memref<1x1x32x128xi32, #tpu.memory_space<hbm>>
        %dma_start3A_80 = tpu.memref_squeeze %dma_start3A_79 : memref<1x1x32x128xi32, #tpu.memory_space<hbm>> -> memref<32x128xi32, #tpu.memory_space<hbm>>
        %dma_start3A_81 = arith.constant 0 : i32
        %dma_start3A_82 = arith.constant 0 : i32
        %dma_start3A_83 = tpu.memref_slice %arg4[%arg1, %run_scoped3A_49, %dma_start3A_81, %dma_start3A_82] : memref<16x4x32x128xi32, #tpu.memory_space<hbm>> -> memref<1x1x32x128xi32, #tpu.memory_space<hbm>>
        %dma_start3A_84 = tpu.memref_squeeze %dma_start3A_83 : memref<1x1x32x128xi32, #tpu.memory_space<hbm>> -> memref<32x128xi32, #tpu.memory_space<hbm>>
        tpu.enqueue_dma source(%dma_start3A_84 : memref<32x128xi32, #tpu.memory_space<hbm>>) target(%arg9 : memref<32x128xi32, #tpu.memory_space<vmem>>) target_semaphore(%run_scoped3A_76 : memref<!tpu.dma_semaphore, #tpu.memory_space<semaphore_mem>>)
        %dma_wait3A = arith.constant 0 : i32
        %dma_wait3A_85 = arith.constant 0 : i32
        %dma_wait3A_86 = tpu.memref_slice %arg4[%arg1, %run_scoped3A_49, %dma_wait3A, %dma_wait3A_85] : memref<16x4x32x128xi32, #tpu.memory_space<hbm>> -> memref<1x1x32x128xi32, #tpu.memory_space<hbm>>
        %dma_wait3A_87 = tpu.memref_squeeze %dma_wait3A_86 : memref<1x1x32x128xi32, #tpu.memory_space<hbm>> -> memref<32x128xi32, #tpu.memory_space<hbm>>
        %dma_wait3A_88 = arith.constant 0 : i32
        %dma_wait3A_89 = arith.constant 0 : i32
        %dma_wait3A_90 = tpu.memref_slice %arg4[%arg1, %run_scoped3A_49, %dma_wait3A_88, %dma_wait3A_89] : memref<16x4x32x128xi32, #tpu.memory_space<hbm>> -> memref<1x1x32x128xi32, #tpu.memory_space<hbm>>
        %dma_wait3A_91 = tpu.memref_squeeze %dma_wait3A_90 : memref<1x1x32x128xi32, #tpu.memory_space<hbm>> -> memref<32x128xi32, #tpu.memory_space<hbm>>
        tpu.wait_dma2 semaphore(%run_scoped3A_76 : memref<!tpu.dma_semaphore, #tpu.memory_space<semaphore_mem>>) src(%dma_wait3A_91 : memref<32x128xi32, #tpu.memory_space<hbm>>) dst(%arg9 : memref<32x128xi32, #tpu.memory_space<vmem>>)
        tpu.yield
      }) : () -> ()
      %dma_start3A_50 = arith.constant 0 : i32
      %dma_start3A_51 = arith.constant 0 : i32
      %dma_start3A_52 = tpu.memref_slice %arg8[%dma_start3A_50, %dma_start3A_51] : memref<32x128xi32, #tpu.memory_space<vmem>> -> memref<1x128xi32, #tpu.memory_space<vmem>>
      %dma_start3A_53 = tpu.memref_squeeze %dma_start3A_52 : memref<1x128xi32, #tpu.memory_space<vmem>> -> memref<128xi32, #tpu.memory_space<vmem>>
      %dma_start3A_54 = arith.constant 0 : i32
      %dma_start3A_55 = arith.constant 0 : i32
      %dma_start3A_56 = tpu.memref_slice %arg2[%dma_start3A_54, %dma_start3A_55] : memref<10000x128xf32, #tpu.memory_space<hbm>> -> memref<10000x128xf32, #tpu.memory_space<hbm>>
      tpu.enqueue_indirect_dma source(%dma_start3A_56 : memref<10000x128xf32, #tpu.memory_space<hbm>>) target(%arg10 : memref<128x128xf32, #tpu.memory_space<vmem>>) offsets(%dma_start3A_53 : memref<128xi32, #tpu.memory_space<vmem>>) semaphore(%arg13 : memref<!tpu.dma_semaphore, #tpu.memory_space<semaphore_mem>>)
      %scan3A_57 = arith.constant 0 : i32
      %scan3A_58 = arith.constant 16 : i32
      %scan3A_59 = arith.addi %scan3A_57, %scan3A_58 : i32
      %scan3A_60 = arith.constant 1 : i32
      scf.for %scan3A_76 = %scan3A_57 to %scan3A_59 step %scan3A_60  : i32 {
        %mul3A_77 = arith.constant 2 : i32
        %mul3A_78 = arith.muli %scan3A_76, %mul3A_77 : i32
        %add3A_79 = arith.constant 0 : i32
        %add3A_80 = arith.addi %add3A_79, %mul3A_78 : i32
        %add3A_81 = arith.constant 1 : i32
        %add3A_82 = arith.addi %add3A_80, %add3A_81 : i32
        %dma_start3A_83 = arith.constant 0 : i32
        %dma_start3A_84 = tpu.memref_slice %arg8[%add3A_82, %dma_start3A_83] : memref<32x128xi32, #tpu.memory_space<vmem>> -> memref<1x128xi32, #tpu.memory_space<vmem>>
        %dma_start3A_85 = tpu.memref_squeeze %dma_start3A_84 : memref<1x128xi32, #tpu.memory_space<vmem>> -> memref<128xi32, #tpu.memory_space<vmem>>
        %dma_start3A_86 = arith.constant 0 : i32
        %dma_start3A_87 = arith.constant 0 : i32
        %dma_start3A_88 = tpu.memref_slice %arg2[%dma_start3A_86, %dma_start3A_87] : memref<10000x128xf32, #tpu.memory_space<hbm>> -> memref<10000x128xf32, #tpu.memory_space<hbm>>
        tpu.enqueue_indirect_dma source(%dma_start3A_88 : memref<10000x128xf32, #tpu.memory_space<hbm>>) target(%arg11 : memref<128x128xf32, #tpu.memory_space<vmem>>) offsets(%dma_start3A_85 : memref<128xi32, #tpu.memory_space<vmem>>) semaphore(%arg14 : memref<!tpu.dma_semaphore, #tpu.memory_space<semaphore_mem>>)
        %dma_wait3A = arith.constant 0 : i32
        %dma_wait3A_89 = tpu.memref_slice %arg8[%add3A_80, %dma_wait3A] : memref<32x128xi32, #tpu.memory_space<vmem>> -> memref<1x128xi32, #tpu.memory_space<vmem>>
        %dma_wait3A_90 = tpu.memref_squeeze %dma_wait3A_89 : memref<1x128xi32, #tpu.memory_space<vmem>> -> memref<128xi32, #tpu.memory_space<vmem>>
        %dma_wait3A_91 = arith.constant 0 : i32
        %dma_wait3A_92 = arith.constant 0 : i32
        %dma_wait3A_93 = tpu.memref_slice %arg2[%dma_wait3A_91, %dma_wait3A_92] : memref<10000x128xf32, #tpu.memory_space<hbm>> -> memref<10000x128xf32, #tpu.memory_space<hbm>>
        tpu.wait_indirect_dma semaphore(%arg13 : memref<!tpu.dma_semaphore, #tpu.memory_space<semaphore_mem>>) src(%dma_wait3A_93 : memref<10000x128xf32, #tpu.memory_space<hbm>>) dst(%arg10 : memref<128x128xf32, #tpu.memory_space<vmem>>)
        "tpu.region"() ({
          %run_scoped3A_110 = tpu.sem_alloc : memref<!tpu.dma_semaphore, #tpu.memory_space<semaphore_mem>>
          %dma_start3A_111 = arith.constant 0 : i32
          %dma_start3A_112 = tpu.memref_slice %arg9[%add3A_80, %dma_start3A_111] : memref<32x128xi32, #tpu.memory_space<vmem>> -> memref<1x128xi32, #tpu.memory_space<vmem>>
          %dma_start3A_113 = tpu.memref_squeeze %dma_start3A_112 : memref<1x128xi32, #tpu.memory_space<vmem>> -> memref<128xi32, #tpu.memory_space<vmem>>
          %dma_start3A_114 = arith.constant 0 : i32
          %dma_start3A_115 = arith.constant 0 : i32
          %dma_start3A_116 = tpu.memref_slice %arg12[%dma_start3A_114, %dma_start3A_115] : memref<10112x128xf32, #tpu.memory_space<vmem_shared>> -> memref<10112x128xf32, #tpu.memory_space<vmem_shared>>
          tpu.enqueue_indirect_dma source(%arg10 : memref<128x128xf32, #tpu.memory_space<vmem>>) target(%dma_start3A_116 : memref<10112x128xf32, #tpu.memory_space<vmem_shared>>) offsets(%dma_start3A_113 : memref<128xi32, #tpu.memory_space<vmem>>) semaphore(%run_scoped3A_110 : memref<!tpu.dma_semaphore, #tpu.memory_space<semaphore_mem>>) {add = true}
          %dma_wait3A_117 = arith.constant 0 : i32
          %dma_wait3A_118 = tpu.memref_slice %arg9[%add3A_80, %dma_wait3A_117] : memref<32x128xi32, #tpu.memory_space<vmem>> -> memref<1x128xi32, #tpu.memory_space<vmem>>
          %dma_wait3A_119 = tpu.memref_squeeze %dma_wait3A_118 : memref<1x128xi32, #tpu.memory_space<vmem>> -> memref<128xi32, #tpu.memory_space<vmem>>
          %dma_wait3A_120 = arith.constant 0 : i32
          %dma_wait3A_121 = arith.constant 0 : i32
          %dma_wait3A_122 = tpu.memref_slice %arg12[%dma_wait3A_120, %dma_wait3A_121] : memref<10112x128xf32, #tpu.memory_space<vmem_shared>> -> memref<10112x128xf32, #tpu.memory_space<vmem_shared>>
          tpu.wait_indirect_dma semaphore(%run_scoped3A_110 : memref<!tpu.dma_semaphore, #tpu.memory_space<semaphore_mem>>) src(%arg10 : memref<128x128xf32, #tpu.memory_space<vmem>>) dst(%dma_wait3A_122 : memref<10112x128xf32, #tpu.memory_space<vmem_shared>>)
          tpu.yield
        }) : () -> ()
        %add3A_94 = arith.constant 2 : i32
        %add3A_95 = arith.addi %add3A_80, %add3A_94 : i32
        %lt3A = arith.constant 32 : i32
        %lt3A_96 = arith.cmpi slt, %add3A_95, %lt3A : i32
        %convert_element_type3A_97 = arith.extui %lt3A_96 : i1 to i32
        %cond3A_98 = arith.constant 0 : i32
        %cond3A_99 = arith.cmpi ne, %convert_element_type3A_97, %cond3A_98 : i32
        scf.if %cond3A_99 {
          %add3A_110 = arith.constant 2 : i32
          %add3A_111 = arith.addi %add3A_80, %add3A_110 : i32
          %dma_start3A_112 = arith.constant 0 : i32
          %dma_start3A_113 = tpu.memref_slice %arg8[%add3A_111, %dma_start3A_112] : memref<32x128xi32, #tpu.memory_space<vmem>> -> memref<1x128xi32, #tpu.memory_space<vmem>>
          %dma_start3A_114 = tpu.memref_squeeze %dma_start3A_113 : memref<1x128xi32, #tpu.memory_space<vmem>> -> memref<128xi32, #tpu.memory_space<vmem>>
          %dma_start3A_115 = arith.constant 0 : i32
          %dma_start3A_116 = arith.constant 0 : i32
          %dma_start3A_117 = tpu.memref_slice %arg2[%dma_start3A_115, %dma_start3A_116] : memref<10000x128xf32, #tpu.memory_space<hbm>> -> memref<10000x128xf32, #tpu.memory_space<hbm>>
          tpu.enqueue_indirect_dma source(%dma_start3A_117 : memref<10000x128xf32, #tpu.memory_space<hbm>>) target(%arg10 : memref<128x128xf32, #tpu.memory_space<vmem>>) offsets(%dma_start3A_114 : memref<128xi32, #tpu.memory_space<vmem>>) semaphore(%arg13 : memref<!tpu.dma_semaphore, #tpu.memory_space<semaphore_mem>>)
        } else {
        }
        %add3A_100 = arith.constant 1 : i32
        %add3A_101 = arith.addi %add3A_80, %add3A_100 : i32
        %dma_wait3A_102 = arith.constant 0 : i32
        %dma_wait3A_103 = tpu.memref_slice %arg8[%add3A_101, %dma_wait3A_102] : memref<32x128xi32, #tpu.memory_space<vmem>> -> memref<1x128xi32, #tpu.memory_space<vmem>>
        %dma_wait3A_104 = tpu.memref_squeeze %dma_wait3A_103 : memref<1x128xi32, #tpu.memory_space<vmem>> -> memref<128xi32, #tpu.memory_space<vmem>>
        %dma_wait3A_105 = arith.constant 0 : i32
        %dma_wait3A_106 = arith.constant 0 : i32
        %dma_wait3A_107 = tpu.memref_slice %arg2[%dma_wait3A_105, %dma_wait3A_106] : memref<10000x128xf32, #tpu.memory_space<hbm>> -> memref<10000x128xf32, #tpu.memory_space<hbm>>
        tpu.wait_indirect_dma semaphore(%arg14 : memref<!tpu.dma_semaphore, #tpu.memory_space<semaphore_mem>>) src(%dma_wait3A_107 : memref<10000x128xf32, #tpu.memory_space<hbm>>) dst(%arg11 : memref<128x128xf32, #tpu.memory_space<vmem>>)
        %add3A_108 = arith.constant 1 : i32
        %add3A_109 = arith.addi %add3A_80, %add3A_108 : i32
        "tpu.region"() ({
          %run_scoped3A_110 = tpu.sem_alloc : memref<!tpu.dma_semaphore, #tpu.memory_space<semaphore_mem>>
          %dma_start3A_111 = arith.constant 0 : i32
          %dma_start3A_112 = tpu.memref_slice %arg9[%add3A_109, %dma_start3A_111] : memref<32x128xi32, #tpu.memory_space<vmem>> -> memref<1x128xi32, #tpu.memory_space<vmem>>
          %dma_start3A_113 = tpu.memref_squeeze %dma_start3A_112 : memref<1x128xi32, #tpu.memory_space<vmem>> -> memref<128xi32, #tpu.memory_space<vmem>>
          %dma_start3A_114 = arith.constant 0 : i32
          %dma_start3A_115 = arith.constant 0 : i32
          %dma_start3A_116 = tpu.memref_slice %arg12[%dma_start3A_114, %dma_start3A_115] : memref<10112x128xf32, #tpu.memory_space<vmem_shared>> -> memref<10112x128xf32, #tpu.memory_space<vmem_shared>>
          tpu.enqueue_indirect_dma source(%arg11 : memref<128x128xf32, #tpu.memory_space<vmem>>) target(%dma_start3A_116 : memref<10112x128xf32, #tpu.memory_space<vmem_shared>>) offsets(%dma_start3A_113 : memref<128xi32, #tpu.memory_space<vmem>>) semaphore(%run_scoped3A_110 : memref<!tpu.dma_semaphore, #tpu.memory_space<semaphore_mem>>) {add = true}
          %dma_wait3A_117 = arith.constant 0 : i32
          %dma_wait3A_118 = tpu.memref_slice %arg9[%add3A_109, %dma_wait3A_117] : memref<32x128xi32, #tpu.memory_space<vmem>> -> memref<1x128xi32, #tpu.memory_space<vmem>>
          %dma_wait3A_119 = tpu.memref_squeeze %dma_wait3A_118 : memref<1x128xi32, #tpu.memory_space<vmem>> -> memref<128xi32, #tpu.memory_space<vmem>>
          %dma_wait3A_120 = arith.constant 0 : i32
          %dma_wait3A_121 = arith.constant 0 : i32
          %dma_wait3A_122 = tpu.memref_slice %arg12[%dma_wait3A_120, %dma_wait3A_121] : memref<10112x128xf32, #tpu.memory_space<vmem_shared>> -> memref<10112x128xf32, #tpu.memory_space<vmem_shared>>
          tpu.wait_indirect_dma semaphore(%run_scoped3A_110 : memref<!tpu.dma_semaphore, #tpu.memory_space<semaphore_mem>>) src(%arg11 : memref<128x128xf32, #tpu.memory_space<vmem>>) dst(%dma_wait3A_122 : memref<10112x128xf32, #tpu.memory_space<vmem_shared>>)
          tpu.yield
        }) : () -> ()
      }
      %scan3A_61 = arith.constant 16 : i32
      %run_scoped3A_62 = arith.constant 3 : i32
      "tpu.region"() ({
        %run_scoped3A_76 = tpu.sem_alloc : memref<!tpu.dma_semaphore, #tpu.memory_space<semaphore_mem>>
        %dma_start3A_77 = arith.constant 0 : i32
        %dma_start3A_78 = arith.constant 0 : i32
        %dma_start3A_79 = tpu.memref_slice %arg3[%arg1, %run_scoped3A_62, %dma_start3A_77, %dma_start3A_78] : memref<16x4x32x128xi32, #tpu.memory_space<hbm>> -> memref<1x1x32x128xi32, #tpu.memory_space<hbm>>
        %dma_start3A_80 = tpu.memref_squeeze %dma_start3A_79 : memref<1x1x32x128xi32, #tpu.memory_space<hbm>> -> memref<32x128xi32, #tpu.memory_space<hbm>>
        %dma_start3A_81 = arith.constant 0 : i32
        %dma_start3A_82 = arith.constant 0 : i32
        %dma_start3A_83 = tpu.memref_slice %arg3[%arg1, %run_scoped3A_62, %dma_start3A_81, %dma_start3A_82] : memref<16x4x32x128xi32, #tpu.memory_space<hbm>> -> memref<1x1x32x128xi32, #tpu.memory_space<hbm>>
        %dma_start3A_84 = tpu.memref_squeeze %dma_start3A_83 : memref<1x1x32x128xi32, #tpu.memory_space<hbm>> -> memref<32x128xi32, #tpu.memory_space<hbm>>
        tpu.enqueue_dma source(%dma_start3A_84 : memref<32x128xi32, #tpu.memory_space<hbm>>) target(%arg8 : memref<32x128xi32, #tpu.memory_space<vmem>>) target_semaphore(%run_scoped3A_76 : memref<!tpu.dma_semaphore, #tpu.memory_space<semaphore_mem>>)
        %dma_wait3A = arith.constant 0 : i32
        %dma_wait3A_85 = arith.constant 0 : i32
        %dma_wait3A_86 = tpu.memref_slice %arg3[%arg1, %run_scoped3A_62, %dma_wait3A, %dma_wait3A_85] : memref<16x4x32x128xi32, #tpu.memory_space<hbm>> -> memref<1x1x32x128xi32, #tpu.memory_space<hbm>>
        %dma_wait3A_87 = tpu.memref_squeeze %dma_wait3A_86 : memref<1x1x32x128xi32, #tpu.memory_space<hbm>> -> memref<32x128xi32, #tpu.memory_space<hbm>>
        %dma_wait3A_88 = arith.constant 0 : i32
        %dma_wait3A_89 = arith.constant 0 : i32
        %dma_wait3A_90 = tpu.memref_slice %arg3[%arg1, %run_scoped3A_62, %dma_wait3A_88, %dma_wait3A_89] : memref<16x4x32x128xi32, #tpu.memory_space<hbm>> -> memref<1x1x32x128xi32, #tpu.memory_space<hbm>>
        %dma_wait3A_91 = tpu.memref_squeeze %dma_wait3A_90 : memref<1x1x32x128xi32, #tpu.memory_space<hbm>> -> memref<32x128xi32, #tpu.memory_space<hbm>>
        tpu.wait_dma2 semaphore(%run_scoped3A_76 : memref<!tpu.dma_semaphore, #tpu.memory_space<semaphore_mem>>) src(%dma_wait3A_91 : memref<32x128xi32, #tpu.memory_space<hbm>>) dst(%arg8 : memref<32x128xi32, #tpu.memory_space<vmem>>)
        tpu.yield
      }) : () -> ()
      %run_scoped3A_63 = arith.constant 3 : i32
      "tpu.region"() ({
        %run_scoped3A_76 = tpu.sem_alloc : memref<!tpu.dma_semaphore, #tpu.memory_space<semaphore_mem>>
        %dma_start3A_77 = arith.constant 0 : i32
        %dma_start3A_78 = arith.constant 0 : i32
        %dma_start3A_79 = tpu.memref_slice %arg4[%arg1, %run_scoped3A_63, %dma_start3A_77, %dma_start3A_78] : memref<16x4x32x128xi32, #tpu.memory_space<hbm>> -> memref<1x1x32x128xi32, #tpu.memory_space<hbm>>
        %dma_start3A_80 = tpu.memref_squeeze %dma_start3A_79 : memref<1x1x32x128xi32, #tpu.memory_space<hbm>> -> memref<32x128xi32, #tpu.memory_space<hbm>>
        %dma_start3A_81 = arith.constant 0 : i32
        %dma_start3A_82 = arith.constant 0 : i32
        %dma_start3A_83 = tpu.memref_slice %arg4[%arg1, %run_scoped3A_63, %dma_start3A_81, %dma_start3A_82] : memref<16x4x32x128xi32, #tpu.memory_space<hbm>> -> memref<1x1x32x128xi32, #tpu.memory_space<hbm>>
        %dma_start3A_84 = tpu.memref_squeeze %dma_start3A_83 : memref<1x1x32x128xi32, #tpu.memory_space<hbm>> -> memref<32x128xi32, #tpu.memory_space<hbm>>
        tpu.enqueue_dma source(%dma_start3A_84 : memref<32x128xi32, #tpu.memory_space<hbm>>) target(%arg9 : memref<32x128xi32, #tpu.memory_space<vmem>>) target_semaphore(%run_scoped3A_76 : memref<!tpu.dma_semaphore, #tpu.memory_space<semaphore_mem>>)
        %dma_wait3A = arith.constant 0 : i32
        %dma_wait3A_85 = arith.constant 0 : i32
        %dma_wait3A_86 = tpu.memref_slice %arg4[%arg1, %run_scoped3A_63, %dma_wait3A, %dma_wait3A_85] : memref<16x4x32x128xi32, #tpu.memory_space<hbm>> -> memref<1x1x32x128xi32, #tpu.memory_space<hbm>>
        %dma_wait3A_87 = tpu.memref_squeeze %dma_wait3A_86 : memref<1x1x32x128xi32, #tpu.memory_space<hbm>> -> memref<32x128xi32, #tpu.memory_space<hbm>>
        %dma_wait3A_88 = arith.constant 0 : i32
        %dma_wait3A_89 = arith.constant 0 : i32
        %dma_wait3A_90 = tpu.memref_slice %arg4[%arg1, %run_scoped3A_63, %dma_wait3A_88, %dma_wait3A_89] : memref<16x4x32x128xi32, #tpu.memory_space<hbm>> -> memref<1x1x32x128xi32, #tpu.memory_space<hbm>>
        %dma_wait3A_91 = tpu.memref_squeeze %dma_wait3A_90 : memref<1x1x32x128xi32, #tpu.memory_space<hbm>> -> memref<32x128xi32, #tpu.memory_space<hbm>>
        tpu.wait_dma2 semaphore(%run_scoped3A_76 : memref<!tpu.dma_semaphore, #tpu.memory_space<semaphore_mem>>) src(%dma_wait3A_91 : memref<32x128xi32, #tpu.memory_space<hbm>>) dst(%arg9 : memref<32x128xi32, #tpu.memory_space<vmem>>)
        tpu.yield
      }) : () -> ()
      %dma_start3A_64 = arith.constant 0 : i32
      %dma_start3A_65 = arith.constant 0 : i32
      %dma_start3A_66 = tpu.memref_slice %arg8[%dma_start3A_64, %dma_start3A_65] : memref<32x128xi32, #tpu.memory_space<vmem>> -> memref<1x128xi32, #tpu.memory_space<vmem>>
      %dma_start3A_67 = tpu.memref_squeeze %dma_start3A_66 : memref<1x128xi32, #tpu.memory_space<vmem>> -> memref<128xi32, #tpu.memory_space<vmem>>
      %dma_start3A_68 = arith.constant 0 : i32
      %dma_start3A_69 = arith.constant 0 : i32
      %dma_start3A_70 = tpu.memref_slice %arg2[%dma_start3A_68, %dma_start3A_69] : memref<10000x128xf32, #tpu.memory_space<hbm>> -> memref<10000x128xf32, #tpu.memory_space<hbm>>
      tpu.enqueue_indirect_dma source(%dma_start3A_70 : memref<10000x128xf32, #tpu.memory_space<hbm>>) target(%arg10 : memref<128x128xf32, #tpu.memory_space<vmem>>) offsets(%dma_start3A_67 : memref<128xi32, #tpu.memory_space<vmem>>) semaphore(%arg13 : memref<!tpu.dma_semaphore, #tpu.memory_space<semaphore_mem>>)
      %scan3A_71 = arith.constant 0 : i32
      %scan3A_72 = arith.constant 16 : i32
      %scan3A_73 = arith.addi %scan3A_71, %scan3A_72 : i32
      %scan3A_74 = arith.constant 1 : i32
      scf.for %scan3A_76 = %scan3A_71 to %scan3A_73 step %scan3A_74  : i32 {
        %mul3A_77 = arith.constant 2 : i32
        %mul3A_78 = arith.muli %scan3A_76, %mul3A_77 : i32
        %add3A_79 = arith.constant 0 : i32
        %add3A_80 = arith.addi %add3A_79, %mul3A_78 : i32
        %add3A_81 = arith.constant 1 : i32
        %add3A_82 = arith.addi %add3A_80, %add3A_81 : i32
        %dma_start3A_83 = arith.constant 0 : i32
        %dma_start3A_84 = tpu.memref_slice %arg8[%add3A_82, %dma_start3A_83] : memref<32x128xi32, #tpu.memory_space<vmem>> -> memref<1x128xi32, #tpu.memory_space<vmem>>
        %dma_start3A_85 = tpu.memref_squeeze %dma_start3A_84 : memref<1x128xi32, #tpu.memory_space<vmem>> -> memref<128xi32, #tpu.memory_space<vmem>>
        %dma_start3A_86 = arith.constant 0 : i32
        %dma_start3A_87 = arith.constant 0 : i32
        %dma_start3A_88 = tpu.memref_slice %arg2[%dma_start3A_86, %dma_start3A_87] : memref<10000x128xf32, #tpu.memory_space<hbm>> -> memref<10000x128xf32, #tpu.memory_space<hbm>>
        tpu.enqueue_indirect_dma source(%dma_start3A_88 : memref<10000x128xf32, #tpu.memory_space<hbm>>) target(%arg11 : memref<128x128xf32, #tpu.memory_space<vmem>>) offsets(%dma_start3A_85 : memref<128xi32, #tpu.memory_space<vmem>>) semaphore(%arg14 : memref<!tpu.dma_semaphore, #tpu.memory_space<semaphore_mem>>)
        %dma_wait3A = arith.constant 0 : i32
        %dma_wait3A_89 = tpu.memref_slice %arg8[%add3A_80, %dma_wait3A] : memref<32x128xi32, #tpu.memory_space<vmem>> -> memref<1x128xi32, #tpu.memory_space<vmem>>
        %dma_wait3A_90 = tpu.memref_squeeze %dma_wait3A_89 : memref<1x128xi32, #tpu.memory_space<vmem>> -> memref<128xi32, #tpu.memory_space<vmem>>
        %dma_wait3A_91 = arith.constant 0 : i32
        %dma_wait3A_92 = arith.constant 0 : i32
        %dma_wait3A_93 = tpu.memref_slice %arg2[%dma_wait3A_91, %dma_wait3A_92] : memref<10000x128xf32, #tpu.memory_space<hbm>> -> memref<10000x128xf32, #tpu.memory_space<hbm>>
        tpu.wait_indirect_dma semaphore(%arg13 : memref<!tpu.dma_semaphore, #tpu.memory_space<semaphore_mem>>) src(%dma_wait3A_93 : memref<10000x128xf32, #tpu.memory_space<hbm>>) dst(%arg10 : memref<128x128xf32, #tpu.memory_space<vmem>>)
        "tpu.region"() ({
          %run_scoped3A_110 = tpu.sem_alloc : memref<!tpu.dma_semaphore, #tpu.memory_space<semaphore_mem>>
          %dma_start3A_111 = arith.constant 0 : i32
          %dma_start3A_112 = tpu.memref_slice %arg9[%add3A_80, %dma_start3A_111] : memref<32x128xi32, #tpu.memory_space<vmem>> -> memref<1x128xi32, #tpu.memory_space<vmem>>
          %dma_start3A_113 = tpu.memref_squeeze %dma_start3A_112 : memref<1x128xi32, #tpu.memory_space<vmem>> -> memref<128xi32, #tpu.memory_space<vmem>>
          %dma_start3A_114 = arith.constant 0 : i32
          %dma_start3A_115 = arith.constant 0 : i32
          %dma_start3A_116 = tpu.memref_slice %arg12[%dma_start3A_114, %dma_start3A_115] : memref<10112x128xf32, #tpu.memory_space<vmem_shared>> -> memref<10112x128xf32, #tpu.memory_space<vmem_shared>>
          tpu.enqueue_indirect_dma source(%arg10 : memref<128x128xf32, #tpu.memory_space<vmem>>) target(%dma_start3A_116 : memref<10112x128xf32, #tpu.memory_space<vmem_shared>>) offsets(%dma_start3A_113 : memref<128xi32, #tpu.memory_space<vmem>>) semaphore(%run_scoped3A_110 : memref<!tpu.dma_semaphore, #tpu.memory_space<semaphore_mem>>) {add = true}
          %dma_wait3A_117 = arith.constant 0 : i32
          %dma_wait3A_118 = tpu.memref_slice %arg9[%add3A_80, %dma_wait3A_117] : memref<32x128xi32, #tpu.memory_space<vmem>> -> memref<1x128xi32, #tpu.memory_space<vmem>>
          %dma_wait3A_119 = tpu.memref_squeeze %dma_wait3A_118 : memref<1x128xi32, #tpu.memory_space<vmem>> -> memref<128xi32, #tpu.memory_space<vmem>>
          %dma_wait3A_120 = arith.constant 0 : i32
          %dma_wait3A_121 = arith.constant 0 : i32
          %dma_wait3A_122 = tpu.memref_slice %arg12[%dma_wait3A_120, %dma_wait3A_121] : memref<10112x128xf32, #tpu.memory_space<vmem_shared>> -> memref<10112x128xf32, #tpu.memory_space<vmem_shared>>
          tpu.wait_indirect_dma semaphore(%run_scoped3A_110 : memref<!tpu.dma_semaphore, #tpu.memory_space<semaphore_mem>>) src(%arg10 : memref<128x128xf32, #tpu.memory_space<vmem>>) dst(%dma_wait3A_122 : memref<10112x128xf32, #tpu.memory_space<vmem_shared>>)
          tpu.yield
        }) : () -> ()
        %add3A_94 = arith.constant 2 : i32
        %add3A_95 = arith.addi %add3A_80, %add3A_94 : i32
        %lt3A = arith.constant 32 : i32
        %lt3A_96 = arith.cmpi slt, %add3A_95, %lt3A : i32
        %convert_element_type3A_97 = arith.extui %lt3A_96 : i1 to i32
        %cond3A_98 = arith.constant 0 : i32
        %cond3A_99 = arith.cmpi ne, %convert_element_type3A_97, %cond3A_98 : i32
        scf.if %cond3A_99 {
          %add3A_110 = arith.constant 2 : i32
          %add3A_111 = arith.addi %add3A_80, %add3A_110 : i32
          %dma_start3A_112 = arith.constant 0 : i32
          %dma_start3A_113 = tpu.memref_slice %arg8[%add3A_111, %dma_start3A_112] : memref<32x128xi32, #tpu.memory_space<vmem>> -> memref<1x128xi32, #tpu.memory_space<vmem>>
          %dma_start3A_114 = tpu.memref_squeeze %dma_start3A_113 : memref<1x128xi32, #tpu.memory_space<vmem>> -> memref<128xi32, #tpu.memory_space<vmem>>
          %dma_start3A_115 = arith.constant 0 : i32
          %dma_start3A_116 = arith.constant 0 : i32
          %dma_start3A_117 = tpu.memref_slice %arg2[%dma_start3A_115, %dma_start3A_116] : memref<10000x128xf32, #tpu.memory_space<hbm>> -> memref<10000x128xf32, #tpu.memory_space<hbm>>
          tpu.enqueue_indirect_dma source(%dma_start3A_117 : memref<10000x128xf32, #tpu.memory_space<hbm>>) target(%arg10 : memref<128x128xf32, #tpu.memory_space<vmem>>) offsets(%dma_start3A_114 : memref<128xi32, #tpu.memory_space<vmem>>) semaphore(%arg13 : memref<!tpu.dma_semaphore, #tpu.memory_space<semaphore_mem>>)
        } else {
        }
        %add3A_100 = arith.constant 1 : i32
        %add3A_101 = arith.addi %add3A_80, %add3A_100 : i32
        %dma_wait3A_102 = arith.constant 0 : i32
        %dma_wait3A_103 = tpu.memref_slice %arg8[%add3A_101, %dma_wait3A_102] : memref<32x128xi32, #tpu.memory_space<vmem>> -> memref<1x128xi32, #tpu.memory_space<vmem>>
        %dma_wait3A_104 = tpu.memref_squeeze %dma_wait3A_103 : memref<1x128xi32, #tpu.memory_space<vmem>> -> memref<128xi32, #tpu.memory_space<vmem>>
        %dma_wait3A_105 = arith.constant 0 : i32
        %dma_wait3A_106 = arith.constant 0 : i32
        %dma_wait3A_107 = tpu.memref_slice %arg2[%dma_wait3A_105, %dma_wait3A_106] : memref<10000x128xf32, #tpu.memory_space<hbm>> -> memref<10000x128xf32, #tpu.memory_space<hbm>>
        tpu.wait_indirect_dma semaphore(%arg14 : memref<!tpu.dma_semaphore, #tpu.memory_space<semaphore_mem>>) src(%dma_wait3A_107 : memref<10000x128xf32, #tpu.memory_space<hbm>>) dst(%arg11 : memref<128x128xf32, #tpu.memory_space<vmem>>)
        %add3A_108 = arith.constant 1 : i32
        %add3A_109 = arith.addi %add3A_80, %add3A_108 : i32
        "tpu.region"() ({
          %run_scoped3A_110 = tpu.sem_alloc : memref<!tpu.dma_semaphore, #tpu.memory_space<semaphore_mem>>
          %dma_start3A_111 = arith.constant 0 : i32
          %dma_start3A_112 = tpu.memref_slice %arg9[%add3A_109, %dma_start3A_111] : memref<32x128xi32, #tpu.memory_space<vmem>> -> memref<1x128xi32, #tpu.memory_space<vmem>>
          %dma_start3A_113 = tpu.memref_squeeze %dma_start3A_112 : memref<1x128xi32, #tpu.memory_space<vmem>> -> memref<128xi32, #tpu.memory_space<vmem>>
          %dma_start3A_114 = arith.constant 0 : i32
          %dma_start3A_115 = arith.constant 0 : i32
          %dma_start3A_116 = tpu.memref_slice %arg12[%dma_start3A_114, %dma_start3A_115] : memref<10112x128xf32, #tpu.memory_space<vmem_shared>> -> memref<10112x128xf32, #tpu.memory_space<vmem_shared>>
          tpu.enqueue_indirect_dma source(%arg11 : memref<128x128xf32, #tpu.memory_space<vmem>>) target(%dma_start3A_116 : memref<10112x128xf32, #tpu.memory_space<vmem_shared>>) offsets(%dma_start3A_113 : memref<128xi32, #tpu.memory_space<vmem>>) semaphore(%run_scoped3A_110 : memref<!tpu.dma_semaphore, #tpu.memory_space<semaphore_mem>>) {add = true}
          %dma_wait3A_117 = arith.constant 0 : i32
          %dma_wait3A_118 = tpu.memref_slice %arg9[%add3A_109, %dma_wait3A_117] : memref<32x128xi32, #tpu.memory_space<vmem>> -> memref<1x128xi32, #tpu.memory_space<vmem>>
          %dma_wait3A_119 = tpu.memref_squeeze %dma_wait3A_118 : memref<1x128xi32, #tpu.memory_space<vmem>> -> memref<128xi32, #tpu.memory_space<vmem>>
          %dma_wait3A_120 = arith.constant 0 : i32
          %dma_wait3A_121 = arith.constant 0 : i32
          %dma_wait3A_122 = tpu.memref_slice %arg12[%dma_wait3A_120, %dma_wait3A_121] : memref<10112x128xf32, #tpu.memory_space<vmem_shared>> -> memref<10112x128xf32, #tpu.memory_space<vmem_shared>>
          tpu.wait_indirect_dma semaphore(%run_scoped3A_110 : memref<!tpu.dma_semaphore, #tpu.memory_space<semaphore_mem>>) src(%arg11 : memref<128x128xf32, #tpu.memory_space<vmem>>) dst(%dma_wait3A_122 : memref<10112x128xf32, #tpu.memory_space<vmem_shared>>)
          tpu.yield
        }) : () -> ()
      }
      %scan3A_75 = arith.constant 16 : i32
    } else {
    }
    %eq3A_13 = arith.constant 1 : i32
    %eq3A_14 = arith.cmpi eq, %arg0, %eq3A_13 : i32
    %convert_element_type3A_15 = arith.extui %eq3A_14 : i1 to i32
    %cond3A_16 = arith.constant 0 : i32
    %cond3A_17 = arith.cmpi ne, %convert_element_type3A_15, %cond3A_16 : i32
    scf.if %cond3A_17 {
      %run_scoped3A = arith.constant 0 : i32
      "tpu.region"() ({
        %run_scoped3A_34 = tpu.sem_alloc : memref<!tpu.dma_semaphore, #tpu.memory_space<semaphore_mem>>
        %dma_start3A_35 = arith.constant 0 : i32
        %dma_start3A_36 = arith.constant 0 : i32
        %dma_start3A_37 = tpu.memref_slice %arg5[%arg1, %run_scoped3A, %dma_start3A_35, %dma_start3A_36] : memref<16x1x32x128xi32, #tpu.memory_space<hbm>> -> memref<1x1x32x128xi32, #tpu.memory_space<hbm>>
        %dma_start3A_38 = tpu.memref_squeeze %dma_start3A_37 : memref<1x1x32x128xi32, #tpu.memory_space<hbm>> -> memref<32x128xi32, #tpu.memory_space<hbm>>
        %dma_start3A_39 = arith.constant 0 : i32
        %dma_start3A_40 = arith.constant 0 : i32
        %dma_start3A_41 = tpu.memref_slice %arg5[%arg1, %run_scoped3A, %dma_start3A_39, %dma_start3A_40] : memref<16x1x32x128xi32, #tpu.memory_space<hbm>> -> memref<1x1x32x128xi32, #tpu.memory_space<hbm>>
        %dma_start3A_42 = tpu.memref_squeeze %dma_start3A_41 : memref<1x1x32x128xi32, #tpu.memory_space<hbm>> -> memref<32x128xi32, #tpu.memory_space<hbm>>
        tpu.enqueue_dma source(%dma_start3A_42 : memref<32x128xi32, #tpu.memory_space<hbm>>) target(%arg8 : memref<32x128xi32, #tpu.memory_space<vmem>>) target_semaphore(%run_scoped3A_34 : memref<!tpu.dma_semaphore, #tpu.memory_space<semaphore_mem>>)
        %dma_wait3A = arith.constant 0 : i32
        %dma_wait3A_43 = arith.constant 0 : i32
        %dma_wait3A_44 = tpu.memref_slice %arg5[%arg1, %run_scoped3A, %dma_wait3A, %dma_wait3A_43] : memref<16x1x32x128xi32, #tpu.memory_space<hbm>> -> memref<1x1x32x128xi32, #tpu.memory_space<hbm>>
        %dma_wait3A_45 = tpu.memref_squeeze %dma_wait3A_44 : memref<1x1x32x128xi32, #tpu.memory_space<hbm>> -> memref<32x128xi32, #tpu.memory_space<hbm>>
        %dma_wait3A_46 = arith.constant 0 : i32
        %dma_wait3A_47 = arith.constant 0 : i32
        %dma_wait3A_48 = tpu.memref_slice %arg5[%arg1, %run_scoped3A, %dma_wait3A_46, %dma_wait3A_47] : memref<16x1x32x128xi32, #tpu.memory_space<hbm>> -> memref<1x1x32x128xi32, #tpu.memory_space<hbm>>
        %dma_wait3A_49 = tpu.memref_squeeze %dma_wait3A_48 : memref<1x1x32x128xi32, #tpu.memory_space<hbm>> -> memref<32x128xi32, #tpu.memory_space<hbm>>
        tpu.wait_dma2 semaphore(%run_scoped3A_34 : memref<!tpu.dma_semaphore, #tpu.memory_space<semaphore_mem>>) src(%dma_wait3A_49 : memref<32x128xi32, #tpu.memory_space<hbm>>) dst(%arg8 : memref<32x128xi32, #tpu.memory_space<vmem>>)
        tpu.yield
      }) : () -> ()
      %run_scoped3A_22 = arith.constant 0 : i32
      "tpu.region"() ({
        %run_scoped3A_34 = tpu.sem_alloc : memref<!tpu.dma_semaphore, #tpu.memory_space<semaphore_mem>>
        %dma_start3A_35 = arith.constant 0 : i32
        %dma_start3A_36 = arith.constant 0 : i32
        %dma_start3A_37 = tpu.memref_slice %arg6[%arg1, %run_scoped3A_22, %dma_start3A_35, %dma_start3A_36] : memref<16x1x32x128xi32, #tpu.memory_space<hbm>> -> memref<1x1x32x128xi32, #tpu.memory_space<hbm>>
        %dma_start3A_38 = tpu.memref_squeeze %dma_start3A_37 : memref<1x1x32x128xi32, #tpu.memory_space<hbm>> -> memref<32x128xi32, #tpu.memory_space<hbm>>
        %dma_start3A_39 = arith.constant 0 : i32
        %dma_start3A_40 = arith.constant 0 : i32
        %dma_start3A_41 = tpu.memref_slice %arg6[%arg1, %run_scoped3A_22, %dma_start3A_39, %dma_start3A_40] : memref<16x1x32x128xi32, #tpu.memory_space<hbm>> -> memref<1x1x32x128xi32, #tpu.memory_space<hbm>>
        %dma_start3A_42 = tpu.memref_squeeze %dma_start3A_41 : memref<1x1x32x128xi32, #tpu.memory_space<hbm>> -> memref<32x128xi32, #tpu.memory_space<hbm>>
        tpu.enqueue_dma source(%dma_start3A_42 : memref<32x128xi32, #tpu.memory_space<hbm>>) target(%arg9 : memref<32x128xi32, #tpu.memory_space<vmem>>) target_semaphore(%run_scoped3A_34 : memref<!tpu.dma_semaphore, #tpu.memory_space<semaphore_mem>>)
        %dma_wait3A = arith.constant 0 : i32
        %dma_wait3A_43 = arith.constant 0 : i32
        %dma_wait3A_44 = tpu.memref_slice %arg6[%arg1, %run_scoped3A_22, %dma_wait3A, %dma_wait3A_43] : memref<16x1x32x128xi32, #tpu.memory_space<hbm>> -> memref<1x1x32x128xi32, #tpu.memory_space<hbm>>
        %dma_wait3A_45 = tpu.memref_squeeze %dma_wait3A_44 : memref<1x1x32x128xi32, #tpu.memory_space<hbm>> -> memref<32x128xi32, #tpu.memory_space<hbm>>
        %dma_wait3A_46 = arith.constant 0 : i32
        %dma_wait3A_47 = arith.constant 0 : i32
        %dma_wait3A_48 = tpu.memref_slice %arg6[%arg1, %run_scoped3A_22, %dma_wait3A_46, %dma_wait3A_47] : memref<16x1x32x128xi32, #tpu.memory_space<hbm>> -> memref<1x1x32x128xi32, #tpu.memory_space<hbm>>
        %dma_wait3A_49 = tpu.memref_squeeze %dma_wait3A_48 : memref<1x1x32x128xi32, #tpu.memory_space<hbm>> -> memref<32x128xi32, #tpu.memory_space<hbm>>
        tpu.wait_dma2 semaphore(%run_scoped3A_34 : memref<!tpu.dma_semaphore, #tpu.memory_space<semaphore_mem>>) src(%dma_wait3A_49 : memref<32x128xi32, #tpu.memory_space<hbm>>) dst(%arg9 : memref<32x128xi32, #tpu.memory_space<vmem>>)
        tpu.yield
      }) : () -> ()
      %dma_start3A = arith.constant 0 : i32
      %dma_start3A_23 = arith.constant 0 : i32
      %dma_start3A_24 = tpu.memref_slice %arg8[%dma_start3A, %dma_start3A_23] : memref<32x128xi32, #tpu.memory_space<vmem>> -> memref<1x128xi32, #tpu.memory_space<vmem>>
      %dma_start3A_25 = tpu.memref_squeeze %dma_start3A_24 : memref<1x128xi32, #tpu.memory_space<vmem>> -> memref<128xi32, #tpu.memory_space<vmem>>
      %dma_start3A_26 = arith.constant 0 : i32
      %dma_start3A_27 = arith.constant 0 : i32
      %dma_start3A_28 = tpu.memref_slice %arg2[%dma_start3A_26, %dma_start3A_27] : memref<10000x128xf32, #tpu.memory_space<hbm>> -> memref<10000x128xf32, #tpu.memory_space<hbm>>
      tpu.enqueue_indirect_dma source(%dma_start3A_28 : memref<10000x128xf32, #tpu.memory_space<hbm>>) target(%arg10 : memref<128x128xf32, #tpu.memory_space<vmem>>) offsets(%dma_start3A_25 : memref<128xi32, #tpu.memory_space<vmem>>) semaphore(%arg13 : memref<!tpu.dma_semaphore, #tpu.memory_space<semaphore_mem>>)
      %scan3A_29 = arith.constant 0 : i32
      %scan3A_30 = arith.constant 16 : i32
      %scan3A_31 = arith.addi %scan3A_29, %scan3A_30 : i32
      %scan3A_32 = arith.constant 1 : i32
      scf.for %scan3A_34 = %scan3A_29 to %scan3A_31 step %scan3A_32  : i32 {
        %mul3A_35 = arith.constant 2 : i32
        %mul3A_36 = arith.muli %scan3A_34, %mul3A_35 : i32
        %add3A_37 = arith.constant 0 : i32
        %add3A_38 = arith.addi %add3A_37, %mul3A_36 : i32
        %add3A_39 = arith.constant 1 : i32
        %add3A_40 = arith.addi %add3A_38, %add3A_39 : i32
        %dma_start3A_41 = arith.constant 0 : i32
        %dma_start3A_42 = tpu.memref_slice %arg8[%add3A_40, %dma_start3A_41] : memref<32x128xi32, #tpu.memory_space<vmem>> -> memref<1x128xi32, #tpu.memory_space<vmem>>
        %dma_start3A_43 = tpu.memref_squeeze %dma_start3A_42 : memref<1x128xi32, #tpu.memory_space<vmem>> -> memref<128xi32, #tpu.memory_space<vmem>>
        %dma_start3A_44 = arith.constant 0 : i32
        %dma_start3A_45 = arith.constant 0 : i32
        %dma_start3A_46 = tpu.memref_slice %arg2[%dma_start3A_44, %dma_start3A_45] : memref<10000x128xf32, #tpu.memory_space<hbm>> -> memref<10000x128xf32, #tpu.memory_space<hbm>>
        tpu.enqueue_indirect_dma source(%dma_start3A_46 : memref<10000x128xf32, #tpu.memory_space<hbm>>) target(%arg11 : memref<128x128xf32, #tpu.memory_space<vmem>>) offsets(%dma_start3A_43 : memref<128xi32, #tpu.memory_space<vmem>>) semaphore(%arg14 : memref<!tpu.dma_semaphore, #tpu.memory_space<semaphore_mem>>)
        %dma_wait3A = arith.constant 0 : i32
        %dma_wait3A_47 = tpu.memref_slice %arg8[%add3A_38, %dma_wait3A] : memref<32x128xi32, #tpu.memory_space<vmem>> -> memref<1x128xi32, #tpu.memory_space<vmem>>
        %dma_wait3A_48 = tpu.memref_squeeze %dma_wait3A_47 : memref<1x128xi32, #tpu.memory_space<vmem>> -> memref<128xi32, #tpu.memory_space<vmem>>
        %dma_wait3A_49 = arith.constant 0 : i32
        %dma_wait3A_50 = arith.constant 0 : i32
        %dma_wait3A_51 = tpu.memref_slice %arg2[%dma_wait3A_49, %dma_wait3A_50] : memref<10000x128xf32, #tpu.memory_space<hbm>> -> memref<10000x128xf32, #tpu.memory_space<hbm>>
        tpu.wait_indirect_dma semaphore(%arg13 : memref<!tpu.dma_semaphore, #tpu.memory_space<semaphore_mem>>) src(%dma_wait3A_51 : memref<10000x128xf32, #tpu.memory_space<hbm>>) dst(%arg10 : memref<128x128xf32, #tpu.memory_space<vmem>>)
        "tpu.region"() ({
          %run_scoped3A_68 = tpu.sem_alloc : memref<!tpu.dma_semaphore, #tpu.memory_space<semaphore_mem>>
          %dma_start3A_69 = arith.constant 0 : i32
          %dma_start3A_70 = tpu.memref_slice %arg9[%add3A_38, %dma_start3A_69] : memref<32x128xi32, #tpu.memory_space<vmem>> -> memref<1x128xi32, #tpu.memory_space<vmem>>
          %dma_start3A_71 = tpu.memref_squeeze %dma_start3A_70 : memref<1x128xi32, #tpu.memory_space<vmem>> -> memref<128xi32, #tpu.memory_space<vmem>>
          %dma_start3A_72 = arith.constant 0 : i32
          %dma_start3A_73 = arith.constant 0 : i32
          %dma_start3A_74 = tpu.memref_slice %arg12[%dma_start3A_72, %dma_start3A_73] : memref<10112x128xf32, #tpu.memory_space<vmem_shared>> -> memref<10112x128xf32, #tpu.memory_space<vmem_shared>>
          tpu.enqueue_indirect_dma source(%arg10 : memref<128x128xf32, #tpu.memory_space<vmem>>) target(%dma_start3A_74 : memref<10112x128xf32, #tpu.memory_space<vmem_shared>>) offsets(%dma_start3A_71 : memref<128xi32, #tpu.memory_space<vmem>>) semaphore(%run_scoped3A_68 : memref<!tpu.dma_semaphore, #tpu.memory_space<semaphore_mem>>) {add = true}
          %dma_wait3A_75 = arith.constant 0 : i32
          %dma_wait3A_76 = tpu.memref_slice %arg9[%add3A_38, %dma_wait3A_75] : memref<32x128xi32, #tpu.memory_space<vmem>> -> memref<1x128xi32, #tpu.memory_space<vmem>>
          %dma_wait3A_77 = tpu.memref_squeeze %dma_wait3A_76 : memref<1x128xi32, #tpu.memory_space<vmem>> -> memref<128xi32, #tpu.memory_space<vmem>>
          %dma_wait3A_78 = arith.constant 0 : i32
          %dma_wait3A_79 = arith.constant 0 : i32
          %dma_wait3A_80 = tpu.memref_slice %arg12[%dma_wait3A_78, %dma_wait3A_79] : memref<10112x128xf32, #tpu.memory_space<vmem_shared>> -> memref<10112x128xf32, #tpu.memory_space<vmem_shared>>
          tpu.wait_indirect_dma semaphore(%run_scoped3A_68 : memref<!tpu.dma_semaphore, #tpu.memory_space<semaphore_mem>>) src(%arg10 : memref<128x128xf32, #tpu.memory_space<vmem>>) dst(%dma_wait3A_80 : memref<10112x128xf32, #tpu.memory_space<vmem_shared>>)
          tpu.yield
        }) : () -> ()
        %add3A_52 = arith.constant 2 : i32
        %add3A_53 = arith.addi %add3A_38, %add3A_52 : i32
        %lt3A = arith.constant 32 : i32
        %lt3A_54 = arith.cmpi slt, %add3A_53, %lt3A : i32
        %convert_element_type3A_55 = arith.extui %lt3A_54 : i1 to i32
        %cond3A_56 = arith.constant 0 : i32
        %cond3A_57 = arith.cmpi ne, %convert_element_type3A_55, %cond3A_56 : i32
        scf.if %cond3A_57 {
          %add3A_68 = arith.constant 2 : i32
          %add3A_69 = arith.addi %add3A_38, %add3A_68 : i32
          %dma_start3A_70 = arith.constant 0 : i32
          %dma_start3A_71 = tpu.memref_slice %arg8[%add3A_69, %dma_start3A_70] : memref<32x128xi32, #tpu.memory_space<vmem>> -> memref<1x128xi32, #tpu.memory_space<vmem>>
          %dma_start3A_72 = tpu.memref_squeeze %dma_start3A_71 : memref<1x128xi32, #tpu.memory_space<vmem>> -> memref<128xi32, #tpu.memory_space<vmem>>
          %dma_start3A_73 = arith.constant 0 : i32
          %dma_start3A_74 = arith.constant 0 : i32
          %dma_start3A_75 = tpu.memref_slice %arg2[%dma_start3A_73, %dma_start3A_74] : memref<10000x128xf32, #tpu.memory_space<hbm>> -> memref<10000x128xf32, #tpu.memory_space<hbm>>
          tpu.enqueue_indirect_dma source(%dma_start3A_75 : memref<10000x128xf32, #tpu.memory_space<hbm>>) target(%arg10 : memref<128x128xf32, #tpu.memory_space<vmem>>) offsets(%dma_start3A_72 : memref<128xi32, #tpu.memory_space<vmem>>) semaphore(%arg13 : memref<!tpu.dma_semaphore, #tpu.memory_space<semaphore_mem>>)
        } else {
        }
        %add3A_58 = arith.constant 1 : i32
        %add3A_59 = arith.addi %add3A_38, %add3A_58 : i32
        %dma_wait3A_60 = arith.constant 0 : i32
        %dma_wait3A_61 = tpu.memref_slice %arg8[%add3A_59, %dma_wait3A_60] : memref<32x128xi32, #tpu.memory_space<vmem>> -> memref<1x128xi32, #tpu.memory_space<vmem>>
        %dma_wait3A_62 = tpu.memref_squeeze %dma_wait3A_61 : memref<1x128xi32, #tpu.memory_space<vmem>> -> memref<128xi32, #tpu.memory_space<vmem>>
        %dma_wait3A_63 = arith.constant 0 : i32
        %dma_wait3A_64 = arith.constant 0 : i32
        %dma_wait3A_65 = tpu.memref_slice %arg2[%dma_wait3A_63, %dma_wait3A_64] : memref<10000x128xf32, #tpu.memory_space<hbm>> -> memref<10000x128xf32, #tpu.memory_space<hbm>>
        tpu.wait_indirect_dma semaphore(%arg14 : memref<!tpu.dma_semaphore, #tpu.memory_space<semaphore_mem>>) src(%dma_wait3A_65 : memref<10000x128xf32, #tpu.memory_space<hbm>>) dst(%arg11 : memref<128x128xf32, #tpu.memory_space<vmem>>)
        %add3A_66 = arith.constant 1 : i32
        %add3A_67 = arith.addi %add3A_38, %add3A_66 : i32
        "tpu.region"() ({
          %run_scoped3A_68 = tpu.sem_alloc : memref<!tpu.dma_semaphore, #tpu.memory_space<semaphore_mem>>
          %dma_start3A_69 = arith.constant 0 : i32
          %dma_start3A_70 = tpu.memref_slice %arg9[%add3A_67, %dma_start3A_69] : memref<32x128xi32, #tpu.memory_space<vmem>> -> memref<1x128xi32, #tpu.memory_space<vmem>>
          %dma_start3A_71 = tpu.memref_squeeze %dma_start3A_70 : memref<1x128xi32, #tpu.memory_space<vmem>> -> memref<128xi32, #tpu.memory_space<vmem>>
          %dma_start3A_72 = arith.constant 0 : i32
          %dma_start3A_73 = arith.constant 0 : i32
          %dma_start3A_74 = tpu.memref_slice %arg12[%dma_start3A_72, %dma_start3A_73] : memref<10112x128xf32, #tpu.memory_space<vmem_shared>> -> memref<10112x128xf32, #tpu.memory_space<vmem_shared>>
          tpu.enqueue_indirect_dma source(%arg11 : memref<128x128xf32, #tpu.memory_space<vmem>>) target(%dma_start3A_74 : memref<10112x128xf32, #tpu.memory_space<vmem_shared>>) offsets(%dma_start3A_71 : memref<128xi32, #tpu.memory_space<vmem>>) semaphore(%run_scoped3A_68 : memref<!tpu.dma_semaphore, #tpu.memory_space<semaphore_mem>>) {add = true}
          %dma_wait3A_75 = arith.constant 0 : i32
          %dma_wait3A_76 = tpu.memref_slice %arg9[%add3A_67, %dma_wait3A_75] : memref<32x128xi32, #tpu.memory_space<vmem>> -> memref<1x128xi32, #tpu.memory_space<vmem>>
          %dma_wait3A_77 = tpu.memref_squeeze %dma_wait3A_76 : memref<1x128xi32, #tpu.memory_space<vmem>> -> memref<128xi32, #tpu.memory_space<vmem>>
          %dma_wait3A_78 = arith.constant 0 : i32
          %dma_wait3A_79 = arith.constant 0 : i32
          %dma_wait3A_80 = tpu.memref_slice %arg12[%dma_wait3A_78, %dma_wait3A_79] : memref<10112x128xf32, #tpu.memory_space<vmem_shared>> -> memref<10112x128xf32, #tpu.memory_space<vmem_shared>>
          tpu.wait_indirect_dma semaphore(%run_scoped3A_68 : memref<!tpu.dma_semaphore, #tpu.memory_space<semaphore_mem>>) src(%arg11 : memref<128x128xf32, #tpu.memory_space<vmem>>) dst(%dma_wait3A_80 : memref<10112x128xf32, #tpu.memory_space<vmem_shared>>)
          tpu.yield
        }) : () -> ()
      }
      %scan3A_33 = arith.constant 16 : i32
    } else {
    }
    %barrier3A_18 = arith.constant 0 : index
    tpu.barrier barrier_id(%barrier3A_18)
    %mul3A_19 = arith.constant 10112 : i32
    %mul3A_20 = arith.muli %arg0, %mul3A_19 : i32
    %add3A_21 = arith.addi %mul3A_20, %mul3A_0 : i32
    "tpu.region"() ({
      %run_scoped3A = tpu.sem_alloc : memref<!tpu.dma_semaphore, #tpu.memory_space<semaphore_mem>>
      %dma_start3A = arith.constant 0 : i32
      %dma_start3A_22 = tpu.memref_slice %arg7[%add3A_21, %dma_start3A] : memref<20224x128xf32, #tpu.memory_space<hbm>> -> memref<632x128xf32, #tpu.memory_space<hbm>>
      %dma_start3A_23 = arith.constant 0 : i32
      %dma_start3A_24 = tpu.memref_slice %arg12[%mul3A_0, %dma_start3A_23] : memref<10112x128xf32, #tpu.memory_space<vmem_shared>> -> memref<632x128xf32, #tpu.memory_space<vmem_shared>>
      tpu.enqueue_dma source(%dma_start3A_24 : memref<632x128xf32, #tpu.memory_space<vmem_shared>>) target(%dma_start3A_22 : memref<632x128xf32, #tpu.memory_space<hbm>>) target_semaphore(%run_scoped3A : memref<!tpu.dma_semaphore, #tpu.memory_space<semaphore_mem>>)
      %dma_wait3A = arith.constant 0 : i32
      %dma_wait3A_25 = tpu.memref_slice %arg7[%add3A_21, %dma_wait3A] : memref<20224x128xf32, #tpu.memory_space<hbm>> -> memref<632x128xf32, #tpu.memory_space<hbm>>
      %dma_wait3A_26 = arith.constant 0 : i32
      %dma_wait3A_27 = tpu.memref_slice %arg12[%mul3A_0, %dma_wait3A_26] : memref<10112x128xf32, #tpu.memory_space<vmem_shared>> -> memref<632x128xf32, #tpu.memory_space<vmem_shared>>
      tpu.wait_dma2 semaphore(%run_scoped3A : memref<!tpu.dma_semaphore, #tpu.memory_space<semaphore_mem>>) src(%dma_wait3A_27 : memref<632x128xf32, #tpu.memory_space<vmem_shared>>) dst(%dma_wait3A_25 : memref<632x128xf32, #tpu.memory_space<hbm>>)
      tpu.yield
    }) : () -> ()
    return
  }
}

module attributes {stable_mosaic.version = 14 : i64} {
  func.func @body(%arg0: memref<10000x128xf32, #tpu.memory_space<vmem>>, %arg1: memref<10000x128xf32, #tpu.memory_space<vmem>>, %arg2: memref<10000x128xf32, #tpu.memory_space<vmem>>, %arg3: memref<128x128xf32, #tpu.memory_space<vmem>>, %arg4: memref<128x128xf32, #tpu.memory_space<vmem>>, %arg5: memref<1x128xf32, #tpu.memory_space<vmem>>, %arg6: memref<10000x128xf32, #tpu.memory_space<vmem>>) attributes {dimension_semantics = [], scalar_prefetch = 0 : i64, scratch_operands = 0 : i64, tpu.core_type = #tpu.core_type<tc>} {
    %get3A = arith.constant 0 : index
    %get3A_0 = arith.constant 0 : index
    %get3A_1 = vector.load %arg0[%get3A, %get3A_0] : memref<10000x128xf32, #tpu.memory_space<vmem>>, vector<10000x128xf32>
    %get3A_2 = arith.constant 0 : index
    %get3A_3 = arith.constant 0 : index
    %get3A_4 = vector.load %arg1[%get3A_2, %get3A_3] : memref<10000x128xf32, #tpu.memory_space<vmem>>, vector<10000x128xf32>
    %add3A = arith.addf %get3A_1, %get3A_4 : vector<10000x128xf32>
    %get3A_5 = arith.constant 0 : index
    %get3A_6 = arith.constant 0 : index
    %get3A_7 = vector.load %arg3[%get3A_5, %get3A_6] : memref<128x128xf32, #tpu.memory_space<vmem>>, vector<128x128xf32>
    %dot_general3A = arith.constant dense<0.000000e+00> : vector<10000x128xf32>
    %dot_general3A_8 = tpu.matmul %add3A, %get3A_7, %dot_general3A {dimension_numbers = #tpu.dot_dimension_numbers<[1], [0], [0], [1], [0, 0, 1, 1], [], []>, transpose_lhs_hint = false} : vector<10000x128xf32>, vector<128x128xf32>, vector<10000x128xf32> -> vector<10000x128xf32>
    %get3A_9 = arith.constant 0 : index
    %get3A_10 = arith.constant 0 : index
    %get3A_11 = vector.load %arg2[%get3A_9, %get3A_10] : memref<10000x128xf32, #tpu.memory_space<vmem>>, vector<10000x128xf32>
    %get3A_12 = arith.constant 0 : index
    %get3A_13 = arith.constant 0 : index
    %get3A_14 = vector.load %arg4[%get3A_12, %get3A_13] : memref<128x128xf32, #tpu.memory_space<vmem>>, vector<128x128xf32>
    %dot_general3A_15 = arith.constant dense<0.000000e+00> : vector<10000x128xf32>
    %dot_general3A_16 = tpu.matmul %get3A_11, %get3A_14, %dot_general3A_15 {dimension_numbers = #tpu.dot_dimension_numbers<[1], [0], [0], [1], [0, 0, 1, 1], [], []>, transpose_lhs_hint = false} : vector<10000x128xf32>, vector<128x128xf32>, vector<10000x128xf32> -> vector<10000x128xf32>
    %add3A_17 = arith.addf %dot_general3A_8, %dot_general3A_16 : vector<10000x128xf32>
    %get3A_18 = arith.constant 0 : index
    %get3A_19 = arith.constant 0 : index
    %get3A_20 = vector.load %arg5[%get3A_18, %get3A_19] : memref<1x128xf32, #tpu.memory_space<vmem>>, vector<1x128xf32>
    %add3A_21 = vector.broadcast %get3A_20 : vector<1x128xf32> to vector<10000x128xf32>
    %add3A_22 = arith.addf %add3A_17, %add3A_21 : vector<10000x128xf32>
    %max3A = arith.constant 0.000000e+00 : f32
    %max3A_23 = vector.broadcast %max3A : f32 to vector<10000x128xf32>
    %max3A_24 = arith.maximumf %add3A_22, %max3A_23 : vector<10000x128xf32>
    %swap3A = arith.constant 0 : index
    %swap3A_25 = arith.constant 0 : index
    %swap3A_26 = vector.load %arg6[%swap3A, %swap3A_25] : memref<10000x128xf32, #tpu.memory_space<vmem>>, vector<10000x128xf32>
    tpu.vector_store %arg6[%swap3A, %swap3A_25], %max3A_24 {strides = array<i32>} : memref<10000x128xf32, #tpu.memory_space<vmem>>, vector<10000x128xf32>,
    return
  }
}

module attributes {stable_mosaic.version = 14 : i64} {
  func.func @body(%arg0: memref<10000x128xf32, #tpu.memory_space<vmem>>, %arg1: memref<10000x128xf32, #tpu.memory_space<vmem>>, %arg2: memref<10000x128xf32, #tpu.memory_space<vmem>>, %arg3: memref<128x128xf32, #tpu.memory_space<vmem>>, %arg4: memref<128x128xf32, #tpu.memory_space<vmem>>, %arg5: memref<1x128xf32, #tpu.memory_space<vmem>>, %arg6: memref<64x10000xi32, #tpu.memory_space<vmem>>, %arg7: memref<128x128xf32, #tpu.memory_space<vmem>>, %arg8: memref<1x128xf32, #tpu.memory_space<vmem>>, %arg9: memref<64x128xf32, #tpu.memory_space<vmem>>) attributes {dimension_semantics = [], scalar_prefetch = 0 : i64, scratch_operands = 0 : i64, tpu.core_type = #tpu.core_type<tc>} {
    %get3A = arith.constant 0 : index
    %get3A_0 = arith.constant 0 : index
    %get3A_1 = vector.load %arg0[%get3A, %get3A_0] : memref<10000x128xf32, #tpu.memory_space<vmem>>, vector<10000x128xf32>
    %get3A_2 = arith.constant 0 : index
    %get3A_3 = arith.constant 0 : index
    %get3A_4 = vector.load %arg1[%get3A_2, %get3A_3] : memref<10000x128xf32, #tpu.memory_space<vmem>>, vector<10000x128xf32>
    %add3A = arith.addf %get3A_1, %get3A_4 : vector<10000x128xf32>
    %get3A_5 = arith.constant 0 : index
    %get3A_6 = arith.constant 0 : index
    %get3A_7 = vector.load %arg3[%get3A_5, %get3A_6] : memref<128x128xf32, #tpu.memory_space<vmem>>, vector<128x128xf32>
    %dot_general3A = arith.constant dense<0.000000e+00> : vector<10000x128xf32>
    %dot_general3A_8 = tpu.matmul %add3A, %get3A_7, %dot_general3A {dimension_numbers = #tpu.dot_dimension_numbers<[1], [0], [0], [1], [0, 0, 1, 1], [], []>, transpose_lhs_hint = false} : vector<10000x128xf32>, vector<128x128xf32>, vector<10000x128xf32> -> vector<10000x128xf32>
    %get3A_9 = arith.constant 0 : index
    %get3A_10 = arith.constant 0 : index
    %get3A_11 = vector.load %arg2[%get3A_9, %get3A_10] : memref<10000x128xf32, #tpu.memory_space<vmem>>, vector<10000x128xf32>
    %get3A_12 = arith.constant 0 : index
    %get3A_13 = arith.constant 0 : index
    %get3A_14 = vector.load %arg4[%get3A_12, %get3A_13] : memref<128x128xf32, #tpu.memory_space<vmem>>, vector<128x128xf32>
    %dot_general3A_15 = arith.constant dense<0.000000e+00> : vector<10000x128xf32>
    %dot_general3A_16 = tpu.matmul %get3A_11, %get3A_14, %dot_general3A_15 {dimension_numbers = #tpu.dot_dimension_numbers<[1], [0], [0], [1], [0, 0, 1, 1], [], []>, transpose_lhs_hint = false} : vector<10000x128xf32>, vector<128x128xf32>, vector<10000x128xf32> -> vector<10000x128xf32>
    %add3A_17 = arith.addf %dot_general3A_8, %dot_general3A_16 : vector<10000x128xf32>
    %get3A_18 = arith.constant 0 : index
    %get3A_19 = arith.constant 0 : index
    %get3A_20 = vector.load %arg5[%get3A_18, %get3A_19] : memref<1x128xf32, #tpu.memory_space<vmem>>, vector<1x128xf32>
    %add3A_21 = vector.broadcast %get3A_20 : vector<1x128xf32> to vector<10000x128xf32>
    %add3A_22 = arith.addf %add3A_17, %add3A_21 : vector<10000x128xf32>
    %iota3A = tpu.iota {dimensions = array<i32: 0>} : vector<64x10000xi32>
    %get3A_23 = arith.constant 0 : index
    %get3A_24 = arith.constant 0 : index
    %get3A_25 = vector.load %arg6[%get3A_23, %get3A_24] : memref<64x10000xi32, #tpu.memory_space<vmem>>, vector<64x10000xi32>
    %eq3A = arith.cmpi eq, %get3A_25, %iota3A : vector<64x10000xi32>
    %convert_element_type3A = arith.extui %eq3A : vector<64x10000xi1> to vector<64x10000xi32>
    %convert_element_type3A_26 = arith.sitofp %convert_element_type3A : vector<64x10000xi32> to vector<64x10000xf32>
    %dot_general3A_27 = arith.constant dense<0.000000e+00> : vector<64x128xf32>
    %dot_general3A_28 = tpu.matmul %convert_element_type3A_26, %add3A_22, %dot_general3A_27 {dimension_numbers = #tpu.dot_dimension_numbers<[1], [0], [0], [1], [0, 0, 1, 1], [], []>, transpose_lhs_hint = false} : vector<64x10000xf32>, vector<10000x128xf32>, vector<64x128xf32> -> vector<64x128xf32>
    %reduce_sum3A = arith.constant dense<0.000000e+00> : vector<64xf32>
    %reduce_sum3A_29 = vector.multi_reduction <add>, %convert_element_type3A_26, %reduce_sum3A [1] : vector<64x10000xf32> to vector<64xf32>
    %max3A = arith.constant 1.000000e+00 : f32
    %max3A_30 = vector.broadcast %max3A : f32 to vector<64xf32>
    %max3A_31 = arith.maximumf %reduce_sum3A_29, %max3A_30 : vector<64xf32>
    %broadcast_in_dim3A = vector.shape_cast %max3A_31 : vector<64xf32> to vector<64x1xf32>
    %div3A = vector.broadcast %broadcast_in_dim3A : vector<64x1xf32> to vector<64x128xf32>
    %div3A_32 = arith.divf %dot_general3A_28, %div3A : vector<64x128xf32>
    %get3A_33 = arith.constant 0 : index
    %get3A_34 = arith.constant 0 : index
    %get3A_35 = vector.load %arg7[%get3A_33, %get3A_34] : memref<128x128xf32, #tpu.memory_space<vmem>>, vector<128x128xf32>
    %dot_general3A_36 = arith.constant dense<0.000000e+00> : vector<64x128xf32>
    %dot_general3A_37 = tpu.matmul %div3A_32, %get3A_35, %dot_general3A_36 {dimension_numbers = #tpu.dot_dimension_numbers<[1], [0], [0], [1], [0, 0, 1, 1], [], []>, transpose_lhs_hint = false} : vector<64x128xf32>, vector<128x128xf32>, vector<64x128xf32> -> vector<64x128xf32>
    %get3A_38 = arith.constant 0 : index
    %get3A_39 = arith.constant 0 : index
    %get3A_40 = vector.load %arg8[%get3A_38, %get3A_39] : memref<1x128xf32, #tpu.memory_space<vmem>>, vector<1x128xf32>
    %add3A_41 = vector.broadcast %get3A_40 : vector<1x128xf32> to vector<64x128xf32>
    %add3A_42 = arith.addf %dot_general3A_37, %add3A_41 : vector<64x128xf32>
    %swap3A = arith.constant 0 : index
    %swap3A_43 = arith.constant 0 : index
    %swap3A_44 = vector.load %arg9[%swap3A, %swap3A_43] : memref<64x128xf32, #tpu.memory_space<vmem>>, vector<64x128xf32>
    tpu.vector_store %arg9[%swap3A, %swap3A_43], %add3A_42 {strides = array<i32>} : memref<64x128xf32, #tpu.memory_space<vmem>>, vector<64x128xf32>,
    return
  }
}

</mosaic_0001>

<sc_bundles>
// kernel: kernel.11.cloned.1.call-start
scs
__scs_entry_jumppad:
0x0: {  	(pc) =	sbr.rel $0x88, $3  }
0x1: {  	(tag) =	ssettag $0x0;
	lr =	simm.s32 $0x1  }
0x2: {  	[smem:$0x3F87] =	sst lr;
	_ =	strace $0xD0000000  }
0x3: {  	_ = 	snop  }
0x4: {  	_ = 	snop  }
0x5: {  	_ = 	snop  }
0x6: {  	_ = 	snop  }
0x7: {  	_ = 	snop  }
__scs_overlays_trampoline_lowered:
0x8: {  	[smem:$0x3F96] =	sst s0  }
0x9: {  	[smem:$0x3F97] =	sst s1  }
0xa: {  	[smem:$0x3F98] =	sst s2  }
0xb: {  	[smem:$0x3F99] =	sst s3  }
0xc: {  	[smem:$0x3F9A] =	sst s4  }
0xd: {  	[smem:$0x3F9B] =	sst s5  }
0xe: {  	[smem:$0x3F9C] =	sst s6  }
0xf: {  	[smem:$0x3F9D] =	sst s7  }
0x10: {  	[smem:$0x3F9E] =	sst s8  }
0x11: {  	[smem:$0x3F9F] =	sst s9;
	s0 =	simm.s32 @!p0 $0x0  }
0x12: {  	s1 =	sld [smem:$0x3F85];
	s0 =	simm.s32 @p0 $0x1  }
0x13: {  	[smem:$0x3FA0] =	sst s0;
	s0 =	simm.s32 @!p1 $0x0  }
0x14: {  	s2 =	sld [smem:$0x3F84];
	s0 =	simm.s32 @p1 $0x1  }
0x15: {  	[smem:$0x3FA1] =	sst s0;
	s0 =	simm.s32 @!p2 $0x0  }
0x16: {  	s3 =	sld [smem:$0x3FDB];
	s0 =	simm.s32 @p2 $0x1  }
0x17: {  	s4 =	simm.s32 $0x1BF5;
	[smem:$0x3FA3] =	sst s0  }
0x18: {  	s0 =	sld [smem:$0x3F86];
	_ =	swait.ge [sflag:s4], $0x0  }
0x19: {  	s7 =	sld [smem:$0x3F87]  }
0x1a: {  	s8 =	sadd.s32 $0xFFFFE003, lr  }
0x1b: {  	s9 =	sadd.s32 $0xFFFFFEF7, lr;
	s5 =	simm.s32 $0xFFFFFFFF;
	p2 =	slt.u32 s8, $0xFFFFF086  }
0x1c: {  	p1 =	slt.u32 s9, $0xF7A;
	s5 =	simm.s32 @!p2 $0x0  }
0x1d: {  	s5 =	simm.s32 @p1 $0x1;
	p0 =	seq.s32 s7, s2  }
0x1e: {  	s7 =	smul.u32 @!p0 $0xF7A, s2;
	p2 =	seq.s32 @!p0 s5, $0x0  }
0x1f: {  	s9 =	smul.u32 $0xF7A, s1;
	s8 =	simm.s32 @!p0 $0x1BF5;
	p2 =	por !p2, p0  }
0x20: {  	[sflag:s8] =	ssyncset.s32 @!p0 $0xFFFFF086;
	s6 =	sadd.s32 @!p0 s3, s7;
	s7 =	simm.s32 @!p0 $0x108  }
0x21: {  	s3 =	sadd.s32 s3, s9;
	s6 =	sadd.s32 @!p0 $0x88, s6;
	s7 =	simm.s32 @p2 $0x1082  }
0x22: {  	[simem:s7], [sflag:s8] =	dma.local @!p0 [hbm:s6], $0xF7A  }
0x23: {  	s9 =	sor.u32 $0xD0000000, s2;
	s6 =	simm.s32 $0x108;
	_ =	swait.ge @!p0 [sflag:s8], $0x0  }
0x24: {  	s3 =	sadd.s32 $0x88, s3;
	s6 =	simm.s32 @!p1 $0x1082;
	[sflag:s4] =	ssyncset.s32 $0xFFFFF086  }
0x25: {  	[simem:s6], [sflag:s4] =	dma.local [hbm:s3], $0xF7A  }
0x26: {  	[smem:$0x3F87] =	sst s1;
	(tag) =	ssettag s2;
	_ =	strace s9  }
0x27: {  	s1 =	sld [smem:$0x3F97]  }
0x28: {  	s2 =	sld [smem:$0x3F98]  }
0x29: {  	s4 =	sld [smem:$0x3F9A]  }
0x2a: {  	p0 =	seq.s32 s5, $0x0;
	s5 =	sld [smem:$0x3F9B]  }
0x2b: {  	s6 =	sld [smem:$0x3F9C]  }
0x2c: {  	s7 =	sld [smem:$0x3F9D]  }
0x2d: {  	s3 =	simm.s32 $0x108;
	s8 =	sld [smem:$0x3F9E]  }
0x2e: {  	s3 =	simm.s32 @!p0 $0x1082;
	s9 =	sld [smem:$0x3F9F]  }
0x2f: {  	lr =	sadd.s32 s0, s3;
	s0 =	sld [smem:$0x3F96]  }
0x30: {  	s3 =	sld [smem:$0x3F99]  }
0x31: {  	[smem:$0x3FA2] =	sst s10  }
0x32: {  	s10 =	sld [smem:$0x3FA0];
	_ =	sdelay $0x3  }
0x33: {  	p0 =	seq.s32 s10, $0x1;
	s10 =	sld [smem:$0x3FA2];
	_ =	sdelay $0x3  }
0x34: {  	[smem:$0x3FA2] =	sst s10  }
0x35: {  	s10 =	sld [smem:$0x3FA1];
	_ =	sdelay $0x3  }
0x36: {  	p1 =	seq.s32 s10, $0x1;
	s10 =	sld [smem:$0x3FA2];
	_ =	sdelay $0x3  }
0x37: {  	[smem:$0x3FA2] =	sst s10  }
0x38: {  	s10 =	sld [smem:$0x3FA3]  }
0x39: {  	_ = 	snop;
	(pc) =	sbr.ind lr, $3  }
0x3a: {  	_ = 	snop  }
0x3b: {  	_ = 	snop  }
0x3c: {  	p2 =	seq.s32 s10, $0x1;
	s10 =	sld [smem:$0x3FA2]  }
0x3d: {  	_ =	shalt  }
0x3e: {  	_ =	shalt  }
0x3f: {  	_ =	shalt  }
0x40: {  	_ =	shalt  }
0x41: {  	_ =	shalt  }
0x42: {  	_ =	shalt  }
0x43: {  	_ =	shalt  }
0x44: {  	_ =	shalt  }
0x45: {  	_ =	shalt  }
0x46: {  	_ =	shalt  }
0x47: {  	_ =	shalt  }
0x48: {  	_ =	shalt  }
0x49: {  	_ =	shalt  }
0x4a: {  	_ =	shalt  }
0x4b: {  	_ =	shalt  }
0x4c: {  	_ =	shalt  }
0x4d: {  	_ =	shalt  }
0x4e: {  	_ =	shalt  }
0x4f: {  	_ =	shalt  }
0x50: {  	_ =	shalt  }
0x51: {  	_ =	shalt  }
0x52: {  	_ =	shalt  }
0x53: {  	_ =	shalt  }
0x54: {  	_ =	shalt  }
0x55: {  	_ =	shalt  }
0x56: {  	_ =	shalt  }
0x57: {  	_ =	shalt  }
0x58: {  	_ =	shalt  }
0x59: {  	_ =	shalt  }
0x5a: {  	_ =	shalt  }
0x5b: {  	_ =	shalt  }
0x5c: {  	_ =	shalt  }
0x5d: {  	_ =	shalt  }
0x5e: {  	_ =	shalt  }
0x5f: {  	_ =	shalt  }
0x60: {  	_ =	shalt  }
0x61: {  	_ =	shalt  }
0x62: {  	_ =	shalt  }
0x63: {  	_ =	shalt  }
0x64: {  	_ =	shalt  }
0x65: {  	_ =	shalt  }
0x66: {  	_ =	shalt  }
0x67: {  	_ =	shalt  }
0x68: {  	_ =	shalt  }
0x69: {  	_ =	shalt  }
0x6a: {  	_ =	shalt  }
0x6b: {  	_ =	shalt  }
0x6c: {  	_ =	shalt  }
0x6d: {  	_ =	shalt  }
0x6e: {  	_ =	shalt  }
0x6f: {  	_ =	shalt  }
0x70: {  	_ =	shalt  }
0x71: {  	_ =	shalt  }
0x72: {  	_ =	shalt  }
0x73: {  	_ =	shalt  }
0x74: {  	_ =	shalt  }
0x75: {  	_ =	shalt  }
0x76: {  	_ =	shalt  }
0x77: {  	_ =	shalt  }
0x78: {  	_ =	shalt  }
0x79: {  	_ =	shalt  }
0x7a: {  	_ =	shalt  }
0x7b: {  	_ =	shalt  }
0x7c: {  	_ =	shalt  }
0x7d: {  	_ =	shalt  }
0x7e: {  	_ =	shalt  }
0x7f: {  	_ =	shalt  }
0x80: {  	_ =	shalt  }
0x81: {  	_ =	shalt  }
0x82: {  	_ =	shalt  }
0x83: {  	_ =	shalt  }
0x84: {  	_ =	shalt  }
0x85: {  	_ =	shalt  }
0x86: {  	_ =	shalt  }
0x87: {  	_ =	shalt  }
.Lfunc_end0:
.L_simem_size_0:
called_computation.1_lowered:
.L_overlay_start_0:
0x88: {  	s2 =	sld [smem:$0x3FD9]  }
0x89: {  	s3 =	sld [smem:$0x3FFE];
	_ =	sdelay $0x1  }
0x8a: {  	s1 =	srdreg.scid  }
0x8b: {  	s0 =	sand.u32 $0x1, s1  }
0x8c: {  	s16 =	sshll.u32 s0, $0xA;
	s2 =	sadd.s32 s3, s2  }
0x8d: {  	s2 =	sadd.s32 s2, s16  }
0x8e: {  	[smem:$0x3FAE] =	sst s2  }
0x8f: {  	_ = 	snop  }
0x90: {  	(tm) =	ssettm $0x1  }
0x91: {  	s17 =	sld [smem:$0x3FFB];
	_ =	sdelay $0x3  }
0x92: {  	_ =	strace s17  }
0x93: {  	s2 =	sld [smem:$0x3FFC];
	_ =	sdelay $0x3  }
0x94: {  	_ =	strace s2  }
0x95: {  	s2 =	sld [smem:$0x3FFD];
	_ =	sdelay $0x3  }
0x96: {  	_ =	strace s2  }
0x97: {  	_ =	strace $0x8FFFFFFF  }
0x98: {  	s18 =	sld [smem:$0x3FDB];
	_ =	sdelay $0x1  }
0x99: {  	s19 =	simm.s32 $_scs_section_size  }
0x9a: {  	s4 =	simm.s32 $_size__tile_overlayer_lowered;
	s5 =	simm.s32 $_tile_overlayer_lowered  }
0x9b: {  	s22 =	simm.s32 $0x1BFF;
	s21 =	sshll.u32 s5, $0x1;
	s2 =	sadd.s32 s19, s18  }
0x9c: {  	s6 =	simm.s32 $0x0;
	s20 =	sshll.u32 s4, $0x1;
	s4 =	sadd.s32 s21, s2  }
0x9d: {  	[timem:s6], [sflag:s22] =	dma.local [hbm:s4], s20  }
0x9e: {  	_ =	swait.ge [sflag:s22], s20  }
0x9f: {  	s3 =	ssub.s32 $0x0, s20;
	[sflag:s22] =	ssyncset.done $0x0  }
0xa0: {  	[sflag:s22] =	ssyncadd.s32 s3;
	_ =	sdelay $0x1  }
0xa1: {  	s23 =	simm.s32 $0x1B8B  }
0xa2: {  	_ =	swait.ge [sflag:s23], $0x1  }
0xa3: {  	[sflag:s23] =	ssyncset.done $0x0  }
0xa4: {  	s25 =	simm.s32 $0x1B8E;
	s24 =	sld [smem:$0x3FFE];
	[sflag:s23] =	ssyncadd.s32 $0xFFFFFFFF  }
0xa5: {  	s26 =	simm.s32 $execute0_lowered;
	[smem:$0x3FD2] =	sst s25  }
0xa6: {  	s4 =	sshll.u32 s26, $0x1;
	_ =	strace $0x80000049;
	[dreg:$0x1] =	wrdreg $0xFFFFFFFF  }
0xa7: {  	s28 =	simm.s32 $_size_execute0_lowered;
	s2 =	sadd.s32 s2, s4;
	[dreg:$0x0] =	wrdreg $0x0  }
0xa8: {  	s4 =	sshll.u32 s28, $0x1;
	[dreg:$0x2] =	wrdreg s2  }
0xa9: {  	[dreg:$0x3] =	wrdreg s4  }
0xaa: {  	[dreg:$0x4] =	wrdreg $0xC0  }
0xab: {  	_ =	task [dreg:s6], $0x5FFFF  }
0xac: {  	[dreg:$0x1] =	wrdreg $0xFFFFFFFF  }
0xad: {  	[dreg:$0x0] =	wrdreg $0x60  }
0xae: {  	[dreg:$0x2] =	wrdreg s24  }
0xaf: {  	[dreg:$0x3] =	wrdreg $0xA0000  }
0xb0: {  	[dreg:$0x4] =	wrdreg $0x9  }
0xb1: {  	_ =	task.clear_ibuf [dreg:s6], $0x5FFFF;
	_ =	strace $0x90000049  }
0xb2: {  	s29 =	simm.s32 $0x9;
	_ =	strace $0x8000004B  }
0xb3: {  	_ =	swait.ge [sflag:s29], $0x1  }
0xb4: {  	[sflag:s29] =	ssyncadd.s32 $0xFFFFFFFF  }
0xb5: {  	_ =	strace $0x9000004B  }
0xb6: {  	_ =	sfence  }
0xb7: {  	s30 =	sld [smem:$0x0];
	_ =	sdelay $0x2  }
0xb8: {  	s31 =	sshll.u32 s1, $0xD;
	s1 =	sshrl.u32 s1, $0x2  }
0xb9: {  	s3 =	sand.u32 $0x4000, s31;
	s1 =	sadd.s32 s1, s30  }
0xba: {  	s0 =	sor.u32 s3, s0;
	s1 =	sshll.u32 s1, $0x11  }
0xbb: {  	s0 =	sor.u32 s1, s0  }
0xbc: {  	s0 =	sadd.s32 $0x8F2B, s0  }
0xbd: {  	[sflag:s0] =	ssyncadd.remote.s32 $0x1  }
0xbe: {  	_ =	sfence.sel $0xFFFF  }
0xbf: {  	[dreg:$0x0] =	wrdreg $0xFFFFFFFF;
	(pc) =	sbr.abs _section_cstart, $3  }
0xc0: {  	[dreg:$0x1] =	wrdreg $0xFFFFFFFF  }
0xc1: {  	_ =	task.clear_ibuf [dreg:s6], $0x2FFFF;
	_ =	strace $0x9FFFFFFF  }
0xc2: {  	(tm) =	ssettm $0x7FFFFFFF  }
0xc3: {  	_ =	shalt  }
tec
execute0_lowered:
.L_overlay_start_1:
0x0: {  	(tag) =	ssettag $0x1  }
0x1: {  	s0 =	rddreg [dreg:$0x0]  }
0x2: {  	s2 =	rddreg [dreg:$0x1];
	s3 =	simm.s32 $0x0  }
0x3: {  	s1 =	stileid.u32;
	s4 =	srdreg.scid;
	s28 =	simm.s32 $0x1  }
0x4: {  	s29 =	simm.s32 $0x2;
	s30 =	simm.s32 $0xF80;
	s31 =	simm.s32 $0x1F00  }
0x5: {  	[smem:$0x7FF] =	sst s3;
	s7 =	sand.u32 $0x1, s4;
	s5 =	smul.u32 $0x2780, s1  }
0x6: {  	s4 =	sadd.s32 $0x19E00, s0;
	s8 =	sadd.s32 $0x9E00, s0;
	s14 =	sadd.s32 $0x11E00, s0  }
0x7: {  	s9 =	sshll.u32 s1, $0x9;
	s10 =	smul.u32 $0x4F000, s1;
	s11 =	sshll.u32 s1, $0xB  }
0x8: {  	_ =	strace $0x8000004A;
	s6 =	smul.u32 $0x27800, s7;
	s16 =	sadd.s32 s9, s0  }
0x9: {  	s18 =	ssub.s32 $0x2, s7;
	p0 =	seq.s32 s7, $0x1;
	s21 =	sor.u32 $0x200, s11  }
0xa: {  	s22 =	sadd.s32 s8, s11;
	s23 =	sadd.s32 s14, s11;
	s25 =	sor.u32 $0x400, s11  }
0xb: {  	s15 =	sor.u32 $0x600, s11;
	s19 =	sshrl.u32 s18, $0x1;
	[dreg:$0x3] =	wrdreg s22  }
0xc: {  	s20 =	sshrl.u32 s10, $0x2;
	[dreg:$0x4] =	wrdreg s23;
	s24 =	sadd.s32 s8, s21  }
0xd: {  	s7 =	sadd.s32 s14, s21;
	s26 =	sadd.s32 s8, s25;
	s12 =	sadd.s32 s14, s25  }
0xe: {  	s13 =	sadd.s32 s8, s15;
	s14 =	sadd.s32 s14, s15;
	s15 =	sadd.s32 $0x7E00, s16  }
0xf: {  	s16 =	sadd.s32 $0x5E00, s16;
	s22 =	simm.s32 $0x2000;
	s23 =	simm.s32 $0x3  }
0x10: {  	s25 =	simm.s32 $0x80;
	s5 =	sadd.s32 s5, s6;
	[dreg:$0x5] =	wrdreg s24  }
.Ltmp0:
0x11: {  	s18 =	ssub.s32 s18, s19;
	[dreg:$0x6] =	wrdreg s7;
	(pc) =	sbr.rel .LBB2_1-.Ltmp0, $4  }
0x12: {  	[dreg:$0x7] =	wrdreg s26;
	s24 =	simm.s32 $0x1000;
	s26 =	simm.s32 $0x6000  }
0x13: {  	s0 =	sadd.s32 s5, s0;
	s5 =	sadd.s32 s20, s2;
	s18 =	smax.u32 s18, $0x1  }
0x14: {  	s6 =	sadd.s32 $0x10000, s5;
	s17 =	sadd.s32 $0x41000, s0;
	s19 =	sadd.s32 $0x4000, s5  }
0x15: {  	v0 =	vimm.f32 $0.0e+00;
	s20 =	sadd.s32 $0x8000, s5;
	s21 =	sadd.s32 $0xC000, s5;
	s0 =	simm.s32 $0x1F80  }
.LBB2_12:
0x16: {  	s8 =	sadd.s32 $0x80, s7;
	[sflag:s23] =	ssyncadd.s32 $0xFFFFC000  }
0x17: {  	[tilespmem:s26], [sflag:$0x2] =	stream.indirect.gather [hbm4b:s4+s25], $0x80, s8, s25, $0xb8;
	[tilespmem:$0x1DC00] =	vst v63  }
0x18: {  	_ =	swait.ge [sflag:s28], $0x4000  }
0x19: {  	[sflag:s28] =	ssyncset.done $0x0  }
0x1a: {  	s9 =	sadd.s32 $0x1000, s7;
	[sflag:s28] =	ssyncadd.s32 $0xFFFFC000  }
0x1b: {  	[spmem:s2] =	stream.indirect.scatter.add.f32 [tilespmem:s22], [sflag:$0x3], $0x80, s9, s25, $0xb8;
	[tilespmem:$0x1DC00] =	vst v63  }
0x1c: {  	_ =	swait.ge [sflag:s23], $0x4000  }
0x1d: {  	[sflag:s23] =	ssyncset.done $0x0  }
0x1e: {  	s10 =	sadd.s32 $0x100, s7;
	[sflag:s23] =	ssyncadd.s32 $0xFFFFC000  }
0x1f: {  	[tilespmem:s22], [sflag:$0x1] =	stream.indirect.gather [hbm4b:s4+s25], $0x80, s10, s25, $0xb8;
	[tilespmem:$0x1DC00] =	vst v63  }
0x20: {  	_ =	swait.ge [sflag:s29], $0x4000  }
0x21: {  	[sflag:s29] =	ssyncset.done $0x0  }
0x22: {  	s11 =	sadd.s32 $0x1080, s7;
	[sflag:s29] =	ssyncadd.s32 $0xFFFFC000  }
0x23: {  	[spmem:s2] =	stream.indirect.scatter.add.f32 [tilespmem:s26], [sflag:$0x3], $0x80, s11, s25, $0xb8;
	[tilespmem:$0x1DC00] =	vst v63  }
0x24: {  	_ =	swait.ge [sflag:s23], $0x4000  }
0x25: {  	[sflag:s23] =	ssyncset.done $0x0  }
0x26: {  	[sflag:s23] =	ssyncadd.s32 $0xFFFFC000  }
.LBB2_16:
0x27: {  	[tilespmem:s26], [sflag:$0x2] =	stream.indirect.gather [hbm4b:s4+s25], $0x80, s30, s25, $0xb8;
	[tilespmem:$0x1DC00] =	vst v63  }
0x28: {  	_ =	swait.ge [sflag:s28], $0x4000  }
0x29: {  	[sflag:s28] =	ssyncset.done $0x0  }
0x2a: {  	[sflag:s28] =	ssyncadd.s32 $0xFFFFC000  }
0x2b: {  	[spmem:s2] =	stream.indirect.scatter.add.f32 [tilespmem:s22], [sflag:$0x3], $0x80, s31, s25, $0xb8;
	[tilespmem:$0x1DC00] =	vst v63  }
0x2c: {  	_ =	swait.ge [sflag:s23], $0x4000  }
0x2d: {  	[sflag:s23] =	ssyncset.done $0x0  }
0x2e: {  	[sflag:s23] =	ssyncadd.s32 $0xFFFFC000  }
0x2f: {  	_ =	swait.ge [sflag:s29], $0x4000  }
0x30: {  	[sflag:s29] =	ssyncset.done $0x0  }
0x31: {  	[sflag:s29] =	ssyncadd.s32 $0xFFFFC000  }
0x32: {  	[spmem:s2] =	stream.indirect.scatter.add.f32 [tilespmem:s26], [sflag:$0x3], $0x80, s0, s25, $0xb8;
	[tilespmem:$0x1DC00] =	vst v63  }
0x33: {  	_ =	swait.ge [sflag:s23], $0x4000  }
0x34: {  	s7 =	sshll.u32 s1, $0x6;
	s3 =	sadd.s32 $0x1, s3;
	[sflag:s23] =	ssyncset.done $0x0  }
0x35: {  	s8 =	sshrl.u32 s5, $0x3;
	p1 =	sne.s32 s3, s18;
	[sflag:s23] =	ssyncadd.s32 $0xFFFFC000  }
.Ltmp1:
0x36: {  	s7 =	sor.u32 $0x1C03, s7;
	[bflag:$0x0] =	sbarrier.arrive $0xFFFF;
	(pc) =	sbr.rel @!p1 .LBB2_17-.Ltmp1, $4  }
0x37: {  	[hbm:s17], [sflag:s7] =	dma.local [spmem:s8], $0x2780  }
0x38: {  	_ =	swait.ge [sflag:s23], $0x2780  }
0x39: {  	[sflag:s23] =	ssyncset.done $0x0  }
0x3a: {  	[sflag:s23] =	ssyncadd.s32 $0xFFFFD880  }
.LBB2_1:
0x3b: {  	s7 =	simm.s32 $0x0;
	s8 =	simm.s32 $0x200  }
.LBB2_2:
0x3c: {  	p1 =	sne.s32 s8, $0xFE00;
	[tilespmem:s7+$0x2070] =	vst v0  }
0x3d: {  	[tilespmem:s7+$0x2000] =	vst v0  }
0x3e: {  	[tilespmem:s7+$0x2010] =	vst v0  }
.Ltmp2:
0x3f: {  	[tilespmem:s7+$0x2020] =	vst v0;
	(pc) =	sbr.rel @p1 .LBB2_2-.Ltmp2, $4  }
0x40: {  	[tilespmem:s7+$0x2030] =	vst v0  }
0x41: {  	[tilespmem:s7+$0x2040] =	vst v0  }
0x42: {  	[tilespmem:s7+$0x2050] =	vst v0  }
0x43: {  	[tilespmem:s7+$0x2060] =	vst v0;
	s7 =	sshra.s32 s8, $0x2;
	s8 =	sadd.s32 $0x200, s8  }
0x44: {  	[tilespmem:s7+$0x2070] =	vst v0  }
0x45: {  	[tilespmem:s7+$0x2000] =	vst v0  }
0x46: {  	[tilespmem:s7+$0x2010] =	vst v0  }
0x47: {  	[tilespmem:s7+$0x2020] =	vst v0  }
0x48: {  	[tilespmem:s7+$0x2030] =	vst v0  }
0x49: {  	[tilespmem:s7+$0x2040] =	vst v0  }
0x4a: {  	[tilespmem:s7+$0x2050] =	vst v0  }
0x4b: {  	[tilespmem:s7+$0x2060] =	vst v0  }
0x4c: {  	[spmem:s5] =	stream.linear.scatter [tilespmem:s22], [sflag:$0x3], $0x4000, $0x38;
	[tilespmem:$0x1DC00] =	vst v63  }
0x4d: {  	_ =	swait.ge [sflag:s23], $0x4000  }
0x4e: {  	[sflag:s23] =	ssyncset.done $0x0  }
0x4f: {  	[sflag:s23] =	ssyncadd.s32 $0xFFFFC000  }
0x50: {  	[spmem:s19] =	stream.linear.scatter [tilespmem:s22], [sflag:$0x3], $0x4000, $0x38;
	[tilespmem:$0x1DC00] =	vst v63  }
0x51: {  	_ =	swait.ge [sflag:s23], $0x4000  }
0x52: {  	[sflag:s23] =	ssyncset.done $0x0  }
0x53: {  	[sflag:s23] =	ssyncadd.s32 $0xFFFFC000  }
0x54: {  	[spmem:s20] =	stream.linear.scatter [tilespmem:s22], [sflag:$0x3], $0x4000, $0x38;
	[tilespmem:$0x1DC00] =	vst v63  }
0x55: {  	_ =	swait.ge [sflag:s23], $0x4000  }
0x56: {  	[sflag:s23] =	ssyncset.done $0x0  }
0x57: {  	[sflag:s23] =	ssyncadd.s32 $0xFFFFC000  }
0x58: {  	[spmem:s21] =	stream.linear.scatter [tilespmem:s22], [sflag:$0x3], $0x4000, $0x38;
	[tilespmem:$0x1DC00] =	vst v63  }
0x59: {  	_ =	swait.ge [sflag:s23], $0x4000  }
0x5a: {  	[sflag:s23] =	ssyncset.done $0x0  }
0x5b: {  	[sflag:s23] =	ssyncadd.s32 $0xFFFFC000  }
0x5c: {  	[spmem:s6] =	stream.linear.scatter [tilespmem:s22], [sflag:$0x3], $0x3C00, $0x38;
	[tilespmem:$0x1DC00] =	vst v63  }
.Ltmp3:
0x5d: {  	_ =	swait.ge [sflag:s23], $0x3C00;
	(pc) =	sbr.rel @!p0 .LBB2_4-.Ltmp3, $4  }
0x5e: {  	[sflag:s23] =	ssyncset.done $0x0  }
0x5f: {  	[sflag:s23] =	ssyncadd.s32 $0xFFFFC400  }
0x60: {  	[bflag:$0x0] =	sbarrier.arrive $0xFFFF  }
0x61: {  	s7 =	simm.s32 $0x0  }
0x62: {  	[tilespmem:s7], [sflag:$0x3] =	stream.linear.gather [hbm4b:s15+s7], $0x1000, $0x38;
	[tilespmem:$0x1DC00] =	vst v63  }
0x63: {  	_ =	swait.ge [sflag:s23], $0x1000  }
0x64: {  	[sflag:s23] =	ssyncset.done $0x0  }
0x65: {  	[sflag:s23] =	ssyncadd.s32 $0xFFFFF000  }
0x66: {  	[tilespmem:s24], [sflag:$0x3] =	stream.linear.gather [hbm4b:s16+s7], $0x1000, $0x38;
	[tilespmem:$0x1DC00] =	vst v63  }
0x67: {  	_ =	swait.ge [sflag:s23], $0x1000  }
0x68: {  	[sflag:s23] =	ssyncset.done $0x0  }
0x69: {  	[sflag:s23] =	ssyncadd.s32 $0xFFFFF000  }
0x6a: {  	[tilespmem:s22], [sflag:$0x1] =	stream.indirect.gather [hbm4b:s4+s25], $0x80, s7, s25, $0xb8;
	[tilespmem:$0x1DC00] =	vst v63  }
0x6b: {  	s8 =	simm.s32 $0x80  }
0x6c: {  	[tilespmem:s26], [sflag:$0x2] =	stream.indirect.gather [hbm4b:s4+s25], $0x80, s8, s25, $0xb8;
	[tilespmem:$0x1DC00] =	vst v63  }
0x6d: {  	_ =	swait.ge [sflag:s28], $0x4000  }
0x6e: {  	[sflag:s28] =	ssyncset.done $0x0  }
0x6f: {  	s9 =	simm.s32 $0x1000;
	[sflag:s28] =	ssyncadd.s32 $0xFFFFC000  }
0x70: {  	[spmem:s2] =	stream.indirect.scatter.add.f32 [tilespmem:s22], [sflag:$0x3], $0x80, s9, s25, $0xb8;
	[tilespmem:$0x1DC00] =	vst v63  }
0x71: {  	_ =	swait.ge [sflag:s23], $0x4000  }
0x72: {  	[sflag:s23] =	ssyncset.done $0x0  }
0x73: {  	s10 =	simm.s32 $0x100;
	[sflag:s23] =	ssyncadd.s32 $0xFFFFC000  }
0x74: {  	[tilespmem:s22], [sflag:$0x1] =	stream.indirect.gather [hbm4b:s4+s25], $0x80, s10, s25, $0xb8;
	[tilespmem:$0x1DC00] =	vst v63  }
0x75: {  	_ =	swait.ge [sflag:s29], $0x4000  }
0x76: {  	[sflag:s29] =	ssyncset.done $0x0  }
0x77: {  	s11 =	simm.s32 $0x1080;
	[sflag:s29] =	ssyncadd.s32 $0xFFFFC000  }
0x78: {  	[spmem:s2] =	stream.indirect.scatter.add.f32 [tilespmem:s26], [sflag:$0x3], $0x80, s11, s25, $0xb8;
	[tilespmem:$0x1DC00] =	vst v63  }
0x79: {  	_ =	swait.ge [sflag:s23], $0x4000  }
0x7a: {  	s7 =	simm.s32 $0x100;
	s8 =	simm.s32 $0x800;
	[sflag:s23] =	ssyncset.done $0x0  }
.LBB2_14:
0x7b: {  	s9 =	sadd.s32 $0x80, s7  }
0x7c: {  	[sflag:s23] =	ssyncadd.s32 $0xFFFFC000;
	s10 =	smov.u32 s8;
	s11 =	sadd.s32 $0x400, s8  }
0x7d: {  	[tilespmem:s26], [sflag:$0x2] =	stream.indirect.gather [hbm4b:s4+s25], $0x80, s9, s25, $0xb8;
	[tilespmem:$0x1DC00] =	vst v63  }
0x7e: {  	p1 =	sne.s32 s8, $0x3800;
	_ =	swait.ge [sflag:s28], $0x4000  }
0x7f: {  	[sflag:s28] =	ssyncset.done $0x0  }
0x80: {  	s8 =	sadd.s32 $0x1000, s7;
	[sflag:s28] =	ssyncadd.s32 $0xFFFFC000  }
0x81: {  	[spmem:s2] =	stream.indirect.scatter.add.f32 [tilespmem:s22], [sflag:$0x3], $0x80, s8, s25, $0xb8;
	[tilespmem:$0x1DC00] =	vst v63  }
0x82: {  	_ =	swait.ge [sflag:s23], $0x4000  }
0x83: {  	[sflag:s23] =	ssyncset.done $0x0  }
0x84: {  	s8 =	sadd.s32 $0x100, s7;
	[sflag:s23] =	ssyncadd.s32 $0xFFFFC000  }
0x85: {  	[tilespmem:s22], [sflag:$0x1] =	stream.indirect.gather [hbm4b:s4+s25], $0x80, s8, s25, $0xb8;
	[tilespmem:$0x1DC00] =	vst v63  }
0x86: {  	_ =	swait.ge [sflag:s29], $0x4000  }
.Ltmp4:
0x87: {  	[sflag:s29] =	ssyncset.done $0x0;
	(pc) =	sbr.rel @p1 .LBB2_14-.Ltmp4, $4  }
0x88: {  	s7 =	sadd.s32 $0x1080, s7;
	[sflag:s29] =	ssyncadd.s32 $0xFFFFC000  }
0x89: {  	[spmem:s2] =	stream.indirect.scatter.add.f32 [tilespmem:s26], [sflag:$0x3], $0x80, s7, s25, $0xb8;
	[tilespmem:$0x1DC00] =	vst v63  }
0x8a: {  	_ =	swait.ge [sflag:s23], $0x4000  }
0x8b: {  	s8 =	smov.u32 s11;
	s7 =	sshra.s32 s10, $0x2;
	[sflag:s23] =	ssyncset.done $0x0  }
0x8c: {  	s8 =	sadd.s32 $0x80, s7;
	[sflag:s23] =	ssyncadd.s32 $0xFFFFC000  }
0x8d: {  	[tilespmem:s26], [sflag:$0x2] =	stream.indirect.gather [hbm4b:s4+s25], $0x80, s8, s25, $0xb8;
	[tilespmem:$0x1DC00] =	vst v63  }
0x8e: {  	_ =	swait.ge [sflag:s28], $0x4000  }
0x8f: {  	[sflag:s28] =	ssyncset.done $0x0  }
0x90: {  	s9 =	sadd.s32 $0x1000, s7;
	[sflag:s28] =	ssyncadd.s32 $0xFFFFC000  }
0x91: {  	[spmem:s2] =	stream.indirect.scatter.add.f32 [tilespmem:s22], [sflag:$0x3], $0x80, s9, s25, $0xb8;
	[tilespmem:$0x1DC00] =	vst v63  }
0x92: {  	_ =	swait.ge [sflag:s23], $0x4000  }
0x93: {  	[sflag:s23] =	ssyncset.done $0x0  }
0x94: {  	s10 =	sadd.s32 $0x100, s7;
	[sflag:s23] =	ssyncadd.s32 $0xFFFFC000  }
0x95: {  	[tilespmem:s22], [sflag:$0x1] =	stream.indirect.gather [hbm4b:s4+s25], $0x80, s10, s25, $0xb8;
	[tilespmem:$0x1DC00] =	vst v63  }
0x96: {  	_ =	swait.ge [sflag:s29], $0x4000  }
0x97: {  	[sflag:s29] =	ssyncset.done $0x0  }
.Ltmp5:
0x98: {  	s11 =	sadd.s32 $0x1080, s7;
	[sflag:s29] =	ssyncadd.s32 $0xFFFFC000;
	(pc) =	sbr.rel .LBB2_16-.Ltmp5, $4  }
0x99: {  	[spmem:s2] =	stream.indirect.scatter.add.f32 [tilespmem:s26], [sflag:$0x3], $0x80, s11, s25, $0xb8;
	[tilespmem:$0x1DC00] =	vst v63  }
0x9a: {  	_ =	swait.ge [sflag:s23], $0x4000  }
0x9b: {  	[sflag:s23] =	ssyncset.done $0x0  }
0x9c: {  	[sflag:s23] =	ssyncadd.s32 $0xFFFFC000  }
.LBB2_4:
0x9d: {  	s8 =	rddreg [dreg:$0x3]  }
0x9e: {  	[tilespmem:s7], [sflag:$0x3] =	stream.linear.gather [hbm4b:s8+s7], $0x1000, $0x38;
	[tilespmem:$0x1DC00] =	vst v63  }
0x9f: {  	_ =	swait.ge [sflag:s23], $0x1000  }
0xa0: {  	[sflag:s23] =	ssyncset.done $0x0  }
0xa1: {  	s11 =	rddreg [dreg:$0x4];
	[sflag:s23] =	ssyncadd.s32 $0xFFFFF000  }
0xa2: {  	[tilespmem:s24], [sflag:$0x3] =	stream.linear.gather [hbm4b:s11+s7], $0x1000, $0x38;
	[tilespmem:$0x1DC00] =	vst v63  }
0xa3: {  	_ =	swait.ge [sflag:s23], $0x1000  }
0xa4: {  	[sflag:s23] =	ssyncset.done $0x0  }
0xa5: {  	[sflag:s23] =	ssyncadd.s32 $0xFFFFF000  }
0xa6: {  	[tilespmem:s22], [sflag:$0x1] =	stream.indirect.gather [hbm4b:s4+s25], $0x80, s7, s25, $0xb8;
	[tilespmem:$0x1DC00] =	vst v63  }
0xa7: {  	s8 =	simm.s32 $0x80  }
0xa8: {  	[tilespmem:s26], [sflag:$0x2] =	stream.indirect.gather [hbm4b:s4+s25], $0x80, s8, s25, $0xb8;
	[tilespmem:$0x1DC00] =	vst v63  }
0xa9: {  	_ =	swait.ge [sflag:s28], $0x4000  }
0xaa: {  	[sflag:s28] =	ssyncset.done $0x0  }
0xab: {  	s9 =	simm.s32 $0x1000;
	[sflag:s28] =	ssyncadd.s32 $0xFFFFC000  }
0xac: {  	[spmem:s2] =	stream.indirect.scatter.add.f32 [tilespmem:s22], [sflag:$0x3], $0x80, s9, s25, $0xb8;
	[tilespmem:$0x1DC00] =	vst v63  }
0xad: {  	_ =	swait.ge [sflag:s23], $0x4000  }
0xae: {  	[sflag:s23] =	ssyncset.done $0x0  }
0xaf: {  	s10 =	simm.s32 $0x100;
	[sflag:s23] =	ssyncadd.s32 $0xFFFFC000  }
0xb0: {  	[tilespmem:s22], [sflag:$0x1] =	stream.indirect.gather [hbm4b:s4+s25], $0x80, s10, s25, $0xb8;
	[tilespmem:$0x1DC00] =	vst v63  }
0xb1: {  	_ =	swait.ge [sflag:s29], $0x4000  }
0xb2: {  	[sflag:s29] =	ssyncset.done $0x0  }
0xb3: {  	s11 =	simm.s32 $0x1080;
	[sflag:s29] =	ssyncadd.s32 $0xFFFFC000  }
0xb4: {  	[spmem:s2] =	stream.indirect.scatter.add.f32 [tilespmem:s26], [sflag:$0x3], $0x80, s11, s25, $0xb8;
	[tilespmem:$0x1DC00] =	vst v63  }
0xb5: {  	_ =	swait.ge [sflag:s23], $0x4000  }
0xb6: {  	s7 =	simm.s32 $0x100;
	s8 =	simm.s32 $0x800;
	[sflag:s23] =	ssyncset.done $0x0  }
.LBB2_5:
0xb7: {  	s9 =	sadd.s32 $0x80, s7  }
0xb8: {  	[sflag:s23] =	ssyncadd.s32 $0xFFFFC000;
	s10 =	smov.u32 s8;
	s11 =	sadd.s32 $0x400, s8  }
0xb9: {  	[tilespmem:s26], [sflag:$0x2] =	stream.indirect.gather [hbm4b:s4+s25], $0x80, s9, s25, $0xb8;
	[tilespmem:$0x1DC00] =	vst v63  }
0xba: {  	p1 =	sne.s32 s8, $0x3800;
	_ =	swait.ge [sflag:s28], $0x4000  }
0xbb: {  	[sflag:s28] =	ssyncset.done $0x0  }
0xbc: {  	s8 =	sadd.s32 $0x1000, s7;
	[sflag:s28] =	ssyncadd.s32 $0xFFFFC000  }
0xbd: {  	[spmem:s2] =	stream.indirect.scatter.add.f32 [tilespmem:s22], [sflag:$0x3], $0x80, s8, s25, $0xb8;
	[tilespmem:$0x1DC00] =	vst v63  }
0xbe: {  	_ =	swait.ge [sflag:s23], $0x4000  }
0xbf: {  	[sflag:s23] =	ssyncset.done $0x0  }
0xc0: {  	s8 =	sadd.s32 $0x100, s7;
	[sflag:s23] =	ssyncadd.s32 $0xFFFFC000  }
0xc1: {  	[tilespmem:s22], [sflag:$0x1] =	stream.indirect.gather [hbm4b:s4+s25], $0x80, s8, s25, $0xb8;
	[tilespmem:$0x1DC00] =	vst v63  }
0xc2: {  	_ =	swait.ge [sflag:s29], $0x4000  }
.Ltmp6:
0xc3: {  	[sflag:s29] =	ssyncset.done $0x0;
	(pc) =	sbr.rel @p1 .LBB2_5-.Ltmp6, $4  }
0xc4: {  	s7 =	sadd.s32 $0x1080, s7;
	[sflag:s29] =	ssyncadd.s32 $0xFFFFC000  }
0xc5: {  	[spmem:s2] =	stream.indirect.scatter.add.f32 [tilespmem:s26], [sflag:$0x3], $0x80, s7, s25, $0xb8;
	[tilespmem:$0x1DC00] =	vst v63  }
0xc6: {  	_ =	swait.ge [sflag:s23], $0x4000  }
0xc7: {  	s8 =	smov.u32 s11;
	s7 =	sshra.s32 s10, $0x2;
	[sflag:s23] =	ssyncset.done $0x0  }
0xc8: {  	s8 =	sadd.s32 $0x80, s7;
	[sflag:s23] =	ssyncadd.s32 $0xFFFFC000  }
0xc9: {  	[tilespmem:s26], [sflag:$0x2] =	stream.indirect.gather [hbm4b:s4+s25], $0x80, s8, s25, $0xb8;
	[tilespmem:$0x1DC00] =	vst v63  }
0xca: {  	_ =	swait.ge [sflag:s28], $0x4000  }
0xcb: {  	[sflag:s28] =	ssyncset.done $0x0  }
0xcc: {  	s10 =	sadd.s32 $0x1000, s7;
	[sflag:s28] =	ssyncadd.s32 $0xFFFFC000  }
0xcd: {  	[spmem:s2] =	stream.indirect.scatter.add.f32 [tilespmem:s22], [sflag:$0x3], $0x80, s10, s25, $0xb8;
	[tilespmem:$0x1DC00] =	vst v63  }
0xce: {  	_ =	swait.ge [sflag:s23], $0x4000  }
0xcf: {  	[sflag:s23] =	ssyncset.done $0x0  }
0xd0: {  	s11 =	sadd.s32 $0x100, s7;
	[sflag:s23] =	ssyncadd.s32 $0xFFFFC000  }
0xd1: {  	[tilespmem:s22], [sflag:$0x1] =	stream.indirect.gather [hbm4b:s4+s25], $0x80, s11, s25, $0xb8;
	[tilespmem:$0x1DC00] =	vst v63  }
0xd2: {  	_ =	swait.ge [sflag:s29], $0x4000  }
0xd3: {  	[sflag:s29] =	ssyncset.done $0x0  }
0xd4: {  	s8 =	sadd.s32 $0x1080, s7;
	[sflag:s29] =	ssyncadd.s32 $0xFFFFC000  }
0xd5: {  	[spmem:s2] =	stream.indirect.scatter.add.f32 [tilespmem:s26], [sflag:$0x3], $0x80, s8, s25, $0xb8;
	[tilespmem:$0x1DC00] =	vst v63  }
0xd6: {  	_ =	swait.ge [sflag:s23], $0x4000  }
0xd7: {  	[sflag:s23] =	ssyncset.done $0x0  }
0xd8: {  	[sflag:s23] =	ssyncadd.s32 $0xFFFFC000  }
0xd9: {  	[tilespmem:s26], [sflag:$0x2] =	stream.indirect.gather [hbm4b:s4+s25], $0x80, s30, s25, $0xb8;
	[tilespmem:$0x1DC00] =	vst v63  }
0xda: {  	_ =	swait.ge [sflag:s28], $0x4000  }
0xdb: {  	[sflag:s28] =	ssyncset.done $0x0  }
0xdc: {  	[sflag:s28] =	ssyncadd.s32 $0xFFFFC000  }
0xdd: {  	[spmem:s2] =	stream.indirect.scatter.add.f32 [tilespmem:s22], [sflag:$0x3], $0x80, s31, s25, $0xb8;
	[tilespmem:$0x1DC00] =	vst v63  }
0xde: {  	_ =	swait.ge [sflag:s23], $0x4000  }
0xdf: {  	[sflag:s23] =	ssyncset.done $0x0  }
0xe0: {  	[sflag:s23] =	ssyncadd.s32 $0xFFFFC000  }
0xe1: {  	_ =	swait.ge [sflag:s29], $0x4000  }
0xe2: {  	[sflag:s29] =	ssyncset.done $0x0  }
0xe3: {  	[sflag:s29] =	ssyncadd.s32 $0xFFFFC000  }
0xe4: {  	[spmem:s2] =	stream.indirect.scatter.add.f32 [tilespmem:s26], [sflag:$0x3], $0x80, s0, s25, $0xb8;
	[tilespmem:$0x1DC00] =	vst v63  }
0xe5: {  	_ =	swait.ge [sflag:s23], $0x4000  }
0xe6: {  	[sflag:s23] =	ssyncset.done $0x0  }
0xe7: {  	s9 =	simm.s32 $0x0;
	s10 =	rddreg [dreg:$0x5];
	[sflag:s23] =	ssyncadd.s32 $0xFFFFC000  }
0xe8: {  	[tilespmem:s9], [sflag:$0x3] =	stream.linear.gather [hbm4b:s10+s9], $0x1000, $0x38;
	[tilespmem:$0x1DC00] =	vst v63  }
0xe9: {  	_ =	swait.ge [sflag:s23], $0x1000  }
0xea: {  	[sflag:s23] =	ssyncset.done $0x0  }
0xeb: {  	s11 =	rddreg [dreg:$0x6];
	[sflag:s23] =	ssyncadd.s32 $0xFFFFF000  }
0xec: {  	[tilespmem:s24], [sflag:$0x3] =	stream.linear.gather [hbm4b:s11+s9], $0x1000, $0x38;
	[tilespmem:$0x1DC00] =	vst v63  }
0xed: {  	_ =	swait.ge [sflag:s23], $0x1000  }
0xee: {  	[sflag:s23] =	ssyncset.done $0x0  }
0xef: {  	[sflag:s23] =	ssyncadd.s32 $0xFFFFF000  }
0xf0: {  	[tilespmem:s22], [sflag:$0x1] =	stream.indirect.gather [hbm4b:s4+s25], $0x80, s9, s25, $0xb8;
	[tilespmem:$0x1DC00] =	vst v63  }
0xf1: {  	s8 =	simm.s32 $0x80  }
0xf2: {  	[tilespmem:s26], [sflag:$0x2] =	stream.indirect.gather [hbm4b:s4+s25], $0x80, s8, s25, $0xb8;
	[tilespmem:$0x1DC00] =	vst v63  }
0xf3: {  	_ =	swait.ge [sflag:s28], $0x4000  }
0xf4: {  	[sflag:s28] =	ssyncset.done $0x0  }
0xf5: {  	s9 =	simm.s32 $0x1000;
	[sflag:s28] =	ssyncadd.s32 $0xFFFFC000  }
0xf6: {  	[spmem:s2] =	stream.indirect.scatter.add.f32 [tilespmem:s22], [sflag:$0x3], $0x80, s9, s25, $0xb8;
	[tilespmem:$0x1DC00] =	vst v63  }
0xf7: {  	_ =	swait.ge [sflag:s23], $0x4000  }
0xf8: {  	[sflag:s23] =	ssyncset.done $0x0  }
0xf9: {  	s10 =	simm.s32 $0x100;
	[sflag:s23] =	ssyncadd.s32 $0xFFFFC000  }
0xfa: {  	[tilespmem:s22], [sflag:$0x1] =	stream.indirect.gather [hbm4b:s4+s25], $0x80, s10, s25, $0xb8;
	[tilespmem:$0x1DC00] =	vst v63  }
0xfb: {  	_ =	swait.ge [sflag:s29], $0x4000  }
0xfc: {  	[sflag:s29] =	ssyncset.done $0x0  }
0xfd: {  	s11 =	simm.s32 $0x1080;
	[sflag:s29] =	ssyncadd.s32 $0xFFFFC000  }
0xfe: {  	[spmem:s2] =	stream.indirect.scatter.add.f32 [tilespmem:s26], [sflag:$0x3], $0x80, s11, s25, $0xb8;
	[tilespmem:$0x1DC00] =	vst v63  }
0xff: {  	_ =	swait.ge [sflag:s23], $0x4000  }
0x100: {  	s7 =	simm.s32 $0x100;
	s8 =	simm.s32 $0x800;
	[sflag:s23] =	ssyncset.done $0x0  }
.LBB2_7:
0x101: {  	s9 =	sadd.s32 $0x80, s7  }
0x102: {  	[sflag:s23] =	ssyncadd.s32 $0xFFFFC000;
	s10 =	smov.u32 s8;
	s11 =	sadd.s32 $0x400, s8  }
0x103: {  	[tilespmem:s26], [sflag:$0x2] =	stream.indirect.gather [hbm4b:s4+s25], $0x80, s9, s25, $0xb8;
	[tilespmem:$0x1DC00] =	vst v63  }
0x104: {  	p1 =	sne.s32 s8, $0x3800;
	_ =	swait.ge [sflag:s28], $0x4000  }
0x105: {  	[sflag:s28] =	ssyncset.done $0x0  }
0x106: {  	s8 =	sadd.s32 $0x1000, s7;
	[sflag:s28] =	ssyncadd.s32 $0xFFFFC000  }
0x107: {  	[spmem:s2] =	stream.indirect.scatter.add.f32 [tilespmem:s22], [sflag:$0x3], $0x80, s8, s25, $0xb8;
	[tilespmem:$0x1DC00] =	vst v63  }
0x108: {  	_ =	swait.ge [sflag:s23], $0x4000  }
0x109: {  	[sflag:s23] =	ssyncset.done $0x0  }
0x10a: {  	s8 =	sadd.s32 $0x100, s7;
	[sflag:s23] =	ssyncadd.s32 $0xFFFFC000  }
0x10b: {  	[tilespmem:s22], [sflag:$0x1] =	stream.indirect.gather [hbm4b:s4+s25], $0x80, s8, s25, $0xb8;
	[tilespmem:$0x1DC00] =	vst v63  }
0x10c: {  	_ =	swait.ge [sflag:s29], $0x4000  }
.Ltmp7:
0x10d: {  	[sflag:s29] =	ssyncset.done $0x0;
	(pc) =	sbr.rel @p1 .LBB2_7-.Ltmp7, $4  }
0x10e: {  	s7 =	sadd.s32 $0x1080, s7;
	[sflag:s29] =	ssyncadd.s32 $0xFFFFC000  }
0x10f: {  	[spmem:s2] =	stream.indirect.scatter.add.f32 [tilespmem:s26], [sflag:$0x3], $0x80, s7, s25, $0xb8;
	[tilespmem:$0x1DC00] =	vst v63  }
0x110: {  	_ =	swait.ge [sflag:s23], $0x4000  }
0x111: {  	s8 =	smov.u32 s11;
	s7 =	sshra.s32 s10, $0x2;
	[sflag:s23] =	ssyncset.done $0x0  }
0x112: {  	s8 =	sadd.s32 $0x80, s7;
	[sflag:s23] =	ssyncadd.s32 $0xFFFFC000  }
0x113: {  	[tilespmem:s26], [sflag:$0x2] =	stream.indirect.gather [hbm4b:s4+s25], $0x80, s8, s25, $0xb8;
	[tilespmem:$0x1DC00] =	vst v63  }
0x114: {  	_ =	swait.ge [sflag:s28], $0x4000  }
0x115: {  	[sflag:s28] =	ssyncset.done $0x0  }
0x116: {  	s10 =	sadd.s32 $0x1000, s7;
	[sflag:s28] =	ssyncadd.s32 $0xFFFFC000  }
0x117: {  	[spmem:s2] =	stream.indirect.scatter.add.f32 [tilespmem:s22], [sflag:$0x3], $0x80, s10, s25, $0xb8;
	[tilespmem:$0x1DC00] =	vst v63  }
0x118: {  	_ =	swait.ge [sflag:s23], $0x4000  }
0x119: {  	[sflag:s23] =	ssyncset.done $0x0  }
0x11a: {  	s11 =	sadd.s32 $0x100, s7;
	[sflag:s23] =	ssyncadd.s32 $0xFFFFC000  }
0x11b: {  	[tilespmem:s22], [sflag:$0x1] =	stream.indirect.gather [hbm4b:s4+s25], $0x80, s11, s25, $0xb8;
	[tilespmem:$0x1DC00] =	vst v63  }
0x11c: {  	_ =	swait.ge [sflag:s29], $0x4000  }
0x11d: {  	[sflag:s29] =	ssyncset.done $0x0  }
0x11e: {  	s9 =	sadd.s32 $0x1080, s7;
	[sflag:s29] =	ssyncadd.s32 $0xFFFFC000  }
0x11f: {  	[spmem:s2] =	stream.indirect.scatter.add.f32 [tilespmem:s26], [sflag:$0x3], $0x80, s9, s25, $0xb8;
	[tilespmem:$0x1DC00] =	vst v63  }
0x120: {  	_ =	swait.ge [sflag:s23], $0x4000  }
0x121: {  	[sflag:s23] =	ssyncset.done $0x0  }
0x122: {  	[sflag:s23] =	ssyncadd.s32 $0xFFFFC000  }
0x123: {  	[tilespmem:s26], [sflag:$0x2] =	stream.indirect.gather [hbm4b:s4+s25], $0x80, s30, s25, $0xb8;
	[tilespmem:$0x1DC00] =	vst v63  }
0x124: {  	_ =	swait.ge [sflag:s28], $0x4000  }
0x125: {  	[sflag:s28] =	ssyncset.done $0x0  }
0x126: {  	[sflag:s28] =	ssyncadd.s32 $0xFFFFC000  }
0x127: {  	[spmem:s2] =	stream.indirect.scatter.add.f32 [tilespmem:s22], [sflag:$0x3], $0x80, s31, s25, $0xb8;
	[tilespmem:$0x1DC00] =	vst v63  }
0x128: {  	_ =	swait.ge [sflag:s23], $0x4000  }
0x129: {  	[sflag:s23] =	ssyncset.done $0x0  }
0x12a: {  	[sflag:s23] =	ssyncadd.s32 $0xFFFFC000  }
0x12b: {  	_ =	swait.ge [sflag:s29], $0x4000  }
0x12c: {  	[sflag:s29] =	ssyncset.done $0x0  }
0x12d: {  	[sflag:s29] =	ssyncadd.s32 $0xFFFFC000  }
0x12e: {  	[spmem:s2] =	stream.indirect.scatter.add.f32 [tilespmem:s26], [sflag:$0x3], $0x80, s0, s25, $0xb8;
	[tilespmem:$0x1DC00] =	vst v63  }
0x12f: {  	_ =	swait.ge [sflag:s23], $0x4000  }
0x130: {  	[sflag:s23] =	ssyncset.done $0x0  }
0x131: {  	s10 =	simm.s32 $0x0;
	s11 =	rddreg [dreg:$0x7];
	[sflag:s23] =	ssyncadd.s32 $0xFFFFC000  }
0x132: {  	[tilespmem:s10], [sflag:$0x3] =	stream.linear.gather [hbm4b:s11+s10], $0x1000, $0x38;
	[tilespmem:$0x1DC00] =	vst v63  }
0x133: {  	_ =	swait.ge [sflag:s23], $0x1000  }
0x134: {  	[sflag:s23] =	ssyncset.done $0x0  }
0x135: {  	[sflag:s23] =	ssyncadd.s32 $0xFFFFF000  }
0x136: {  	[tilespmem:s24], [sflag:$0x3] =	stream.linear.gather [hbm4b:s12+s10], $0x1000, $0x38;
	[tilespmem:$0x1DC00] =	vst v63  }
0x137: {  	_ =	swait.ge [sflag:s23], $0x1000  }
0x138: {  	[sflag:s23] =	ssyncset.done $0x0  }
0x139: {  	[sflag:s23] =	ssyncadd.s32 $0xFFFFF000  }
0x13a: {  	[tilespmem:s22], [sflag:$0x1] =	stream.indirect.gather [hbm4b:s4+s25], $0x80, s10, s25, $0xb8;
	[tilespmem:$0x1DC00] =	vst v63  }
0x13b: {  	s8 =	simm.s32 $0x80  }
0x13c: {  	[tilespmem:s26], [sflag:$0x2] =	stream.indirect.gather [hbm4b:s4+s25], $0x80, s8, s25, $0xb8;
	[tilespmem:$0x1DC00] =	vst v63  }
0x13d: {  	_ =	swait.ge [sflag:s28], $0x4000  }
0x13e: {  	[sflag:s28] =	ssyncset.done $0x0  }
0x13f: {  	s9 =	simm.s32 $0x1000;
	[sflag:s28] =	ssyncadd.s32 $0xFFFFC000  }
0x140: {  	[spmem:s2] =	stream.indirect.scatter.add.f32 [tilespmem:s22], [sflag:$0x3], $0x80, s9, s25, $0xb8;
	[tilespmem:$0x1DC00] =	vst v63  }
0x141: {  	_ =	swait.ge [sflag:s23], $0x4000  }
0x142: {  	[sflag:s23] =	ssyncset.done $0x0  }
0x143: {  	s10 =	simm.s32 $0x100;
	[sflag:s23] =	ssyncadd.s32 $0xFFFFC000  }
0x144: {  	[tilespmem:s22], [sflag:$0x1] =	stream.indirect.gather [hbm4b:s4+s25], $0x80, s10, s25, $0xb8;
	[tilespmem:$0x1DC00] =	vst v63  }
0x145: {  	_ =	swait.ge [sflag:s29], $0x4000  }
0x146: {  	[sflag:s29] =	ssyncset.done $0x0  }
0x147: {  	s11 =	simm.s32 $0x1080;
	[sflag:s29] =	ssyncadd.s32 $0xFFFFC000  }
0x148: {  	[spmem:s2] =	stream.indirect.scatter.add.f32 [tilespmem:s26], [sflag:$0x3], $0x80, s11, s25, $0xb8;
	[tilespmem:$0x1DC00] =	vst v63  }
0x149: {  	_ =	swait.ge [sflag:s23], $0x4000  }
0x14a: {  	s7 =	simm.s32 $0x100;
	s8 =	simm.s32 $0x800;
	[sflag:s23] =	ssyncset.done $0x0  }
.LBB2_9:
0x14b: {  	s9 =	sadd.s32 $0x80, s7  }
0x14c: {  	[sflag:s23] =	ssyncadd.s32 $0xFFFFC000;
	s10 =	smov.u32 s8;
	s11 =	sadd.s32 $0x400, s8  }
0x14d: {  	[tilespmem:s26], [sflag:$0x2] =	stream.indirect.gather [hbm4b:s4+s25], $0x80, s9, s25, $0xb8;
	[tilespmem:$0x1DC00] =	vst v63  }
0x14e: {  	p1 =	sne.s32 s8, $0x3800;
	_ =	swait.ge [sflag:s28], $0x4000  }
0x14f: {  	[sflag:s28] =	ssyncset.done $0x0  }
0x150: {  	s8 =	sadd.s32 $0x1000, s7;
	[sflag:s28] =	ssyncadd.s32 $0xFFFFC000  }
0x151: {  	[spmem:s2] =	stream.indirect.scatter.add.f32 [tilespmem:s22], [sflag:$0x3], $0x80, s8, s25, $0xb8;
	[tilespmem:$0x1DC00] =	vst v63  }
0x152: {  	_ =	swait.ge [sflag:s23], $0x4000  }
0x153: {  	[sflag:s23] =	ssyncset.done $0x0  }
0x154: {  	s8 =	sadd.s32 $0x100, s7;
	[sflag:s23] =	ssyncadd.s32 $0xFFFFC000  }
0x155: {  	[tilespmem:s22], [sflag:$0x1] =	stream.indirect.gather [hbm4b:s4+s25], $0x80, s8, s25, $0xb8;
	[tilespmem:$0x1DC00] =	vst v63  }
0x156: {  	_ =	swait.ge [sflag:s29], $0x4000  }
.Ltmp8:
0x157: {  	[sflag:s29] =	ssyncset.done $0x0;
	(pc) =	sbr.rel @p1 .LBB2_9-.Ltmp8, $4  }
0x158: {  	s7 =	sadd.s32 $0x1080, s7;
	[sflag:s29] =	ssyncadd.s32 $0xFFFFC000  }
0x159: {  	[spmem:s2] =	stream.indirect.scatter.add.f32 [tilespmem:s26], [sflag:$0x3], $0x80, s7, s25, $0xb8;
	[tilespmem:$0x1DC00] =	vst v63  }
0x15a: {  	_ =	swait.ge [sflag:s23], $0x4000  }
0x15b: {  	s8 =	smov.u32 s11;
	s7 =	sshra.s32 s10, $0x2;
	[sflag:s23] =	ssyncset.done $0x0  }
0x15c: {  	s8 =	sadd.s32 $0x80, s7;
	[sflag:s23] =	ssyncadd.s32 $0xFFFFC000  }
0x15d: {  	[tilespmem:s26], [sflag:$0x2] =	stream.indirect.gather [hbm4b:s4+s25], $0x80, s8, s25, $0xb8;
	[tilespmem:$0x1DC00] =	vst v63  }
0x15e: {  	_ =	swait.ge [sflag:s28], $0x4000  }
0x15f: {  	[sflag:s28] =	ssyncset.done $0x0  }
0x160: {  	s11 =	sadd.s32 $0x1000, s7;
	[sflag:s28] =	ssyncadd.s32 $0xFFFFC000  }
0x161: {  	[spmem:s2] =	stream.indirect.scatter.add.f32 [tilespmem:s22], [sflag:$0x3], $0x80, s11, s25, $0xb8;
	[tilespmem:$0x1DC00] =	vst v63  }
0x162: {  	_ =	swait.ge [sflag:s23], $0x4000  }
0x163: {  	[sflag:s23] =	ssyncset.done $0x0  }
0x164: {  	s9 =	sadd.s32 $0x100, s7;
	[sflag:s23] =	ssyncadd.s32 $0xFFFFC000  }
0x165: {  	[tilespmem:s22], [sflag:$0x1] =	stream.indirect.gather [hbm4b:s4+s25], $0x80, s9, s25, $0xb8;
	[tilespmem:$0x1DC00] =	vst v63  }
0x166: {  	_ =	swait.ge [sflag:s29], $0x4000  }
0x167: {  	[sflag:s29] =	ssyncset.done $0x0  }
0x168: {  	s10 =	sadd.s32 $0x1080, s7;
	[sflag:s29] =	ssyncadd.s32 $0xFFFFC000  }
0x169: {  	[spmem:s2] =	stream.indirect.scatter.add.f32 [tilespmem:s26], [sflag:$0x3], $0x80, s10, s25, $0xb8;
	[tilespmem:$0x1DC00] =	vst v63  }
0x16a: {  	_ =	swait.ge [sflag:s23], $0x4000  }
0x16b: {  	[sflag:s23] =	ssyncset.done $0x0  }
0x16c: {  	[sflag:s23] =	ssyncadd.s32 $0xFFFFC000  }
0x16d: {  	[tilespmem:s26], [sflag:$0x2] =	stream.indirect.gather [hbm4b:s4+s25], $0x80, s30, s25, $0xb8;
	[tilespmem:$0x1DC00] =	vst v63  }
0x16e: {  	_ =	swait.ge [sflag:s28], $0x4000  }
0x16f: {  	[sflag:s28] =	ssyncset.done $0x0  }
0x170: {  	[sflag:s28] =	ssyncadd.s32 $0xFFFFC000  }
0x171: {  	[spmem:s2] =	stream.indirect.scatter.add.f32 [tilespmem:s22], [sflag:$0x3], $0x80, s31, s25, $0xb8;
	[tilespmem:$0x1DC00] =	vst v63  }
0x172: {  	_ =	swait.ge [sflag:s23], $0x4000  }
0x173: {  	[sflag:s23] =	ssyncset.done $0x0  }
0x174: {  	[sflag:s23] =	ssyncadd.s32 $0xFFFFC000  }
0x175: {  	_ =	swait.ge [sflag:s29], $0x4000  }
0x176: {  	[sflag:s29] =	ssyncset.done $0x0  }
0x177: {  	[sflag:s29] =	ssyncadd.s32 $0xFFFFC000  }
0x178: {  	[spmem:s2] =	stream.indirect.scatter.add.f32 [tilespmem:s26], [sflag:$0x3], $0x80, s0, s25, $0xb8;
	[tilespmem:$0x1DC00] =	vst v63  }
0x179: {  	_ =	swait.ge [sflag:s23], $0x4000  }
0x17a: {  	[sflag:s23] =	ssyncset.done $0x0  }
0x17b: {  	s11 =	simm.s32 $0x0;
	[sflag:s23] =	ssyncadd.s32 $0xFFFFC000  }
0x17c: {  	[tilespmem:s11], [sflag:$0x3] =	stream.linear.gather [hbm4b:s13+s11], $0x1000, $0x38;
	[tilespmem:$0x1DC00] =	vst v63  }
0x17d: {  	_ =	swait.ge [sflag:s23], $0x1000  }
0x17e: {  	[sflag:s23] =	ssyncset.done $0x0  }
0x17f: {  	[sflag:s23] =	ssyncadd.s32 $0xFFFFF000  }
0x180: {  	[tilespmem:s24], [sflag:$0x3] =	stream.linear.gather [hbm4b:s14+s11], $0x1000, $0x38;
	[tilespmem:$0x1DC00] =	vst v63  }
0x181: {  	_ =	swait.ge [sflag:s23], $0x1000  }
0x182: {  	[sflag:s23] =	ssyncset.done $0x0  }
0x183: {  	[sflag:s23] =	ssyncadd.s32 $0xFFFFF000  }
0x184: {  	[tilespmem:s22], [sflag:$0x1] =	stream.indirect.gather [hbm4b:s4+s25], $0x80, s11, s25, $0xb8;
	[tilespmem:$0x1DC00] =	vst v63  }
0x185: {  	s8 =	simm.s32 $0x80  }
0x186: {  	[tilespmem:s26], [sflag:$0x2] =	stream.indirect.gather [hbm4b:s4+s25], $0x80, s8, s25, $0xb8;
	[tilespmem:$0x1DC00] =	vst v63  }
0x187: {  	_ =	swait.ge [sflag:s28], $0x4000  }
0x188: {  	[sflag:s28] =	ssyncset.done $0x0  }
0x189: {  	s9 =	simm.s32 $0x1000;
	[sflag:s28] =	ssyncadd.s32 $0xFFFFC000  }
0x18a: {  	[spmem:s2] =	stream.indirect.scatter.add.f32 [tilespmem:s22], [sflag:$0x3], $0x80, s9, s25, $0xb8;
	[tilespmem:$0x1DC00] =	vst v63  }
0x18b: {  	_ =	swait.ge [sflag:s23], $0x4000  }
0x18c: {  	[sflag:s23] =	ssyncset.done $0x0  }
0x18d: {  	s10 =	simm.s32 $0x100;
	[sflag:s23] =	ssyncadd.s32 $0xFFFFC000  }
0x18e: {  	[tilespmem:s22], [sflag:$0x1] =	stream.indirect.gather [hbm4b:s4+s25], $0x80, s10, s25, $0xb8;
	[tilespmem:$0x1DC00] =	vst v63  }
0x18f: {  	_ =	swait.ge [sflag:s29], $0x4000  }
0x190: {  	[sflag:s29] =	ssyncset.done $0x0  }
0x191: {  	s11 =	simm.s32 $0x1080;
	[sflag:s29] =	ssyncadd.s32 $0xFFFFC000  }
0x192: {  	[spmem:s2] =	stream.indirect.scatter.add.f32 [tilespmem:s26], [sflag:$0x3], $0x80, s11, s25, $0xb8;
	[tilespmem:$0x1DC00] =	vst v63  }
0x193: {  	_ =	swait.ge [sflag:s23], $0x4000  }
0x194: {  	s7 =	simm.s32 $0x100;
	s8 =	simm.s32 $0x800;
	[sflag:s23] =	ssyncset.done $0x0  }
.LBB2_11:
0x195: {  	s9 =	sadd.s32 $0x80, s7  }
0x196: {  	[sflag:s23] =	ssyncadd.s32 $0xFFFFC000;
	s10 =	smov.u32 s8;
	s11 =	sadd.s32 $0x400, s8  }
0x197: {  	[tilespmem:s26], [sflag:$0x2] =	stream.indirect.gather [hbm4b:s4+s25], $0x80, s9, s25, $0xb8;
	[tilespmem:$0x1DC00] =	vst v63  }
0x198: {  	p1 =	seq.s32 s8, $0x3800;
	_ =	swait.ge [sflag:s28], $0x4000  }
0x199: {  	[sflag:s28] =	ssyncset.done $0x0  }
0x19a: {  	s8 =	sadd.s32 $0x1000, s7;
	[sflag:s28] =	ssyncadd.s32 $0xFFFFC000  }
0x19b: {  	[spmem:s2] =	stream.indirect.scatter.add.f32 [tilespmem:s22], [sflag:$0x3], $0x80, s8, s25, $0xb8;
	[tilespmem:$0x1DC00] =	vst v63  }
0x19c: {  	_ =	swait.ge [sflag:s23], $0x4000  }
0x19d: {  	[sflag:s23] =	ssyncset.done $0x0  }
0x19e: {  	s8 =	sadd.s32 $0x100, s7;
	[sflag:s23] =	ssyncadd.s32 $0xFFFFC000  }
0x19f: {  	[tilespmem:s22], [sflag:$0x1] =	stream.indirect.gather [hbm4b:s4+s25], $0x80, s8, s25, $0xb8;
	[tilespmem:$0x1DC00] =	vst v63  }
0x1a0: {  	_ =	swait.ge [sflag:s29], $0x4000  }
.Ltmp9:
0x1a1: {  	[sflag:s29] =	ssyncset.done $0x0;
	(pc) =	sbr.rel @!p1 .LBB2_11-.Ltmp9, $4  }
0x1a2: {  	s7 =	sadd.s32 $0x1080, s7;
	[sflag:s29] =	ssyncadd.s32 $0xFFFFC000  }
0x1a3: {  	[spmem:s2] =	stream.indirect.scatter.add.f32 [tilespmem:s26], [sflag:$0x3], $0x80, s7, s25, $0xb8;
	[tilespmem:$0x1DC00] =	vst v63  }
0x1a4: {  	_ =	swait.ge [sflag:s23], $0x4000  }
0x1a5: {  	s8 =	smov.u32 s11;
	s7 =	sshra.s32 s10, $0x2;
	[sflag:s23] =	ssyncset.done $0x0  }
.Ltmp10:
0x1a6: {  	_ = 	snop;
	(pc) =	sbr.rel .LBB2_12-.Ltmp10, $1  }
0x1a7: {  	_ =	sdelay $0x3  }
.LBB2_17:
0x1a8: {  	_ =	sfence.sel $0x180000  }
0x1a9: {  	[bflag:$0x0] =	sbarrier.arrive $0xFFFF  }
0x1aa: {  	_ =	strace $0x9000004A  }
0x1ab: {  	[bflag:$0x2] =	sbarrier.arrive $0xFFFF  }
0x1ac: {  	p0 =	sne.s32 s1, $0x0;
	s0 =	rddreg [dreg:$0x2]  }
0x1ad: {  	s0 =	sadd.s32 @!p0 $0x100000, s0  }
0x1ae: {  	[sflag:s0] =	ssyncadd.tile.s32 @!p0 $0x1;
	_ =	shalt  }
.Lfunc_end2:
_tile_overlayer_lowered:
.L_overlay_start_2:
0x1af: {  	(tag) =	ssettag $0x2  }
0x1b0: {  	s0 =	rddreg [dreg:$0x0];
	s2 =	stileid.u32  }
0x1b1: {  	s1 =	rddreg [dreg:$0x1];
	p0 =	sne.s32 s2, $0x0  }
0x1b2: {  	s3 =	rddreg [dreg:$0x2];
	[bflag:$0x3] =	sbarrier.arrive $0xFFFF;
	s2 =	simm.s32 @!p0 $0x1C03  }
0x1b3: {  	[timem:s3], [sflag:s2] =	dma.local @!p0 [hbm:s0], s1  }
0x1b4: {  	s0 =	simm.s32 @!p0 $0x3  }
0x1b5: {  	_ =	swait.ge @!p0 [sflag:s0], s1  }
0x1b6: {  	s1 =	ssub.s32 @!p0 $0x0, s1;
	[sflag:s0] =	ssyncset.done @!p0 $0x0  }
0x1b7: {  	[sflag:s0] =	ssyncadd.s32 @!p0 s1  }
0x1b8: {  	[bflag:$0x3] =	sbarrier.arrive $0xFFFF  }
0x1b9: {  	_ =	shalt  }

// kernel: kernel.14.cloned.1.call-start
scs
__scs_entry_jumppad:
0x0: {  	(pc) =	sbr.rel $0x88, $3  }
0x1: {  	(tag) =	ssettag $0x0;
	lr =	simm.s32 $0x1  }
0x2: {  	[smem:$0x3F87] =	sst lr;
	_ =	strace $0xD0000000  }
0x3: {  	_ = 	snop  }
0x4: {  	_ = 	snop  }
0x5: {  	_ = 	snop  }
0x6: {  	_ = 	snop  }
0x7: {  	_ = 	snop  }
__scs_overlays_trampoline_lowered:
0x8: {  	[smem:$0x3F96] =	sst s0  }
0x9: {  	[smem:$0x3F97] =	sst s1  }
0xa: {  	[smem:$0x3F98] =	sst s2  }
0xb: {  	[smem:$0x3F99] =	sst s3  }
0xc: {  	[smem:$0x3F9A] =	sst s4  }
0xd: {  	[smem:$0x3F9B] =	sst s5  }
0xe: {  	[smem:$0x3F9C] =	sst s6  }
0xf: {  	[smem:$0x3F9D] =	sst s7  }
0x10: {  	[smem:$0x3F9E] =	sst s8  }
0x11: {  	[smem:$0x3F9F] =	sst s9;
	s0 =	simm.s32 @!p0 $0x0  }
0x12: {  	s1 =	sld [smem:$0x3F85];
	s0 =	simm.s32 @p0 $0x1  }
0x13: {  	[smem:$0x3FA0] =	sst s0;
	s0 =	simm.s32 @!p1 $0x0  }
0x14: {  	s2 =	sld [smem:$0x3F84];
	s0 =	simm.s32 @p1 $0x1  }
0x15: {  	[smem:$0x3FA1] =	sst s0;
	s0 =	simm.s32 @!p2 $0x0  }
0x16: {  	s3 =	sld [smem:$0x3FDB];
	s0 =	simm.s32 @p2 $0x1  }
0x17: {  	s4 =	simm.s32 $0x1BF5;
	[smem:$0x3FA3] =	sst s0  }
0x18: {  	s0 =	sld [smem:$0x3F86];
	_ =	swait.ge [sflag:s4], $0x0  }
0x19: {  	s7 =	sld [smem:$0x3F87]  }
0x1a: {  	s8 =	sadd.s32 $0xFFFFE003, lr  }
0x1b: {  	s9 =	sadd.s32 $0xFFFFFEF7, lr;
	s5 =	simm.s32 $0xFFFFFFFF;
	p2 =	slt.u32 s8, $0xFFFFF086  }
0x1c: {  	p1 =	slt.u32 s9, $0xF7A;
	s5 =	simm.s32 @!p2 $0x0  }
0x1d: {  	s5 =	simm.s32 @p1 $0x1;
	p0 =	seq.s32 s7, s2  }
0x1e: {  	s7 =	smul.u32 @!p0 $0xF7A, s2;
	p2 =	seq.s32 @!p0 s5, $0x0  }
0x1f: {  	s9 =	smul.u32 $0xF7A, s1;
	s8 =	simm.s32 @!p0 $0x1BF5;
	p2 =	por !p2, p0  }
0x20: {  	[sflag:s8] =	ssyncset.s32 @!p0 $0xFFFFF086;
	s6 =	sadd.s32 @!p0 s3, s7;
	s7 =	simm.s32 @!p0 $0x108  }
0x21: {  	s3 =	sadd.s32 s3, s9;
	s6 =	sadd.s32 @!p0 $0x88, s6;
	s7 =	simm.s32 @p2 $0x1082  }
0x22: {  	[simem:s7], [sflag:s8] =	dma.local @!p0 [hbm:s6], $0xF7A  }
0x23: {  	s9 =	sor.u32 $0xD0000000, s2;
	s6 =	simm.s32 $0x108;
	_ =	swait.ge @!p0 [sflag:s8], $0x0  }
0x24: {  	s3 =	sadd.s32 $0x88, s3;
	s6 =	simm.s32 @!p1 $0x1082;
	[sflag:s4] =	ssyncset.s32 $0xFFFFF086  }
0x25: {  	[simem:s6], [sflag:s4] =	dma.local [hbm:s3], $0xF7A  }
0x26: {  	[smem:$0x3F87] =	sst s1;
	(tag) =	ssettag s2;
	_ =	strace s9  }
0x27: {  	s1 =	sld [smem:$0x3F97]  }
0x28: {  	s2 =	sld [smem:$0x3F98]  }
0x29: {  	s4 =	sld [smem:$0x3F9A]  }
0x2a: {  	p0 =	seq.s32 s5, $0x0;
	s5 =	sld [smem:$0x3F9B]  }
0x2b: {  	s6 =	sld [smem:$0x3F9C]  }
0x2c: {  	s7 =	sld [smem:$0x3F9D]  }
0x2d: {  	s3 =	simm.s32 $0x108;
	s8 =	sld [smem:$0x3F9E]  }
0x2e: {  	s3 =	simm.s32 @!p0 $0x1082;
	s9 =	sld [smem:$0x3F9F]  }
0x2f: {  	lr =	sadd.s32 s0, s3;
	s0 =	sld [smem:$0x3F96]  }
0x30: {  	s3 =	sld [smem:$0x3F99]  }
0x31: {  	[smem:$0x3FA2] =	sst s10  }
0x32: {  	s10 =	sld [smem:$0x3FA0];
	_ =	sdelay $0x3  }
0x33: {  	p0 =	seq.s32 s10, $0x1;
	s10 =	sld [smem:$0x3FA2];
	_ =	sdelay $0x3  }
0x34: {  	[smem:$0x3FA2] =	sst s10  }
0x35: {  	s10 =	sld [smem:$0x3FA1];
	_ =	sdelay $0x3  }
0x36: {  	p1 =	seq.s32 s10, $0x1;
	s10 =	sld [smem:$0x3FA2];
	_ =	sdelay $0x3  }
0x37: {  	[smem:$0x3FA2] =	sst s10  }
0x38: {  	s10 =	sld [smem:$0x3FA3]  }
0x39: {  	_ = 	snop;
	(pc) =	sbr.ind lr, $3  }
0x3a: {  	_ = 	snop  }
0x3b: {  	_ = 	snop  }
0x3c: {  	p2 =	seq.s32 s10, $0x1;
	s10 =	sld [smem:$0x3FA2]  }
0x3d: {  	_ =	shalt  }
0x3e: {  	_ =	shalt  }
0x3f: {  	_ =	shalt  }
0x40: {  	_ =	shalt  }
0x41: {  	_ =	shalt  }
0x42: {  	_ =	shalt  }
0x43: {  	_ =	shalt  }
0x44: {  	_ =	shalt  }
0x45: {  	_ =	shalt  }
0x46: {  	_ =	shalt  }
0x47: {  	_ =	shalt  }
0x48: {  	_ =	shalt  }
0x49: {  	_ =	shalt  }
0x4a: {  	_ =	shalt  }
0x4b: {  	_ =	shalt  }
0x4c: {  	_ =	shalt  }
0x4d: {  	_ =	shalt  }
0x4e: {  	_ =	shalt  }
0x4f: {  	_ =	shalt  }
0x50: {  	_ =	shalt  }
0x51: {  	_ =	shalt  }
0x52: {  	_ =	shalt  }
0x53: {  	_ =	shalt  }
0x54: {  	_ =	shalt  }
0x55: {  	_ =	shalt  }
0x56: {  	_ =	shalt  }
0x57: {  	_ =	shalt  }
0x58: {  	_ =	shalt  }
0x59: {  	_ =	shalt  }
0x5a: {  	_ =	shalt  }
0x5b: {  	_ =	shalt  }
0x5c: {  	_ =	shalt  }
0x5d: {  	_ =	shalt  }
0x5e: {  	_ =	shalt  }
0x5f: {  	_ =	shalt  }
0x60: {  	_ =	shalt  }
0x61: {  	_ =	shalt  }
0x62: {  	_ =	shalt  }
0x63: {  	_ =	shalt  }
0x64: {  	_ =	shalt  }
0x65: {  	_ =	shalt  }
0x66: {  	_ =	shalt  }
0x67: {  	_ =	shalt  }
0x68: {  	_ =	shalt  }
0x69: {  	_ =	shalt  }
0x6a: {  	_ =	shalt  }
0x6b: {  	_ =	shalt  }
0x6c: {  	_ =	shalt  }
0x6d: {  	_ =	shalt  }
0x6e: {  	_ =	shalt  }
0x6f: {  	_ =	shalt  }
0x70: {  	_ =	shalt  }
0x71: {  	_ =	shalt  }
0x72: {  	_ =	shalt  }
0x73: {  	_ =	shalt  }
0x74: {  	_ =	shalt  }
0x75: {  	_ =	shalt  }
0x76: {  	_ =	shalt  }
0x77: {  	_ =	shalt  }
0x78: {  	_ =	shalt  }
0x79: {  	_ =	shalt  }
0x7a: {  	_ =	shalt  }
0x7b: {  	_ =	shalt  }
0x7c: {  	_ =	shalt  }
0x7d: {  	_ =	shalt  }
0x7e: {  	_ =	shalt  }
0x7f: {  	_ =	shalt  }
0x80: {  	_ =	shalt  }
0x81: {  	_ =	shalt  }
0x82: {  	_ =	shalt  }
0x83: {  	_ =	shalt  }
0x84: {  	_ =	shalt  }
0x85: {  	_ =	shalt  }
0x86: {  	_ =	shalt  }
0x87: {  	_ =	shalt  }
.Lfunc_end0:
.L_simem_size_0:
called_computation.2_lowered:
.L_overlay_start_0:
0x88: {  	s2 =	sld [smem:$0x3FD9]  }
0x89: {  	s3 =	sld [smem:$0x3FFE];
	_ =	sdelay $0x1  }
0x8a: {  	s1 =	srdreg.scid  }
0x8b: {  	s0 =	sand.u32 $0x1, s1  }
0x8c: {  	s16 =	sshll.u32 s0, $0xA;
	s2 =	sadd.s32 s3, s2  }
0x8d: {  	s2 =	sadd.s32 s2, s16  }
0x8e: {  	[smem:$0x3FAE] =	sst s2  }
0x8f: {  	_ = 	snop  }
0x90: {  	(tm) =	ssettm $0x1  }
0x91: {  	s17 =	sld [smem:$0x3FFB];
	_ =	sdelay $0x3  }
0x92: {  	_ =	strace s17  }
0x93: {  	s2 =	sld [smem:$0x3FFC];
	_ =	sdelay $0x3  }
0x94: {  	_ =	strace s2  }
0x95: {  	s2 =	sld [smem:$0x3FFD];
	_ =	sdelay $0x3  }
0x96: {  	_ =	strace s2  }
0x97: {  	_ =	strace $0x8FFFFFFF  }
0x98: {  	s18 =	sld [smem:$0x3FDB];
	_ =	sdelay $0x1  }
0x99: {  	s19 =	simm.s32 $_scs_section_size  }
0x9a: {  	s4 =	simm.s32 $_size__tile_overlayer_lowered;
	s5 =	simm.s32 $_tile_overlayer_lowered  }
0x9b: {  	s22 =	simm.s32 $0x1BFF;
	s21 =	sshll.u32 s5, $0x1;
	s2 =	sadd.s32 s19, s18  }
0x9c: {  	s6 =	simm.s32 $0x0;
	s20 =	sshll.u32 s4, $0x1;
	s4 =	sadd.s32 s21, s2  }
0x9d: {  	[timem:s6], [sflag:s22] =	dma.local [hbm:s4], s20  }
0x9e: {  	_ =	swait.ge [sflag:s22], s20  }
0x9f: {  	s3 =	ssub.s32 $0x0, s20;
	[sflag:s22] =	ssyncset.done $0x0  }
0xa0: {  	[sflag:s22] =	ssyncadd.s32 s3;
	_ =	sdelay $0x1  }
0xa1: {  	s23 =	simm.s32 $0x1B8B  }
0xa2: {  	_ =	swait.ge [sflag:s23], $0x1  }
0xa3: {  	[sflag:s23] =	ssyncset.done $0x0  }
0xa4: {  	s25 =	simm.s32 $0x1B8E;
	s24 =	sld [smem:$0x3FFE];
	[sflag:s23] =	ssyncadd.s32 $0xFFFFFFFF  }
0xa5: {  	s26 =	simm.s32 $execute0_lowered;
	[smem:$0x3FD2] =	sst s25  }
0xa6: {  	s4 =	sshll.u32 s26, $0x1;
	_ =	strace $0x8000004C;
	[dreg:$0x1] =	wrdreg $0xFFFFFFFF  }
0xa7: {  	s28 =	simm.s32 $_size_execute0_lowered;
	s2 =	sadd.s32 s2, s4;
	[dreg:$0x0] =	wrdreg $0x0  }
0xa8: {  	s4 =	sshll.u32 s28, $0x1;
	[dreg:$0x2] =	wrdreg s2  }
0xa9: {  	[dreg:$0x3] =	wrdreg s4  }
0xaa: {  	[dreg:$0x4] =	wrdreg $0xC0  }
0xab: {  	_ =	task [dreg:s6], $0x5FFFF  }
0xac: {  	[dreg:$0x1] =	wrdreg $0xFFFFFFFF  }
0xad: {  	[dreg:$0x0] =	wrdreg $0x60  }
0xae: {  	[dreg:$0x2] =	wrdreg s24  }
0xaf: {  	[dreg:$0x3] =	wrdreg $0xA0000  }
0xb0: {  	[dreg:$0x4] =	wrdreg $0x9  }
0xb1: {  	_ =	task.clear_ibuf [dreg:s6], $0x5FFFF;
	_ =	strace $0x9000004C  }
0xb2: {  	s29 =	simm.s32 $0x9;
	_ =	strace $0x8000004E  }
0xb3: {  	_ =	swait.ge [sflag:s29], $0x1  }
0xb4: {  	[sflag:s29] =	ssyncadd.s32 $0xFFFFFFFF  }
0xb5: {  	_ =	strace $0x9000004E  }
0xb6: {  	_ =	sfence  }
0xb7: {  	s30 =	sld [smem:$0x0];
	_ =	sdelay $0x2  }
0xb8: {  	s31 =	sshll.u32 s1, $0xD;
	s1 =	sshrl.u32 s1, $0x2  }
0xb9: {  	s3 =	sand.u32 $0x4000, s31;
	s1 =	sadd.s32 s1, s30  }
0xba: {  	s0 =	sor.u32 s3, s0;
	s1 =	sshll.u32 s1, $0x11  }
0xbb: {  	s0 =	sor.u32 s1, s0  }
0xbc: {  	s0 =	sadd.s32 $0x8F2B, s0  }
0xbd: {  	[sflag:s0] =	ssyncadd.remote.s32 $0x1  }
0xbe: {  	_ =	sfence.sel $0xFFFF  }
0xbf: {  	[dreg:$0x0] =	wrdreg $0xFFFFFFFF;
	(pc) =	sbr.abs _section_cstart, $3  }
0xc0: {  	[dreg:$0x1] =	wrdreg $0xFFFFFFFF  }
0xc1: {  	_ =	task.clear_ibuf [dreg:s6], $0x2FFFF;
	_ =	strace $0x9FFFFFFF  }
0xc2: {  	(tm) =	ssettm $0x7FFFFFFF  }
0xc3: {  	_ =	shalt  }
tec
execute0_lowered:
.L_overlay_start_1:
0x0: {  	(tag) =	ssettag $0x1  }
0x1: {  	s0 =	rddreg [dreg:$0x0]  }
0x2: {  	s2 =	rddreg [dreg:$0x1];
	s3 =	simm.s32 $0x0  }
0x3: {  	s1 =	stileid.u32;
	s4 =	srdreg.scid;
	s28 =	simm.s32 $0x1  }
0x4: {  	s29 =	simm.s32 $0x2;
	s30 =	simm.s32 $0xF80;
	s31 =	simm.s32 $0x1F00  }
0x5: {  	[smem:$0x7FF] =	sst s3;
	s7 =	sand.u32 $0x1, s4;
	s5 =	smul.u32 $0x2780, s1  }
0x6: {  	s4 =	sadd.s32 $0x19E00, s0;
	s8 =	sadd.s32 $0x9E00, s0;
	s14 =	sadd.s32 $0x11E00, s0  }
0x7: {  	s9 =	sshll.u32 s1, $0x9;
	s10 =	smul.u32 $0x4F000, s1;
	s11 =	sshll.u32 s1, $0xB  }
0x8: {  	_ =	strace $0x8000004D;
	s6 =	smul.u32 $0x27800, s7;
	s16 =	sadd.s32 s9, s0  }
0x9: {  	s18 =	ssub.s32 $0x2, s7;
	p0 =	seq.s32 s7, $0x1;
	s21 =	sor.u32 $0x200, s11  }
0xa: {  	s22 =	sadd.s32 s8, s11;
	s23 =	sadd.s32 s14, s11;
	s25 =	sor.u32 $0x400, s11  }
0xb: {  	s15 =	sor.u32 $0x600, s11;
	s19 =	sshrl.u32 s18, $0x1;
	[dreg:$0x3] =	wrdreg s22  }
0xc: {  	s20 =	sshrl.u32 s10, $0x2;
	[dreg:$0x4] =	wrdreg s23;
	s24 =	sadd.s32 s8, s21  }
0xd: {  	s7 =	sadd.s32 s14, s21;
	s26 =	sadd.s32 s8, s25;
	s12 =	sadd.s32 s14, s25  }
0xe: {  	s13 =	sadd.s32 s8, s15;
	s14 =	sadd.s32 s14, s15;
	s15 =	sadd.s32 $0x7E00, s16  }
0xf: {  	s16 =	sadd.s32 $0x5E00, s16;
	s22 =	simm.s32 $0x2000;
	s23 =	simm.s32 $0x3  }
0x10: {  	s25 =	simm.s32 $0x80;
	s5 =	sadd.s32 s5, s6;
	[dreg:$0x5] =	wrdreg s24  }
.Ltmp0:
0x11: {  	s18 =	ssub.s32 s18, s19;
	[dreg:$0x6] =	wrdreg s7;
	(pc) =	sbr.rel .LBB2_1-.Ltmp0, $4  }
0x12: {  	[dreg:$0x7] =	wrdreg s26;
	s24 =	simm.s32 $0x1000;
	s26 =	simm.s32 $0x6000  }
0x13: {  	s0 =	sadd.s32 s5, s0;
	s5 =	sadd.s32 s20, s2;
	s18 =	smax.u32 s18, $0x1  }
0x14: {  	s6 =	sadd.s32 $0x10000, s5;
	s17 =	sadd.s32 $0x41000, s0;
	s19 =	sadd.s32 $0x4000, s5  }
0x15: {  	v0 =	vimm.f32 $0.0e+00;
	s20 =	sadd.s32 $0x8000, s5;
	s21 =	sadd.s32 $0xC000, s5;
	s0 =	simm.s32 $0x1F80  }
.LBB2_12:
0x16: {  	s8 =	sadd.s32 $0x80, s7;
	[sflag:s23] =	ssyncadd.s32 $0xFFFFC000  }
0x17: {  	[tilespmem:s26], [sflag:$0x2] =	stream.indirect.gather [hbm4b:s4+s25], $0x80, s8, s25, $0xb8;
	[tilespmem:$0x1DC00] =	vst v63  }
0x18: {  	_ =	swait.ge [sflag:s28], $0x4000  }
0x19: {  	[sflag:s28] =	ssyncset.done $0x0  }
0x1a: {  	s9 =	sadd.s32 $0x1000, s7;
	[sflag:s28] =	ssyncadd.s32 $0xFFFFC000  }
0x1b: {  	[spmem:s2] =	stream.indirect.scatter.add.f32 [tilespmem:s22], [sflag:$0x3], $0x80, s9, s25, $0xb8;
	[tilespmem:$0x1DC00] =	vst v63  }
0x1c: {  	_ =	swait.ge [sflag:s23], $0x4000  }
0x1d: {  	[sflag:s23] =	ssyncset.done $0x0  }
0x1e: {  	s10 =	sadd.s32 $0x100, s7;
	[sflag:s23] =	ssyncadd.s32 $0xFFFFC000  }
0x1f: {  	[tilespmem:s22], [sflag:$0x1] =	stream.indirect.gather [hbm4b:s4+s25], $0x80, s10, s25, $0xb8;
	[tilespmem:$0x1DC00] =	vst v63  }
0x20: {  	_ =	swait.ge [sflag:s29], $0x4000  }
0x21: {  	[sflag:s29] =	ssyncset.done $0x0  }
0x22: {  	s11 =	sadd.s32 $0x1080, s7;
	[sflag:s29] =	ssyncadd.s32 $0xFFFFC000  }
0x23: {  	[spmem:s2] =	stream.indirect.scatter.add.f32 [tilespmem:s26], [sflag:$0x3], $0x80, s11, s25, $0xb8;
	[tilespmem:$0x1DC00] =	vst v63  }
0x24: {  	_ =	swait.ge [sflag:s23], $0x4000  }
0x25: {  	[sflag:s23] =	ssyncset.done $0x0  }
0x26: {  	[sflag:s23] =	ssyncadd.s32 $0xFFFFC000  }
.LBB2_16:
0x27: {  	[tilespmem:s26], [sflag:$0x2] =	stream.indirect.gather [hbm4b:s4+s25], $0x80, s30, s25, $0xb8;
	[tilespmem:$0x1DC00] =	vst v63  }
0x28: {  	_ =	swait.ge [sflag:s28], $0x4000  }
0x29: {  	[sflag:s28] =	ssyncset.done $0x0  }
0x2a: {  	[sflag:s28] =	ssyncadd.s32 $0xFFFFC000  }
0x2b: {  	[spmem:s2] =	stream.indirect.scatter.add.f32 [tilespmem:s22], [sflag:$0x3], $0x80, s31, s25, $0xb8;
	[tilespmem:$0x1DC00] =	vst v63  }
0x2c: {  	_ =	swait.ge [sflag:s23], $0x4000  }
0x2d: {  	[sflag:s23] =	ssyncset.done $0x0  }
0x2e: {  	[sflag:s23] =	ssyncadd.s32 $0xFFFFC000  }
0x2f: {  	_ =	swait.ge [sflag:s29], $0x4000  }
0x30: {  	[sflag:s29] =	ssyncset.done $0x0  }
0x31: {  	[sflag:s29] =	ssyncadd.s32 $0xFFFFC000  }
0x32: {  	[spmem:s2] =	stream.indirect.scatter.add.f32 [tilespmem:s26], [sflag:$0x3], $0x80, s0, s25, $0xb8;
	[tilespmem:$0x1DC00] =	vst v63  }
0x33: {  	_ =	swait.ge [sflag:s23], $0x4000  }
0x34: {  	s7 =	sshll.u32 s1, $0x6;
	s3 =	sadd.s32 $0x1, s3;
	[sflag:s23] =	ssyncset.done $0x0  }
0x35: {  	s8 =	sshrl.u32 s5, $0x3;
	p1 =	sne.s32 s3, s18;
	[sflag:s23] =	ssyncadd.s32 $0xFFFFC000  }
.Ltmp1:
0x36: {  	s7 =	sor.u32 $0x1C03, s7;
	[bflag:$0x0] =	sbarrier.arrive $0xFFFF;
	(pc) =	sbr.rel @!p1 .LBB2_17-.Ltmp1, $4  }
0x37: {  	[hbm:s17], [sflag:s7] =	dma.local [spmem:s8], $0x2780  }
0x38: {  	_ =	swait.ge [sflag:s23], $0x2780  }
0x39: {  	[sflag:s23] =	ssyncset.done $0x0  }
0x3a: {  	[sflag:s23] =	ssyncadd.s32 $0xFFFFD880  }
.LBB2_1:
0x3b: {  	s7 =	simm.s32 $0x0;
	s8 =	simm.s32 $0x200  }
.LBB2_2:
0x3c: {  	p1 =	sne.s32 s8, $0xFE00;
	[tilespmem:s7+$0x2070] =	vst v0  }
0x3d: {  	[tilespmem:s7+$0x2000] =	vst v0  }
0x3e: {  	[tilespmem:s7+$0x2010] =	vst v0  }
.Ltmp2:
0x3f: {  	[tilespmem:s7+$0x2020] =	vst v0;
	(pc) =	sbr.rel @p1 .LBB2_2-.Ltmp2, $4  }
0x40: {  	[tilespmem:s7+$0x2030] =	vst v0  }
0x41: {  	[tilespmem:s7+$0x2040] =	vst v0  }
0x42: {  	[tilespmem:s7+$0x2050] =	vst v0  }
0x43: {  	[tilespmem:s7+$0x2060] =	vst v0;
	s7 =	sshra.s32 s8, $0x2;
	s8 =	sadd.s32 $0x200, s8  }
0x44: {  	[tilespmem:s7+$0x2070] =	vst v0  }
0x45: {  	[tilespmem:s7+$0x2000] =	vst v0  }
0x46: {  	[tilespmem:s7+$0x2010] =	vst v0  }
0x47: {  	[tilespmem:s7+$0x2020] =	vst v0  }
0x48: {  	[tilespmem:s7+$0x2030] =	vst v0  }
0x49: {  	[tilespmem:s7+$0x2040] =	vst v0  }
0x4a: {  	[tilespmem:s7+$0x2050] =	vst v0  }
0x4b: {  	[tilespmem:s7+$0x2060] =	vst v0  }
0x4c: {  	[spmem:s5] =	stream.linear.scatter [tilespmem:s22], [sflag:$0x3], $0x4000, $0x38;
	[tilespmem:$0x1DC00] =	vst v63  }
0x4d: {  	_ =	swait.ge [sflag:s23], $0x4000  }
0x4e: {  	[sflag:s23] =	ssyncset.done $0x0  }
0x4f: {  	[sflag:s23] =	ssyncadd.s32 $0xFFFFC000  }
0x50: {  	[spmem:s19] =	stream.linear.scatter [tilespmem:s22], [sflag:$0x3], $0x4000, $0x38;
	[tilespmem:$0x1DC00] =	vst v63  }
0x51: {  	_ =	swait.ge [sflag:s23], $0x4000  }
0x52: {  	[sflag:s23] =	ssyncset.done $0x0  }
0x53: {  	[sflag:s23] =	ssyncadd.s32 $0xFFFFC000  }
0x54: {  	[spmem:s20] =	stream.linear.scatter [tilespmem:s22], [sflag:$0x3], $0x4000, $0x38;
	[tilespmem:$0x1DC00] =	vst v63  }
0x55: {  	_ =	swait.ge [sflag:s23], $0x4000  }
0x56: {  	[sflag:s23] =	ssyncset.done $0x0  }
0x57: {  	[sflag:s23] =	ssyncadd.s32 $0xFFFFC000  }
0x58: {  	[spmem:s21] =	stream.linear.scatter [tilespmem:s22], [sflag:$0x3], $0x4000, $0x38;
	[tilespmem:$0x1DC00] =	vst v63  }
0x59: {  	_ =	swait.ge [sflag:s23], $0x4000  }
0x5a: {  	[sflag:s23] =	ssyncset.done $0x0  }
0x5b: {  	[sflag:s23] =	ssyncadd.s32 $0xFFFFC000  }
0x5c: {  	[spmem:s6] =	stream.linear.scatter [tilespmem:s22], [sflag:$0x3], $0x3C00, $0x38;
	[tilespmem:$0x1DC00] =	vst v63  }
.Ltmp3:
0x5d: {  	_ =	swait.ge [sflag:s23], $0x3C00;
	(pc) =	sbr.rel @!p0 .LBB2_4-.Ltmp3, $4  }
0x5e: {  	[sflag:s23] =	ssyncset.done $0x0  }
0x5f: {  	[sflag:s23] =	ssyncadd.s32 $0xFFFFC400  }
0x60: {  	[bflag:$0x0] =	sbarrier.arrive $0xFFFF  }
0x61: {  	s7 =	simm.s32 $0x0  }
0x62: {  	[tilespmem:s7], [sflag:$0x3] =	stream.linear.gather [hbm4b:s15+s7], $0x1000, $0x38;
	[tilespmem:$0x1DC00] =	vst v63  }
0x63: {  	_ =	swait.ge [sflag:s23], $0x1000  }
0x64: {  	[sflag:s23] =	ssyncset.done $0x0  }
0x65: {  	[sflag:s23] =	ssyncadd.s32 $0xFFFFF000  }
0x66: {  	[tilespmem:s24], [sflag:$0x3] =	stream.linear.gather [hbm4b:s16+s7], $0x1000, $0x38;
	[tilespmem:$0x1DC00] =	vst v63  }
0x67: {  	_ =	swait.ge [sflag:s23], $0x1000  }
0x68: {  	[sflag:s23] =	ssyncset.done $0x0  }
0x69: {  	[sflag:s23] =	ssyncadd.s32 $0xFFFFF000  }
0x6a: {  	[tilespmem:s22], [sflag:$0x1] =	stream.indirect.gather [hbm4b:s4+s25], $0x80, s7, s25, $0xb8;
	[tilespmem:$0x1DC00] =	vst v63  }
0x6b: {  	s8 =	simm.s32 $0x80  }
0x6c: {  	[tilespmem:s26], [sflag:$0x2] =	stream.indirect.gather [hbm4b:s4+s25], $0x80, s8, s25, $0xb8;
	[tilespmem:$0x1DC00] =	vst v63  }
0x6d: {  	_ =	swait.ge [sflag:s28], $0x4000  }
0x6e: {  	[sflag:s28] =	ssyncset.done $0x0  }
0x6f: {  	s9 =	simm.s32 $0x1000;
	[sflag:s28] =	ssyncadd.s32 $0xFFFFC000  }
0x70: {  	[spmem:s2] =	stream.indirect.scatter.add.f32 [tilespmem:s22], [sflag:$0x3], $0x80, s9, s25, $0xb8;
	[tilespmem:$0x1DC00] =	vst v63  }
0x71: {  	_ =	swait.ge [sflag:s23], $0x4000  }
0x72: {  	[sflag:s23] =	ssyncset.done $0x0  }
0x73: {  	s10 =	simm.s32 $0x100;
	[sflag:s23] =	ssyncadd.s32 $0xFFFFC000  }
0x74: {  	[tilespmem:s22], [sflag:$0x1] =	stream.indirect.gather [hbm4b:s4+s25], $0x80, s10, s25, $0xb8;
	[tilespmem:$0x1DC00] =	vst v63  }
0x75: {  	_ =	swait.ge [sflag:s29], $0x4000  }
0x76: {  	[sflag:s29] =	ssyncset.done $0x0  }
0x77: {  	s11 =	simm.s32 $0x1080;
	[sflag:s29] =	ssyncadd.s32 $0xFFFFC000  }
0x78: {  	[spmem:s2] =	stream.indirect.scatter.add.f32 [tilespmem:s26], [sflag:$0x3], $0x80, s11, s25, $0xb8;
	[tilespmem:$0x1DC00] =	vst v63  }
0x79: {  	_ =	swait.ge [sflag:s23], $0x4000  }
0x7a: {  	s7 =	simm.s32 $0x100;
	s8 =	simm.s32 $0x800;
	[sflag:s23] =	ssyncset.done $0x0  }
.LBB2_14:
0x7b: {  	s9 =	sadd.s32 $0x80, s7  }
0x7c: {  	[sflag:s23] =	ssyncadd.s32 $0xFFFFC000;
	s10 =	smov.u32 s8;
	s11 =	sadd.s32 $0x400, s8  }
0x7d: {  	[tilespmem:s26], [sflag:$0x2] =	stream.indirect.gather [hbm4b:s4+s25], $0x80, s9, s25, $0xb8;
	[tilespmem:$0x1DC00] =	vst v63  }
0x7e: {  	p1 =	sne.s32 s8, $0x3800;
	_ =	swait.ge [sflag:s28], $0x4000  }
0x7f: {  	[sflag:s28] =	ssyncset.done $0x0  }
0x80: {  	s8 =	sadd.s32 $0x1000, s7;
	[sflag:s28] =	ssyncadd.s32 $0xFFFFC000  }
0x81: {  	[spmem:s2] =	stream.indirect.scatter.add.f32 [tilespmem:s22], [sflag:$0x3], $0x80, s8, s25, $0xb8;
	[tilespmem:$0x1DC00] =	vst v63  }
0x82: {  	_ =	swait.ge [sflag:s23], $0x4000  }
0x83: {  	[sflag:s23] =	ssyncset.done $0x0  }
0x84: {  	s8 =	sadd.s32 $0x100, s7;
	[sflag:s23] =	ssyncadd.s32 $0xFFFFC000  }
0x85: {  	[tilespmem:s22], [sflag:$0x1] =	stream.indirect.gather [hbm4b:s4+s25], $0x80, s8, s25, $0xb8;
	[tilespmem:$0x1DC00] =	vst v63  }
0x86: {  	_ =	swait.ge [sflag:s29], $0x4000  }
.Ltmp4:
0x87: {  	[sflag:s29] =	ssyncset.done $0x0;
	(pc) =	sbr.rel @p1 .LBB2_14-.Ltmp4, $4  }
0x88: {  	s7 =	sadd.s32 $0x1080, s7;
	[sflag:s29] =	ssyncadd.s32 $0xFFFFC000  }
0x89: {  	[spmem:s2] =	stream.indirect.scatter.add.f32 [tilespmem:s26], [sflag:$0x3], $0x80, s7, s25, $0xb8;
	[tilespmem:$0x1DC00] =	vst v63  }
0x8a: {  	_ =	swait.ge [sflag:s23], $0x4000  }
0x8b: {  	s8 =	smov.u32 s11;
	s7 =	sshra.s32 s10, $0x2;
	[sflag:s23] =	ssyncset.done $0x0  }
0x8c: {  	s8 =	sadd.s32 $0x80, s7;
	[sflag:s23] =	ssyncadd.s32 $0xFFFFC000  }
0x8d: {  	[tilespmem:s26], [sflag:$0x2] =	stream.indirect.gather [hbm4b:s4+s25], $0x80, s8, s25, $0xb8;
	[tilespmem:$0x1DC00] =	vst v63  }
0x8e: {  	_ =	swait.ge [sflag:s28], $0x4000  }
0x8f: {  	[sflag:s28] =	ssyncset.done $0x0  }
0x90: {  	s9 =	sadd.s32 $0x1000, s7;
	[sflag:s28] =	ssyncadd.s32 $0xFFFFC000  }
0x91: {  	[spmem:s2] =	stream.indirect.scatter.add.f32 [tilespmem:s22], [sflag:$0x3], $0x80, s9, s25, $0xb8;
	[tilespmem:$0x1DC00] =	vst v63  }
0x92: {  	_ =	swait.ge [sflag:s23], $0x4000  }
0x93: {  	[sflag:s23] =	ssyncset.done $0x0  }
0x94: {  	s10 =	sadd.s32 $0x100, s7;
	[sflag:s23] =	ssyncadd.s32 $0xFFFFC000  }
0x95: {  	[tilespmem:s22], [sflag:$0x1] =	stream.indirect.gather [hbm4b:s4+s25], $0x80, s10, s25, $0xb8;
	[tilespmem:$0x1DC00] =	vst v63  }
0x96: {  	_ =	swait.ge [sflag:s29], $0x4000  }
0x97: {  	[sflag:s29] =	ssyncset.done $0x0  }
.Ltmp5:
0x98: {  	s11 =	sadd.s32 $0x1080, s7;
	[sflag:s29] =	ssyncadd.s32 $0xFFFFC000;
	(pc) =	sbr.rel .LBB2_16-.Ltmp5, $4  }
0x99: {  	[spmem:s2] =	stream.indirect.scatter.add.f32 [tilespmem:s26], [sflag:$0x3], $0x80, s11, s25, $0xb8;
	[tilespmem:$0x1DC00] =	vst v63  }
0x9a: {  	_ =	swait.ge [sflag:s23], $0x4000  }
0x9b: {  	[sflag:s23] =	ssyncset.done $0x0  }
0x9c: {  	[sflag:s23] =	ssyncadd.s32 $0xFFFFC000  }
.LBB2_4:
0x9d: {  	s8 =	rddreg [dreg:$0x3]  }
0x9e: {  	[tilespmem:s7], [sflag:$0x3] =	stream.linear.gather [hbm4b:s8+s7], $0x1000, $0x38;
	[tilespmem:$0x1DC00] =	vst v63  }
0x9f: {  	_ =	swait.ge [sflag:s23], $0x1000  }
0xa0: {  	[sflag:s23] =	ssyncset.done $0x0  }
0xa1: {  	s11 =	rddreg [dreg:$0x4];
	[sflag:s23] =	ssyncadd.s32 $0xFFFFF000  }
0xa2: {  	[tilespmem:s24], [sflag:$0x3] =	stream.linear.gather [hbm4b:s11+s7], $0x1000, $0x38;
	[tilespmem:$0x1DC00] =	vst v63  }
0xa3: {  	_ =	swait.ge [sflag:s23], $0x1000  }
0xa4: {  	[sflag:s23] =	ssyncset.done $0x0  }
0xa5: {  	[sflag:s23] =	ssyncadd.s32 $0xFFFFF000  }
0xa6: {  	[tilespmem:s22], [sflag:$0x1] =	stream.indirect.gather [hbm4b:s4+s25], $0x80, s7, s25, $0xb8;
	[tilespmem:$0x1DC00] =	vst v63  }
0xa7: {  	s8 =	simm.s32 $0x80  }
0xa8: {  	[tilespmem:s26], [sflag:$0x2] =	stream.indirect.gather [hbm4b:s4+s25], $0x80, s8, s25, $0xb8;
	[tilespmem:$0x1DC00] =	vst v63  }
0xa9: {  	_ =	swait.ge [sflag:s28], $0x4000  }
0xaa: {  	[sflag:s28] =	ssyncset.done $0x0  }
0xab: {  	s9 =	simm.s32 $0x1000;
	[sflag:s28] =	ssyncadd.s32 $0xFFFFC000  }
0xac: {  	[spmem:s2] =	stream.indirect.scatter.add.f32 [tilespmem:s22], [sflag:$0x3], $0x80, s9, s25, $0xb8;
	[tilespmem:$0x1DC00] =	vst v63  }
0xad: {  	_ =	swait.ge [sflag:s23], $0x4000  }
0xae: {  	[sflag:s23] =	ssyncset.done $0x0  }
0xaf: {  	s10 =	simm.s32 $0x100;
	[sflag:s23] =	ssyncadd.s32 $0xFFFFC000  }
0xb0: {  	[tilespmem:s22], [sflag:$0x1] =	stream.indirect.gather [hbm4b:s4+s25], $0x80, s10, s25, $0xb8;
	[tilespmem:$0x1DC00] =	vst v63  }
0xb1: {  	_ =	swait.ge [sflag:s29], $0x4000  }
0xb2: {  	[sflag:s29] =	ssyncset.done $0x0  }
0xb3: {  	s11 =	simm.s32 $0x1080;
	[sflag:s29] =	ssyncadd.s32 $0xFFFFC000  }
0xb4: {  	[spmem:s2] =	stream.indirect.scatter.add.f32 [tilespmem:s26], [sflag:$0x3], $0x80, s11, s25, $0xb8;
	[tilespmem:$0x1DC00] =	vst v63  }
0xb5: {  	_ =	swait.ge [sflag:s23], $0x4000  }
0xb6: {  	s7 =	simm.s32 $0x100;
	s8 =	simm.s32 $0x800;
	[sflag:s23] =	ssyncset.done $0x0  }
.LBB2_5:
0xb7: {  	s9 =	sadd.s32 $0x80, s7  }
0xb8: {  	[sflag:s23] =	ssyncadd.s32 $0xFFFFC000;
	s10 =	smov.u32 s8;
	s11 =	sadd.s32 $0x400, s8  }
0xb9: {  	[tilespmem:s26], [sflag:$0x2] =	stream.indirect.gather [hbm4b:s4+s25], $0x80, s9, s25, $0xb8;
	[tilespmem:$0x1DC00] =	vst v63  }
0xba: {  	p1 =	sne.s32 s8, $0x3800;
	_ =	swait.ge [sflag:s28], $0x4000  }
0xbb: {  	[sflag:s28] =	ssyncset.done $0x0  }
0xbc: {  	s8 =	sadd.s32 $0x1000, s7;
	[sflag:s28] =	ssyncadd.s32 $0xFFFFC000  }
0xbd: {  	[spmem:s2] =	stream.indirect.scatter.add.f32 [tilespmem:s22], [sflag:$0x3], $0x80, s8, s25, $0xb8;
	[tilespmem:$0x1DC00] =	vst v63  }
0xbe: {  	_ =	swait.ge [sflag:s23], $0x4000  }
0xbf: {  	[sflag:s23] =	ssyncset.done $0x0  }
0xc0: {  	s8 =	sadd.s32 $0x100, s7;
	[sflag:s23] =	ssyncadd.s32 $0xFFFFC000  }
0xc1: {  	[tilespmem:s22], [sflag:$0x1] =	stream.indirect.gather [hbm4b:s4+s25], $0x80, s8, s25, $0xb8;
	[tilespmem:$0x1DC00] =	vst v63  }
0xc2: {  	_ =	swait.ge [sflag:s29], $0x4000  }
.Ltmp6:
0xc3: {  	[sflag:s29] =	ssyncset.done $0x0;
	(pc) =	sbr.rel @p1 .LBB2_5-.Ltmp6, $4  }
0xc4: {  	s7 =	sadd.s32 $0x1080, s7;
	[sflag:s29] =	ssyncadd.s32 $0xFFFFC000  }
0xc5: {  	[spmem:s2] =	stream.indirect.scatter.add.f32 [tilespmem:s26], [sflag:$0x3], $0x80, s7, s25, $0xb8;
	[tilespmem:$0x1DC00] =	vst v63  }
0xc6: {  	_ =	swait.ge [sflag:s23], $0x4000  }
0xc7: {  	s8 =	smov.u32 s11;
	s7 =	sshra.s32 s10, $0x2;
	[sflag:s23] =	ssyncset.done $0x0  }
0xc8: {  	s8 =	sadd.s32 $0x80, s7;
	[sflag:s23] =	ssyncadd.s32 $0xFFFFC000  }
0xc9: {  	[tilespmem:s26], [sflag:$0x2] =	stream.indirect.gather [hbm4b:s4+s25], $0x80, s8, s25, $0xb8;
	[tilespmem:$0x1DC00] =	vst v63  }
0xca: {  	_ =	swait.ge [sflag:s28], $0x4000  }
0xcb: {  	[sflag:s28] =	ssyncset.done $0x0  }
0xcc: {  	s10 =	sadd.s32 $0x1000, s7;
	[sflag:s28] =	ssyncadd.s32 $0xFFFFC000  }
0xcd: {  	[spmem:s2] =	stream.indirect.scatter.add.f32 [tilespmem:s22], [sflag:$0x3], $0x80, s10, s25, $0xb8;
	[tilespmem:$0x1DC00] =	vst v63  }
0xce: {  	_ =	swait.ge [sflag:s23], $0x4000  }
0xcf: {  	[sflag:s23] =	ssyncset.done $0x0  }
0xd0: {  	s11 =	sadd.s32 $0x100, s7;
	[sflag:s23] =	ssyncadd.s32 $0xFFFFC000  }
0xd1: {  	[tilespmem:s22], [sflag:$0x1] =	stream.indirect.gather [hbm4b:s4+s25], $0x80, s11, s25, $0xb8;
	[tilespmem:$0x1DC00] =	vst v63  }
0xd2: {  	_ =	swait.ge [sflag:s29], $0x4000  }
0xd3: {  	[sflag:s29] =	ssyncset.done $0x0  }
0xd4: {  	s8 =	sadd.s32 $0x1080, s7;
	[sflag:s29] =	ssyncadd.s32 $0xFFFFC000  }
0xd5: {  	[spmem:s2] =	stream.indirect.scatter.add.f32 [tilespmem:s26], [sflag:$0x3], $0x80, s8, s25, $0xb8;
	[tilespmem:$0x1DC00] =	vst v63  }
0xd6: {  	_ =	swait.ge [sflag:s23], $0x4000  }
0xd7: {  	[sflag:s23] =	ssyncset.done $0x0  }
0xd8: {  	[sflag:s23] =	ssyncadd.s32 $0xFFFFC000  }
0xd9: {  	[tilespmem:s26], [sflag:$0x2] =	stream.indirect.gather [hbm4b:s4+s25], $0x80, s30, s25, $0xb8;
	[tilespmem:$0x1DC00] =	vst v63  }
0xda: {  	_ =	swait.ge [sflag:s28], $0x4000  }
0xdb: {  	[sflag:s28] =	ssyncset.done $0x0  }
0xdc: {  	[sflag:s28] =	ssyncadd.s32 $0xFFFFC000  }
0xdd: {  	[spmem:s2] =	stream.indirect.scatter.add.f32 [tilespmem:s22], [sflag:$0x3], $0x80, s31, s25, $0xb8;
	[tilespmem:$0x1DC00] =	vst v63  }
0xde: {  	_ =	swait.ge [sflag:s23], $0x4000  }
0xdf: {  	[sflag:s23] =	ssyncset.done $0x0  }
0xe0: {  	[sflag:s23] =	ssyncadd.s32 $0xFFFFC000  }
0xe1: {  	_ =	swait.ge [sflag:s29], $0x4000  }
0xe2: {  	[sflag:s29] =	ssyncset.done $0x0  }
0xe3: {  	[sflag:s29] =	ssyncadd.s32 $0xFFFFC000  }
0xe4: {  	[spmem:s2] =	stream.indirect.scatter.add.f32 [tilespmem:s26], [sflag:$0x3], $0x80, s0, s25, $0xb8;
	[tilespmem:$0x1DC00] =	vst v63  }
0xe5: {  	_ =	swait.ge [sflag:s23], $0x4000  }
0xe6: {  	[sflag:s23] =	ssyncset.done $0x0  }
0xe7: {  	s9 =	simm.s32 $0x0;
	s10 =	rddreg [dreg:$0x5];
	[sflag:s23] =	ssyncadd.s32 $0xFFFFC000  }
0xe8: {  	[tilespmem:s9], [sflag:$0x3] =	stream.linear.gather [hbm4b:s10+s9], $0x1000, $0x38;
	[tilespmem:$0x1DC00] =	vst v63  }
0xe9: {  	_ =	swait.ge [sflag:s23], $0x1000  }
0xea: {  	[sflag:s23] =	ssyncset.done $0x0  }
0xeb: {  	s11 =	rddreg [dreg:$0x6];
	[sflag:s23] =	ssyncadd.s32 $0xFFFFF000  }
0xec: {  	[tilespmem:s24], [sflag:$0x3] =	stream.linear.gather [hbm4b:s11+s9], $0x1000, $0x38;
	[tilespmem:$0x1DC00] =	vst v63  }
0xed: {  	_ =	swait.ge [sflag:s23], $0x1000  }
0xee: {  	[sflag:s23] =	ssyncset.done $0x0  }
0xef: {  	[sflag:s23] =	ssyncadd.s32 $0xFFFFF000  }
0xf0: {  	[tilespmem:s22], [sflag:$0x1] =	stream.indirect.gather [hbm4b:s4+s25], $0x80, s9, s25, $0xb8;
	[tilespmem:$0x1DC00] =	vst v63  }
0xf1: {  	s8 =	simm.s32 $0x80  }
0xf2: {  	[tilespmem:s26], [sflag:$0x2] =	stream.indirect.gather [hbm4b:s4+s25], $0x80, s8, s25, $0xb8;
	[tilespmem:$0x1DC00] =	vst v63  }
0xf3: {  	_ =	swait.ge [sflag:s28], $0x4000  }
0xf4: {  	[sflag:s28] =	ssyncset.done $0x0  }
0xf5: {  	s9 =	simm.s32 $0x1000;
	[sflag:s28] =	ssyncadd.s32 $0xFFFFC000  }
0xf6: {  	[spmem:s2] =	stream.indirect.scatter.add.f32 [tilespmem:s22], [sflag:$0x3], $0x80, s9, s25, $0xb8;
	[tilespmem:$0x1DC00] =	vst v63  }
0xf7: {  	_ =	swait.ge [sflag:s23], $0x4000  }
0xf8: {  	[sflag:s23] =	ssyncset.done $0x0  }
0xf9: {  	s10 =	simm.s32 $0x100;
	[sflag:s23] =	ssyncadd.s32 $0xFFFFC000  }
0xfa: {  	[tilespmem:s22], [sflag:$0x1] =	stream.indirect.gather [hbm4b:s4+s25], $0x80, s10, s25, $0xb8;
	[tilespmem:$0x1DC00] =	vst v63  }
0xfb: {  	_ =	swait.ge [sflag:s29], $0x4000  }
0xfc: {  	[sflag:s29] =	ssyncset.done $0x0  }
0xfd: {  	s11 =	simm.s32 $0x1080;
	[sflag:s29] =	ssyncadd.s32 $0xFFFFC000  }
0xfe: {  	[spmem:s2] =	stream.indirect.scatter.add.f32 [tilespmem:s26], [sflag:$0x3], $0x80, s11, s25, $0xb8;
	[tilespmem:$0x1DC00] =	vst v63  }
0xff: {  	_ =	swait.ge [sflag:s23], $0x4000  }
0x100: {  	s7 =	simm.s32 $0x100;
	s8 =	simm.s32 $0x800;
	[sflag:s23] =	ssyncset.done $0x0  }
.LBB2_7:
0x101: {  	s9 =	sadd.s32 $0x80, s7  }
0x102: {  	[sflag:s23] =	ssyncadd.s32 $0xFFFFC000;
	s10 =	smov.u32 s8;
	s11 =	sadd.s32 $0x400, s8  }
0x103: {  	[tilespmem:s26], [sflag:$0x2] =	stream.indirect.gather [hbm4b:s4+s25], $0x80, s9, s25, $0xb8;
	[tilespmem:$0x1DC00] =	vst v63  }
0x104: {  	p1 =	sne.s32 s8, $0x3800;
	_ =	swait.ge [sflag:s28], $0x4000  }
0x105: {  	[sflag:s28] =	ssyncset.done $0x0  }
0x106: {  	s8 =	sadd.s32 $0x1000, s7;
	[sflag:s28] =	ssyncadd.s32 $0xFFFFC000  }
0x107: {  	[spmem:s2] =	stream.indirect.scatter.add.f32 [tilespmem:s22], [sflag:$0x3], $0x80, s8, s25, $0xb8;
	[tilespmem:$0x1DC00] =	vst v63  }
0x108: {  	_ =	swait.ge [sflag:s23], $0x4000  }
0x109: {  	[sflag:s23] =	ssyncset.done $0x0  }
0x10a: {  	s8 =	sadd.s32 $0x100, s7;
	[sflag:s23] =	ssyncadd.s32 $0xFFFFC000  }
0x10b: {  	[tilespmem:s22], [sflag:$0x1] =	stream.indirect.gather [hbm4b:s4+s25], $0x80, s8, s25, $0xb8;
	[tilespmem:$0x1DC00] =	vst v63  }
0x10c: {  	_ =	swait.ge [sflag:s29], $0x4000  }
.Ltmp7:
0x10d: {  	[sflag:s29] =	ssyncset.done $0x0;
	(pc) =	sbr.rel @p1 .LBB2_7-.Ltmp7, $4  }
0x10e: {  	s7 =	sadd.s32 $0x1080, s7;
	[sflag:s29] =	ssyncadd.s32 $0xFFFFC000  }
0x10f: {  	[spmem:s2] =	stream.indirect.scatter.add.f32 [tilespmem:s26], [sflag:$0x3], $0x80, s7, s25, $0xb8;
	[tilespmem:$0x1DC00] =	vst v63  }
0x110: {  	_ =	swait.ge [sflag:s23], $0x4000  }
0x111: {  	s8 =	smov.u32 s11;
	s7 =	sshra.s32 s10, $0x2;
	[sflag:s23] =	ssyncset.done $0x0  }
0x112: {  	s8 =	sadd.s32 $0x80, s7;
	[sflag:s23] =	ssyncadd.s32 $0xFFFFC000  }
0x113: {  	[tilespmem:s26], [sflag:$0x2] =	stream.indirect.gather [hbm4b:s4+s25], $0x80, s8, s25, $0xb8;
	[tilespmem:$0x1DC00] =	vst v63  }
0x114: {  	_ =	swait.ge [sflag:s28], $0x4000  }
0x115: {  	[sflag:s28] =	ssyncset.done $0x0  }
0x116: {  	s10 =	sadd.s32 $0x1000, s7;
	[sflag:s28] =	ssyncadd.s32 $0xFFFFC000  }
0x117: {  	[spmem:s2] =	stream.indirect.scatter.add.f32 [tilespmem:s22], [sflag:$0x3], $0x80, s10, s25, $0xb8;
	[tilespmem:$0x1DC00] =	vst v63  }
0x118: {  	_ =	swait.ge [sflag:s23], $0x4000  }
0x119: {  	[sflag:s23] =	ssyncset.done $0x0  }
0x11a: {  	s11 =	sadd.s32 $0x100, s7;
	[sflag:s23] =	ssyncadd.s32 $0xFFFFC000  }
0x11b: {  	[tilespmem:s22], [sflag:$0x1] =	stream.indirect.gather [hbm4b:s4+s25], $0x80, s11, s25, $0xb8;
	[tilespmem:$0x1DC00] =	vst v63  }
0x11c: {  	_ =	swait.ge [sflag:s29], $0x4000  }
0x11d: {  	[sflag:s29] =	ssyncset.done $0x0  }
0x11e: {  	s9 =	sadd.s32 $0x1080, s7;
	[sflag:s29] =	ssyncadd.s32 $0xFFFFC000  }
0x11f: {  	[spmem:s2] =	stream.indirect.scatter.add.f32 [tilespmem:s26], [sflag:$0x3], $0x80, s9, s25, $0xb8;
	[tilespmem:$0x1DC00] =	vst v63  }
0x120: {  	_ =	swait.ge [sflag:s23], $0x4000  }
0x121: {  	[sflag:s23] =	ssyncset.done $0x0  }
0x122: {  	[sflag:s23] =	ssyncadd.s32 $0xFFFFC000  }
0x123: {  	[tilespmem:s26], [sflag:$0x2] =	stream.indirect.gather [hbm4b:s4+s25], $0x80, s30, s25, $0xb8;
	[tilespmem:$0x1DC00] =	vst v63  }
0x124: {  	_ =	swait.ge [sflag:s28], $0x4000  }
0x125: {  	[sflag:s28] =	ssyncset.done $0x0  }
0x126: {  	[sflag:s28] =	ssyncadd.s32 $0xFFFFC000  }
0x127: {  	[spmem:s2] =	stream.indirect.scatter.add.f32 [tilespmem:s22], [sflag:$0x3], $0x80, s31, s25, $0xb8;
	[tilespmem:$0x1DC00] =	vst v63  }
0x128: {  	_ =	swait.ge [sflag:s23], $0x4000  }
0x129: {  	[sflag:s23] =	ssyncset.done $0x0  }
0x12a: {  	[sflag:s23] =	ssyncadd.s32 $0xFFFFC000  }
0x12b: {  	_ =	swait.ge [sflag:s29], $0x4000  }
0x12c: {  	[sflag:s29] =	ssyncset.done $0x0  }
0x12d: {  	[sflag:s29] =	ssyncadd.s32 $0xFFFFC000  }
0x12e: {  	[spmem:s2] =	stream.indirect.scatter.add.f32 [tilespmem:s26], [sflag:$0x3], $0x80, s0, s25, $0xb8;
	[tilespmem:$0x1DC00] =	vst v63  }
0x12f: {  	_ =	swait.ge [sflag:s23], $0x4000  }
0x130: {  	[sflag:s23] =	ssyncset.done $0x0  }
0x131: {  	s10 =	simm.s32 $0x0;
	s11 =	rddreg [dreg:$0x7];
	[sflag:s23] =	ssyncadd.s32 $0xFFFFC000  }
0x132: {  	[tilespmem:s10], [sflag:$0x3] =	stream.linear.gather [hbm4b:s11+s10], $0x1000, $0x38;
	[tilespmem:$0x1DC00] =	vst v63  }
0x133: {  	_ =	swait.ge [sflag:s23], $0x1000  }
0x134: {  	[sflag:s23] =	ssyncset.done $0x0  }
0x135: {  	[sflag:s23] =	ssyncadd.s32 $0xFFFFF000  }
0x136: {  	[tilespmem:s24], [sflag:$0x3] =	stream.linear.gather [hbm4b:s12+s10], $0x1000, $0x38;
	[tilespmem:$0x1DC00] =	vst v63  }
0x137: {  	_ =	swait.ge [sflag:s23], $0x1000  }
0x138: {  	[sflag:s23] =	ssyncset.done $0x0  }
0x139: {  	[sflag:s23] =	ssyncadd.s32 $0xFFFFF000  }
0x13a: {  	[tilespmem:s22], [sflag:$0x1] =	stream.indirect.gather [hbm4b:s4+s25], $0x80, s10, s25, $0xb8;
	[tilespmem:$0x1DC00] =	vst v63  }
0x13b: {  	s8 =	simm.s32 $0x80  }
0x13c: {  	[tilespmem:s26], [sflag:$0x2] =	stream.indirect.gather [hbm4b:s4+s25], $0x80, s8, s25, $0xb8;
	[tilespmem:$0x1DC00] =	vst v63  }
0x13d: {  	_ =	swait.ge [sflag:s28], $0x4000  }
0x13e: {  	[sflag:s28] =	ssyncset.done $0x0  }
0x13f: {  	s9 =	simm.s32 $0x1000;
	[sflag:s28] =	ssyncadd.s32 $0xFFFFC000  }
0x140: {  	[spmem:s2] =	stream.indirect.scatter.add.f32 [tilespmem:s22], [sflag:$0x3], $0x80, s9, s25, $0xb8;
	[tilespmem:$0x1DC00] =	vst v63  }
0x141: {  	_ =	swait.ge [sflag:s23], $0x4000  }
0x142: {  	[sflag:s23] =	ssyncset.done $0x0  }
0x143: {  	s10 =	simm.s32 $0x100;
	[sflag:s23] =	ssyncadd.s32 $0xFFFFC000  }
0x144: {  	[tilespmem:s22], [sflag:$0x1] =	stream.indirect.gather [hbm4b:s4+s25], $0x80, s10, s25, $0xb8;
	[tilespmem:$0x1DC00] =	vst v63  }
0x145: {  	_ =	swait.ge [sflag:s29], $0x4000  }
0x146: {  	[sflag:s29] =	ssyncset.done $0x0  }
0x147: {  	s11 =	simm.s32 $0x1080;
	[sflag:s29] =	ssyncadd.s32 $0xFFFFC000  }
0x148: {  	[spmem:s2] =	stream.indirect.scatter.add.f32 [tilespmem:s26], [sflag:$0x3], $0x80, s11, s25, $0xb8;
	[tilespmem:$0x1DC00] =	vst v63  }
0x149: {  	_ =	swait.ge [sflag:s23], $0x4000  }
0x14a: {  	s7 =	simm.s32 $0x100;
	s8 =	simm.s32 $0x800;
	[sflag:s23] =	ssyncset.done $0x0  }
.LBB2_9:
0x14b: {  	s9 =	sadd.s32 $0x80, s7  }
0x14c: {  	[sflag:s23] =	ssyncadd.s32 $0xFFFFC000;
	s10 =	smov.u32 s8;
	s11 =	sadd.s32 $0x400, s8  }
0x14d: {  	[tilespmem:s26], [sflag:$0x2] =	stream.indirect.gather [hbm4b:s4+s25], $0x80, s9, s25, $0xb8;
	[tilespmem:$0x1DC00] =	vst v63  }
0x14e: {  	p1 =	sne.s32 s8, $0x3800;
	_ =	swait.ge [sflag:s28], $0x4000  }
0x14f: {  	[sflag:s28] =	ssyncset.done $0x0  }
0x150: {  	s8 =	sadd.s32 $0x1000, s7;
	[sflag:s28] =	ssyncadd.s32 $0xFFFFC000  }
0x151: {  	[spmem:s2] =	stream.indirect.scatter.add.f32 [tilespmem:s22], [sflag:$0x3], $0x80, s8, s25, $0xb8;
	[tilespmem:$0x1DC00] =	vst v63  }
0x152: {  	_ =	swait.ge [sflag:s23], $0x4000  }
0x153: {  	[sflag:s23] =	ssyncset.done $0x0  }
0x154: {  	s8 =	sadd.s32 $0x100, s7;
	[sflag:s23] =	ssyncadd.s32 $0xFFFFC000  }
0x155: {  	[tilespmem:s22], [sflag:$0x1] =	stream.indirect.gather [hbm4b:s4+s25], $0x80, s8, s25, $0xb8;
	[tilespmem:$0x1DC00] =	vst v63  }
0x156: {  	_ =	swait.ge [sflag:s29], $0x4000  }
.Ltmp8:
0x157: {  	[sflag:s29] =	ssyncset.done $0x0;
	(pc) =	sbr.rel @p1 .LBB2_9-.Ltmp8, $4  }
0x158: {  	s7 =	sadd.s32 $0x1080, s7;
	[sflag:s29] =	ssyncadd.s32 $0xFFFFC000  }
0x159: {  	[spmem:s2] =	stream.indirect.scatter.add.f32 [tilespmem:s26], [sflag:$0x3], $0x80, s7, s25, $0xb8;
	[tilespmem:$0x1DC00] =	vst v63  }
0x15a: {  	_ =	swait.ge [sflag:s23], $0x4000  }
0x15b: {  	s8 =	smov.u32 s11;
	s7 =	sshra.s32 s10, $0x2;
	[sflag:s23] =	ssyncset.done $0x0  }
0x15c: {  	s8 =	sadd.s32 $0x80, s7;
	[sflag:s23] =	ssyncadd.s32 $0xFFFFC000  }
0x15d: {  	[tilespmem:s26], [sflag:$0x2] =	stream.indirect.gather [hbm4b:s4+s25], $0x80, s8, s25, $0xb8;
	[tilespmem:$0x1DC00] =	vst v63  }
0x15e: {  	_ =	swait.ge [sflag:s28], $0x4000  }
0x15f: {  	[sflag:s28] =	ssyncset.done $0x0  }
0x160: {  	s11 =	sadd.s32 $0x1000, s7;
	[sflag:s28] =	ssyncadd.s32 $0xFFFFC000  }
0x161: {  	[spmem:s2] =	stream.indirect.scatter.add.f32 [tilespmem:s22], [sflag:$0x3], $0x80, s11, s25, $0xb8;
	[tilespmem:$0x1DC00] =	vst v63  }
0x162: {  	_ =	swait.ge [sflag:s23], $0x4000  }
0x163: {  	[sflag:s23] =	ssyncset.done $0x0  }
0x164: {  	s9 =	sadd.s32 $0x100, s7;
	[sflag:s23] =	ssyncadd.s32 $0xFFFFC000  }
0x165: {  	[tilespmem:s22], [sflag:$0x1] =	stream.indirect.gather [hbm4b:s4+s25], $0x80, s9, s25, $0xb8;
	[tilespmem:$0x1DC00] =	vst v63  }
0x166: {  	_ =	swait.ge [sflag:s29], $0x4000  }
0x167: {  	[sflag:s29] =	ssyncset.done $0x0  }
0x168: {  	s10 =	sadd.s32 $0x1080, s7;
	[sflag:s29] =	ssyncadd.s32 $0xFFFFC000  }
0x169: {  	[spmem:s2] =	stream.indirect.scatter.add.f32 [tilespmem:s26], [sflag:$0x3], $0x80, s10, s25, $0xb8;
	[tilespmem:$0x1DC00] =	vst v63  }
0x16a: {  	_ =	swait.ge [sflag:s23], $0x4000  }
0x16b: {  	[sflag:s23] =	ssyncset.done $0x0  }
0x16c: {  	[sflag:s23] =	ssyncadd.s32 $0xFFFFC000  }
0x16d: {  	[tilespmem:s26], [sflag:$0x2] =	stream.indirect.gather [hbm4b:s4+s25], $0x80, s30, s25, $0xb8;
	[tilespmem:$0x1DC00] =	vst v63  }
0x16e: {  	_ =	swait.ge [sflag:s28], $0x4000  }
0x16f: {  	[sflag:s28] =	ssyncset.done $0x0  }
0x170: {  	[sflag:s28] =	ssyncadd.s32 $0xFFFFC000  }
0x171: {  	[spmem:s2] =	stream.indirect.scatter.add.f32 [tilespmem:s22], [sflag:$0x3], $0x80, s31, s25, $0xb8;
	[tilespmem:$0x1DC00] =	vst v63  }
0x172: {  	_ =	swait.ge [sflag:s23], $0x4000  }
0x173: {  	[sflag:s23] =	ssyncset.done $0x0  }
0x174: {  	[sflag:s23] =	ssyncadd.s32 $0xFFFFC000  }
0x175: {  	_ =	swait.ge [sflag:s29], $0x4000  }
0x176: {  	[sflag:s29] =	ssyncset.done $0x0  }
0x177: {  	[sflag:s29] =	ssyncadd.s32 $0xFFFFC000  }
0x178: {  	[spmem:s2] =	stream.indirect.scatter.add.f32 [tilespmem:s26], [sflag:$0x3], $0x80, s0, s25, $0xb8;
	[tilespmem:$0x1DC00] =	vst v63  }
0x179: {  	_ =	swait.ge [sflag:s23], $0x4000  }
0x17a: {  	[sflag:s23] =	ssyncset.done $0x0  }
0x17b: {  	s11 =	simm.s32 $0x0;
	[sflag:s23] =	ssyncadd.s32 $0xFFFFC000  }
0x17c: {  	[tilespmem:s11], [sflag:$0x3] =	stream.linear.gather [hbm4b:s13+s11], $0x1000, $0x38;
	[tilespmem:$0x1DC00] =	vst v63  }
0x17d: {  	_ =	swait.ge [sflag:s23], $0x1000  }
0x17e: {  	[sflag:s23] =	ssyncset.done $0x0  }
0x17f: {  	[sflag:s23] =	ssyncadd.s32 $0xFFFFF000  }
0x180: {  	[tilespmem:s24], [sflag:$0x3] =	stream.linear.gather [hbm4b:s14+s11], $0x1000, $0x38;
	[tilespmem:$0x1DC00] =	vst v63  }
0x181: {  	_ =	swait.ge [sflag:s23], $0x1000  }
0x182: {  	[sflag:s23] =	ssyncset.done $0x0  }
0x183: {  	[sflag:s23] =	ssyncadd.s32 $0xFFFFF000  }
0x184: {  	[tilespmem:s22], [sflag:$0x1] =	stream.indirect.gather [hbm4b:s4+s25], $0x80, s11, s25, $0xb8;
	[tilespmem:$0x1DC00] =	vst v63  }
0x185: {  	s8 =	simm.s32 $0x80  }
0x186: {  	[tilespmem:s26], [sflag:$0x2] =	stream.indirect.gather [hbm4b:s4+s25], $0x80, s8, s25, $0xb8;
	[tilespmem:$0x1DC00] =	vst v63  }
0x187: {  	_ =	swait.ge [sflag:s28], $0x4000  }
0x188: {  	[sflag:s28] =	ssyncset.done $0x0  }
0x189: {  	s9 =	simm.s32 $0x1000;
	[sflag:s28] =	ssyncadd.s32 $0xFFFFC000  }
0x18a: {  	[spmem:s2] =	stream.indirect.scatter.add.f32 [tilespmem:s22], [sflag:$0x3], $0x80, s9, s25, $0xb8;
	[tilespmem:$0x1DC00] =	vst v63  }
0x18b: {  	_ =	swait.ge [sflag:s23], $0x4000  }
0x18c: {  	[sflag:s23] =	ssyncset.done $0x0  }
0x18d: {  	s10 =	simm.s32 $0x100;
	[sflag:s23] =	ssyncadd.s32 $0xFFFFC000  }
0x18e: {  	[tilespmem:s22], [sflag:$0x1] =	stream.indirect.gather [hbm4b:s4+s25], $0x80, s10, s25, $0xb8;
	[tilespmem:$0x1DC00] =	vst v63  }
0x18f: {  	_ =	swait.ge [sflag:s29], $0x4000  }
0x190: {  	[sflag:s29] =	ssyncset.done $0x0  }
0x191: {  	s11 =	simm.s32 $0x1080;
	[sflag:s29] =	ssyncadd.s32 $0xFFFFC000  }
0x192: {  	[spmem:s2] =	stream.indirect.scatter.add.f32 [tilespmem:s26], [sflag:$0x3], $0x80, s11, s25, $0xb8;
	[tilespmem:$0x1DC00] =	vst v63  }
0x193: {  	_ =	swait.ge [sflag:s23], $0x4000  }
0x194: {  	s7 =	simm.s32 $0x100;
	s8 =	simm.s32 $0x800;
	[sflag:s23] =	ssyncset.done $0x0  }
.LBB2_11:
0x195: {  	s9 =	sadd.s32 $0x80, s7  }
0x196: {  	[sflag:s23] =	ssyncadd.s32 $0xFFFFC000;
	s10 =	smov.u32 s8;
	s11 =	sadd.s32 $0x400, s8  }
0x197: {  	[tilespmem:s26], [sflag:$0x2] =	stream.indirect.gather [hbm4b:s4+s25], $0x80, s9, s25, $0xb8;
	[tilespmem:$0x1DC00] =	vst v63  }
0x198: {  	p1 =	seq.s32 s8, $0x3800;
	_ =	swait.ge [sflag:s28], $0x4000  }
0x199: {  	[sflag:s28] =	ssyncset.done $0x0  }
0x19a: {  	s8 =	sadd.s32 $0x1000, s7;
	[sflag:s28] =	ssyncadd.s32 $0xFFFFC000  }
0x19b: {  	[spmem:s2] =	stream.indirect.scatter.add.f32 [tilespmem:s22], [sflag:$0x3], $0x80, s8, s25, $0xb8;
	[tilespmem:$0x1DC00] =	vst v63  }
0x19c: {  	_ =	swait.ge [sflag:s23], $0x4000  }
0x19d: {  	[sflag:s23] =	ssyncset.done $0x0  }
0x19e: {  	s8 =	sadd.s32 $0x100, s7;
	[sflag:s23] =	ssyncadd.s32 $0xFFFFC000  }
0x19f: {  	[tilespmem:s22], [sflag:$0x1] =	stream.indirect.gather [hbm4b:s4+s25], $0x80, s8, s25, $0xb8;
	[tilespmem:$0x1DC00] =	vst v63  }
0x1a0: {  	_ =	swait.ge [sflag:s29], $0x4000  }
.Ltmp9:
0x1a1: {  	[sflag:s29] =	ssyncset.done $0x0;
	(pc) =	sbr.rel @!p1 .LBB2_11-.Ltmp9, $4  }
0x1a2: {  	s7 =	sadd.s32 $0x1080, s7;
	[sflag:s29] =	ssyncadd.s32 $0xFFFFC000  }
0x1a3: {  	[spmem:s2] =	stream.indirect.scatter.add.f32 [tilespmem:s26], [sflag:$0x3], $0x80, s7, s25, $0xb8;
	[tilespmem:$0x1DC00] =	vst v63  }
0x1a4: {  	_ =	swait.ge [sflag:s23], $0x4000  }
0x1a5: {  	s8 =	smov.u32 s11;
	s7 =	sshra.s32 s10, $0x2;
	[sflag:s23] =	ssyncset.done $0x0  }
.Ltmp10:
0x1a6: {  	_ = 	snop;
	(pc) =	sbr.rel .LBB2_12-.Ltmp10, $1  }
0x1a7: {  	_ =	sdelay $0x3  }
.LBB2_17:
0x1a8: {  	_ =	sfence.sel $0x180000  }
0x1a9: {  	[bflag:$0x0] =	sbarrier.arrive $0xFFFF  }
0x1aa: {  	_ =	strace $0x9000004D  }
0x1ab: {  	[bflag:$0x2] =	sbarrier.arrive $0xFFFF  }
0x1ac: {  	p0 =	sne.s32 s1, $0x0;
	s0 =	rddreg [dreg:$0x2]  }
0x1ad: {  	s0 =	sadd.s32 @!p0 $0x100000, s0  }
0x1ae: {  	[sflag:s0] =	ssyncadd.tile.s32 @!p0 $0x1;
	_ =	shalt  }
.Lfunc_end2:
_tile_overlayer_lowered:
.L_overlay_start_2:
0x1af: {  	(tag) =	ssettag $0x2  }
0x1b0: {  	s0 =	rddreg [dreg:$0x0];
	s2 =	stileid.u32  }
0x1b1: {  	s1 =	rddreg [dreg:$0x1];
	p0 =	sne.s32 s2, $0x0  }
0x1b2: {  	s3 =	rddreg [dreg:$0x2];
	[bflag:$0x3] =	sbarrier.arrive $0xFFFF;
	s2 =	simm.s32 @!p0 $0x1C03  }
0x1b3: {  	[timem:s3], [sflag:s2] =	dma.local @!p0 [hbm:s0], s1  }
0x1b4: {  	s0 =	simm.s32 @!p0 $0x3  }
0x1b5: {  	_ =	swait.ge @!p0 [sflag:s0], s1  }
0x1b6: {  	s1 =	ssub.s32 @!p0 $0x0, s1;
	[sflag:s0] =	ssyncset.done @!p0 $0x0  }
0x1b7: {  	[sflag:s0] =	ssyncadd.s32 @!p0 s1  }
0x1b8: {  	[bflag:$0x3] =	sbarrier.arrive $0xFFFF  }
0x1b9: {  	_ =	shalt  }

// kernel: kernel.8.cloned.1.call-start
scs
__scs_entry_jumppad:
0x0: {  	(pc) =	sbr.rel $0x88, $3  }
0x1: {  	(tag) =	ssettag $0x0;
	lr =	simm.s32 $0x1  }
0x2: {  	[smem:$0x3F87] =	sst lr;
	_ =	strace $0xD0000000  }
0x3: {  	_ = 	snop  }
0x4: {  	_ = 	snop  }
0x5: {  	_ = 	snop  }
0x6: {  	_ = 	snop  }
0x7: {  	_ = 	snop  }
__scs_overlays_trampoline_lowered:
0x8: {  	[smem:$0x3F96] =	sst s0  }
0x9: {  	[smem:$0x3F97] =	sst s1  }
0xa: {  	[smem:$0x3F98] =	sst s2  }
0xb: {  	[smem:$0x3F99] =	sst s3  }
0xc: {  	[smem:$0x3F9A] =	sst s4  }
0xd: {  	[smem:$0x3F9B] =	sst s5  }
0xe: {  	[smem:$0x3F9C] =	sst s6  }
0xf: {  	[smem:$0x3F9D] =	sst s7  }
0x10: {  	[smem:$0x3F9E] =	sst s8  }
0x11: {  	[smem:$0x3F9F] =	sst s9;
	s0 =	simm.s32 @!p0 $0x0  }
0x12: {  	s1 =	sld [smem:$0x3F85];
	s0 =	simm.s32 @p0 $0x1  }
0x13: {  	[smem:$0x3FA0] =	sst s0;
	s0 =	simm.s32 @!p1 $0x0  }
0x14: {  	s2 =	sld [smem:$0x3F84];
	s0 =	simm.s32 @p1 $0x1  }
0x15: {  	[smem:$0x3FA1] =	sst s0;
	s0 =	simm.s32 @!p2 $0x0  }
0x16: {  	s3 =	sld [smem:$0x3FDB];
	s0 =	simm.s32 @p2 $0x1  }
0x17: {  	s4 =	simm.s32 $0x1BF5;
	[smem:$0x3FA3] =	sst s0  }
0x18: {  	s0 =	sld [smem:$0x3F86];
	_ =	swait.ge [sflag:s4], $0x0  }
0x19: {  	s7 =	sld [smem:$0x3F87]  }
0x1a: {  	s8 =	sadd.s32 $0xFFFFE003, lr  }
0x1b: {  	s9 =	sadd.s32 $0xFFFFFEF7, lr;
	s5 =	simm.s32 $0xFFFFFFFF;
	p2 =	slt.u32 s8, $0xFFFFF086  }
0x1c: {  	p1 =	slt.u32 s9, $0xF7A;
	s5 =	simm.s32 @!p2 $0x0  }
0x1d: {  	s5 =	simm.s32 @p1 $0x1;
	p0 =	seq.s32 s7, s2  }
0x1e: {  	s7 =	smul.u32 @!p0 $0xF7A, s2;
	p2 =	seq.s32 @!p0 s5, $0x0  }
0x1f: {  	s9 =	smul.u32 $0xF7A, s1;
	s8 =	simm.s32 @!p0 $0x1BF5;
	p2 =	por !p2, p0  }
0x20: {  	[sflag:s8] =	ssyncset.s32 @!p0 $0xFFFFF086;
	s6 =	sadd.s32 @!p0 s3, s7;
	s7 =	simm.s32 @!p0 $0x108  }
0x21: {  	s3 =	sadd.s32 s3, s9;
	s6 =	sadd.s32 @!p0 $0x88, s6;
	s7 =	simm.s32 @p2 $0x1082  }
0x22: {  	[simem:s7], [sflag:s8] =	dma.local @!p0 [hbm:s6], $0xF7A  }
0x23: {  	s9 =	sor.u32 $0xD0000000, s2;
	s6 =	simm.s32 $0x108;
	_ =	swait.ge @!p0 [sflag:s8], $0x0  }
0x24: {  	s3 =	sadd.s32 $0x88, s3;
	s6 =	simm.s32 @!p1 $0x1082;
	[sflag:s4] =	ssyncset.s32 $0xFFFFF086  }
0x25: {  	[simem:s6], [sflag:s4] =	dma.local [hbm:s3], $0xF7A  }
0x26: {  	[smem:$0x3F87] =	sst s1;
	(tag) =	ssettag s2;
	_ =	strace s9  }
0x27: {  	s1 =	sld [smem:$0x3F97]  }
0x28: {  	s2 =	sld [smem:$0x3F98]  }
0x29: {  	s4 =	sld [smem:$0x3F9A]  }
0x2a: {  	p0 =	seq.s32 s5, $0x0;
	s5 =	sld [smem:$0x3F9B]  }
0x2b: {  	s6 =	sld [smem:$0x3F9C]  }
0x2c: {  	s7 =	sld [smem:$0x3F9D]  }
0x2d: {  	s3 =	simm.s32 $0x108;
	s8 =	sld [smem:$0x3F9E]  }
0x2e: {  	s3 =	simm.s32 @!p0 $0x1082;
	s9 =	sld [smem:$0x3F9F]  }
0x2f: {  	lr =	sadd.s32 s0, s3;
	s0 =	sld [smem:$0x3F96]  }
0x30: {  	s3 =	sld [smem:$0x3F99]  }
0x31: {  	[smem:$0x3FA2] =	sst s10  }
0x32: {  	s10 =	sld [smem:$0x3FA0];
	_ =	sdelay $0x3  }
0x33: {  	p0 =	seq.s32 s10, $0x1;
	s10 =	sld [smem:$0x3FA2];
	_ =	sdelay $0x3  }
0x34: {  	[smem:$0x3FA2] =	sst s10  }
0x35: {  	s10 =	sld [smem:$0x3FA1];
	_ =	sdelay $0x3  }
0x36: {  	p1 =	seq.s32 s10, $0x1;
	s10 =	sld [smem:$0x3FA2];
	_ =	sdelay $0x3  }
0x37: {  	[smem:$0x3FA2] =	sst s10  }
0x38: {  	s10 =	sld [smem:$0x3FA3]  }
0x39: {  	_ = 	snop;
	(pc) =	sbr.ind lr, $3  }
0x3a: {  	_ = 	snop  }
0x3b: {  	_ = 	snop  }
0x3c: {  	p2 =	seq.s32 s10, $0x1;
	s10 =	sld [smem:$0x3FA2]  }
0x3d: {  	_ =	shalt  }
0x3e: {  	_ =	shalt  }
0x3f: {  	_ =	shalt  }
0x40: {  	_ =	shalt  }
0x41: {  	_ =	shalt  }
0x42: {  	_ =	shalt  }
0x43: {  	_ =	shalt  }
0x44: {  	_ =	shalt  }
0x45: {  	_ =	shalt  }
0x46: {  	_ =	shalt  }
0x47: {  	_ =	shalt  }
0x48: {  	_ =	shalt  }
0x49: {  	_ =	shalt  }
0x4a: {  	_ =	shalt  }
0x4b: {  	_ =	shalt  }
0x4c: {  	_ =	shalt  }
0x4d: {  	_ =	shalt  }
0x4e: {  	_ =	shalt  }
0x4f: {  	_ =	shalt  }
0x50: {  	_ =	shalt  }
0x51: {  	_ =	shalt  }
0x52: {  	_ =	shalt  }
0x53: {  	_ =	shalt  }
0x54: {  	_ =	shalt  }
0x55: {  	_ =	shalt  }
0x56: {  	_ =	shalt  }
0x57: {  	_ =	shalt  }
0x58: {  	_ =	shalt  }
0x59: {  	_ =	shalt  }
0x5a: {  	_ =	shalt  }
0x5b: {  	_ =	shalt  }
0x5c: {  	_ =	shalt  }
0x5d: {  	_ =	shalt  }
0x5e: {  	_ =	shalt  }
0x5f: {  	_ =	shalt  }
0x60: {  	_ =	shalt  }
0x61: {  	_ =	shalt  }
0x62: {  	_ =	shalt  }
0x63: {  	_ =	shalt  }
0x64: {  	_ =	shalt  }
0x65: {  	_ =	shalt  }
0x66: {  	_ =	shalt  }
0x67: {  	_ =	shalt  }
0x68: {  	_ =	shalt  }
0x69: {  	_ =	shalt  }
0x6a: {  	_ =	shalt  }
0x6b: {  	_ =	shalt  }
0x6c: {  	_ =	shalt  }
0x6d: {  	_ =	shalt  }
0x6e: {  	_ =	shalt  }
0x6f: {  	_ =	shalt  }
0x70: {  	_ =	shalt  }
0x71: {  	_ =	shalt  }
0x72: {  	_ =	shalt  }
0x73: {  	_ =	shalt  }
0x74: {  	_ =	shalt  }
0x75: {  	_ =	shalt  }
0x76: {  	_ =	shalt  }
0x77: {  	_ =	shalt  }
0x78: {  	_ =	shalt  }
0x79: {  	_ =	shalt  }
0x7a: {  	_ =	shalt  }
0x7b: {  	_ =	shalt  }
0x7c: {  	_ =	shalt  }
0x7d: {  	_ =	shalt  }
0x7e: {  	_ =	shalt  }
0x7f: {  	_ =	shalt  }
0x80: {  	_ =	shalt  }
0x81: {  	_ =	shalt  }
0x82: {  	_ =	shalt  }
0x83: {  	_ =	shalt  }
0x84: {  	_ =	shalt  }
0x85: {  	_ =	shalt  }
0x86: {  	_ =	shalt  }
0x87: {  	_ =	shalt  }
.Lfunc_end0:
.L_simem_size_0:
called_computation_lowered:
.L_overlay_start_0:
0x88: {  	s2 =	sld [smem:$0x3FD9]  }
0x89: {  	s3 =	sld [smem:$0x3FFE];
	_ =	sdelay $0x1  }
0x8a: {  	s1 =	srdreg.scid  }
0x8b: {  	s0 =	sand.u32 $0x1, s1  }
0x8c: {  	s17 =	sshll.u32 s0, $0xA;
	s2 =	sadd.s32 s3, s2  }
0x8d: {  	s2 =	sadd.s32 s2, s17  }
0x8e: {  	[smem:$0x3FAE] =	sst s2  }
0x8f: {  	_ = 	snop  }
0x90: {  	s2 =	sld [smem:$0x3FC9];
	(tm) =	ssettm $0x1  }
0x91: {  	s18 =	sld [smem:$0x3FFB];
	_ =	sdelay $0x3  }
0x92: {  	_ =	strace s18  }
0x93: {  	s3 =	sld [smem:$0x3FFC];
	_ =	sdelay $0x3  }
0x94: {  	_ =	strace s3  }
0x95: {  	s3 =	sld [smem:$0x3FFD];
	_ =	sdelay $0x3  }
0x96: {  	_ =	strace s3  }
0x97: {  	_ =	strace $0x8FFFFFFF  }
0x98: {  	s19 =	sld [smem:$0x3FDB];
	_ =	sdelay $0x1  }
0x99: {  	s4 =	simm.s32 $_scs_section_size  }
0x9a: {  	s5 =	simm.s32 $_size__tile_overlayer_lowered;
	s6 =	simm.s32 $_tile_overlayer_lowered  }
0x9b: {  	s22 =	simm.s32 $0x1BFF;
	s21 =	sshll.u32 s6, $0x1;
	s3 =	sadd.s32 s4, s19  }
0x9c: {  	s7 =	simm.s32 $0x0;
	s20 =	sshll.u32 s5, $0x1;
	s5 =	sadd.s32 s21, s3  }
0x9d: {  	[timem:s7], [sflag:s22] =	dma.local [hbm:s5], s20  }
0x9e: {  	_ =	swait.ge [sflag:s22], s20  }
0x9f: {  	s4 =	ssub.s32 $0x0, s20;
	[sflag:s22] =	ssyncset.done $0x0  }
0xa0: {  	[sflag:s22] =	ssyncadd.s32 s4;
	_ =	sdelay $0x1  }
0xa1: {  	s23 =	simm.s32 $0x1B8B  }
0xa2: {  	_ =	swait.ge [sflag:s23], $0x1  }
0xa3: {  	[sflag:s23] =	ssyncset.done $0x0  }
0xa4: {  	s25 =	simm.s32 $0x1B8E;
	s24 =	sld [smem:$0x3FFE];
	[sflag:s23] =	ssyncadd.s32 $0xFFFFFFFF  }
0xa5: {  	s26 =	simm.s32 $execute0_lowered;
	[smem:$0x3FD2] =	sst s25  }
0xa6: {  	s5 =	sshll.u32 s26, $0x1;
	_ =	strace $0x80000046;
	[dreg:$0x1] =	wrdreg $0xFFFFFFFF  }
0xa7: {  	s28 =	simm.s32 $_size_execute0_lowered;
	s3 =	sadd.s32 s3, s5;
	[dreg:$0x0] =	wrdreg $0x0  }
0xa8: {  	s5 =	sshll.u32 s28, $0x1;
	[dreg:$0x2] =	wrdreg s3  }
0xa9: {  	[dreg:$0x3] =	wrdreg s5  }
0xaa: {  	[dreg:$0x4] =	wrdreg $0xC0  }
0xab: {  	_ =	task [dreg:s7], $0x5FFFF  }
0xac: {  	[dreg:$0x1] =	wrdreg $0xFFFFFFFF  }
0xad: {  	[dreg:$0x0] =	wrdreg $0x60  }
0xae: {  	[dreg:$0x2] =	wrdreg s2  }
0xaf: {  	[dreg:$0x3] =	wrdreg s24  }
0xb0: {  	[dreg:$0x4] =	wrdreg $0xA0000  }
0xb1: {  	[dreg:$0x5] =	wrdreg $0x9  }
0xb2: {  	_ =	task.clear_ibuf [dreg:s7], $0x6FFFF;
	_ =	strace $0x90000046  }
0xb3: {  	s29 =	simm.s32 $0x9;
	_ =	strace $0x80000048  }
0xb4: {  	_ =	swait.ge [sflag:s29], $0x1  }
0xb5: {  	[sflag:s29] =	ssyncadd.s32 $0xFFFFFFFF  }
0xb6: {  	_ =	strace $0x90000048  }
0xb7: {  	_ =	sfence  }
0xb8: {  	s30 =	sld [smem:$0x0];
	_ =	sdelay $0x2  }
0xb9: {  	s31 =	sshll.u32 s1, $0xD;
	s1 =	sshrl.u32 s1, $0x2  }
0xba: {  	s3 =	sand.u32 $0x4000, s31;
	s1 =	sadd.s32 s1, s30  }
0xbb: {  	s0 =	sor.u32 s3, s0;
	s1 =	sshll.u32 s1, $0x11  }
0xbc: {  	s0 =	sor.u32 s1, s0  }
0xbd: {  	s0 =	sadd.s32 $0x8F2B, s0  }
0xbe: {  	[sflag:s0] =	ssyncadd.remote.s32 $0x1  }
0xbf: {  	_ =	sfence.sel $0xFFFF  }
0xc0: {  	[dreg:$0x0] =	wrdreg $0xFFFFFFFF;
	(pc) =	sbr.abs _section_cstart, $3  }
0xc1: {  	[dreg:$0x1] =	wrdreg $0xFFFFFFFF  }
0xc2: {  	_ =	task.clear_ibuf [dreg:s7], $0x2FFFF;
	_ =	strace $0x9FFFFFFF  }
0xc3: {  	(tm) =	ssettm $0x7FFFFFFF  }
tec
execute0_lowered:
.L_overlay_start_1:
0x0: {  	(tag) =	ssettag $0x1  }
0x1: {  	s1 =	rddreg [dreg:$0x0]  }
0x2: {  	s0 =	rddreg [dreg:$0x1]  }
0x3: {  	s3 =	rddreg [dreg:$0x2]  }
0x4: {  	s4 =	simm.s32 $0x0;
	s2 =	stileid.u32;
	s5 =	srdreg.scid  }
0x5: {  	s28 =	simm.s32 $0x1;
	s29 =	simm.s32 $0x2;
	s30 =	simm.s32 $0xF80  }
0x6: {  	s31 =	simm.s32 $0x1F00;
	[smem:$0x7FF] =	sst s4;
	s7 =	sand.u32 $0x1, s5  }
0x7: {  	s17 =	smul.u32 $0x2780, s2;
	s8 =	sadd.s32 $0x9E00, s0;
	s14 =	sadd.s32 $0x11E00, s0  }
0x8: {  	s9 =	sshll.u32 s2, $0x9;
	s10 =	smul.u32 $0x4F000, s2;
	s11 =	sshll.u32 s2, $0xB  }
0x9: {  	_ =	strace $0x80000047;
	s6 =	smul.u32 $0x27800, s7;
	s16 =	sadd.s32 s9, s0  }
0xa: {  	s18 =	ssub.s32 $0x2, s7;
	p0 =	seq.s32 s7, $0x1;
	s21 =	sor.u32 $0x200, s11  }
0xb: {  	s22 =	sadd.s32 s8, s11;
	s23 =	sadd.s32 s14, s11;
	s25 =	sor.u32 $0x400, s11  }
0xc: {  	s15 =	sor.u32 $0x600, s11;
	s19 =	sshrl.u32 s18, $0x1;
	[dreg:$0x4] =	wrdreg s22  }
0xd: {  	s20 =	sshrl.u32 s10, $0x2;
	[dreg:$0x5] =	wrdreg s23;
	s24 =	sadd.s32 s8, s21  }
0xe: {  	s7 =	sadd.s32 s14, s21;
	s26 =	sadd.s32 s8, s25;
	s12 =	sadd.s32 s14, s25  }
0xf: {  	s13 =	sadd.s32 s8, s15;
	s14 =	sadd.s32 s14, s15;
	s15 =	sadd.s32 $0x7E00, s16  }
0x10: {  	s16 =	sadd.s32 $0x5E00, s16;
	s22 =	simm.s32 $0x2000;
	s23 =	simm.s32 $0x3  }
0x11: {  	s25 =	simm.s32 $0x80;
	s5 =	sadd.s32 s17, s6;
	[dreg:$0x6] =	wrdreg s24  }
.Ltmp0:
0x12: {  	s18 =	ssub.s32 s18, s19;
	[dreg:$0x7] =	wrdreg s7;
	(pc) =	sbr.rel .LBB2_1-.Ltmp0, $4  }
0x13: {  	[dreg:$0x8] =	wrdreg s26;
	s24 =	simm.s32 $0x1000;
	s26 =	simm.s32 $0x6000  }
0x14: {  	s0 =	sadd.s32 s5, s0;
	s5 =	sadd.s32 s20, s3;
	s18 =	smax.u32 s18, $0x1  }
0x15: {  	s6 =	sadd.s32 $0x10000, s5;
	s17 =	sadd.s32 $0x19E00, s0;
	s19 =	sadd.s32 $0x4000, s5  }
0x16: {  	v0 =	vimm.f32 $0.0e+00;
	s20 =	sadd.s32 $0x8000, s5;
	s21 =	sadd.s32 $0xC000, s5;
	s0 =	simm.s32 $0x1F80  }
.LBB2_12:
0x17: {  	s8 =	sadd.s32 $0x80, s7;
	[sflag:s23] =	ssyncadd.s32 $0xFFFFC000  }
0x18: {  	[tilespmem:s26], [sflag:$0x2] =	stream.indirect.gather [hbm4b:s1+s25], $0x80, s8, s25, $0xb8;
	[tilespmem:$0x1DC00] =	vst v63  }
0x19: {  	_ =	swait.ge [sflag:s28], $0x4000  }
0x1a: {  	[sflag:s28] =	ssyncset.done $0x0  }
0x1b: {  	s9 =	sadd.s32 $0x1000, s7;
	[sflag:s28] =	ssyncadd.s32 $0xFFFFC000  }
0x1c: {  	[spmem:s3] =	stream.indirect.scatter.add.f32 [tilespmem:s22], [sflag:$0x3], $0x80, s9, s25, $0xb8;
	[tilespmem:$0x1DC00] =	vst v63  }
0x1d: {  	_ =	swait.ge [sflag:s23], $0x4000  }
0x1e: {  	[sflag:s23] =	ssyncset.done $0x0  }
0x1f: {  	s10 =	sadd.s32 $0x100, s7;
	[sflag:s23] =	ssyncadd.s32 $0xFFFFC000  }
0x20: {  	[tilespmem:s22], [sflag:$0x1] =	stream.indirect.gather [hbm4b:s1+s25], $0x80, s10, s25, $0xb8;
	[tilespmem:$0x1DC00] =	vst v63  }
0x21: {  	_ =	swait.ge [sflag:s29], $0x4000  }
0x22: {  	[sflag:s29] =	ssyncset.done $0x0  }
0x23: {  	s11 =	sadd.s32 $0x1080, s7;
	[sflag:s29] =	ssyncadd.s32 $0xFFFFC000  }
0x24: {  	[spmem:s3] =	stream.indirect.scatter.add.f32 [tilespmem:s26], [sflag:$0x3], $0x80, s11, s25, $0xb8;
	[tilespmem:$0x1DC00] =	vst v63  }
0x25: {  	_ =	swait.ge [sflag:s23], $0x4000  }
0x26: {  	[sflag:s23] =	ssyncset.done $0x0  }
0x27: {  	[sflag:s23] =	ssyncadd.s32 $0xFFFFC000  }
.LBB2_16:
0x28: {  	[tilespmem:s26], [sflag:$0x2] =	stream.indirect.gather [hbm4b:s1+s25], $0x80, s30, s25, $0xb8;
	[tilespmem:$0x1DC00] =	vst v63  }
0x29: {  	_ =	swait.ge [sflag:s28], $0x4000  }
0x2a: {  	[sflag:s28] =	ssyncset.done $0x0  }
0x2b: {  	[sflag:s28] =	ssyncadd.s32 $0xFFFFC000  }
0x2c: {  	[spmem:s3] =	stream.indirect.scatter.add.f32 [tilespmem:s22], [sflag:$0x3], $0x80, s31, s25, $0xb8;
	[tilespmem:$0x1DC00] =	vst v63  }
0x2d: {  	_ =	swait.ge [sflag:s23], $0x4000  }
0x2e: {  	[sflag:s23] =	ssyncset.done $0x0  }
0x2f: {  	[sflag:s23] =	ssyncadd.s32 $0xFFFFC000  }
0x30: {  	_ =	swait.ge [sflag:s29], $0x4000  }
0x31: {  	[sflag:s29] =	ssyncset.done $0x0  }
0x32: {  	[sflag:s29] =	ssyncadd.s32 $0xFFFFC000  }
0x33: {  	[spmem:s3] =	stream.indirect.scatter.add.f32 [tilespmem:s26], [sflag:$0x3], $0x80, s0, s25, $0xb8;
	[tilespmem:$0x1DC00] =	vst v63  }
0x34: {  	_ =	swait.ge [sflag:s23], $0x4000  }
0x35: {  	s7 =	sshll.u32 s2, $0x6;
	s4 =	sadd.s32 $0x1, s4;
	[sflag:s23] =	ssyncset.done $0x0  }
0x36: {  	s8 =	sshrl.u32 s5, $0x3;
	p1 =	sne.s32 s4, s18;
	[sflag:s23] =	ssyncadd.s32 $0xFFFFC000  }
.Ltmp1:
0x37: {  	s7 =	sor.u32 $0x1C03, s7;
	[bflag:$0x0] =	sbarrier.arrive $0xFFFF;
	(pc) =	sbr.rel @!p1 .LBB2_17-.Ltmp1, $4  }
0x38: {  	[hbm:s17], [sflag:s7] =	dma.local [spmem:s8], $0x2780  }
0x39: {  	_ =	swait.ge [sflag:s23], $0x2780  }
0x3a: {  	[sflag:s23] =	ssyncset.done $0x0  }
0x3b: {  	[sflag:s23] =	ssyncadd.s32 $0xFFFFD880  }
.LBB2_1:
0x3c: {  	s7 =	simm.s32 $0x0;
	s8 =	simm.s32 $0x200  }
.LBB2_2:
0x3d: {  	p1 =	sne.s32 s8, $0xFE00;
	[tilespmem:s7+$0x2070] =	vst v0  }
0x3e: {  	[tilespmem:s7+$0x2000] =	vst v0  }
0x3f: {  	[tilespmem:s7+$0x2010] =	vst v0  }
.Ltmp2:
0x40: {  	[tilespmem:s7+$0x2020] =	vst v0;
	(pc) =	sbr.rel @p1 .LBB2_2-.Ltmp2, $4  }
0x41: {  	[tilespmem:s7+$0x2030] =	vst v0  }
0x42: {  	[tilespmem:s7+$0x2040] =	vst v0  }
0x43: {  	[tilespmem:s7+$0x2050] =	vst v0  }
0x44: {  	[tilespmem:s7+$0x2060] =	vst v0;
	s7 =	sshra.s32 s8, $0x2;
	s8 =	sadd.s32 $0x200, s8  }
0x45: {  	[tilespmem:s7+$0x2070] =	vst v0  }
0x46: {  	[tilespmem:s7+$0x2000] =	vst v0  }
0x47: {  	[tilespmem:s7+$0x2010] =	vst v0  }
0x48: {  	[tilespmem:s7+$0x2020] =	vst v0  }
0x49: {  	[tilespmem:s7+$0x2030] =	vst v0  }
0x4a: {  	[tilespmem:s7+$0x2040] =	vst v0  }
0x4b: {  	[tilespmem:s7+$0x2050] =	vst v0  }
0x4c: {  	[tilespmem:s7+$0x2060] =	vst v0  }
0x4d: {  	[spmem:s5] =	stream.linear.scatter [tilespmem:s22], [sflag:$0x3], $0x4000, $0x38;
	[tilespmem:$0x1DC00] =	vst v63  }
0x4e: {  	_ =	swait.ge [sflag:s23], $0x4000  }
0x4f: {  	[sflag:s23] =	ssyncset.done $0x0  }
0x50: {  	[sflag:s23] =	ssyncadd.s32 $0xFFFFC000  }
0x51: {  	[spmem:s19] =	stream.linear.scatter [tilespmem:s22], [sflag:$0x3], $0x4000, $0x38;
	[tilespmem:$0x1DC00] =	vst v63  }
0x52: {  	_ =	swait.ge [sflag:s23], $0x4000  }
0x53: {  	[sflag:s23] =	ssyncset.done $0x0  }
0x54: {  	[sflag:s23] =	ssyncadd.s32 $0xFFFFC000  }
0x55: {  	[spmem:s20] =	stream.linear.scatter [tilespmem:s22], [sflag:$0x3], $0x4000, $0x38;
	[tilespmem:$0x1DC00] =	vst v63  }
0x56: {  	_ =	swait.ge [sflag:s23], $0x4000  }
0x57: {  	[sflag:s23] =	ssyncset.done $0x0  }
0x58: {  	[sflag:s23] =	ssyncadd.s32 $0xFFFFC000  }
0x59: {  	[spmem:s21] =	stream.linear.scatter [tilespmem:s22], [sflag:$0x3], $0x4000, $0x38;
	[tilespmem:$0x1DC00] =	vst v63  }
0x5a: {  	_ =	swait.ge [sflag:s23], $0x4000  }
0x5b: {  	[sflag:s23] =	ssyncset.done $0x0  }
0x5c: {  	[sflag:s23] =	ssyncadd.s32 $0xFFFFC000  }
0x5d: {  	[spmem:s6] =	stream.linear.scatter [tilespmem:s22], [sflag:$0x3], $0x3C00, $0x38;
	[tilespmem:$0x1DC00] =	vst v63  }
.Ltmp3:
0x5e: {  	_ =	swait.ge [sflag:s23], $0x3C00;
	(pc) =	sbr.rel @!p0 .LBB2_4-.Ltmp3, $4  }
0x5f: {  	[sflag:s23] =	ssyncset.done $0x0  }
0x60: {  	[sflag:s23] =	ssyncadd.s32 $0xFFFFC400  }
0x61: {  	[bflag:$0x0] =	sbarrier.arrive $0xFFFF  }
0x62: {  	s7 =	simm.s32 $0x0  }
0x63: {  	[tilespmem:s7], [sflag:$0x3] =	stream.linear.gather [hbm4b:s15+s7], $0x1000, $0x38;
	[tilespmem:$0x1DC00] =	vst v63  }
0x64: {  	_ =	swait.ge [sflag:s23], $0x1000  }
0x65: {  	[sflag:s23] =	ssyncset.done $0x0  }
0x66: {  	[sflag:s23] =	ssyncadd.s32 $0xFFFFF000  }
0x67: {  	[tilespmem:s24], [sflag:$0x3] =	stream.linear.gather [hbm4b:s16+s7], $0x1000, $0x38;
	[tilespmem:$0x1DC00] =	vst v63  }
0x68: {  	_ =	swait.ge [sflag:s23], $0x1000  }
0x69: {  	[sflag:s23] =	ssyncset.done $0x0  }
0x6a: {  	[sflag:s23] =	ssyncadd.s32 $0xFFFFF000  }
0x6b: {  	[tilespmem:s22], [sflag:$0x1] =	stream.indirect.gather [hbm4b:s1+s25], $0x80, s7, s25, $0xb8;
	[tilespmem:$0x1DC00] =	vst v63  }
0x6c: {  	s8 =	simm.s32 $0x80  }
0x6d: {  	[tilespmem:s26], [sflag:$0x2] =	stream.indirect.gather [hbm4b:s1+s25], $0x80, s8, s25, $0xb8;
	[tilespmem:$0x1DC00] =	vst v63  }
0x6e: {  	_ =	swait.ge [sflag:s28], $0x4000  }
0x6f: {  	[sflag:s28] =	ssyncset.done $0x0  }
0x70: {  	s9 =	simm.s32 $0x1000;
	[sflag:s28] =	ssyncadd.s32 $0xFFFFC000  }
0x71: {  	[spmem:s3] =	stream.indirect.scatter.add.f32 [tilespmem:s22], [sflag:$0x3], $0x80, s9, s25, $0xb8;
	[tilespmem:$0x1DC00] =	vst v63  }
0x72: {  	_ =	swait.ge [sflag:s23], $0x4000  }
0x73: {  	[sflag:s23] =	ssyncset.done $0x0  }
0x74: {  	s10 =	simm.s32 $0x100;
	[sflag:s23] =	ssyncadd.s32 $0xFFFFC000  }
0x75: {  	[tilespmem:s22], [sflag:$0x1] =	stream.indirect.gather [hbm4b:s1+s25], $0x80, s10, s25, $0xb8;
	[tilespmem:$0x1DC00] =	vst v63  }
0x76: {  	_ =	swait.ge [sflag:s29], $0x4000  }
0x77: {  	[sflag:s29] =	ssyncset.done $0x0  }
0x78: {  	s11 =	simm.s32 $0x1080;
	[sflag:s29] =	ssyncadd.s32 $0xFFFFC000  }
0x79: {  	[spmem:s3] =	stream.indirect.scatter.add.f32 [tilespmem:s26], [sflag:$0x3], $0x80, s11, s25, $0xb8;
	[tilespmem:$0x1DC00] =	vst v63  }
0x7a: {  	_ =	swait.ge [sflag:s23], $0x4000  }
0x7b: {  	s7 =	simm.s32 $0x100;
	s8 =	simm.s32 $0x800;
	[sflag:s23] =	ssyncset.done $0x0  }
.LBB2_14:
0x7c: {  	s9 =	sadd.s32 $0x80, s7  }
0x7d: {  	[sflag:s23] =	ssyncadd.s32 $0xFFFFC000;
	s10 =	smov.u32 s8;
	s11 =	sadd.s32 $0x400, s8  }
0x7e: {  	[tilespmem:s26], [sflag:$0x2] =	stream.indirect.gather [hbm4b:s1+s25], $0x80, s9, s25, $0xb8;
	[tilespmem:$0x1DC00] =	vst v63  }
0x7f: {  	p1 =	sne.s32 s8, $0x3800;
	_ =	swait.ge [sflag:s28], $0x4000  }
0x80: {  	[sflag:s28] =	ssyncset.done $0x0  }
0x81: {  	s8 =	sadd.s32 $0x1000, s7;
	[sflag:s28] =	ssyncadd.s32 $0xFFFFC000  }
0x82: {  	[spmem:s3] =	stream.indirect.scatter.add.f32 [tilespmem:s22], [sflag:$0x3], $0x80, s8, s25, $0xb8;
	[tilespmem:$0x1DC00] =	vst v63  }
0x83: {  	_ =	swait.ge [sflag:s23], $0x4000  }
0x84: {  	[sflag:s23] =	ssyncset.done $0x0  }
0x85: {  	s8 =	sadd.s32 $0x100, s7;
	[sflag:s23] =	ssyncadd.s32 $0xFFFFC000  }
0x86: {  	[tilespmem:s22], [sflag:$0x1] =	stream.indirect.gather [hbm4b:s1+s25], $0x80, s8, s25, $0xb8;
	[tilespmem:$0x1DC00] =	vst v63  }
0x87: {  	_ =	swait.ge [sflag:s29], $0x4000  }
.Ltmp4:
0x88: {  	[sflag:s29] =	ssyncset.done $0x0;
	(pc) =	sbr.rel @p1 .LBB2_14-.Ltmp4, $4  }
0x89: {  	s7 =	sadd.s32 $0x1080, s7;
	[sflag:s29] =	ssyncadd.s32 $0xFFFFC000  }
0x8a: {  	[spmem:s3] =	stream.indirect.scatter.add.f32 [tilespmem:s26], [sflag:$0x3], $0x80, s7, s25, $0xb8;
	[tilespmem:$0x1DC00] =	vst v63  }
0x8b: {  	_ =	swait.ge [sflag:s23], $0x4000  }
0x8c: {  	s8 =	smov.u32 s11;
	s7 =	sshra.s32 s10, $0x2;
	[sflag:s23] =	ssyncset.done $0x0  }
0x8d: {  	s8 =	sadd.s32 $0x80, s7;
	[sflag:s23] =	ssyncadd.s32 $0xFFFFC000  }
0x8e: {  	[tilespmem:s26], [sflag:$0x2] =	stream.indirect.gather [hbm4b:s1+s25], $0x80, s8, s25, $0xb8;
	[tilespmem:$0x1DC00] =	vst v63  }
0x8f: {  	_ =	swait.ge [sflag:s28], $0x4000  }
0x90: {  	[sflag:s28] =	ssyncset.done $0x0  }
0x91: {  	s9 =	sadd.s32 $0x1000, s7;
	[sflag:s28] =	ssyncadd.s32 $0xFFFFC000  }
0x92: {  	[spmem:s3] =	stream.indirect.scatter.add.f32 [tilespmem:s22], [sflag:$0x3], $0x80, s9, s25, $0xb8;
	[tilespmem:$0x1DC00] =	vst v63  }
0x93: {  	_ =	swait.ge [sflag:s23], $0x4000  }
0x94: {  	[sflag:s23] =	ssyncset.done $0x0  }
0x95: {  	s10 =	sadd.s32 $0x100, s7;
	[sflag:s23] =	ssyncadd.s32 $0xFFFFC000  }
0x96: {  	[tilespmem:s22], [sflag:$0x1] =	stream.indirect.gather [hbm4b:s1+s25], $0x80, s10, s25, $0xb8;
	[tilespmem:$0x1DC00] =	vst v63  }
0x97: {  	_ =	swait.ge [sflag:s29], $0x4000  }
0x98: {  	[sflag:s29] =	ssyncset.done $0x0  }
.Ltmp5:
0x99: {  	s11 =	sadd.s32 $0x1080, s7;
	[sflag:s29] =	ssyncadd.s32 $0xFFFFC000;
	(pc) =	sbr.rel .LBB2_16-.Ltmp5, $4  }
0x9a: {  	[spmem:s3] =	stream.indirect.scatter.add.f32 [tilespmem:s26], [sflag:$0x3], $0x80, s11, s25, $0xb8;
	[tilespmem:$0x1DC00] =	vst v63  }
0x9b: {  	_ =	swait.ge [sflag:s23], $0x4000  }
0x9c: {  	[sflag:s23] =	ssyncset.done $0x0  }
0x9d: {  	[sflag:s23] =	ssyncadd.s32 $0xFFFFC000  }
.LBB2_4:
0x9e: {  	s8 =	rddreg [dreg:$0x4]  }
0x9f: {  	[tilespmem:s7], [sflag:$0x3] =	stream.linear.gather [hbm4b:s8+s7], $0x1000, $0x38;
	[tilespmem:$0x1DC00] =	vst v63  }
0xa0: {  	_ =	swait.ge [sflag:s23], $0x1000  }
0xa1: {  	[sflag:s23] =	ssyncset.done $0x0  }
0xa2: {  	s11 =	rddreg [dreg:$0x5];
	[sflag:s23] =	ssyncadd.s32 $0xFFFFF000  }
0xa3: {  	[tilespmem:s24], [sflag:$0x3] =	stream.linear.gather [hbm4b:s11+s7], $0x1000, $0x38;
	[tilespmem:$0x1DC00] =	vst v63  }
0xa4: {  	_ =	swait.ge [sflag:s23], $0x1000  }
0xa5: {  	[sflag:s23] =	ssyncset.done $0x0  }
0xa6: {  	[sflag:s23] =	ssyncadd.s32 $0xFFFFF000  }
0xa7: {  	[tilespmem:s22], [sflag:$0x1] =	stream.indirect.gather [hbm4b:s1+s25], $0x80, s7, s25, $0xb8;
	[tilespmem:$0x1DC00] =	vst v63  }
0xa8: {  	s8 =	simm.s32 $0x80  }
0xa9: {  	[tilespmem:s26], [sflag:$0x2] =	stream.indirect.gather [hbm4b:s1+s25], $0x80, s8, s25, $0xb8;
	[tilespmem:$0x1DC00] =	vst v63  }
0xaa: {  	_ =	swait.ge [sflag:s28], $0x4000  }
0xab: {  	[sflag:s28] =	ssyncset.done $0x0  }
0xac: {  	s9 =	simm.s32 $0x1000;
	[sflag:s28] =	ssyncadd.s32 $0xFFFFC000  }
0xad: {  	[spmem:s3] =	stream.indirect.scatter.add.f32 [tilespmem:s22], [sflag:$0x3], $0x80, s9, s25, $0xb8;
	[tilespmem:$0x1DC00] =	vst v63  }
0xae: {  	_ =	swait.ge [sflag:s23], $0x4000  }
0xaf: {  	[sflag:s23] =	ssyncset.done $0x0  }
0xb0: {  	s10 =	simm.s32 $0x100;
	[sflag:s23] =	ssyncadd.s32 $0xFFFFC000  }
0xb1: {  	[tilespmem:s22], [sflag:$0x1] =	stream.indirect.gather [hbm4b:s1+s25], $0x80, s10, s25, $0xb8;
	[tilespmem:$0x1DC00] =	vst v63  }
0xb2: {  	_ =	swait.ge [sflag:s29], $0x4000  }
0xb3: {  	[sflag:s29] =	ssyncset.done $0x0  }
0xb4: {  	s11 =	simm.s32 $0x1080;
	[sflag:s29] =	ssyncadd.s32 $0xFFFFC000  }
0xb5: {  	[spmem:s3] =	stream.indirect.scatter.add.f32 [tilespmem:s26], [sflag:$0x3], $0x80, s11, s25, $0xb8;
	[tilespmem:$0x1DC00] =	vst v63  }
0xb6: {  	_ =	swait.ge [sflag:s23], $0x4000  }
0xb7: {  	s7 =	simm.s32 $0x100;
	s8 =	simm.s32 $0x800;
	[sflag:s23] =	ssyncset.done $0x0  }
.LBB2_5:
0xb8: {  	s9 =	sadd.s32 $0x80, s7  }
0xb9: {  	[sflag:s23] =	ssyncadd.s32 $0xFFFFC000;
	s10 =	smov.u32 s8;
	s11 =	sadd.s32 $0x400, s8  }
0xba: {  	[tilespmem:s26], [sflag:$0x2] =	stream.indirect.gather [hbm4b:s1+s25], $0x80, s9, s25, $0xb8;
	[tilespmem:$0x1DC00] =	vst v63  }
0xbb: {  	p1 =	sne.s32 s8, $0x3800;
	_ =	swait.ge [sflag:s28], $0x4000  }
0xbc: {  	[sflag:s28] =	ssyncset.done $0x0  }
0xbd: {  	s8 =	sadd.s32 $0x1000, s7;
	[sflag:s28] =	ssyncadd.s32 $0xFFFFC000  }
0xbe: {  	[spmem:s3] =	stream.indirect.scatter.add.f32 [tilespmem:s22], [sflag:$0x3], $0x80, s8, s25, $0xb8;
	[tilespmem:$0x1DC00] =	vst v63  }
0xbf: {  	_ =	swait.ge [sflag:s23], $0x4000  }
0xc0: {  	[sflag:s23] =	ssyncset.done $0x0  }
0xc1: {  	s8 =	sadd.s32 $0x100, s7;
	[sflag:s23] =	ssyncadd.s32 $0xFFFFC000  }
0xc2: {  	[tilespmem:s22], [sflag:$0x1] =	stream.indirect.gather [hbm4b:s1+s25], $0x80, s8, s25, $0xb8;
	[tilespmem:$0x1DC00] =	vst v63  }
0xc3: {  	_ =	swait.ge [sflag:s29], $0x4000  }
.Ltmp6:
0xc4: {  	[sflag:s29] =	ssyncset.done $0x0;
	(pc) =	sbr.rel @p1 .LBB2_5-.Ltmp6, $4  }
0xc5: {  	s7 =	sadd.s32 $0x1080, s7;
	[sflag:s29] =	ssyncadd.s32 $0xFFFFC000  }
0xc6: {  	[spmem:s3] =	stream.indirect.scatter.add.f32 [tilespmem:s26], [sflag:$0x3], $0x80, s7, s25, $0xb8;
	[tilespmem:$0x1DC00] =	vst v63  }
0xc7: {  	_ =	swait.ge [sflag:s23], $0x4000  }
0xc8: {  	s8 =	smov.u32 s11;
	s7 =	sshra.s32 s10, $0x2;
	[sflag:s23] =	ssyncset.done $0x0  }
0xc9: {  	s8 =	sadd.s32 $0x80, s7;
	[sflag:s23] =	ssyncadd.s32 $0xFFFFC000  }
0xca: {  	[tilespmem:s26], [sflag:$0x2] =	stream.indirect.gather [hbm4b:s1+s25], $0x80, s8, s25, $0xb8;
	[tilespmem:$0x1DC00] =	vst v63  }
0xcb: {  	_ =	swait.ge [sflag:s28], $0x4000  }
0xcc: {  	[sflag:s28] =	ssyncset.done $0x0  }
0xcd: {  	s10 =	sadd.s32 $0x1000, s7;
	[sflag:s28] =	ssyncadd.s32 $0xFFFFC000  }
0xce: {  	[spmem:s3] =	stream.indirect.scatter.add.f32 [tilespmem:s22], [sflag:$0x3], $0x80, s10, s25, $0xb8;
	[tilespmem:$0x1DC00] =	vst v63  }
0xcf: {  	_ =	swait.ge [sflag:s23], $0x4000  }
0xd0: {  	[sflag:s23] =	ssyncset.done $0x0  }
0xd1: {  	s11 =	sadd.s32 $0x100, s7;
	[sflag:s23] =	ssyncadd.s32 $0xFFFFC000  }
0xd2: {  	[tilespmem:s22], [sflag:$0x1] =	stream.indirect.gather [hbm4b:s1+s25], $0x80, s11, s25, $0xb8;
	[tilespmem:$0x1DC00] =	vst v63  }
0xd3: {  	_ =	swait.ge [sflag:s29], $0x4000  }
0xd4: {  	[sflag:s29] =	ssyncset.done $0x0  }
0xd5: {  	s8 =	sadd.s32 $0x1080, s7;
	[sflag:s29] =	ssyncadd.s32 $0xFFFFC000  }
0xd6: {  	[spmem:s3] =	stream.indirect.scatter.add.f32 [tilespmem:s26], [sflag:$0x3], $0x80, s8, s25, $0xb8;
	[tilespmem:$0x1DC00] =	vst v63  }
0xd7: {  	_ =	swait.ge [sflag:s23], $0x4000  }
0xd8: {  	[sflag:s23] =	ssyncset.done $0x0  }
0xd9: {  	[sflag:s23] =	ssyncadd.s32 $0xFFFFC000  }
0xda: {  	[tilespmem:s26], [sflag:$0x2] =	stream.indirect.gather [hbm4b:s1+s25], $0x80, s30, s25, $0xb8;
	[tilespmem:$0x1DC00] =	vst v63  }
0xdb: {  	_ =	swait.ge [sflag:s28], $0x4000  }
0xdc: {  	[sflag:s28] =	ssyncset.done $0x0  }
0xdd: {  	[sflag:s28] =	ssyncadd.s32 $0xFFFFC000  }
0xde: {  	[spmem:s3] =	stream.indirect.scatter.add.f32 [tilespmem:s22], [sflag:$0x3], $0x80, s31, s25, $0xb8;
	[tilespmem:$0x1DC00] =	vst v63  }
0xdf: {  	_ =	swait.ge [sflag:s23], $0x4000  }
0xe0: {  	[sflag:s23] =	ssyncset.done $0x0  }
0xe1: {  	[sflag:s23] =	ssyncadd.s32 $0xFFFFC000  }
0xe2: {  	_ =	swait.ge [sflag:s29], $0x4000  }
0xe3: {  	[sflag:s29] =	ssyncset.done $0x0  }
0xe4: {  	[sflag:s29] =	ssyncadd.s32 $0xFFFFC000  }
0xe5: {  	[spmem:s3] =	stream.indirect.scatter.add.f32 [tilespmem:s26], [sflag:$0x3], $0x80, s0, s25, $0xb8;
	[tilespmem:$0x1DC00] =	vst v63  }
0xe6: {  	_ =	swait.ge [sflag:s23], $0x4000  }
0xe7: {  	[sflag:s23] =	ssyncset.done $0x0  }
0xe8: {  	s9 =	simm.s32 $0x0;
	s10 =	rddreg [dreg:$0x6];
	[sflag:s23] =	ssyncadd.s32 $0xFFFFC000  }
0xe9: {  	[tilespmem:s9], [sflag:$0x3] =	stream.linear.gather [hbm4b:s10+s9], $0x1000, $0x38;
	[tilespmem:$0x1DC00] =	vst v63  }
0xea: {  	_ =	swait.ge [sflag:s23], $0x1000  }
0xeb: {  	[sflag:s23] =	ssyncset.done $0x0  }
0xec: {  	s11 =	rddreg [dreg:$0x7];
	[sflag:s23] =	ssyncadd.s32 $0xFFFFF000  }
0xed: {  	[tilespmem:s24], [sflag:$0x3] =	stream.linear.gather [hbm4b:s11+s9], $0x1000, $0x38;
	[tilespmem:$0x1DC00] =	vst v63  }
0xee: {  	_ =	swait.ge [sflag:s23], $0x1000  }
0xef: {  	[sflag:s23] =	ssyncset.done $0x0  }
0xf0: {  	[sflag:s23] =	ssyncadd.s32 $0xFFFFF000  }
0xf1: {  	[tilespmem:s22], [sflag:$0x1] =	stream.indirect.gather [hbm4b:s1+s25], $0x80, s9, s25, $0xb8;
	[tilespmem:$0x1DC00] =	vst v63  }
0xf2: {  	s8 =	simm.s32 $0x80  }
0xf3: {  	[tilespmem:s26], [sflag:$0x2] =	stream.indirect.gather [hbm4b:s1+s25], $0x80, s8, s25, $0xb8;
	[tilespmem:$0x1DC00] =	vst v63  }
0xf4: {  	_ =	swait.ge [sflag:s28], $0x4000  }
0xf5: {  	[sflag:s28] =	ssyncset.done $0x0  }
0xf6: {  	s9 =	simm.s32 $0x1000;
	[sflag:s28] =	ssyncadd.s32 $0xFFFFC000  }
0xf7: {  	[spmem:s3] =	stream.indirect.scatter.add.f32 [tilespmem:s22], [sflag:$0x3], $0x80, s9, s25, $0xb8;
	[tilespmem:$0x1DC00] =	vst v63  }
0xf8: {  	_ =	swait.ge [sflag:s23], $0x4000  }
0xf9: {  	[sflag:s23] =	ssyncset.done $0x0  }
0xfa: {  	s10 =	simm.s32 $0x100;
	[sflag:s23] =	ssyncadd.s32 $0xFFFFC000  }
0xfb: {  	[tilespmem:s22], [sflag:$0x1] =	stream.indirect.gather [hbm4b:s1+s25], $0x80, s10, s25, $0xb8;
	[tilespmem:$0x1DC00] =	vst v63  }
0xfc: {  	_ =	swait.ge [sflag:s29], $0x4000  }
0xfd: {  	[sflag:s29] =	ssyncset.done $0x0  }
0xfe: {  	s11 =	simm.s32 $0x1080;
	[sflag:s29] =	ssyncadd.s32 $0xFFFFC000  }
0xff: {  	[spmem:s3] =	stream.indirect.scatter.add.f32 [tilespmem:s26], [sflag:$0x3], $0x80, s11, s25, $0xb8;
	[tilespmem:$0x1DC00] =	vst v63  }
0x100: {  	_ =	swait.ge [sflag:s23], $0x4000  }
0x101: {  	s7 =	simm.s32 $0x100;
	s8 =	simm.s32 $0x800;
	[sflag:s23] =	ssyncset.done $0x0  }
.LBB2_7:
0x102: {  	s9 =	sadd.s32 $0x80, s7  }
0x103: {  	[sflag:s23] =	ssyncadd.s32 $0xFFFFC000;
	s10 =	smov.u32 s8;
	s11 =	sadd.s32 $0x400, s8  }
0x104: {  	[tilespmem:s26], [sflag:$0x2] =	stream.indirect.gather [hbm4b:s1+s25], $0x80, s9, s25, $0xb8;
	[tilespmem:$0x1DC00] =	vst v63  }
0x105: {  	p1 =	sne.s32 s8, $0x3800;
	_ =	swait.ge [sflag:s28], $0x4000  }
0x106: {  	[sflag:s28] =	ssyncset.done $0x0  }
0x107: {  	s8 =	sadd.s32 $0x1000, s7;
	[sflag:s28] =	ssyncadd.s32 $0xFFFFC000  }
0x108: {  	[spmem:s3] =	stream.indirect.scatter.add.f32 [tilespmem:s22], [sflag:$0x3], $0x80, s8, s25, $0xb8;
	[tilespmem:$0x1DC00] =	vst v63  }
0x109: {  	_ =	swait.ge [sflag:s23], $0x4000  }
0x10a: {  	[sflag:s23] =	ssyncset.done $0x0  }
0x10b: {  	s8 =	sadd.s32 $0x100, s7;
	[sflag:s23] =	ssyncadd.s32 $0xFFFFC000  }
0x10c: {  	[tilespmem:s22], [sflag:$0x1] =	stream.indirect.gather [hbm4b:s1+s25], $0x80, s8, s25, $0xb8;
	[tilespmem:$0x1DC00] =	vst v63  }
0x10d: {  	_ =	swait.ge [sflag:s29], $0x4000  }
.Ltmp7:
0x10e: {  	[sflag:s29] =	ssyncset.done $0x0;
	(pc) =	sbr.rel @p1 .LBB2_7-.Ltmp7, $4  }
0x10f: {  	s7 =	sadd.s32 $0x1080, s7;
	[sflag:s29] =	ssyncadd.s32 $0xFFFFC000  }
0x110: {  	[spmem:s3] =	stream.indirect.scatter.add.f32 [tilespmem:s26], [sflag:$0x3], $0x80, s7, s25, $0xb8;
	[tilespmem:$0x1DC00] =	vst v63  }
0x111: {  	_ =	swait.ge [sflag:s23], $0x4000  }
0x112: {  	s8 =	smov.u32 s11;
	s7 =	sshra.s32 s10, $0x2;
	[sflag:s23] =	ssyncset.done $0x0  }
0x113: {  	s8 =	sadd.s32 $0x80, s7;
	[sflag:s23] =	ssyncadd.s32 $0xFFFFC000  }
0x114: {  	[tilespmem:s26], [sflag:$0x2] =	stream.indirect.gather [hbm4b:s1+s25], $0x80, s8, s25, $0xb8;
	[tilespmem:$0x1DC00] =	vst v63  }
0x115: {  	_ =	swait.ge [sflag:s28], $0x4000  }
0x116: {  	[sflag:s28] =	ssyncset.done $0x0  }
0x117: {  	s10 =	sadd.s32 $0x1000, s7;
	[sflag:s28] =	ssyncadd.s32 $0xFFFFC000  }
0x118: {  	[spmem:s3] =	stream.indirect.scatter.add.f32 [tilespmem:s22], [sflag:$0x3], $0x80, s10, s25, $0xb8;
	[tilespmem:$0x1DC00] =	vst v63  }
0x119: {  	_ =	swait.ge [sflag:s23], $0x4000  }
0x11a: {  	[sflag:s23] =	ssyncset.done $0x0  }
0x11b: {  	s11 =	sadd.s32 $0x100, s7;
	[sflag:s23] =	ssyncadd.s32 $0xFFFFC000  }
0x11c: {  	[tilespmem:s22], [sflag:$0x1] =	stream.indirect.gather [hbm4b:s1+s25], $0x80, s11, s25, $0xb8;
	[tilespmem:$0x1DC00] =	vst v63  }
0x11d: {  	_ =	swait.ge [sflag:s29], $0x4000  }
0x11e: {  	[sflag:s29] =	ssyncset.done $0x0  }
0x11f: {  	s9 =	sadd.s32 $0x1080, s7;
	[sflag:s29] =	ssyncadd.s32 $0xFFFFC000  }
0x120: {  	[spmem:s3] =	stream.indirect.scatter.add.f32 [tilespmem:s26], [sflag:$0x3], $0x80, s9, s25, $0xb8;
	[tilespmem:$0x1DC00] =	vst v63  }
0x121: {  	_ =	swait.ge [sflag:s23], $0x4000  }
0x122: {  	[sflag:s23] =	ssyncset.done $0x0  }
0x123: {  	[sflag:s23] =	ssyncadd.s32 $0xFFFFC000  }
0x124: {  	[tilespmem:s26], [sflag:$0x2] =	stream.indirect.gather [hbm4b:s1+s25], $0x80, s30, s25, $0xb8;
	[tilespmem:$0x1DC00] =	vst v63  }
0x125: {  	_ =	swait.ge [sflag:s28], $0x4000  }
0x126: {  	[sflag:s28] =	ssyncset.done $0x0  }
0x127: {  	[sflag:s28] =	ssyncadd.s32 $0xFFFFC000  }
0x128: {  	[spmem:s3] =	stream.indirect.scatter.add.f32 [tilespmem:s22], [sflag:$0x3], $0x80, s31, s25, $0xb8;
	[tilespmem:$0x1DC00] =	vst v63  }
0x129: {  	_ =	swait.ge [sflag:s23], $0x4000  }
0x12a: {  	[sflag:s23] =	ssyncset.done $0x0  }
0x12b: {  	[sflag:s23] =	ssyncadd.s32 $0xFFFFC000  }
0x12c: {  	_ =	swait.ge [sflag:s29], $0x4000  }
0x12d: {  	[sflag:s29] =	ssyncset.done $0x0  }
0x12e: {  	[sflag:s29] =	ssyncadd.s32 $0xFFFFC000  }
0x12f: {  	[spmem:s3] =	stream.indirect.scatter.add.f32 [tilespmem:s26], [sflag:$0x3], $0x80, s0, s25, $0xb8;
	[tilespmem:$0x1DC00] =	vst v63  }
0x130: {  	_ =	swait.ge [sflag:s23], $0x4000  }
0x131: {  	[sflag:s23] =	ssyncset.done $0x0  }
0x132: {  	s10 =	simm.s32 $0x0;
	s11 =	rddreg [dreg:$0x8];
	[sflag:s23] =	ssyncadd.s32 $0xFFFFC000  }
0x133: {  	[tilespmem:s10], [sflag:$0x3] =	stream.linear.gather [hbm4b:s11+s10], $0x1000, $0x38;
	[tilespmem:$0x1DC00] =	vst v63  }
0x134: {  	_ =	swait.ge [sflag:s23], $0x1000  }
0x135: {  	[sflag:s23] =	ssyncset.done $0x0  }
0x136: {  	[sflag:s23] =	ssyncadd.s32 $0xFFFFF000  }
0x137: {  	[tilespmem:s24], [sflag:$0x3] =	stream.linear.gather [hbm4b:s12+s10], $0x1000, $0x38;
	[tilespmem:$0x1DC00] =	vst v63  }
0x138: {  	_ =	swait.ge [sflag:s23], $0x1000  }
0x139: {  	[sflag:s23] =	ssyncset.done $0x0  }
0x13a: {  	[sflag:s23] =	ssyncadd.s32 $0xFFFFF000  }
0x13b: {  	[tilespmem:s22], [sflag:$0x1] =	stream.indirect.gather [hbm4b:s1+s25], $0x80, s10, s25, $0xb8;
	[tilespmem:$0x1DC00] =	vst v63  }
0x13c: {  	s8 =	simm.s32 $0x80  }
0x13d: {  	[tilespmem:s26], [sflag:$0x2] =	stream.indirect.gather [hbm4b:s1+s25], $0x80, s8, s25, $0xb8;
	[tilespmem:$0x1DC00] =	vst v63  }
0x13e: {  	_ =	swait.ge [sflag:s28], $0x4000  }
0x13f: {  	[sflag:s28] =	ssyncset.done $0x0  }
0x140: {  	s9 =	simm.s32 $0x1000;
	[sflag:s28] =	ssyncadd.s32 $0xFFFFC000  }
0x141: {  	[spmem:s3] =	stream.indirect.scatter.add.f32 [tilespmem:s22], [sflag:$0x3], $0x80, s9, s25, $0xb8;
	[tilespmem:$0x1DC00] =	vst v63  }
0x142: {  	_ =	swait.ge [sflag:s23], $0x4000  }
0x143: {  	[sflag:s23] =	ssyncset.done $0x0  }
0x144: {  	s10 =	simm.s32 $0x100;
	[sflag:s23] =	ssyncadd.s32 $0xFFFFC000  }
0x145: {  	[tilespmem:s22], [sflag:$0x1] =	stream.indirect.gather [hbm4b:s1+s25], $0x80, s10, s25, $0xb8;
	[tilespmem:$0x1DC00] =	vst v63  }
0x146: {  	_ =	swait.ge [sflag:s29], $0x4000  }
0x147: {  	[sflag:s29] =	ssyncset.done $0x0  }
0x148: {  	s11 =	simm.s32 $0x1080;
	[sflag:s29] =	ssyncadd.s32 $0xFFFFC000  }
0x149: {  	[spmem:s3] =	stream.indirect.scatter.add.f32 [tilespmem:s26], [sflag:$0x3], $0x80, s11, s25, $0xb8;
	[tilespmem:$0x1DC00] =	vst v63  }
0x14a: {  	_ =	swait.ge [sflag:s23], $0x4000  }
0x14b: {  	s7 =	simm.s32 $0x100;
	s8 =	simm.s32 $0x800;
	[sflag:s23] =	ssyncset.done $0x0  }
.LBB2_9:
0x14c: {  	s9 =	sadd.s32 $0x80, s7  }
0x14d: {  	[sflag:s23] =	ssyncadd.s32 $0xFFFFC000;
	s10 =	smov.u32 s8;
	s11 =	sadd.s32 $0x400, s8  }
0x14e: {  	[tilespmem:s26], [sflag:$0x2] =	stream.indirect.gather [hbm4b:s1+s25], $0x80, s9, s25, $0xb8;
	[tilespmem:$0x1DC00] =	vst v63  }
0x14f: {  	p1 =	sne.s32 s8, $0x3800;
	_ =	swait.ge [sflag:s28], $0x4000  }
0x150: {  	[sflag:s28] =	ssyncset.done $0x0  }
0x151: {  	s8 =	sadd.s32 $0x1000, s7;
	[sflag:s28] =	ssyncadd.s32 $0xFFFFC000  }
0x152: {  	[spmem:s3] =	stream.indirect.scatter.add.f32 [tilespmem:s22], [sflag:$0x3], $0x80, s8, s25, $0xb8;
	[tilespmem:$0x1DC00] =	vst v63  }
0x153: {  	_ =	swait.ge [sflag:s23], $0x4000  }
0x154: {  	[sflag:s23] =	ssyncset.done $0x0  }
0x155: {  	s8 =	sadd.s32 $0x100, s7;
	[sflag:s23] =	ssyncadd.s32 $0xFFFFC000  }
0x156: {  	[tilespmem:s22], [sflag:$0x1] =	stream.indirect.gather [hbm4b:s1+s25], $0x80, s8, s25, $0xb8;
	[tilespmem:$0x1DC00] =	vst v63  }
0x157: {  	_ =	swait.ge [sflag:s29], $0x4000  }
.Ltmp8:
0x158: {  	[sflag:s29] =	ssyncset.done $0x0;
	(pc) =	sbr.rel @p1 .LBB2_9-.Ltmp8, $4  }
0x159: {  	s7 =	sadd.s32 $0x1080, s7;
	[sflag:s29] =	ssyncadd.s32 $0xFFFFC000  }
0x15a: {  	[spmem:s3] =	stream.indirect.scatter.add.f32 [tilespmem:s26], [sflag:$0x3], $0x80, s7, s25, $0xb8;
	[tilespmem:$0x1DC00] =	vst v63  }
0x15b: {  	_ =	swait.ge [sflag:s23], $0x4000  }
0x15c: {  	s8 =	smov.u32 s11;
	s7 =	sshra.s32 s10, $0x2;
	[sflag:s23] =	ssyncset.done $0x0  }
0x15d: {  	s8 =	sadd.s32 $0x80, s7;
	[sflag:s23] =	ssyncadd.s32 $0xFFFFC000  }
0x15e: {  	[tilespmem:s26], [sflag:$0x2] =	stream.indirect.gather [hbm4b:s1+s25], $0x80, s8, s25, $0xb8;
	[tilespmem:$0x1DC00] =	vst v63  }
0x15f: {  	_ =	swait.ge [sflag:s28], $0x4000  }
0x160: {  	[sflag:s28] =	ssyncset.done $0x0  }
0x161: {  	s11 =	sadd.s32 $0x1000, s7;
	[sflag:s28] =	ssyncadd.s32 $0xFFFFC000  }
0x162: {  	[spmem:s3] =	stream.indirect.scatter.add.f32 [tilespmem:s22], [sflag:$0x3], $0x80, s11, s25, $0xb8;
	[tilespmem:$0x1DC00] =	vst v63  }
0x163: {  	_ =	swait.ge [sflag:s23], $0x4000  }
0x164: {  	[sflag:s23] =	ssyncset.done $0x0  }
0x165: {  	s9 =	sadd.s32 $0x100, s7;
	[sflag:s23] =	ssyncadd.s32 $0xFFFFC000  }
0x166: {  	[tilespmem:s22], [sflag:$0x1] =	stream.indirect.gather [hbm4b:s1+s25], $0x80, s9, s25, $0xb8;
	[tilespmem:$0x1DC00] =	vst v63  }
0x167: {  	_ =	swait.ge [sflag:s29], $0x4000  }
0x168: {  	[sflag:s29] =	ssyncset.done $0x0  }
0x169: {  	s10 =	sadd.s32 $0x1080, s7;
	[sflag:s29] =	ssyncadd.s32 $0xFFFFC000  }
0x16a: {  	[spmem:s3] =	stream.indirect.scatter.add.f32 [tilespmem:s26], [sflag:$0x3], $0x80, s10, s25, $0xb8;
	[tilespmem:$0x1DC00] =	vst v63  }
0x16b: {  	_ =	swait.ge [sflag:s23], $0x4000  }
0x16c: {  	[sflag:s23] =	ssyncset.done $0x0  }
0x16d: {  	[sflag:s23] =	ssyncadd.s32 $0xFFFFC000  }
0x16e: {  	[tilespmem:s26], [sflag:$0x2] =	stream.indirect.gather [hbm4b:s1+s25], $0x80, s30, s25, $0xb8;
	[tilespmem:$0x1DC00] =	vst v63  }
0x16f: {  	_ =	swait.ge [sflag:s28], $0x4000  }
0x170: {  	[sflag:s28] =	ssyncset.done $0x0  }
0x171: {  	[sflag:s28] =	ssyncadd.s32 $0xFFFFC000  }
0x172: {  	[spmem:s3] =	stream.indirect.scatter.add.f32 [tilespmem:s22], [sflag:$0x3], $0x80, s31, s25, $0xb8;
	[tilespmem:$0x1DC00] =	vst v63  }
0x173: {  	_ =	swait.ge [sflag:s23], $0x4000  }
0x174: {  	[sflag:s23] =	ssyncset.done $0x0  }
0x175: {  	[sflag:s23] =	ssyncadd.s32 $0xFFFFC000  }
0x176: {  	_ =	swait.ge [sflag:s29], $0x4000  }
0x177: {  	[sflag:s29] =	ssyncset.done $0x0  }
0x178: {  	[sflag:s29] =	ssyncadd.s32 $0xFFFFC000  }
0x179: {  	[spmem:s3] =	stream.indirect.scatter.add.f32 [tilespmem:s26], [sflag:$0x3], $0x80, s0, s25, $0xb8;
	[tilespmem:$0x1DC00] =	vst v63  }
0x17a: {  	_ =	swait.ge [sflag:s23], $0x4000  }
0x17b: {  	[sflag:s23] =	ssyncset.done $0x0  }
0x17c: {  	s11 =	simm.s32 $0x0;
	[sflag:s23] =	ssyncadd.s32 $0xFFFFC000  }
0x17d: {  	[tilespmem:s11], [sflag:$0x3] =	stream.linear.gather [hbm4b:s13+s11], $0x1000, $0x38;
	[tilespmem:$0x1DC00] =	vst v63  }
0x17e: {  	_ =	swait.ge [sflag:s23], $0x1000  }
0x17f: {  	[sflag:s23] =	ssyncset.done $0x0  }
0x180: {  	[sflag:s23] =	ssyncadd.s32 $0xFFFFF000  }
0x181: {  	[tilespmem:s24], [sflag:$0x3] =	stream.linear.gather [hbm4b:s14+s11], $0x1000, $0x38;
	[tilespmem:$0x1DC00] =	vst v63  }
0x182: {  	_ =	swait.ge [sflag:s23], $0x1000  }
0x183: {  	[sflag:s23] =	ssyncset.done $0x0  }
0x184: {  	[sflag:s23] =	ssyncadd.s32 $0xFFFFF000  }
0x185: {  	[tilespmem:s22], [sflag:$0x1] =	stream.indirect.gather [hbm4b:s1+s25], $0x80, s11, s25, $0xb8;
	[tilespmem:$0x1DC00] =	vst v63  }
0x186: {  	s8 =	simm.s32 $0x80  }
0x187: {  	[tilespmem:s26], [sflag:$0x2] =	stream.indirect.gather [hbm4b:s1+s25], $0x80, s8, s25, $0xb8;
	[tilespmem:$0x1DC00] =	vst v63  }
0x188: {  	_ =	swait.ge [sflag:s28], $0x4000  }
0x189: {  	[sflag:s28] =	ssyncset.done $0x0  }
0x18a: {  	s9 =	simm.s32 $0x1000;
	[sflag:s28] =	ssyncadd.s32 $0xFFFFC000  }
0x18b: {  	[spmem:s3] =	stream.indirect.scatter.add.f32 [tilespmem:s22], [sflag:$0x3], $0x80, s9, s25, $0xb8;
	[tilespmem:$0x1DC00] =	vst v63  }
0x18c: {  	_ =	swait.ge [sflag:s23], $0x4000  }
0x18d: {  	[sflag:s23] =	ssyncset.done $0x0  }
0x18e: {  	s10 =	simm.s32 $0x100;
	[sflag:s23] =	ssyncadd.s32 $0xFFFFC000  }
0x18f: {  	[tilespmem:s22], [sflag:$0x1] =	stream.indirect.gather [hbm4b:s1+s25], $0x80, s10, s25, $0xb8;
	[tilespmem:$0x1DC00] =	vst v63  }
0x190: {  	_ =	swait.ge [sflag:s29], $0x4000  }
0x191: {  	[sflag:s29] =	ssyncset.done $0x0  }
0x192: {  	s11 =	simm.s32 $0x1080;
	[sflag:s29] =	ssyncadd.s32 $0xFFFFC000  }
0x193: {  	[spmem:s3] =	stream.indirect.scatter.add.f32 [tilespmem:s26], [sflag:$0x3], $0x80, s11, s25, $0xb8;
	[tilespmem:$0x1DC00] =	vst v63  }
0x194: {  	_ =	swait.ge [sflag:s23], $0x4000  }
0x195: {  	s7 =	simm.s32 $0x100;
	s8 =	simm.s32 $0x800;
	[sflag:s23] =	ssyncset.done $0x0  }
.LBB2_11:
0x196: {  	s9 =	sadd.s32 $0x80, s7  }
0x197: {  	[sflag:s23] =	ssyncadd.s32 $0xFFFFC000;
	s10 =	smov.u32 s8;
	s11 =	sadd.s32 $0x400, s8  }
0x198: {  	[tilespmem:s26], [sflag:$0x2] =	stream.indirect.gather [hbm4b:s1+s25], $0x80, s9, s25, $0xb8;
	[tilespmem:$0x1DC00] =	vst v63  }
0x199: {  	p1 =	seq.s32 s8, $0x3800;
	_ =	swait.ge [sflag:s28], $0x4000  }
0x19a: {  	[sflag:s28] =	ssyncset.done $0x0  }
0x19b: {  	s8 =	sadd.s32 $0x1000, s7;
	[sflag:s28] =	ssyncadd.s32 $0xFFFFC000  }
0x19c: {  	[spmem:s3] =	stream.indirect.scatter.add.f32 [tilespmem:s22], [sflag:$0x3], $0x80, s8, s25, $0xb8;
	[tilespmem:$0x1DC00] =	vst v63  }
0x19d: {  	_ =	swait.ge [sflag:s23], $0x4000  }
0x19e: {  	[sflag:s23] =	ssyncset.done $0x0  }
0x19f: {  	s8 =	sadd.s32 $0x100, s7;
	[sflag:s23] =	ssyncadd.s32 $0xFFFFC000  }
0x1a0: {  	[tilespmem:s22], [sflag:$0x1] =	stream.indirect.gather [hbm4b:s1+s25], $0x80, s8, s25, $0xb8;
	[tilespmem:$0x1DC00] =	vst v63  }
0x1a1: {  	_ =	swait.ge [sflag:s29], $0x4000  }
.Ltmp9:
0x1a2: {  	[sflag:s29] =	ssyncset.done $0x0;
	(pc) =	sbr.rel @!p1 .LBB2_11-.Ltmp9, $4  }
0x1a3: {  	s7 =	sadd.s32 $0x1080, s7;
	[sflag:s29] =	ssyncadd.s32 $0xFFFFC000  }
0x1a4: {  	[spmem:s3] =	stream.indirect.scatter.add.f32 [tilespmem:s26], [sflag:$0x3], $0x80, s7, s25, $0xb8;
	[tilespmem:$0x1DC00] =	vst v63  }
0x1a5: {  	_ =	swait.ge [sflag:s23], $0x4000  }
0x1a6: {  	s8 =	smov.u32 s11;
	s7 =	sshra.s32 s10, $0x2;
	[sflag:s23] =	ssyncset.done $0x0  }
.Ltmp10:
0x1a7: {  	_ = 	snop;
	(pc) =	sbr.rel .LBB2_12-.Ltmp10, $1  }
0x1a8: {  	_ =	sdelay $0x3  }
.LBB2_17:
0x1a9: {  	_ =	sfence.sel $0x180000  }
0x1aa: {  	[bflag:$0x0] =	sbarrier.arrive $0xFFFF  }
0x1ab: {  	_ =	strace $0x90000047  }
0x1ac: {  	[bflag:$0x2] =	sbarrier.arrive $0xFFFF  }
0x1ad: {  	p0 =	sne.s32 s2, $0x0;
	s0 =	rddreg [dreg:$0x3]  }
0x1ae: {  	s0 =	sadd.s32 @!p0 $0x100000, s0  }
0x1af: {  	[sflag:s0] =	ssyncadd.tile.s32 @!p0 $0x1;
	_ =	shalt  }
.Lfunc_end2:
_tile_overlayer_lowered:
.L_overlay_start_2:
0x1b0: {  	(tag) =	ssettag $0x2  }
0x1b1: {  	s0 =	rddreg [dreg:$0x0];
	s2 =	stileid.u32  }
0x1b2: {  	s1 =	rddreg [dreg:$0x1];
	p0 =	sne.s32 s2, $0x0  }
0x1b3: {  	s3 =	rddreg [dreg:$0x2];
	[bflag:$0x3] =	sbarrier.arrive $0xFFFF;
	s2 =	simm.s32 @!p0 $0x1C03  }
0x1b4: {  	[timem:s3], [sflag:s2] =	dma.local @!p0 [hbm:s0], s1  }
0x1b5: {  	s0 =	simm.s32 @!p0 $0x3  }
0x1b6: {  	_ =	swait.ge @!p0 [sflag:s0], s1  }
0x1b7: {  	s1 =	ssub.s32 @!p0 $0x0, s1;
	[sflag:s0] =	ssyncset.done @!p0 $0x0  }
0x1b8: {  	[sflag:s0] =	ssyncadd.s32 @!p0 s1  }
0x1b9: {  	[bflag:$0x3] =	sbarrier.arrive $0xFFFF  }
0x1ba: {  	_ =	shalt  }

</sc_bundles>
